<compile_context>
chip_gen: v7x
topology: tpu7x:2x2x1
jax: 0.10.2.dev20260603
libtpu: 0.0.44.dev20260713+nightly
codegen_flags: <defaults>
</compile_context>

<pallas_src>
import functools

import jax
import jax.numpy as jnp
from jax import lax
from jax.experimental import pallas as pl
from jax.experimental.pallas import tpu as pltpu
from jax.experimental.pallas import tpu_sc as plsc

_NUM_BINS = 256
_NBP = 264
_LO = 0.0
_HI = 255.0
_NW = 32
_LANES = 16
_CHUNK = 16384
_HSIZE = _LANES * _NBP


_NBUF = 7


def _sc_hist_body(n_elems, chunk, in_hbm, tgt_hbm, out_hbm, *refs):
    bufs = refs[:_NBUF]
    hist = refs[_NBUF]
    sems = refs[_NBUF + 1:]
    cid = lax.axis_index("c")
    sid = lax.axis_index("s")
    wid = sid * 2 + cid
    per_worker = n_elems // _NW
    n_chunks = per_worker // chunk
    inv_w = jnp.float32(_NUM_BINS / (_HI - _LO))
    lane_base = lax.iota(jnp.int32, _LANES) * _NBP
    ones = jnp.ones((_LANES,), jnp.float32)

    steps = []
    for img, src in ((0, in_hbm), (1, tgt_hbm)):
        for c in range(n_chunks):
            steps.append((src, c, img * _HSIZE))

    n_cols = in_hbm.shape[1]
    rows_per_chunk = chunk // n_cols

    def start(s, b):
        src, c, _ = steps[s]
        row0 = pl.multiple_of((wid * per_worker + c * chunk) // n_cols, 8)
        return pltpu.async_copy(
            src.at[pl.ds(row0, rows_per_chunk), :], bufs[b], sems[b])

    copies = [None] * _NBUF
    for p in range(_NBUF - 1):
        copies[p] = start(p, p)

    def zbody(i, _):
        hist[pl.ds(i * _LANES, _LANES)] = jnp.zeros((_LANES,), jnp.float32)
        return 0
    lax.fori_loop(0, (2 * _HSIZE) // _LANES, zbody, 0)

    for s in range(len(steps)):
        b = s % _NBUF
        if s + _NBUF - 1 < len(steps):
            copies[(s + _NBUF - 1) % _NBUF] = start(s + _NBUF - 1,
                                                    (s + _NBUF - 1) % _NBUF)
        copies[b].wait()
        buf = bufs[b]
        base_vec = lane_base + steps[s][2]
        vecs_per_row = n_cols // _LANES

        @functools.partial(plsc.parallel_loop, 0, chunk // _LANES, unroll=16)
        def body(i, buf=buf, base_vec=base_vec):
            r = i // vecs_per_row
            c = (i % vecs_per_row) * _LANES
            x = buf[r, pl.ds(c, _LANES)]
            idx = (x * inv_w).astype(jnp.int32)
            plsc.addupdate_scatter(hist, (idx + base_vec,), ones)

    pltpu.sync_copy(hist.at[pl.ds(0, _HSIZE)], out_hbm.at[wid])
    pltpu.sync_copy(hist.at[pl.ds(_HSIZE, _HSIZE)], out_hbm.at[_NW + wid])


def _tc_loss_body(p_ref, o_ref):
    p = p_ref[...]
    half = p.shape[0] // 2
    h0 = jnp.sum(p[:half], axis=0, keepdims=True)
    h1 = jnp.sum(p[half:], axis=0, keepdims=True)
    col = lax.broadcasted_iota(jnp.int32, h0.shape, 1)
    spill0 = jnp.sum(jnp.where(col == _NUM_BINS, h0, 0.0))
    spill1 = jnp.sum(jnp.where(col == _NUM_BINS, h1, 0.0))
    h0 = h0 + jnp.where(col == _NUM_BINS - 1, spill0, 0.0)
    h1 = h1 + jnp.where(col == _NUM_BINS - 1, spill1, 0.0)
    s0 = jnp.sum(h0) - spill0
    s1 = jnp.sum(h1) - spill1
    m = jnp.minimum(h0 / s0, h1 / s1) * (col < _NUM_BINS)
    loss = 1.0 - jnp.sum(m)
    o_ref[...] = jnp.full((8, 128), loss, jnp.float32)


def kernel(input_image, target_image):
    n = input_image.size
    n_cols = input_image.shape[-1]
    x = input_image.reshape(-1, n_cols)
    t = target_image.reshape(-1, n_cols)

    chunk = _CHUNK
    per_worker = n // _NW
    while per_worker % chunk != 0 or chunk % n_cols != 0:
        chunk //= 2

    mesh = plsc.VectorSubcoreMesh(core_axis_name="c", subcore_axis_name="s")
    sc = pl.kernel(
        functools.partial(_sc_hist_body, n, chunk),
        out_type=jax.ShapeDtypeStruct((2 * _NW, _HSIZE), jnp.float32),
        mesh=mesh,
        scratch_types=(
            [pltpu.VMEM((chunk // n_cols, n_cols), jnp.float32)] * _NBUF
            + [pltpu.VMEM((2 * _HSIZE,), jnp.float32)]
            + [pltpu.SemaphoreType.DMA] * _NBUF
        ),
        compiler_params=pltpu.CompilerParams(needs_layout_passes=False),
    )
    partials = sc(x, t)
    partials = partials.reshape(2 * _NW * _LANES, _NBP)

    loss_tile = pl.pallas_call(
        _tc_loss_body,
        out_shape=jax.ShapeDtypeStruct((8, 128), jnp.float32),
    )(partials)
    return loss_tile[0, 0]

# --- scband reference (transcript-rebuilt; emitter-appended) ---
"""Pipeline reference for scband-histogram-loss-15040975470954 (READ-ONLY COPY).

The authoritative reference and input builder live on the scoring server;
editing this copy changes nothing except your own understanding.
"""

import jax, jax.numpy as jnp
import numpy as np

NUM_BINS = 256
HIST_MIN = 0.0
HIST_MAX = 255.0


def _histc(x, bins, lo, hi):
    # Faithful emulation of torch.histc: `bins` equal-width bins over [lo, hi];
    # values outside [lo, hi] are ignored; values equal to hi land in the last bin.
    x = x.reshape(-1)
    in_range = (x >= lo) & (x <= hi)
    width = (hi - lo) / bins
    idx = jnp.clip(jnp.floor((x - lo) / width), 0, bins - 1).astype(jnp.int32)
    weights = in_range.astype(jnp.float32)
    return jax.ops.segment_sum(weights, idx, num_segments=bins)


def setup_inputs(seed: int = 0) -> dict:
    key = jax.random.key(seed)
    k1, k2 = jax.random.split(key)
    shape = (32, 3, 512, 512)
    input_image = jax.random.uniform(k1, shape, dtype=jnp.float32) * 255.0
    target_image = jax.random.uniform(k2, shape, dtype=jnp.float32) * 255.0
    return {"input_image": input_image, "target_image": target_image}


def reference(input_image, target_image):
    hist_input = _histc(input_image, NUM_BINS, HIST_MIN, HIST_MAX)
    hist_target = _histc(target_image, NUM_BINS, HIST_MIN, HIST_MAX)
    hist_input = hist_input / hist_input.sum()
    hist_target = hist_target / hist_target.sum()
    min_hist = jnp.minimum(hist_input, hist_target)
    loss = 1.0 - jnp.sum(min_hist)
    return loss

if __name__ == "__main__":
    import jax
    _d = setup_inputs()
    print(jax.jit(kernel)(*tuple(_d.values())))

</pallas_src>

<mosaic_0001>
#map = affine_map<(d0, d1) -> (0, 0)>
module attributes {stable_mosaic.version = 14 : i64} {
  func.func @_sc_hist_body(%arg0: i32, %arg1: i32, %arg2: memref<49152x512xf32, #tpu.memory_space<hbm>>, %arg3: memref<49152x512xf32, #tpu.memory_space<hbm>>, %arg4: memref<64x4224xf32, #tpu.memory_space<hbm>>, %arg5: memref<32x512xf32, #tpu.memory_space<vmem>>, %arg6: memref<32x512xf32, #tpu.memory_space<vmem>>, %arg7: memref<32x512xf32, #tpu.memory_space<vmem>>, %arg8: memref<32x512xf32, #tpu.memory_space<vmem>>, %arg9: memref<32x512xf32, #tpu.memory_space<vmem>>, %arg10: memref<32x512xf32, #tpu.memory_space<vmem>>, %arg11: memref<32x512xf32, #tpu.memory_space<vmem>>, %arg12: memref<8448xf32, #tpu.memory_space<vmem>>, %arg13: memref<!tpu.dma_semaphore, #tpu.memory_space<semaphore_mem>>, %arg14: memref<!tpu.dma_semaphore, #tpu.memory_space<semaphore_mem>>, %arg15: memref<!tpu.dma_semaphore, #tpu.memory_space<semaphore_mem>>, %arg16: memref<!tpu.dma_semaphore, #tpu.memory_space<semaphore_mem>>, %arg17: memref<!tpu.dma_semaphore, #tpu.memory_space<semaphore_mem>>, %arg18: memref<!tpu.dma_semaphore, #tpu.memory_space<semaphore_mem>>, %arg19: memref<!tpu.dma_semaphore, #tpu.memory_space<semaphore_mem>>) attributes {dimension_semantics = [#tpu.dimension_semantics<core_parallel>, #tpu.dimension_semantics<subcore_parallel>], iteration_bounds = array<i64: 2, 16>, scalar_prefetch = 0 : i64, scratch_operands = 15 : i64, tpu.core_type = #tpu.core_type<sc_vector_subcore>, window_params = [{transform_indices = #map}, {transform_indices = #map}, {transform_indices = #map}]} {
    %mul3A = arith.constant 2 : i32
    %mul3A_0 = arith.muli %arg1, %mul3A : i32
    %add3A = arith.addi %mul3A_0, %arg0 : i32
    %iota3A = tpu.iota {dimensions = array<i32: 0>} : vector<16xi32>
    %mul3A_1 = arith.constant 264 : i32
    %mul3A_2 = vector.broadcast %mul3A_1 : i32 to vector<16xi32>
    %mul3A_3 = arith.muli %iota3A, %mul3A_2 : vector<16xi32>
    %broadcast_in_dim3A = arith.constant 1.000000e+00 : f32
    %broadcast_in_dim3A_4 = vector.broadcast %broadcast_in_dim3A : f32 to vector<16xf32>
    %mul3A_5 = arith.constant 786432 : i32
    %mul3A_6 = arith.muli %add3A, %mul3A_5 : i32
    %add3A_7 = arith.constant 0 : i32
    %add3A_8 = arith.addi %mul3A_6, %add3A_7 : i32
    %jit3A = arith.constant 512 : i32
    %div3A = arith.divsi %add3A_8, %jit3A : i32
    %sign3A = arith.constant 0 : i32
    %sign3A_9 = arith.cmpi sgt, %add3A_8, %sign3A : i32
    %sign3A_10 = arith.extui %sign3A_9 : i1 to i32
    %sign3A_11 = arith.constant 0 : i32
    %sign3A_12 = arith.cmpi slt, %add3A_8, %sign3A_11 : i32
    %sign3A_13 = arith.extui %sign3A_12 : i1 to i32
    %sign3A_14 = arith.subi %sign3A_10, %sign3A_13 : i32
    %sign3A_15 = arith.constant 0 : i32
    %sign3A_16 = arith.cmpi sgt, %jit3A, %sign3A_15 : i32
    %sign3A_17 = arith.extui %sign3A_16 : i1 to i32
    %sign3A_18 = arith.constant 0 : i32
    %sign3A_19 = arith.cmpi slt, %jit3A, %sign3A_18 : i32
    %sign3A_20 = arith.extui %sign3A_19 : i1 to i32
    %sign3A_21 = arith.subi %sign3A_17, %sign3A_20 : i32
    %ne3A = arith.cmpi ne, %sign3A_14, %sign3A_21 : i32
    %rem3A = arith.remsi %add3A_8, %jit3A : i32
    %ne3A_22 = arith.constant 0 : i32
    %ne3A_23 = arith.cmpi ne, %rem3A, %ne3A_22 : i32
    %and3A = arith.andi %ne3A, %ne3A_23 : i1
    %sub3A = arith.constant 1 : i32
    %sub3A_24 = arith.subi %div3A, %sub3A : i32
    %select_n3A = arith.select %and3A, %sub3A_24, %div3A : i32
    %multiple_of3A = tpu.assume_multiple %select_n3A, 8 : i32
    %dma_start3A = arith.constant 0 : i32
    %dma_start3A_25 = tpu.memref_slice %arg2[%multiple_of3A, %dma_start3A] : memref<49152x512xf32, #tpu.memory_space<hbm>> -> memref<32x512xf32, #tpu.memory_space<hbm>>
    %dma_start3A_26 = arith.constant 0 : i32
    %dma_start3A_27 = tpu.memref_slice %arg2[%multiple_of3A, %dma_start3A_26] : memref<49152x512xf32, #tpu.memory_space<hbm>> -> memref<32x512xf32, #tpu.memory_space<hbm>>
    tpu.enqueue_dma source(%dma_start3A_27 : memref<32x512xf32, #tpu.memory_space<hbm>>) target(%arg5 : memref<32x512xf32, #tpu.memory_space<vmem>>) target_semaphore(%arg13 : memref<!tpu.dma_semaphore, #tpu.memory_space<semaphore_mem>>)
    %mul3A_28 = arith.constant 786432 : i32
    %mul3A_29 = arith.muli %add3A, %mul3A_28 : i32
    %add3A_30 = arith.constant 16384 : i32
    %add3A_31 = arith.addi %mul3A_29, %add3A_30 : i32
    %jit3A_32 = arith.constant 512 : i32
    %div3A_33 = arith.divsi %add3A_31, %jit3A_32 : i32
    %sign3A_34 = arith.constant 0 : i32
    %sign3A_35 = arith.cmpi sgt, %add3A_31, %sign3A_34 : i32
    %sign3A_36 = arith.extui %sign3A_35 : i1 to i32
    %sign3A_37 = arith.constant 0 : i32
    %sign3A_38 = arith.cmpi slt, %add3A_31, %sign3A_37 : i32
    %sign3A_39 = arith.extui %sign3A_38 : i1 to i32
    %sign3A_40 = arith.subi %sign3A_36, %sign3A_39 : i32
    %sign3A_41 = arith.constant 0 : i32
    %sign3A_42 = arith.cmpi sgt, %jit3A_32, %sign3A_41 : i32
    %sign3A_43 = arith.extui %sign3A_42 : i1 to i32
    %sign3A_44 = arith.constant 0 : i32
    %sign3A_45 = arith.cmpi slt, %jit3A_32, %sign3A_44 : i32
    %sign3A_46 = arith.extui %sign3A_45 : i1 to i32
    %sign3A_47 = arith.subi %sign3A_43, %sign3A_46 : i32
    %ne3A_48 = arith.cmpi ne, %sign3A_40, %sign3A_47 : i32
    %rem3A_49 = arith.remsi %add3A_31, %jit3A_32 : i32
    %ne3A_50 = arith.constant 0 : i32
    %ne3A_51 = arith.cmpi ne, %rem3A_49, %ne3A_50 : i32
    %and3A_52 = arith.andi %ne3A_48, %ne3A_51 : i1
    %sub3A_53 = arith.constant 1 : i32
    %sub3A_54 = arith.subi %div3A_33, %sub3A_53 : i32
    %select_n3A_55 = arith.select %and3A_52, %sub3A_54, %div3A_33 : i32
    %multiple_of3A_56 = tpu.assume_multiple %select_n3A_55, 8 : i32
    %dma_start3A_57 = arith.constant 0 : i32
    %dma_start3A_58 = tpu.memref_slice %arg2[%multiple_of3A_56, %dma_start3A_57] : memref<49152x512xf32, #tpu.memory_space<hbm>> -> memref<32x512xf32, #tpu.memory_space<hbm>>
    %dma_start3A_59 = arith.constant 0 : i32
    %dma_start3A_60 = tpu.memref_slice %arg2[%multiple_of3A_56, %dma_start3A_59] : memref<49152x512xf32, #tpu.memory_space<hbm>> -> memref<32x512xf32, #tpu.memory_space<hbm>>
    tpu.enqueue_dma source(%dma_start3A_60 : memref<32x512xf32, #tpu.memory_space<hbm>>) target(%arg6 : memref<32x512xf32, #tpu.memory_space<vmem>>) target_semaphore(%arg14 : memref<!tpu.dma_semaphore, #tpu.memory_space<semaphore_mem>>)
    %mul3A_61 = arith.constant 786432 : i32
    %mul3A_62 = arith.muli %add3A, %mul3A_61 : i32
    %add3A_63 = arith.constant 32768 : i32
    %add3A_64 = arith.addi %mul3A_62, %add3A_63 : i32
    %jit3A_65 = arith.constant 512 : i32
    %div3A_66 = arith.divsi %add3A_64, %jit3A_65 : i32
    %sign3A_67 = arith.constant 0 : i32
    %sign3A_68 = arith.cmpi sgt, %add3A_64, %sign3A_67 : i32
    %sign3A_69 = arith.extui %sign3A_68 : i1 to i32
    %sign3A_70 = arith.constant 0 : i32
    %sign3A_71 = arith.cmpi slt, %add3A_64, %sign3A_70 : i32
    %sign3A_72 = arith.extui %sign3A_71 : i1 to i32
    %sign3A_73 = arith.subi %sign3A_69, %sign3A_72 : i32
    %sign3A_74 = arith.constant 0 : i32
    %sign3A_75 = arith.cmpi sgt, %jit3A_65, %sign3A_74 : i32
    %sign3A_76 = arith.extui %sign3A_75 : i1 to i32
    %sign3A_77 = arith.constant 0 : i32
    %sign3A_78 = arith.cmpi slt, %jit3A_65, %sign3A_77 : i32
    %sign3A_79 = arith.extui %sign3A_78 : i1 to i32
    %sign3A_80 = arith.subi %sign3A_76, %sign3A_79 : i32
    %ne3A_81 = arith.cmpi ne, %sign3A_73, %sign3A_80 : i32
    %rem3A_82 = arith.remsi %add3A_64, %jit3A_65 : i32
    %ne3A_83 = arith.constant 0 : i32
    %ne3A_84 = arith.cmpi ne, %rem3A_82, %ne3A_83 : i32
    %and3A_85 = arith.andi %ne3A_81, %ne3A_84 : i1
    %sub3A_86 = arith.constant 1 : i32
    %sub3A_87 = arith.subi %div3A_66, %sub3A_86 : i32
    %select_n3A_88 = arith.select %and3A_85, %sub3A_87, %div3A_66 : i32
    %multiple_of3A_89 = tpu.assume_multiple %select_n3A_88, 8 : i32
    %dma_start3A_90 = arith.constant 0 : i32
    %dma_start3A_91 = tpu.memref_slice %arg2[%multiple_of3A_89, %dma_start3A_90] : memref<49152x512xf32, #tpu.memory_space<hbm>> -> memref<32x512xf32, #tpu.memory_space<hbm>>
    %dma_start3A_92 = arith.constant 0 : i32
    %dma_start3A_93 = tpu.memref_slice %arg2[%multiple_of3A_89, %dma_start3A_92] : memref<49152x512xf32, #tpu.memory_space<hbm>> -> memref<32x512xf32, #tpu.memory_space<hbm>>
    tpu.enqueue_dma source(%dma_start3A_93 : memref<32x512xf32, #tpu.memory_space<hbm>>) target(%arg7 : memref<32x512xf32, #tpu.memory_space<vmem>>) target_semaphore(%arg15 : memref<!tpu.dma_semaphore, #tpu.memory_space<semaphore_mem>>)
    %mul3A_94 = arith.constant 786432 : i32
    %mul3A_95 = arith.muli %add3A, %mul3A_94 : i32
    %add3A_96 = arith.constant 49152 : i32
    %add3A_97 = arith.addi %mul3A_95, %add3A_96 : i32
    %jit3A_98 = arith.constant 512 : i32
    %div3A_99 = arith.divsi %add3A_97, %jit3A_98 : i32
    %sign3A_100 = arith.constant 0 : i32
    %sign3A_101 = arith.cmpi sgt, %add3A_97, %sign3A_100 : i32
    %sign3A_102 = arith.extui %sign3A_101 : i1 to i32
    %sign3A_103 = arith.constant 0 : i32
    %sign3A_104 = arith.cmpi slt, %add3A_97, %sign3A_103 : i32
    %sign3A_105 = arith.extui %sign3A_104 : i1 to i32
    %sign3A_106 = arith.subi %sign3A_102, %sign3A_105 : i32
    %sign3A_107 = arith.constant 0 : i32
    %sign3A_108 = arith.cmpi sgt, %jit3A_98, %sign3A_107 : i32
    %sign3A_109 = arith.extui %sign3A_108 : i1 to i32
    %sign3A_110 = arith.constant 0 : i32
    %sign3A_111 = arith.cmpi slt, %jit3A_98, %sign3A_110 : i32
    %sign3A_112 = arith.extui %sign3A_111 : i1 to i32
    %sign3A_113 = arith.subi %sign3A_109, %sign3A_112 : i32
    %ne3A_114 = arith.cmpi ne, %sign3A_106, %sign3A_113 : i32
    %rem3A_115 = arith.remsi %add3A_97, %jit3A_98 : i32
    %ne3A_116 = arith.constant 0 : i32
    %ne3A_117 = arith.cmpi ne, %rem3A_115, %ne3A_116 : i32
    %and3A_118 = arith.andi %ne3A_114, %ne3A_117 : i1
    %sub3A_119 = arith.constant 1 : i32
    %sub3A_120 = arith.subi %div3A_99, %sub3A_119 : i32
    %select_n3A_121 = arith.select %and3A_118, %sub3A_120, %div3A_99 : i32
    %multiple_of3A_122 = tpu.assume_multiple %select_n3A_121, 8 : i32
    %dma_start3A_123 = arith.constant 0 : i32
    %dma_start3A_124 = tpu.memref_slice %arg2[%multiple_of3A_122, %dma_start3A_123] : memref<49152x512xf32, #tpu.memory_space<hbm>> -> memref<32x512xf32, #tpu.memory_space<hbm>>
    %dma_start3A_125 = arith.constant 0 : i32
    %dma_start3A_126 = tpu.memref_slice %arg2[%multiple_of3A_122, %dma_start3A_125] : memref<49152x512xf32, #tpu.memory_space<hbm>> -> memref<32x512xf32, #tpu.memory_space<hbm>>
    tpu.enqueue_dma source(%dma_start3A_126 : memref<32x512xf32, #tpu.memory_space<hbm>>) target(%arg8 : memref<32x512xf32, #tpu.memory_space<vmem>>) target_semaphore(%arg16 : memref<!tpu.dma_semaphore, #tpu.memory_space<semaphore_mem>>)
    %mul3A_127 = arith.constant 786432 : i32
    %mul3A_128 = arith.muli %add3A, %mul3A_127 : i32
    %add3A_129 = arith.constant 65536 : i32
    %add3A_130 = arith.addi %mul3A_128, %add3A_129 : i32
    %jit3A_131 = arith.constant 512 : i32
    %div3A_132 = arith.divsi %add3A_130, %jit3A_131 : i32
    %sign3A_133 = arith.constant 0 : i32
    %sign3A_134 = arith.cmpi sgt, %add3A_130, %sign3A_133 : i32
    %sign3A_135 = arith.extui %sign3A_134 : i1 to i32
    %sign3A_136 = arith.constant 0 : i32
    %sign3A_137 = arith.cmpi slt, %add3A_130, %sign3A_136 : i32
    %sign3A_138 = arith.extui %sign3A_137 : i1 to i32
    %sign3A_139 = arith.subi %sign3A_135, %sign3A_138 : i32
    %sign3A_140 = arith.constant 0 : i32
    %sign3A_141 = arith.cmpi sgt, %jit3A_131, %sign3A_140 : i32
    %sign3A_142 = arith.extui %sign3A_141 : i1 to i32
    %sign3A_143 = arith.constant 0 : i32
    %sign3A_144 = arith.cmpi slt, %jit3A_131, %sign3A_143 : i32
    %sign3A_145 = arith.extui %sign3A_144 : i1 to i32
    %sign3A_146 = arith.subi %sign3A_142, %sign3A_145 : i32
    %ne3A_147 = arith.cmpi ne, %sign3A_139, %sign3A_146 : i32
    %rem3A_148 = arith.remsi %add3A_130, %jit3A_131 : i32
    %ne3A_149 = arith.constant 0 : i32
    %ne3A_150 = arith.cmpi ne, %rem3A_148, %ne3A_149 : i32
    %and3A_151 = arith.andi %ne3A_147, %ne3A_150 : i1
    %sub3A_152 = arith.constant 1 : i32
    %sub3A_153 = arith.subi %div3A_132, %sub3A_152 : i32
    %select_n3A_154 = arith.select %and3A_151, %sub3A_153, %div3A_132 : i32
    %multiple_of3A_155 = tpu.assume_multiple %select_n3A_154, 8 : i32
    %dma_start3A_156 = arith.constant 0 : i32
    %dma_start3A_157 = tpu.memref_slice %arg2[%multiple_of3A_155, %dma_start3A_156] : memref<49152x512xf32, #tpu.memory_space<hbm>> -> memref<32x512xf32, #tpu.memory_space<hbm>>
    %dma_start3A_158 = arith.constant 0 : i32
    %dma_start3A_159 = tpu.memref_slice %arg2[%multiple_of3A_155, %dma_start3A_158] : memref<49152x512xf32, #tpu.memory_space<hbm>> -> memref<32x512xf32, #tpu.memory_space<hbm>>
    tpu.enqueue_dma source(%dma_start3A_159 : memref<32x512xf32, #tpu.memory_space<hbm>>) target(%arg9 : memref<32x512xf32, #tpu.memory_space<vmem>>) target_semaphore(%arg17 : memref<!tpu.dma_semaphore, #tpu.memory_space<semaphore_mem>>)
    %mul3A_160 = arith.constant 786432 : i32
    %mul3A_161 = arith.muli %add3A, %mul3A_160 : i32
    %add3A_162 = arith.constant 81920 : i32
    %add3A_163 = arith.addi %mul3A_161, %add3A_162 : i32
    %jit3A_164 = arith.constant 512 : i32
    %div3A_165 = arith.divsi %add3A_163, %jit3A_164 : i32
    %sign3A_166 = arith.constant 0 : i32
    %sign3A_167 = arith.cmpi sgt, %add3A_163, %sign3A_166 : i32
    %sign3A_168 = arith.extui %sign3A_167 : i1 to i32
    %sign3A_169 = arith.constant 0 : i32
    %sign3A_170 = arith.cmpi slt, %add3A_163, %sign3A_169 : i32
    %sign3A_171 = arith.extui %sign3A_170 : i1 to i32
    %sign3A_172 = arith.subi %sign3A_168, %sign3A_171 : i32
    %sign3A_173 = arith.constant 0 : i32
    %sign3A_174 = arith.cmpi sgt, %jit3A_164, %sign3A_173 : i32
    %sign3A_175 = arith.extui %sign3A_174 : i1 to i32
    %sign3A_176 = arith.constant 0 : i32
    %sign3A_177 = arith.cmpi slt, %jit3A_164, %sign3A_176 : i32
    %sign3A_178 = arith.extui %sign3A_177 : i1 to i32
    %sign3A_179 = arith.subi %sign3A_175, %sign3A_178 : i32
    %ne3A_180 = arith.cmpi ne, %sign3A_172, %sign3A_179 : i32
    %rem3A_181 = arith.remsi %add3A_163, %jit3A_164 : i32
    %ne3A_182 = arith.constant 0 : i32
    %ne3A_183 = arith.cmpi ne, %rem3A_181, %ne3A_182 : i32
    %and3A_184 = arith.andi %ne3A_180, %ne3A_183 : i1
    %sub3A_185 = arith.constant 1 : i32
    %sub3A_186 = arith.subi %div3A_165, %sub3A_185 : i32
    %select_n3A_187 = arith.select %and3A_184, %sub3A_186, %div3A_165 : i32
    %multiple_of3A_188 = tpu.assume_multiple %select_n3A_187, 8 : i32
    %dma_start3A_189 = arith.constant 0 : i32
    %dma_start3A_190 = tpu.memref_slice %arg2[%multiple_of3A_188, %dma_start3A_189] : memref<49152x512xf32, #tpu.memory_space<hbm>> -> memref<32x512xf32, #tpu.memory_space<hbm>>
    %dma_start3A_191 = arith.constant 0 : i32
    %dma_start3A_192 = tpu.memref_slice %arg2[%multiple_of3A_188, %dma_start3A_191] : memref<49152x512xf32, #tpu.memory_space<hbm>> -> memref<32x512xf32, #tpu.memory_space<hbm>>
    tpu.enqueue_dma source(%dma_start3A_192 : memref<32x512xf32, #tpu.memory_space<hbm>>) target(%arg10 : memref<32x512xf32, #tpu.memory_space<vmem>>) target_semaphore(%arg18 : memref<!tpu.dma_semaphore, #tpu.memory_space<semaphore_mem>>)
    %scan3A = arith.constant 0 : i32
    %scan3A_193 = arith.constant 0 : i32
    %scan3A_194 = arith.constant 528 : i32
    %scan3A_195 = arith.addi %scan3A_193, %scan3A_194 : i32
    %scan3A_196 = arith.constant 1 : i32
    %scan3A_197 = scf.for %scan3A_3842 = %scan3A_193 to %scan3A_195 step %scan3A_196 iter_args(%scan3A_3843 = %scan3A) -> (i32)  : i32 {
      %broadcast_in_dim3A_3844 = arith.constant 0.000000e+00 : f32
      %broadcast_in_dim3A_3845 = vector.broadcast %broadcast_in_dim3A_3844 : f32 to vector<16xf32>
      %mul3A_3846 = arith.constant 16 : i32
      %mul3A_3847 = arith.muli %scan3A_3842, %mul3A_3846 : i32
      %swap3A = arith.index_cast %mul3A_3847 : i32 to index
      %swap3A_3848 = tpu.vector_load %arg12[%swap3A] {strides = array<i32>} : memref<8448xf32, #tpu.memory_space<vmem>>, vector<16xf32>,
      tpu.vector_store %arg12[%swap3A], %broadcast_in_dim3A_3845 {strides = array<i32>} : memref<8448xf32, #tpu.memory_space<vmem>>, vector<16xf32>,
      %scan3A_3849 = arith.constant 0 : i32
      scf.yield %scan3A_3849 : i32
    }
    %scan3A_198 = arith.constant 528 : i32
    %mul3A_199 = arith.constant 786432 : i32
    %mul3A_200 = arith.muli %add3A, %mul3A_199 : i32
    %add3A_201 = arith.constant 98304 : i32
    %add3A_202 = arith.addi %mul3A_200, %add3A_201 : i32
    %jit3A_203 = arith.constant 512 : i32
    %div3A_204 = arith.divsi %add3A_202, %jit3A_203 : i32
    %sign3A_205 = arith.constant 0 : i32
    %sign3A_206 = arith.cmpi sgt, %add3A_202, %sign3A_205 : i32
    %sign3A_207 = arith.extui %sign3A_206 : i1 to i32
    %sign3A_208 = arith.constant 0 : i32
    %sign3A_209 = arith.cmpi slt, %add3A_202, %sign3A_208 : i32
    %sign3A_210 = arith.extui %sign3A_209 : i1 to i32
    %sign3A_211 = arith.subi %sign3A_207, %sign3A_210 : i32
    %sign3A_212 = arith.constant 0 : i32
    %sign3A_213 = arith.cmpi sgt, %jit3A_203, %sign3A_212 : i32
    %sign3A_214 = arith.extui %sign3A_213 : i1 to i32
    %sign3A_215 = arith.constant 0 : i32
    %sign3A_216 = arith.cmpi slt, %jit3A_203, %sign3A_215 : i32
    %sign3A_217 = arith.extui %sign3A_216 : i1 to i32
    %sign3A_218 = arith.subi %sign3A_214, %sign3A_217 : i32
    %ne3A_219 = arith.cmpi ne, %sign3A_211, %sign3A_218 : i32
    %rem3A_220 = arith.remsi %add3A_202, %jit3A_203 : i32
    %ne3A_221 = arith.constant 0 : i32
    %ne3A_222 = arith.cmpi ne, %rem3A_220, %ne3A_221 : i32
    %and3A_223 = arith.andi %ne3A_219, %ne3A_222 : i1
    %sub3A_224 = arith.constant 1 : i32
    %sub3A_225 = arith.subi %div3A_204, %sub3A_224 : i32
    %select_n3A_226 = arith.select %and3A_223, %sub3A_225, %div3A_204 : i32
    %multiple_of3A_227 = tpu.assume_multiple %select_n3A_226, 8 : i32
    %dma_start3A_228 = arith.constant 0 : i32
    %dma_start3A_229 = tpu.memref_slice %arg2[%multiple_of3A_227, %dma_start3A_228] : memref<49152x512xf32, #tpu.memory_space<hbm>> -> memref<32x512xf32, #tpu.memory_space<hbm>>
    %dma_start3A_230 = arith.constant 0 : i32
    %dma_start3A_231 = tpu.memref_slice %arg2[%multiple_of3A_227, %dma_start3A_230] : memref<49152x512xf32, #tpu.memory_space<hbm>> -> memref<32x512xf32, #tpu.memory_space<hbm>>
    tpu.enqueue_dma source(%dma_start3A_231 : memref<32x512xf32, #tpu.memory_space<hbm>>) target(%arg11 : memref<32x512xf32, #tpu.memory_space<vmem>>) target_semaphore(%arg19 : memref<!tpu.dma_semaphore, #tpu.memory_space<semaphore_mem>>)
    %dma_wait3A = arith.constant 0 : i32
    %dma_wait3A_232 = tpu.memref_slice %arg2[%multiple_of3A, %dma_wait3A] : memref<49152x512xf32, #tpu.memory_space<hbm>> -> memref<32x512xf32, #tpu.memory_space<hbm>>
    %dma_wait3A_233 = arith.constant 0 : i32
    %dma_wait3A_234 = tpu.memref_slice %arg2[%multiple_of3A, %dma_wait3A_233] : memref<49152x512xf32, #tpu.memory_space<hbm>> -> memref<32x512xf32, #tpu.memory_space<hbm>>
    tpu.wait_dma2 semaphore(%arg13 : memref<!tpu.dma_semaphore, #tpu.memory_space<semaphore_mem>>) src(%dma_wait3A_234 : memref<32x512xf32, #tpu.memory_space<hbm>>) dst(%arg5 : memref<32x512xf32, #tpu.memory_space<vmem>>)
    %add3A_235 = arith.constant 0 : i32
    %add3A_236 = vector.broadcast %add3A_235 : i32 to vector<16xi32>
    %add3A_237 = arith.addi %mul3A_3, %add3A_236 : vector<16xi32>
    %mul3A_238 = arith.constant 786432 : i32
    %mul3A_239 = arith.muli %add3A, %mul3A_238 : i32
    %add3A_240 = arith.constant 114688 : i32
    %add3A_241 = arith.addi %mul3A_239, %add3A_240 : i32
    %jit3A_242 = arith.constant 512 : i32
    %div3A_243 = arith.divsi %add3A_241, %jit3A_242 : i32
    %sign3A_244 = arith.constant 0 : i32
    %sign3A_245 = arith.cmpi sgt, %add3A_241, %sign3A_244 : i32
    %sign3A_246 = arith.extui %sign3A_245 : i1 to i32
    %sign3A_247 = arith.constant 0 : i32
    %sign3A_248 = arith.cmpi slt, %add3A_241, %sign3A_247 : i32
    %sign3A_249 = arith.extui %sign3A_248 : i1 to i32
    %sign3A_250 = arith.subi %sign3A_246, %sign3A_249 : i32
    %sign3A_251 = arith.constant 0 : i32
    %sign3A_252 = arith.cmpi sgt, %jit3A_242, %sign3A_251 : i32
    %sign3A_253 = arith.extui %sign3A_252 : i1 to i32
    %sign3A_254 = arith.constant 0 : i32
    %sign3A_255 = arith.cmpi slt, %jit3A_242, %sign3A_254 : i32
    %sign3A_256 = arith.extui %sign3A_255 : i1 to i32
    %sign3A_257 = arith.subi %sign3A_253, %sign3A_256 : i32
    %ne3A_258 = arith.cmpi ne, %sign3A_250, %sign3A_257 : i32
    %rem3A_259 = arith.remsi %add3A_241, %jit3A_242 : i32
    %ne3A_260 = arith.constant 0 : i32
    %ne3A_261 = arith.cmpi ne, %rem3A_259, %ne3A_260 : i32
    %and3A_262 = arith.andi %ne3A_258, %ne3A_261 : i1
    %sub3A_263 = arith.constant 1 : i32
    %sub3A_264 = arith.subi %div3A_243, %sub3A_263 : i32
    %select_n3A_265 = arith.select %and3A_262, %sub3A_264, %div3A_243 : i32
    %multiple_of3A_266 = tpu.assume_multiple %select_n3A_265, 8 : i32
    %dma_start3A_267 = arith.constant 0 : i32
    %dma_start3A_268 = tpu.memref_slice %arg2[%multiple_of3A_266, %dma_start3A_267] : memref<49152x512xf32, #tpu.memory_space<hbm>> -> memref<32x512xf32, #tpu.memory_space<hbm>>
    %dma_start3A_269 = arith.constant 0 : i32
    %dma_start3A_270 = tpu.memref_slice %arg2[%multiple_of3A_266, %dma_start3A_269] : memref<49152x512xf32, #tpu.memory_space<hbm>> -> memref<32x512xf32, #tpu.memory_space<hbm>>
    tpu.enqueue_dma source(%dma_start3A_270 : memref<32x512xf32, #tpu.memory_space<hbm>>) target(%arg5 : memref<32x512xf32, #tpu.memory_space<vmem>>) target_semaphore(%arg13 : memref<!tpu.dma_semaphore, #tpu.memory_space<semaphore_mem>>)
    %dma_wait3A_271 = arith.constant 0 : i32
    %dma_wait3A_272 = tpu.memref_slice %arg2[%multiple_of3A_56, %dma_wait3A_271] : memref<49152x512xf32, #tpu.memory_space<hbm>> -> memref<32x512xf32, #tpu.memory_space<hbm>>
    %dma_wait3A_273 = arith.constant 0 : i32
    %dma_wait3A_274 = tpu.memref_slice %arg2[%multiple_of3A_56, %dma_wait3A_273] : memref<49152x512xf32, #tpu.memory_space<hbm>> -> memref<32x512xf32, #tpu.memory_space<hbm>>
    tpu.wait_dma2 semaphore(%arg14 : memref<!tpu.dma_semaphore, #tpu.memory_space<semaphore_mem>>) src(%dma_wait3A_274 : memref<32x512xf32, #tpu.memory_space<hbm>>) dst(%arg6 : memref<32x512xf32, #tpu.memory_space<vmem>>)
    %add3A_275 = arith.constant 0 : i32
    %add3A_276 = vector.broadcast %add3A_275 : i32 to vector<16xi32>
    %add3A_277 = arith.addi %mul3A_3, %add3A_276 : vector<16xi32>
    %mul3A_278 = arith.constant 786432 : i32
    %mul3A_279 = arith.muli %add3A, %mul3A_278 : i32
    %add3A_280 = arith.constant 131072 : i32
    %add3A_281 = arith.addi %mul3A_279, %add3A_280 : i32
    %jit3A_282 = arith.constant 512 : i32
    %div3A_283 = arith.divsi %add3A_281, %jit3A_282 : i32
    %sign3A_284 = arith.constant 0 : i32
    %sign3A_285 = arith.cmpi sgt, %add3A_281, %sign3A_284 : i32
    %sign3A_286 = arith.extui %sign3A_285 : i1 to i32
    %sign3A_287 = arith.constant 0 : i32
    %sign3A_288 = arith.cmpi slt, %add3A_281, %sign3A_287 : i32
    %sign3A_289 = arith.extui %sign3A_288 : i1 to i32
    %sign3A_290 = arith.subi %sign3A_286, %sign3A_289 : i32
    %sign3A_291 = arith.constant 0 : i32
    %sign3A_292 = arith.cmpi sgt, %jit3A_282, %sign3A_291 : i32
    %sign3A_293 = arith.extui %sign3A_292 : i1 to i32
    %sign3A_294 = arith.constant 0 : i32
    %sign3A_295 = arith.cmpi slt, %jit3A_282, %sign3A_294 : i32
    %sign3A_296 = arith.extui %sign3A_295 : i1 to i32
    %sign3A_297 = arith.subi %sign3A_293, %sign3A_296 : i32
    %ne3A_298 = arith.cmpi ne, %sign3A_290, %sign3A_297 : i32
    %rem3A_299 = arith.remsi %add3A_281, %jit3A_282 : i32
    %ne3A_300 = arith.constant 0 : i32
    %ne3A_301 = arith.cmpi ne, %rem3A_299, %ne3A_300 : i32
    %and3A_302 = arith.andi %ne3A_298, %ne3A_301 : i1
    %sub3A_303 = arith.constant 1 : i32
    %sub3A_304 = arith.subi %div3A_283, %sub3A_303 : i32
    %select_n3A_305 = arith.select %and3A_302, %sub3A_304, %div3A_283 : i32
    %multiple_of3A_306 = tpu.assume_multiple %select_n3A_305, 8 : i32
    %dma_start3A_307 = arith.constant 0 : i32
    %dma_start3A_308 = tpu.memref_slice %arg2[%multiple_of3A_306, %dma_start3A_307] : memref<49152x512xf32, #tpu.memory_space<hbm>> -> memref<32x512xf32, #tpu.memory_space<hbm>>
    %dma_start3A_309 = arith.constant 0 : i32
    %dma_start3A_310 = tpu.memref_slice %arg2[%multiple_of3A_306, %dma_start3A_309] : memref<49152x512xf32, #tpu.memory_space<hbm>> -> memref<32x512xf32, #tpu.memory_space<hbm>>
    tpu.enqueue_dma source(%dma_start3A_310 : memref<32x512xf32, #tpu.memory_space<hbm>>) target(%arg6 : memref<32x512xf32, #tpu.memory_space<vmem>>) target_semaphore(%arg14 : memref<!tpu.dma_semaphore, #tpu.memory_space<semaphore_mem>>)
    %dma_wait3A_311 = arith.constant 0 : i32
    %dma_wait3A_312 = tpu.memref_slice %arg2[%multiple_of3A_89, %dma_wait3A_311] : memref<49152x512xf32, #tpu.memory_space<hbm>> -> memref<32x512xf32, #tpu.memory_space<hbm>>
    %dma_wait3A_313 = arith.constant 0 : i32
    %dma_wait3A_314 = tpu.memref_slice %arg2[%multiple_of3A_89, %dma_wait3A_313] : memref<49152x512xf32, #tpu.memory_space<hbm>> -> memref<32x512xf32, #tpu.memory_space<hbm>>
    tpu.wait_dma2 semaphore(%arg15 : memref<!tpu.dma_semaphore, #tpu.memory_space<semaphore_mem>>) src(%dma_wait3A_314 : memref<32x512xf32, #tpu.memory_space<hbm>>) dst(%arg7 : memref<32x512xf32, #tpu.memory_space<vmem>>)
    %add3A_315 = arith.constant 0 : i32
    %add3A_316 = vector.broadcast %add3A_315 : i32 to vector<16xi32>
    %add3A_317 = arith.addi %mul3A_3, %add3A_316 : vector<16xi32>
    %mul3A_318 = arith.constant 786432 : i32
    %mul3A_319 = arith.muli %add3A, %mul3A_318 : i32
    %add3A_320 = arith.constant 147456 : i32
    %add3A_321 = arith.addi %mul3A_319, %add3A_320 : i32
    %jit3A_322 = arith.constant 512 : i32
    %div3A_323 = arith.divsi %add3A_321, %jit3A_322 : i32
    %sign3A_324 = arith.constant 0 : i32
    %sign3A_325 = arith.cmpi sgt, %add3A_321, %sign3A_324 : i32
    %sign3A_326 = arith.extui %sign3A_325 : i1 to i32
    %sign3A_327 = arith.constant 0 : i32
    %sign3A_328 = arith.cmpi slt, %add3A_321, %sign3A_327 : i32
    %sign3A_329 = arith.extui %sign3A_328 : i1 to i32
    %sign3A_330 = arith.subi %sign3A_326, %sign3A_329 : i32
    %sign3A_331 = arith.constant 0 : i32
    %sign3A_332 = arith.cmpi sgt, %jit3A_322, %sign3A_331 : i32
    %sign3A_333 = arith.extui %sign3A_332 : i1 to i32
    %sign3A_334 = arith.constant 0 : i32
    %sign3A_335 = arith.cmpi slt, %jit3A_322, %sign3A_334 : i32
    %sign3A_336 = arith.extui %sign3A_335 : i1 to i32
    %sign3A_337 = arith.subi %sign3A_333, %sign3A_336 : i32
    %ne3A_338 = arith.cmpi ne, %sign3A_330, %sign3A_337 : i32
    %rem3A_339 = arith.remsi %add3A_321, %jit3A_322 : i32
    %ne3A_340 = arith.constant 0 : i32
    %ne3A_341 = arith.cmpi ne, %rem3A_339, %ne3A_340 : i32
    %and3A_342 = arith.andi %ne3A_338, %ne3A_341 : i1
    %sub3A_343 = arith.constant 1 : i32
    %sub3A_344 = arith.subi %div3A_323, %sub3A_343 : i32
    %select_n3A_345 = arith.select %and3A_342, %sub3A_344, %div3A_323 : i32
    %multiple_of3A_346 = tpu.assume_multiple %select_n3A_345, 8 : i32
    %dma_start3A_347 = arith.constant 0 : i32
    %dma_start3A_348 = tpu.memref_slice %arg2[%multiple_of3A_346, %dma_start3A_347] : memref<49152x512xf32, #tpu.memory_space<hbm>> -> memref<32x512xf32, #tpu.memory_space<hbm>>
    %dma_start3A_349 = arith.constant 0 : i32
    %dma_start3A_350 = tpu.memref_slice %arg2[%multiple_of3A_346, %dma_start3A_349] : memref<49152x512xf32, #tpu.memory_space<hbm>> -> memref<32x512xf32, #tpu.memory_space<hbm>>
    tpu.enqueue_dma source(%dma_start3A_350 : memref<32x512xf32, #tpu.memory_space<hbm>>) target(%arg7 : memref<32x512xf32, #tpu.memory_space<vmem>>) target_semaphore(%arg15 : memref<!tpu.dma_semaphore, #tpu.memory_space<semaphore_mem>>)
    %dma_wait3A_351 = arith.constant 0 : i32
    %dma_wait3A_352 = tpu.memref_slice %arg2[%multiple_of3A_122, %dma_wait3A_351] : memref<49152x512xf32, #tpu.memory_space<hbm>> -> memref<32x512xf32, #tpu.memory_space<hbm>>
    %dma_wait3A_353 = arith.constant 0 : i32
    %dma_wait3A_354 = tpu.memref_slice %arg2[%multiple_of3A_122, %dma_wait3A_353] : memref<49152x512xf32, #tpu.memory_space<hbm>> -> memref<32x512xf32, #tpu.memory_space<hbm>>
    tpu.wait_dma2 semaphore(%arg16 : memref<!tpu.dma_semaphore, #tpu.memory_space<semaphore_mem>>) src(%dma_wait3A_354 : memref<32x512xf32, #tpu.memory_space<hbm>>) dst(%arg8 : memref<32x512xf32, #tpu.memory_space<vmem>>)
    %add3A_355 = arith.constant 0 : i32
    %add3A_356 = vector.broadcast %add3A_355 : i32 to vector<16xi32>
    %add3A_357 = arith.addi %mul3A_3, %add3A_356 : vector<16xi32>
    %mul3A_358 = arith.constant 786432 : i32
    %mul3A_359 = arith.muli %add3A, %mul3A_358 : i32
    %add3A_360 = arith.constant 163840 : i32
    %add3A_361 = arith.addi %mul3A_359, %add3A_360 : i32
    %jit3A_362 = arith.constant 512 : i32
    %div3A_363 = arith.divsi %add3A_361, %jit3A_362 : i32
    %sign3A_364 = arith.constant 0 : i32
    %sign3A_365 = arith.cmpi sgt, %add3A_361, %sign3A_364 : i32
    %sign3A_366 = arith.extui %sign3A_365 : i1 to i32
    %sign3A_367 = arith.constant 0 : i32
    %sign3A_368 = arith.cmpi slt, %add3A_361, %sign3A_367 : i32
    %sign3A_369 = arith.extui %sign3A_368 : i1 to i32
    %sign3A_370 = arith.subi %sign3A_366, %sign3A_369 : i32
    %sign3A_371 = arith.constant 0 : i32
    %sign3A_372 = arith.cmpi sgt, %jit3A_362, %sign3A_371 : i32
    %sign3A_373 = arith.extui %sign3A_372 : i1 to i32
    %sign3A_374 = arith.constant 0 : i32
    %sign3A_375 = arith.cmpi slt, %jit3A_362, %sign3A_374 : i32
    %sign3A_376 = arith.extui %sign3A_375 : i1 to i32
    %sign3A_377 = arith.subi %sign3A_373, %sign3A_376 : i32
    %ne3A_378 = arith.cmpi ne, %sign3A_370, %sign3A_377 : i32
    %rem3A_379 = arith.remsi %add3A_361, %jit3A_362 : i32
    %ne3A_380 = arith.constant 0 : i32
    %ne3A_381 = arith.cmpi ne, %rem3A_379, %ne3A_380 : i32
    %and3A_382 = arith.andi %ne3A_378, %ne3A_381 : i1
    %sub3A_383 = arith.constant 1 : i32
    %sub3A_384 = arith.subi %div3A_363, %sub3A_383 : i32
    %select_n3A_385 = arith.select %and3A_382, %sub3A_384, %div3A_363 : i32
    %multiple_of3A_386 = tpu.assume_multiple %select_n3A_385, 8 : i32
    %dma_start3A_387 = arith.constant 0 : i32
    %dma_start3A_388 = tpu.memref_slice %arg2[%multiple_of3A_386, %dma_start3A_387] : memref<49152x512xf32, #tpu.memory_space<hbm>> -> memref<32x512xf32, #tpu.memory_space<hbm>>
    %dma_start3A_389 = arith.constant 0 : i32
    %dma_start3A_390 = tpu.memref_slice %arg2[%multiple_of3A_386, %dma_start3A_389] : memref<49152x512xf32, #tpu.memory_space<hbm>> -> memref<32x512xf32, #tpu.memory_space<hbm>>
    tpu.enqueue_dma source(%dma_start3A_390 : memref<32x512xf32, #tpu.memory_space<hbm>>) target(%arg8 : memref<32x512xf32, #tpu.memory_space<vmem>>) target_semaphore(%arg16 : memref<!tpu.dma_semaphore, #tpu.memory_space<semaphore_mem>>)
    %dma_wait3A_391 = arith.constant 0 : i32
    %dma_wait3A_392 = tpu.memref_slice %arg2[%multiple_of3A_155, %dma_wait3A_391] : memref<49152x512xf32, #tpu.memory_space<hbm>> -> memref<32x512xf32, #tpu.memory_space<hbm>>
    %dma_wait3A_393 = arith.constant 0 : i32
    %dma_wait3A_394 = tpu.memref_slice %arg2[%multiple_of3A_155, %dma_wait3A_393] : memref<49152x512xf32, #tpu.memory_space<hbm>> -> memref<32x512xf32, #tpu.memory_space<hbm>>
    tpu.wait_dma2 semaphore(%arg17 : memref<!tpu.dma_semaphore, #tpu.memory_space<semaphore_mem>>) src(%dma_wait3A_394 : memref<32x512xf32, #tpu.memory_space<hbm>>) dst(%arg9 : memref<32x512xf32, #tpu.memory_space<vmem>>)
    %add3A_395 = arith.constant 0 : i32
    %add3A_396 = vector.broadcast %add3A_395 : i32 to vector<16xi32>
    %add3A_397 = arith.addi %mul3A_3, %add3A_396 : vector<16xi32>
    %mul3A_398 = arith.constant 786432 : i32
    %mul3A_399 = arith.muli %add3A, %mul3A_398 : i32
    %add3A_400 = arith.constant 180224 : i32
    %add3A_401 = arith.addi %mul3A_399, %add3A_400 : i32
    %jit3A_402 = arith.constant 512 : i32
    %div3A_403 = arith.divsi %add3A_401, %jit3A_402 : i32
    %sign3A_404 = arith.constant 0 : i32
    %sign3A_405 = arith.cmpi sgt, %add3A_401, %sign3A_404 : i32
    %sign3A_406 = arith.extui %sign3A_405 : i1 to i32
    %sign3A_407 = arith.constant 0 : i32
    %sign3A_408 = arith.cmpi slt, %add3A_401, %sign3A_407 : i32
    %sign3A_409 = arith.extui %sign3A_408 : i1 to i32
    %sign3A_410 = arith.subi %sign3A_406, %sign3A_409 : i32
    %sign3A_411 = arith.constant 0 : i32
    %sign3A_412 = arith.cmpi sgt, %jit3A_402, %sign3A_411 : i32
    %sign3A_413 = arith.extui %sign3A_412 : i1 to i32
    %sign3A_414 = arith.constant 0 : i32
    %sign3A_415 = arith.cmpi slt, %jit3A_402, %sign3A_414 : i32
    %sign3A_416 = arith.extui %sign3A_415 : i1 to i32
    %sign3A_417 = arith.subi %sign3A_413, %sign3A_416 : i32
    %ne3A_418 = arith.cmpi ne, %sign3A_410, %sign3A_417 : i32
    %rem3A_419 = arith.remsi %add3A_401, %jit3A_402 : i32
    %ne3A_420 = arith.constant 0 : i32
    %ne3A_421 = arith.cmpi ne, %rem3A_419, %ne3A_420 : i32
    %and3A_422 = arith.andi %ne3A_418, %ne3A_421 : i1
    %sub3A_423 = arith.constant 1 : i32
    %sub3A_424 = arith.subi %div3A_403, %sub3A_423 : i32
    %select_n3A_425 = arith.select %and3A_422, %sub3A_424, %div3A_403 : i32
    %multiple_of3A_426 = tpu.assume_multiple %select_n3A_425, 8 : i32
    %dma_start3A_427 = arith.constant 0 : i32
    %dma_start3A_428 = tpu.memref_slice %arg2[%multiple_of3A_426, %dma_start3A_427] : memref<49152x512xf32, #tpu.memory_space<hbm>> -> memref<32x512xf32, #tpu.memory_space<hbm>>
    %dma_start3A_429 = arith.constant 0 : i32
    %dma_start3A_430 = tpu.memref_slice %arg2[%multiple_of3A_426, %dma_start3A_429] : memref<49152x512xf32, #tpu.memory_space<hbm>> -> memref<32x512xf32, #tpu.memory_space<hbm>>
    tpu.enqueue_dma source(%dma_start3A_430 : memref<32x512xf32, #tpu.memory_space<hbm>>) target(%arg9 : memref<32x512xf32, #tpu.memory_space<vmem>>) target_semaphore(%arg17 : memref<!tpu.dma_semaphore, #tpu.memory_space<semaphore_mem>>)
    %dma_wait3A_431 = arith.constant 0 : i32
    %dma_wait3A_432 = tpu.memref_slice %arg2[%multiple_of3A_188, %dma_wait3A_431] : memref<49152x512xf32, #tpu.memory_space<hbm>> -> memref<32x512xf32, #tpu.memory_space<hbm>>
    %dma_wait3A_433 = arith.constant 0 : i32
    %dma_wait3A_434 = tpu.memref_slice %arg2[%multiple_of3A_188, %dma_wait3A_433] : memref<49152x512xf32, #tpu.memory_space<hbm>> -> memref<32x512xf32, #tpu.memory_space<hbm>>
    tpu.wait_dma2 semaphore(%arg18 : memref<!tpu.dma_semaphore, #tpu.memory_space<semaphore_mem>>) src(%dma_wait3A_434 : memref<32x512xf32, #tpu.memory_space<hbm>>) dst(%arg10 : memref<32x512xf32, #tpu.memory_space<vmem>>)
    %add3A_435 = arith.constant 0 : i32
    %add3A_436 = vector.broadcast %add3A_435 : i32 to vector<16xi32>
    %add3A_437 = arith.addi %mul3A_3, %add3A_436 : vector<16xi32>
    %mul3A_438 = arith.constant 786432 : i32
    %mul3A_439 = arith.muli %add3A, %mul3A_438 : i32
    %add3A_440 = arith.constant 196608 : i32
    %add3A_441 = arith.addi %mul3A_439, %add3A_440 : i32
    %jit3A_442 = arith.constant 512 : i32
    %div3A_443 = arith.divsi %add3A_441, %jit3A_442 : i32
    %sign3A_444 = arith.constant 0 : i32
    %sign3A_445 = arith.cmpi sgt, %add3A_441, %sign3A_444 : i32
    %sign3A_446 = arith.extui %sign3A_445 : i1 to i32
    %sign3A_447 = arith.constant 0 : i32
    %sign3A_448 = arith.cmpi slt, %add3A_441, %sign3A_447 : i32
    %sign3A_449 = arith.extui %sign3A_448 : i1 to i32
    %sign3A_450 = arith.subi %sign3A_446, %sign3A_449 : i32
    %sign3A_451 = arith.constant 0 : i32
    %sign3A_452 = arith.cmpi sgt, %jit3A_442, %sign3A_451 : i32
    %sign3A_453 = arith.extui %sign3A_452 : i1 to i32
    %sign3A_454 = arith.constant 0 : i32
    %sign3A_455 = arith.cmpi slt, %jit3A_442, %sign3A_454 : i32
    %sign3A_456 = arith.extui %sign3A_455 : i1 to i32
    %sign3A_457 = arith.subi %sign3A_453, %sign3A_456 : i32
    %ne3A_458 = arith.cmpi ne, %sign3A_450, %sign3A_457 : i32
    %rem3A_459 = arith.remsi %add3A_441, %jit3A_442 : i32
    %ne3A_460 = arith.constant 0 : i32
    %ne3A_461 = arith.cmpi ne, %rem3A_459, %ne3A_460 : i32
    %and3A_462 = arith.andi %ne3A_458, %ne3A_461 : i1
    %sub3A_463 = arith.constant 1 : i32
    %sub3A_464 = arith.subi %div3A_443, %sub3A_463 : i32
    %select_n3A_465 = arith.select %and3A_462, %sub3A_464, %div3A_443 : i32
    %multiple_of3A_466 = tpu.assume_multiple %select_n3A_465, 8 : i32
    %dma_start3A_467 = arith.constant 0 : i32
    %dma_start3A_468 = tpu.memref_slice %arg2[%multiple_of3A_466, %dma_start3A_467] : memref<49152x512xf32, #tpu.memory_space<hbm>> -> memref<32x512xf32, #tpu.memory_space<hbm>>
    %dma_start3A_469 = arith.constant 0 : i32
    %dma_start3A_470 = tpu.memref_slice %arg2[%multiple_of3A_466, %dma_start3A_469] : memref<49152x512xf32, #tpu.memory_space<hbm>> -> memref<32x512xf32, #tpu.memory_space<hbm>>
    tpu.enqueue_dma source(%dma_start3A_470 : memref<32x512xf32, #tpu.memory_space<hbm>>) target(%arg10 : memref<32x512xf32, #tpu.memory_space<vmem>>) target_semaphore(%arg18 : memref<!tpu.dma_semaphore, #tpu.memory_space<semaphore_mem>>)
    %dma_wait3A_471 = arith.constant 0 : i32
    %dma_wait3A_472 = tpu.memref_slice %arg2[%multiple_of3A_227, %dma_wait3A_471] : memref<49152x512xf32, #tpu.memory_space<hbm>> -> memref<32x512xf32, #tpu.memory_space<hbm>>
    %dma_wait3A_473 = arith.constant 0 : i32
    %dma_wait3A_474 = tpu.memref_slice %arg2[%multiple_of3A_227, %dma_wait3A_473] : memref<49152x512xf32, #tpu.memory_space<hbm>> -> memref<32x512xf32, #tpu.memory_space<hbm>>
    tpu.wait_dma2 semaphore(%arg19 : memref<!tpu.dma_semaphore, #tpu.memory_space<semaphore_mem>>) src(%dma_wait3A_474 : memref<32x512xf32, #tpu.memory_space<hbm>>) dst(%arg11 : memref<32x512xf32, #tpu.memory_space<vmem>>)
    %add3A_475 = arith.constant 0 : i32
    %add3A_476 = vector.broadcast %add3A_475 : i32 to vector<16xi32>
    %add3A_477 = arith.addi %mul3A_3, %add3A_476 : vector<16xi32>
    %mul3A_478 = arith.constant 786432 : i32
    %mul3A_479 = arith.muli %add3A, %mul3A_478 : i32
    %add3A_480 = arith.constant 212992 : i32
    %add3A_481 = arith.addi %mul3A_479, %add3A_480 : i32
    %jit3A_482 = arith.constant 512 : i32
    %div3A_483 = arith.divsi %add3A_481, %jit3A_482 : i32
    %sign3A_484 = arith.constant 0 : i32
    %sign3A_485 = arith.cmpi sgt, %add3A_481, %sign3A_484 : i32
    %sign3A_486 = arith.extui %sign3A_485 : i1 to i32
    %sign3A_487 = arith.constant 0 : i32
    %sign3A_488 = arith.cmpi slt, %add3A_481, %sign3A_487 : i32
    %sign3A_489 = arith.extui %sign3A_488 : i1 to i32
    %sign3A_490 = arith.subi %sign3A_486, %sign3A_489 : i32
    %sign3A_491 = arith.constant 0 : i32
    %sign3A_492 = arith.cmpi sgt, %jit3A_482, %sign3A_491 : i32
    %sign3A_493 = arith.extui %sign3A_492 : i1 to i32
    %sign3A_494 = arith.constant 0 : i32
    %sign3A_495 = arith.cmpi slt, %jit3A_482, %sign3A_494 : i32
    %sign3A_496 = arith.extui %sign3A_495 : i1 to i32
    %sign3A_497 = arith.subi %sign3A_493, %sign3A_496 : i32
    %ne3A_498 = arith.cmpi ne, %sign3A_490, %sign3A_497 : i32
    %rem3A_499 = arith.remsi %add3A_481, %jit3A_482 : i32
    %ne3A_500 = arith.constant 0 : i32
    %ne3A_501 = arith.cmpi ne, %rem3A_499, %ne3A_500 : i32
    %and3A_502 = arith.andi %ne3A_498, %ne3A_501 : i1
    %sub3A_503 = arith.constant 1 : i32
    %sub3A_504 = arith.subi %div3A_483, %sub3A_503 : i32
    %select_n3A_505 = arith.select %and3A_502, %sub3A_504, %div3A_483 : i32
    %multiple_of3A_506 = tpu.assume_multiple %select_n3A_505, 8 : i32
    %dma_start3A_507 = arith.constant 0 : i32
    %dma_start3A_508 = tpu.memref_slice %arg2[%multiple_of3A_506, %dma_start3A_507] : memref<49152x512xf32, #tpu.memory_space<hbm>> -> memref<32x512xf32, #tpu.memory_space<hbm>>
    %dma_start3A_509 = arith.constant 0 : i32
    %dma_start3A_510 = tpu.memref_slice %arg2[%multiple_of3A_506, %dma_start3A_509] : memref<49152x512xf32, #tpu.memory_space<hbm>> -> memref<32x512xf32, #tpu.memory_space<hbm>>
    tpu.enqueue_dma source(%dma_start3A_510 : memref<32x512xf32, #tpu.memory_space<hbm>>) target(%arg11 : memref<32x512xf32, #tpu.memory_space<vmem>>) target_semaphore(%arg19 : memref<!tpu.dma_semaphore, #tpu.memory_space<semaphore_mem>>)
    %dma_wait3A_511 = arith.constant 0 : i32
    %dma_wait3A_512 = tpu.memref_slice %arg2[%multiple_of3A_266, %dma_wait3A_511] : memref<49152x512xf32, #tpu.memory_space<hbm>> -> memref<32x512xf32, #tpu.memory_space<hbm>>
    %dma_wait3A_513 = arith.constant 0 : i32
    %dma_wait3A_514 = tpu.memref_slice %arg2[%multiple_of3A_266, %dma_wait3A_513] : memref<49152x512xf32, #tpu.memory_space<hbm>> -> memref<32x512xf32, #tpu.memory_space<hbm>>
    tpu.wait_dma2 semaphore(%arg13 : memref<!tpu.dma_semaphore, #tpu.memory_space<semaphore_mem>>) src(%dma_wait3A_514 : memref<32x512xf32, #tpu.memory_space<hbm>>) dst(%arg5 : memref<32x512xf32, #tpu.memory_space<vmem>>)
    %add3A_515 = arith.constant 0 : i32
    %add3A_516 = vector.broadcast %add3A_515 : i32 to vector<16xi32>
    %add3A_517 = arith.addi %mul3A_3, %add3A_516 : vector<16xi32>
    %mul3A_518 = arith.constant 786432 : i32
    %mul3A_519 = arith.muli %add3A, %mul3A_518 : i32
    %add3A_520 = arith.constant 229376 : i32
    %add3A_521 = arith.addi %mul3A_519, %add3A_520 : i32
    %jit3A_522 = arith.constant 512 : i32
    %div3A_523 = arith.divsi %add3A_521, %jit3A_522 : i32
    %sign3A_524 = arith.constant 0 : i32
    %sign3A_525 = arith.cmpi sgt, %add3A_521, %sign3A_524 : i32
    %sign3A_526 = arith.extui %sign3A_525 : i1 to i32
    %sign3A_527 = arith.constant 0 : i32
    %sign3A_528 = arith.cmpi slt, %add3A_521, %sign3A_527 : i32
    %sign3A_529 = arith.extui %sign3A_528 : i1 to i32
    %sign3A_530 = arith.subi %sign3A_526, %sign3A_529 : i32
    %sign3A_531 = arith.constant 0 : i32
    %sign3A_532 = arith.cmpi sgt, %jit3A_522, %sign3A_531 : i32
    %sign3A_533 = arith.extui %sign3A_532 : i1 to i32
    %sign3A_534 = arith.constant 0 : i32
    %sign3A_535 = arith.cmpi slt, %jit3A_522, %sign3A_534 : i32
    %sign3A_536 = arith.extui %sign3A_535 : i1 to i32
    %sign3A_537 = arith.subi %sign3A_533, %sign3A_536 : i32
    %ne3A_538 = arith.cmpi ne, %sign3A_530, %sign3A_537 : i32
    %rem3A_539 = arith.remsi %add3A_521, %jit3A_522 : i32
    %ne3A_540 = arith.constant 0 : i32
    %ne3A_541 = arith.cmpi ne, %rem3A_539, %ne3A_540 : i32
    %and3A_542 = arith.andi %ne3A_538, %ne3A_541 : i1
    %sub3A_543 = arith.constant 1 : i32
    %sub3A_544 = arith.subi %div3A_523, %sub3A_543 : i32
    %select_n3A_545 = arith.select %and3A_542, %sub3A_544, %div3A_523 : i32
    %multiple_of3A_546 = tpu.assume_multiple %select_n3A_545, 8 : i32
    %dma_start3A_547 = arith.constant 0 : i32
    %dma_start3A_548 = tpu.memref_slice %arg2[%multiple_of3A_546, %dma_start3A_547] : memref<49152x512xf32, #tpu.memory_space<hbm>> -> memref<32x512xf32, #tpu.memory_space<hbm>>
    %dma_start3A_549 = arith.constant 0 : i32
    %dma_start3A_550 = tpu.memref_slice %arg2[%multiple_of3A_546, %dma_start3A_549] : memref<49152x512xf32, #tpu.memory_space<hbm>> -> memref<32x512xf32, #tpu.memory_space<hbm>>
    tpu.enqueue_dma source(%dma_start3A_550 : memref<32x512xf32, #tpu.memory_space<hbm>>) target(%arg5 : memref<32x512xf32, #tpu.memory_space<vmem>>) target_semaphore(%arg13 : memref<!tpu.dma_semaphore, #tpu.memory_space<semaphore_mem>>)
    %dma_wait3A_551 = arith.constant 0 : i32
    %dma_wait3A_552 = tpu.memref_slice %arg2[%multiple_of3A_306, %dma_wait3A_551] : memref<49152x512xf32, #tpu.memory_space<hbm>> -> memref<32x512xf32, #tpu.memory_space<hbm>>
    %dma_wait3A_553 = arith.constant 0 : i32
    %dma_wait3A_554 = tpu.memref_slice %arg2[%multiple_of3A_306, %dma_wait3A_553] : memref<49152x512xf32, #tpu.memory_space<hbm>> -> memref<32x512xf32, #tpu.memory_space<hbm>>
    tpu.wait_dma2 semaphore(%arg14 : memref<!tpu.dma_semaphore, #tpu.memory_space<semaphore_mem>>) src(%dma_wait3A_554 : memref<32x512xf32, #tpu.memory_space<hbm>>) dst(%arg6 : memref<32x512xf32, #tpu.memory_space<vmem>>)
    %add3A_555 = arith.constant 0 : i32
    %add3A_556 = vector.broadcast %add3A_555 : i32 to vector<16xi32>
    %add3A_557 = arith.addi %mul3A_3, %add3A_556 : vector<16xi32>
    %mul3A_558 = arith.constant 786432 : i32
    %mul3A_559 = arith.muli %add3A, %mul3A_558 : i32
    %add3A_560 = arith.constant 245760 : i32
    %add3A_561 = arith.addi %mul3A_559, %add3A_560 : i32
    %jit3A_562 = arith.constant 512 : i32
    %div3A_563 = arith.divsi %add3A_561, %jit3A_562 : i32
    %sign3A_564 = arith.constant 0 : i32
    %sign3A_565 = arith.cmpi sgt, %add3A_561, %sign3A_564 : i32
    %sign3A_566 = arith.extui %sign3A_565 : i1 to i32
    %sign3A_567 = arith.constant 0 : i32
    %sign3A_568 = arith.cmpi slt, %add3A_561, %sign3A_567 : i32
    %sign3A_569 = arith.extui %sign3A_568 : i1 to i32
    %sign3A_570 = arith.subi %sign3A_566, %sign3A_569 : i32
    %sign3A_571 = arith.constant 0 : i32
    %sign3A_572 = arith.cmpi sgt, %jit3A_562, %sign3A_571 : i32
    %sign3A_573 = arith.extui %sign3A_572 : i1 to i32
    %sign3A_574 = arith.constant 0 : i32
    %sign3A_575 = arith.cmpi slt, %jit3A_562, %sign3A_574 : i32
    %sign3A_576 = arith.extui %sign3A_575 : i1 to i32
    %sign3A_577 = arith.subi %sign3A_573, %sign3A_576 : i32
    %ne3A_578 = arith.cmpi ne, %sign3A_570, %sign3A_577 : i32
    %rem3A_579 = arith.remsi %add3A_561, %jit3A_562 : i32
    %ne3A_580 = arith.constant 0 : i32
    %ne3A_581 = arith.cmpi ne, %rem3A_579, %ne3A_580 : i32
    %and3A_582 = arith.andi %ne3A_578, %ne3A_581 : i1
    %sub3A_583 = arith.constant 1 : i32
    %sub3A_584 = arith.subi %div3A_563, %sub3A_583 : i32
    %select_n3A_585 = arith.select %and3A_582, %sub3A_584, %div3A_563 : i32
    %multiple_of3A_586 = tpu.assume_multiple %select_n3A_585, 8 : i32
    %dma_start3A_587 = arith.constant 0 : i32
    %dma_start3A_588 = tpu.memref_slice %arg2[%multiple_of3A_586, %dma_start3A_587] : memref<49152x512xf32, #tpu.memory_space<hbm>> -> memref<32x512xf32, #tpu.memory_space<hbm>>
    %dma_start3A_589 = arith.constant 0 : i32
    %dma_start3A_590 = tpu.memref_slice %arg2[%multiple_of3A_586, %dma_start3A_589] : memref<49152x512xf32, #tpu.memory_space<hbm>> -> memref<32x512xf32, #tpu.memory_space<hbm>>
    tpu.enqueue_dma source(%dma_start3A_590 : memref<32x512xf32, #tpu.memory_space<hbm>>) target(%arg6 : memref<32x512xf32, #tpu.memory_space<vmem>>) target_semaphore(%arg14 : memref<!tpu.dma_semaphore, #tpu.memory_space<semaphore_mem>>)
    %dma_wait3A_591 = arith.constant 0 : i32
    %dma_wait3A_592 = tpu.memref_slice %arg2[%multiple_of3A_346, %dma_wait3A_591] : memref<49152x512xf32, #tpu.memory_space<hbm>> -> memref<32x512xf32, #tpu.memory_space<hbm>>
    %dma_wait3A_593 = arith.constant 0 : i32
    %dma_wait3A_594 = tpu.memref_slice %arg2[%multiple_of3A_346, %dma_wait3A_593] : memref<49152x512xf32, #tpu.memory_space<hbm>> -> memref<32x512xf32, #tpu.memory_space<hbm>>
    tpu.wait_dma2 semaphore(%arg15 : memref<!tpu.dma_semaphore, #tpu.memory_space<semaphore_mem>>) src(%dma_wait3A_594 : memref<32x512xf32, #tpu.memory_space<hbm>>) dst(%arg7 : memref<32x512xf32, #tpu.memory_space<vmem>>)
    %add3A_595 = arith.constant 0 : i32
    %add3A_596 = vector.broadcast %add3A_595 : i32 to vector<16xi32>
    %add3A_597 = arith.addi %mul3A_3, %add3A_596 : vector<16xi32>
    %mul3A_598 = arith.constant 786432 : i32
    %mul3A_599 = arith.muli %add3A, %mul3A_598 : i32
    %add3A_600 = arith.constant 262144 : i32
    %add3A_601 = arith.addi %mul3A_599, %add3A_600 : i32
    %jit3A_602 = arith.constant 512 : i32
    %div3A_603 = arith.divsi %add3A_601, %jit3A_602 : i32
    %sign3A_604 = arith.constant 0 : i32
    %sign3A_605 = arith.cmpi sgt, %add3A_601, %sign3A_604 : i32
    %sign3A_606 = arith.extui %sign3A_605 : i1 to i32
    %sign3A_607 = arith.constant 0 : i32
    %sign3A_608 = arith.cmpi slt, %add3A_601, %sign3A_607 : i32
    %sign3A_609 = arith.extui %sign3A_608 : i1 to i32
    %sign3A_610 = arith.subi %sign3A_606, %sign3A_609 : i32
    %sign3A_611 = arith.constant 0 : i32
    %sign3A_612 = arith.cmpi sgt, %jit3A_602, %sign3A_611 : i32
    %sign3A_613 = arith.extui %sign3A_612 : i1 to i32
    %sign3A_614 = arith.constant 0 : i32
    %sign3A_615 = arith.cmpi slt, %jit3A_602, %sign3A_614 : i32
    %sign3A_616 = arith.extui %sign3A_615 : i1 to i32
    %sign3A_617 = arith.subi %sign3A_613, %sign3A_616 : i32
    %ne3A_618 = arith.cmpi ne, %sign3A_610, %sign3A_617 : i32
    %rem3A_619 = arith.remsi %add3A_601, %jit3A_602 : i32
    %ne3A_620 = arith.constant 0 : i32
    %ne3A_621 = arith.cmpi ne, %rem3A_619, %ne3A_620 : i32
    %and3A_622 = arith.andi %ne3A_618, %ne3A_621 : i1
    %sub3A_623 = arith.constant 1 : i32
    %sub3A_624 = arith.subi %div3A_603, %sub3A_623 : i32
    %select_n3A_625 = arith.select %and3A_622, %sub3A_624, %div3A_603 : i32
    %multiple_of3A_626 = tpu.assume_multiple %select_n3A_625, 8 : i32
    %dma_start3A_627 = arith.constant 0 : i32
    %dma_start3A_628 = tpu.memref_slice %arg2[%multiple_of3A_626, %dma_start3A_627] : memref<49152x512xf32, #tpu.memory_space<hbm>> -> memref<32x512xf32, #tpu.memory_space<hbm>>
    %dma_start3A_629 = arith.constant 0 : i32
    %dma_start3A_630 = tpu.memref_slice %arg2[%multiple_of3A_626, %dma_start3A_629] : memref<49152x512xf32, #tpu.memory_space<hbm>> -> memref<32x512xf32, #tpu.memory_space<hbm>>
    tpu.enqueue_dma source(%dma_start3A_630 : memref<32x512xf32, #tpu.memory_space<hbm>>) target(%arg7 : memref<32x512xf32, #tpu.memory_space<vmem>>) target_semaphore(%arg15 : memref<!tpu.dma_semaphore, #tpu.memory_space<semaphore_mem>>)
    %dma_wait3A_631 = arith.constant 0 : i32
    %dma_wait3A_632 = tpu.memref_slice %arg2[%multiple_of3A_386, %dma_wait3A_631] : memref<49152x512xf32, #tpu.memory_space<hbm>> -> memref<32x512xf32, #tpu.memory_space<hbm>>
    %dma_wait3A_633 = arith.constant 0 : i32
    %dma_wait3A_634 = tpu.memref_slice %arg2[%multiple_of3A_386, %dma_wait3A_633] : memref<49152x512xf32, #tpu.memory_space<hbm>> -> memref<32x512xf32, #tpu.memory_space<hbm>>
    tpu.wait_dma2 semaphore(%arg16 : memref<!tpu.dma_semaphore, #tpu.memory_space<semaphore_mem>>) src(%dma_wait3A_634 : memref<32x512xf32, #tpu.memory_space<hbm>>) dst(%arg8 : memref<32x512xf32, #tpu.memory_space<vmem>>)
    %add3A_635 = arith.constant 0 : i32
    %add3A_636 = vector.broadcast %add3A_635 : i32 to vector<16xi32>
    %add3A_637 = arith.addi %mul3A_3, %add3A_636 : vector<16xi32>
    %mul3A_638 = arith.constant 786432 : i32
    %mul3A_639 = arith.muli %add3A, %mul3A_638 : i32
    %add3A_640 = arith.constant 278528 : i32
    %add3A_641 = arith.addi %mul3A_639, %add3A_640 : i32
    %jit3A_642 = arith.constant 512 : i32
    %div3A_643 = arith.divsi %add3A_641, %jit3A_642 : i32
    %sign3A_644 = arith.constant 0 : i32
    %sign3A_645 = arith.cmpi sgt, %add3A_641, %sign3A_644 : i32
    %sign3A_646 = arith.extui %sign3A_645 : i1 to i32
    %sign3A_647 = arith.constant 0 : i32
    %sign3A_648 = arith.cmpi slt, %add3A_641, %sign3A_647 : i32
    %sign3A_649 = arith.extui %sign3A_648 : i1 to i32
    %sign3A_650 = arith.subi %sign3A_646, %sign3A_649 : i32
    %sign3A_651 = arith.constant 0 : i32
    %sign3A_652 = arith.cmpi sgt, %jit3A_642, %sign3A_651 : i32
    %sign3A_653 = arith.extui %sign3A_652 : i1 to i32
    %sign3A_654 = arith.constant 0 : i32
    %sign3A_655 = arith.cmpi slt, %jit3A_642, %sign3A_654 : i32
    %sign3A_656 = arith.extui %sign3A_655 : i1 to i32
    %sign3A_657 = arith.subi %sign3A_653, %sign3A_656 : i32
    %ne3A_658 = arith.cmpi ne, %sign3A_650, %sign3A_657 : i32
    %rem3A_659 = arith.remsi %add3A_641, %jit3A_642 : i32
    %ne3A_660 = arith.constant 0 : i32
    %ne3A_661 = arith.cmpi ne, %rem3A_659, %ne3A_660 : i32
    %and3A_662 = arith.andi %ne3A_658, %ne3A_661 : i1
    %sub3A_663 = arith.constant 1 : i32
    %sub3A_664 = arith.subi %div3A_643, %sub3A_663 : i32
    %select_n3A_665 = arith.select %and3A_662, %sub3A_664, %div3A_643 : i32
    %multiple_of3A_666 = tpu.assume_multiple %select_n3A_665, 8 : i32
    %dma_start3A_667 = arith.constant 0 : i32
    %dma_start3A_668 = tpu.memref_slice %arg2[%multiple_of3A_666, %dma_start3A_667] : memref<49152x512xf32, #tpu.memory_space<hbm>> -> memref<32x512xf32, #tpu.memory_space<hbm>>
    %dma_start3A_669 = arith.constant 0 : i32
    %dma_start3A_670 = tpu.memref_slice %arg2[%multiple_of3A_666, %dma_start3A_669] : memref<49152x512xf32, #tpu.memory_space<hbm>> -> memref<32x512xf32, #tpu.memory_space<hbm>>
    tpu.enqueue_dma source(%dma_start3A_670 : memref<32x512xf32, #tpu.memory_space<hbm>>) target(%arg8 : memref<32x512xf32, #tpu.memory_space<vmem>>) target_semaphore(%arg16 : memref<!tpu.dma_semaphore, #tpu.memory_space<semaphore_mem>>)
    %dma_wait3A_671 = arith.constant 0 : i32
    %dma_wait3A_672 = tpu.memref_slice %arg2[%multiple_of3A_426, %dma_wait3A_671] : memref<49152x512xf32, #tpu.memory_space<hbm>> -> memref<32x512xf32, #tpu.memory_space<hbm>>
    %dma_wait3A_673 = arith.constant 0 : i32
    %dma_wait3A_674 = tpu.memref_slice %arg2[%multiple_of3A_426, %dma_wait3A_673] : memref<49152x512xf32, #tpu.memory_space<hbm>> -> memref<32x512xf32, #tpu.memory_space<hbm>>
    tpu.wait_dma2 semaphore(%arg17 : memref<!tpu.dma_semaphore, #tpu.memory_space<semaphore_mem>>) src(%dma_wait3A_674 : memref<32x512xf32, #tpu.memory_space<hbm>>) dst(%arg9 : memref<32x512xf32, #tpu.memory_space<vmem>>)
    %add3A_675 = arith.constant 0 : i32
    %add3A_676 = vector.broadcast %add3A_675 : i32 to vector<16xi32>
    %add3A_677 = arith.addi %mul3A_3, %add3A_676 : vector<16xi32>
    %mul3A_678 = arith.constant 786432 : i32
    %mul3A_679 = arith.muli %add3A, %mul3A_678 : i32
    %add3A_680 = arith.constant 294912 : i32
    %add3A_681 = arith.addi %mul3A_679, %add3A_680 : i32
    %jit3A_682 = arith.constant 512 : i32
    %div3A_683 = arith.divsi %add3A_681, %jit3A_682 : i32
    %sign3A_684 = arith.constant 0 : i32
    %sign3A_685 = arith.cmpi sgt, %add3A_681, %sign3A_684 : i32
    %sign3A_686 = arith.extui %sign3A_685 : i1 to i32
    %sign3A_687 = arith.constant 0 : i32
    %sign3A_688 = arith.cmpi slt, %add3A_681, %sign3A_687 : i32
    %sign3A_689 = arith.extui %sign3A_688 : i1 to i32
    %sign3A_690 = arith.subi %sign3A_686, %sign3A_689 : i32
    %sign3A_691 = arith.constant 0 : i32
    %sign3A_692 = arith.cmpi sgt, %jit3A_682, %sign3A_691 : i32
    %sign3A_693 = arith.extui %sign3A_692 : i1 to i32
    %sign3A_694 = arith.constant 0 : i32
    %sign3A_695 = arith.cmpi slt, %jit3A_682, %sign3A_694 : i32
    %sign3A_696 = arith.extui %sign3A_695 : i1 to i32
    %sign3A_697 = arith.subi %sign3A_693, %sign3A_696 : i32
    %ne3A_698 = arith.cmpi ne, %sign3A_690, %sign3A_697 : i32
    %rem3A_699 = arith.remsi %add3A_681, %jit3A_682 : i32
    %ne3A_700 = arith.constant 0 : i32
    %ne3A_701 = arith.cmpi ne, %rem3A_699, %ne3A_700 : i32
    %and3A_702 = arith.andi %ne3A_698, %ne3A_701 : i1
    %sub3A_703 = arith.constant 1 : i32
    %sub3A_704 = arith.subi %div3A_683, %sub3A_703 : i32
    %select_n3A_705 = arith.select %and3A_702, %sub3A_704, %div3A_683 : i32
    %multiple_of3A_706 = tpu.assume_multiple %select_n3A_705, 8 : i32
    %dma_start3A_707 = arith.constant 0 : i32
    %dma_start3A_708 = tpu.memref_slice %arg2[%multiple_of3A_706, %dma_start3A_707] : memref<49152x512xf32, #tpu.memory_space<hbm>> -> memref<32x512xf32, #tpu.memory_space<hbm>>
    %dma_start3A_709 = arith.constant 0 : i32
    %dma_start3A_710 = tpu.memref_slice %arg2[%multiple_of3A_706, %dma_start3A_709] : memref<49152x512xf32, #tpu.memory_space<hbm>> -> memref<32x512xf32, #tpu.memory_space<hbm>>
    tpu.enqueue_dma source(%dma_start3A_710 : memref<32x512xf32, #tpu.memory_space<hbm>>) target(%arg9 : memref<32x512xf32, #tpu.memory_space<vmem>>) target_semaphore(%arg17 : memref<!tpu.dma_semaphore, #tpu.memory_space<semaphore_mem>>)
    %dma_wait3A_711 = arith.constant 0 : i32
    %dma_wait3A_712 = tpu.memref_slice %arg2[%multiple_of3A_466, %dma_wait3A_711] : memref<49152x512xf32, #tpu.memory_space<hbm>> -> memref<32x512xf32, #tpu.memory_space<hbm>>
    %dma_wait3A_713 = arith.constant 0 : i32
    %dma_wait3A_714 = tpu.memref_slice %arg2[%multiple_of3A_466, %dma_wait3A_713] : memref<49152x512xf32, #tpu.memory_space<hbm>> -> memref<32x512xf32, #tpu.memory_space<hbm>>
    tpu.wait_dma2 semaphore(%arg18 : memref<!tpu.dma_semaphore, #tpu.memory_space<semaphore_mem>>) src(%dma_wait3A_714 : memref<32x512xf32, #tpu.memory_space<hbm>>) dst(%arg10 : memref<32x512xf32, #tpu.memory_space<vmem>>)
    %add3A_715 = arith.constant 0 : i32
    %add3A_716 = vector.broadcast %add3A_715 : i32 to vector<16xi32>
    %add3A_717 = arith.addi %mul3A_3, %add3A_716 : vector<16xi32>
    %mul3A_718 = arith.constant 786432 : i32
    %mul3A_719 = arith.muli %add3A, %mul3A_718 : i32
    %add3A_720 = arith.constant 311296 : i32
    %add3A_721 = arith.addi %mul3A_719, %add3A_720 : i32
    %jit3A_722 = arith.constant 512 : i32
    %div3A_723 = arith.divsi %add3A_721, %jit3A_722 : i32
    %sign3A_724 = arith.constant 0 : i32
    %sign3A_725 = arith.cmpi sgt, %add3A_721, %sign3A_724 : i32
    %sign3A_726 = arith.extui %sign3A_725 : i1 to i32
    %sign3A_727 = arith.constant 0 : i32
    %sign3A_728 = arith.cmpi slt, %add3A_721, %sign3A_727 : i32
    %sign3A_729 = arith.extui %sign3A_728 : i1 to i32
    %sign3A_730 = arith.subi %sign3A_726, %sign3A_729 : i32
    %sign3A_731 = arith.constant 0 : i32
    %sign3A_732 = arith.cmpi sgt, %jit3A_722, %sign3A_731 : i32
    %sign3A_733 = arith.extui %sign3A_732 : i1 to i32
    %sign3A_734 = arith.constant 0 : i32
    %sign3A_735 = arith.cmpi slt, %jit3A_722, %sign3A_734 : i32
    %sign3A_736 = arith.extui %sign3A_735 : i1 to i32
    %sign3A_737 = arith.subi %sign3A_733, %sign3A_736 : i32
    %ne3A_738 = arith.cmpi ne, %sign3A_730, %sign3A_737 : i32
    %rem3A_739 = arith.remsi %add3A_721, %jit3A_722 : i32
    %ne3A_740 = arith.constant 0 : i32
    %ne3A_741 = arith.cmpi ne, %rem3A_739, %ne3A_740 : i32
    %and3A_742 = arith.andi %ne3A_738, %ne3A_741 : i1
    %sub3A_743 = arith.constant 1 : i32
    %sub3A_744 = arith.subi %div3A_723, %sub3A_743 : i32
    %select_n3A_745 = arith.select %and3A_742, %sub3A_744, %div3A_723 : i32
    %multiple_of3A_746 = tpu.assume_multiple %select_n3A_745, 8 : i32
    %dma_start3A_747 = arith.constant 0 : i32
    %dma_start3A_748 = tpu.memref_slice %arg2[%multiple_of3A_746, %dma_start3A_747] : memref<49152x512xf32, #tpu.memory_space<hbm>> -> memref<32x512xf32, #tpu.memory_space<hbm>>
    %dma_start3A_749 = arith.constant 0 : i32
    %dma_start3A_750 = tpu.memref_slice %arg2[%multiple_of3A_746, %dma_start3A_749] : memref<49152x512xf32, #tpu.memory_space<hbm>> -> memref<32x512xf32, #tpu.memory_space<hbm>>
    tpu.enqueue_dma source(%dma_start3A_750 : memref<32x512xf32, #tpu.memory_space<hbm>>) target(%arg10 : memref<32x512xf32, #tpu.memory_space<vmem>>) target_semaphore(%arg18 : memref<!tpu.dma_semaphore, #tpu.memory_space<semaphore_mem>>)
    %dma_wait3A_751 = arith.constant 0 : i32
    %dma_wait3A_752 = tpu.memref_slice %arg2[%multiple_of3A_506, %dma_wait3A_751] : memref<49152x512xf32, #tpu.memory_space<hbm>> -> memref<32x512xf32, #tpu.memory_space<hbm>>
    %dma_wait3A_753 = arith.constant 0 : i32
    %dma_wait3A_754 = tpu.memref_slice %arg2[%multiple_of3A_506, %dma_wait3A_753] : memref<49152x512xf32, #tpu.memory_space<hbm>> -> memref<32x512xf32, #tpu.memory_space<hbm>>
    tpu.wait_dma2 semaphore(%arg19 : memref<!tpu.dma_semaphore, #tpu.memory_space<semaphore_mem>>) src(%dma_wait3A_754 : memref<32x512xf32, #tpu.memory_space<hbm>>) dst(%arg11 : memref<32x512xf32, #tpu.memory_space<vmem>>)
    %add3A_755 = arith.constant 0 : i32
    %add3A_756 = vector.broadcast %add3A_755 : i32 to vector<16xi32>
    %add3A_757 = arith.addi %mul3A_3, %add3A_756 : vector<16xi32>
    %mul3A_758 = arith.constant 786432 : i32
    %mul3A_759 = arith.muli %add3A, %mul3A_758 : i32
    %add3A_760 = arith.constant 327680 : i32
    %add3A_761 = arith.addi %mul3A_759, %add3A_760 : i32
    %jit3A_762 = arith.constant 512 : i32
    %div3A_763 = arith.divsi %add3A_761, %jit3A_762 : i32
    %sign3A_764 = arith.constant 0 : i32
    %sign3A_765 = arith.cmpi sgt, %add3A_761, %sign3A_764 : i32
    %sign3A_766 = arith.extui %sign3A_765 : i1 to i32
    %sign3A_767 = arith.constant 0 : i32
    %sign3A_768 = arith.cmpi slt, %add3A_761, %sign3A_767 : i32
    %sign3A_769 = arith.extui %sign3A_768 : i1 to i32
    %sign3A_770 = arith.subi %sign3A_766, %sign3A_769 : i32
    %sign3A_771 = arith.constant 0 : i32
    %sign3A_772 = arith.cmpi sgt, %jit3A_762, %sign3A_771 : i32
    %sign3A_773 = arith.extui %sign3A_772 : i1 to i32
    %sign3A_774 = arith.constant 0 : i32
    %sign3A_775 = arith.cmpi slt, %jit3A_762, %sign3A_774 : i32
    %sign3A_776 = arith.extui %sign3A_775 : i1 to i32
    %sign3A_777 = arith.subi %sign3A_773, %sign3A_776 : i32
    %ne3A_778 = arith.cmpi ne, %sign3A_770, %sign3A_777 : i32
    %rem3A_779 = arith.remsi %add3A_761, %jit3A_762 : i32
    %ne3A_780 = arith.constant 0 : i32
    %ne3A_781 = arith.cmpi ne, %rem3A_779, %ne3A_780 : i32
    %and3A_782 = arith.andi %ne3A_778, %ne3A_781 : i1
    %sub3A_783 = arith.constant 1 : i32
    %sub3A_784 = arith.subi %div3A_763, %sub3A_783 : i32
    %select_n3A_785 = arith.select %and3A_782, %sub3A_784, %div3A_763 : i32
    %multiple_of3A_786 = tpu.assume_multiple %select_n3A_785, 8 : i32
    %dma_start3A_787 = arith.constant 0 : i32
    %dma_start3A_788 = tpu.memref_slice %arg2[%multiple_of3A_786, %dma_start3A_787] : memref<49152x512xf32, #tpu.memory_space<hbm>> -> memref<32x512xf32, #tpu.memory_space<hbm>>
    %dma_start3A_789 = arith.constant 0 : i32
    %dma_start3A_790 = tpu.memref_slice %arg2[%multiple_of3A_786, %dma_start3A_789] : memref<49152x512xf32, #tpu.memory_space<hbm>> -> memref<32x512xf32, #tpu.memory_space<hbm>>
    tpu.enqueue_dma source(%dma_start3A_790 : memref<32x512xf32, #tpu.memory_space<hbm>>) target(%arg11 : memref<32x512xf32, #tpu.memory_space<vmem>>) target_semaphore(%arg19 : memref<!tpu.dma_semaphore, #tpu.memory_space<semaphore_mem>>)
    %dma_wait3A_791 = arith.constant 0 : i32
    %dma_wait3A_792 = tpu.memref_slice %arg2[%multiple_of3A_546, %dma_wait3A_791] : memref<49152x512xf32, #tpu.memory_space<hbm>> -> memref<32x512xf32, #tpu.memory_space<hbm>>
    %dma_wait3A_793 = arith.constant 0 : i32
    %dma_wait3A_794 = tpu.memref_slice %arg2[%multiple_of3A_546, %dma_wait3A_793] : memref<49152x512xf32, #tpu.memory_space<hbm>> -> memref<32x512xf32, #tpu.memory_space<hbm>>
    tpu.wait_dma2 semaphore(%arg13 : memref<!tpu.dma_semaphore, #tpu.memory_space<semaphore_mem>>) src(%dma_wait3A_794 : memref<32x512xf32, #tpu.memory_space<hbm>>) dst(%arg5 : memref<32x512xf32, #tpu.memory_space<vmem>>)
    %add3A_795 = arith.constant 0 : i32
    %add3A_796 = vector.broadcast %add3A_795 : i32 to vector<16xi32>
    %add3A_797 = arith.addi %mul3A_3, %add3A_796 : vector<16xi32>
    %mul3A_798 = arith.constant 786432 : i32
    %mul3A_799 = arith.muli %add3A, %mul3A_798 : i32
    %add3A_800 = arith.constant 344064 : i32
    %add3A_801 = arith.addi %mul3A_799, %add3A_800 : i32
    %jit3A_802 = arith.constant 512 : i32
    %div3A_803 = arith.divsi %add3A_801, %jit3A_802 : i32
    %sign3A_804 = arith.constant 0 : i32
    %sign3A_805 = arith.cmpi sgt, %add3A_801, %sign3A_804 : i32
    %sign3A_806 = arith.extui %sign3A_805 : i1 to i32
    %sign3A_807 = arith.constant 0 : i32
    %sign3A_808 = arith.cmpi slt, %add3A_801, %sign3A_807 : i32
    %sign3A_809 = arith.extui %sign3A_808 : i1 to i32
    %sign3A_810 = arith.subi %sign3A_806, %sign3A_809 : i32
    %sign3A_811 = arith.constant 0 : i32
    %sign3A_812 = arith.cmpi sgt, %jit3A_802, %sign3A_811 : i32
    %sign3A_813 = arith.extui %sign3A_812 : i1 to i32
    %sign3A_814 = arith.constant 0 : i32
    %sign3A_815 = arith.cmpi slt, %jit3A_802, %sign3A_814 : i32
    %sign3A_816 = arith.extui %sign3A_815 : i1 to i32
    %sign3A_817 = arith.subi %sign3A_813, %sign3A_816 : i32
    %ne3A_818 = arith.cmpi ne, %sign3A_810, %sign3A_817 : i32
    %rem3A_819 = arith.remsi %add3A_801, %jit3A_802 : i32
    %ne3A_820 = arith.constant 0 : i32
    %ne3A_821 = arith.cmpi ne, %rem3A_819, %ne3A_820 : i32
    %and3A_822 = arith.andi %ne3A_818, %ne3A_821 : i1
    %sub3A_823 = arith.constant 1 : i32
    %sub3A_824 = arith.subi %div3A_803, %sub3A_823 : i32
    %select_n3A_825 = arith.select %and3A_822, %sub3A_824, %div3A_803 : i32
    %multiple_of3A_826 = tpu.assume_multiple %select_n3A_825, 8 : i32
    %dma_start3A_827 = arith.constant 0 : i32
    %dma_start3A_828 = tpu.memref_slice %arg2[%multiple_of3A_826, %dma_start3A_827] : memref<49152x512xf32, #tpu.memory_space<hbm>> -> memref<32x512xf32, #tpu.memory_space<hbm>>
    %dma_start3A_829 = arith.constant 0 : i32
    %dma_start3A_830 = tpu.memref_slice %arg2[%multiple_of3A_826, %dma_start3A_829] : memref<49152x512xf32, #tpu.memory_space<hbm>> -> memref<32x512xf32, #tpu.memory_space<hbm>>
    tpu.enqueue_dma source(%dma_start3A_830 : memref<32x512xf32, #tpu.memory_space<hbm>>) target(%arg5 : memref<32x512xf32, #tpu.memory_space<vmem>>) target_semaphore(%arg13 : memref<!tpu.dma_semaphore, #tpu.memory_space<semaphore_mem>>)
    %dma_wait3A_831 = arith.constant 0 : i32
    %dma_wait3A_832 = tpu.memref_slice %arg2[%multiple_of3A_586, %dma_wait3A_831] : memref<49152x512xf32, #tpu.memory_space<hbm>> -> memref<32x512xf32, #tpu.memory_space<hbm>>
    %dma_wait3A_833 = arith.constant 0 : i32
    %dma_wait3A_834 = tpu.memref_slice %arg2[%multiple_of3A_586, %dma_wait3A_833] : memref<49152x512xf32, #tpu.memory_space<hbm>> -> memref<32x512xf32, #tpu.memory_space<hbm>>
    tpu.wait_dma2 semaphore(%arg14 : memref<!tpu.dma_semaphore, #tpu.memory_space<semaphore_mem>>) src(%dma_wait3A_834 : memref<32x512xf32, #tpu.memory_space<hbm>>) dst(%arg6 : memref<32x512xf32, #tpu.memory_space<vmem>>)
    %add3A_835 = arith.constant 0 : i32
    %add3A_836 = vector.broadcast %add3A_835 : i32 to vector<16xi32>
    %add3A_837 = arith.addi %mul3A_3, %add3A_836 : vector<16xi32>
    %mul3A_838 = arith.constant 786432 : i32
    %mul3A_839 = arith.muli %add3A, %mul3A_838 : i32
    %add3A_840 = arith.constant 360448 : i32
    %add3A_841 = arith.addi %mul3A_839, %add3A_840 : i32
    %jit3A_842 = arith.constant 512 : i32
    %div3A_843 = arith.divsi %add3A_841, %jit3A_842 : i32
    %sign3A_844 = arith.constant 0 : i32
    %sign3A_845 = arith.cmpi sgt, %add3A_841, %sign3A_844 : i32
    %sign3A_846 = arith.extui %sign3A_845 : i1 to i32
    %sign3A_847 = arith.constant 0 : i32
    %sign3A_848 = arith.cmpi slt, %add3A_841, %sign3A_847 : i32
    %sign3A_849 = arith.extui %sign3A_848 : i1 to i32
    %sign3A_850 = arith.subi %sign3A_846, %sign3A_849 : i32
    %sign3A_851 = arith.constant 0 : i32
    %sign3A_852 = arith.cmpi sgt, %jit3A_842, %sign3A_851 : i32
    %sign3A_853 = arith.extui %sign3A_852 : i1 to i32
    %sign3A_854 = arith.constant 0 : i32
    %sign3A_855 = arith.cmpi slt, %jit3A_842, %sign3A_854 : i32
    %sign3A_856 = arith.extui %sign3A_855 : i1 to i32
    %sign3A_857 = arith.subi %sign3A_853, %sign3A_856 : i32
    %ne3A_858 = arith.cmpi ne, %sign3A_850, %sign3A_857 : i32
    %rem3A_859 = arith.remsi %add3A_841, %jit3A_842 : i32
    %ne3A_860 = arith.constant 0 : i32
    %ne3A_861 = arith.cmpi ne, %rem3A_859, %ne3A_860 : i32
    %and3A_862 = arith.andi %ne3A_858, %ne3A_861 : i1
    %sub3A_863 = arith.constant 1 : i32
    %sub3A_864 = arith.subi %div3A_843, %sub3A_863 : i32
    %select_n3A_865 = arith.select %and3A_862, %sub3A_864, %div3A_843 : i32
    %multiple_of3A_866 = tpu.assume_multiple %select_n3A_865, 8 : i32
    %dma_start3A_867 = arith.constant 0 : i32
    %dma_start3A_868 = tpu.memref_slice %arg2[%multiple_of3A_866, %dma_start3A_867] : memref<49152x512xf32, #tpu.memory_space<hbm>> -> memref<32x512xf32, #tpu.memory_space<hbm>>
    %dma_start3A_869 = arith.constant 0 : i32
    %dma_start3A_870 = tpu.memref_slice %arg2[%multiple_of3A_866, %dma_start3A_869] : memref<49152x512xf32, #tpu.memory_space<hbm>> -> memref<32x512xf32, #tpu.memory_space<hbm>>
    tpu.enqueue_dma source(%dma_start3A_870 : memref<32x512xf32, #tpu.memory_space<hbm>>) target(%arg6 : memref<32x512xf32, #tpu.memory_space<vmem>>) target_semaphore(%arg14 : memref<!tpu.dma_semaphore, #tpu.memory_space<semaphore_mem>>)
    %dma_wait3A_871 = arith.constant 0 : i32
    %dma_wait3A_872 = tpu.memref_slice %arg2[%multiple_of3A_626, %dma_wait3A_871] : memref<49152x512xf32, #tpu.memory_space<hbm>> -> memref<32x512xf32, #tpu.memory_space<hbm>>
    %dma_wait3A_873 = arith.constant 0 : i32
    %dma_wait3A_874 = tpu.memref_slice %arg2[%multiple_of3A_626, %dma_wait3A_873] : memref<49152x512xf32, #tpu.memory_space<hbm>> -> memref<32x512xf32, #tpu.memory_space<hbm>>
    tpu.wait_dma2 semaphore(%arg15 : memref<!tpu.dma_semaphore, #tpu.memory_space<semaphore_mem>>) src(%dma_wait3A_874 : memref<32x512xf32, #tpu.memory_space<hbm>>) dst(%arg7 : memref<32x512xf32, #tpu.memory_space<vmem>>)
    %add3A_875 = arith.constant 0 : i32
    %add3A_876 = vector.broadcast %add3A_875 : i32 to vector<16xi32>
    %add3A_877 = arith.addi %mul3A_3, %add3A_876 : vector<16xi32>
    %mul3A_878 = arith.constant 786432 : i32
    %mul3A_879 = arith.muli %add3A, %mul3A_878 : i32
    %add3A_880 = arith.constant 376832 : i32
    %add3A_881 = arith.addi %mul3A_879, %add3A_880 : i32
    %jit3A_882 = arith.constant 512 : i32
    %div3A_883 = arith.divsi %add3A_881, %jit3A_882 : i32
    %sign3A_884 = arith.constant 0 : i32
    %sign3A_885 = arith.cmpi sgt, %add3A_881, %sign3A_884 : i32
    %sign3A_886 = arith.extui %sign3A_885 : i1 to i32
    %sign3A_887 = arith.constant 0 : i32
    %sign3A_888 = arith.cmpi slt, %add3A_881, %sign3A_887 : i32
    %sign3A_889 = arith.extui %sign3A_888 : i1 to i32
    %sign3A_890 = arith.subi %sign3A_886, %sign3A_889 : i32
    %sign3A_891 = arith.constant 0 : i32
    %sign3A_892 = arith.cmpi sgt, %jit3A_882, %sign3A_891 : i32
    %sign3A_893 = arith.extui %sign3A_892 : i1 to i32
    %sign3A_894 = arith.constant 0 : i32
    %sign3A_895 = arith.cmpi slt, %jit3A_882, %sign3A_894 : i32
    %sign3A_896 = arith.extui %sign3A_895 : i1 to i32
    %sign3A_897 = arith.subi %sign3A_893, %sign3A_896 : i32
    %ne3A_898 = arith.cmpi ne, %sign3A_890, %sign3A_897 : i32
    %rem3A_899 = arith.remsi %add3A_881, %jit3A_882 : i32
    %ne3A_900 = arith.constant 0 : i32
    %ne3A_901 = arith.cmpi ne, %rem3A_899, %ne3A_900 : i32
    %and3A_902 = arith.andi %ne3A_898, %ne3A_901 : i1
    %sub3A_903 = arith.constant 1 : i32
    %sub3A_904 = arith.subi %div3A_883, %sub3A_903 : i32
    %select_n3A_905 = arith.select %and3A_902, %sub3A_904, %div3A_883 : i32
    %multiple_of3A_906 = tpu.assume_multiple %select_n3A_905, 8 : i32
    %dma_start3A_907 = arith.constant 0 : i32
    %dma_start3A_908 = tpu.memref_slice %arg2[%multiple_of3A_906, %dma_start3A_907] : memref<49152x512xf32, #tpu.memory_space<hbm>> -> memref<32x512xf32, #tpu.memory_space<hbm>>
    %dma_start3A_909 = arith.constant 0 : i32
    %dma_start3A_910 = tpu.memref_slice %arg2[%multiple_of3A_906, %dma_start3A_909] : memref<49152x512xf32, #tpu.memory_space<hbm>> -> memref<32x512xf32, #tpu.memory_space<hbm>>
    tpu.enqueue_dma source(%dma_start3A_910 : memref<32x512xf32, #tpu.memory_space<hbm>>) target(%arg7 : memref<32x512xf32, #tpu.memory_space<vmem>>) target_semaphore(%arg15 : memref<!tpu.dma_semaphore, #tpu.memory_space<semaphore_mem>>)
    %dma_wait3A_911 = arith.constant 0 : i32
    %dma_wait3A_912 = tpu.memref_slice %arg2[%multiple_of3A_666, %dma_wait3A_911] : memref<49152x512xf32, #tpu.memory_space<hbm>> -> memref<32x512xf32, #tpu.memory_space<hbm>>
    %dma_wait3A_913 = arith.constant 0 : i32
    %dma_wait3A_914 = tpu.memref_slice %arg2[%multiple_of3A_666, %dma_wait3A_913] : memref<49152x512xf32, #tpu.memory_space<hbm>> -> memref<32x512xf32, #tpu.memory_space<hbm>>
    tpu.wait_dma2 semaphore(%arg16 : memref<!tpu.dma_semaphore, #tpu.memory_space<semaphore_mem>>) src(%dma_wait3A_914 : memref<32x512xf32, #tpu.memory_space<hbm>>) dst(%arg8 : memref<32x512xf32, #tpu.memory_space<vmem>>)
    %add3A_915 = arith.constant 0 : i32
    %add3A_916 = vector.broadcast %add3A_915 : i32 to vector<16xi32>
    %add3A_917 = arith.addi %mul3A_3, %add3A_916 : vector<16xi32>
    %mul3A_918 = arith.constant 786432 : i32
    %mul3A_919 = arith.muli %add3A, %mul3A_918 : i32
    %add3A_920 = arith.constant 393216 : i32
    %add3A_921 = arith.addi %mul3A_919, %add3A_920 : i32
    %jit3A_922 = arith.constant 512 : i32
    %div3A_923 = arith.divsi %add3A_921, %jit3A_922 : i32
    %sign3A_924 = arith.constant 0 : i32
    %sign3A_925 = arith.cmpi sgt, %add3A_921, %sign3A_924 : i32
    %sign3A_926 = arith.extui %sign3A_925 : i1 to i32
    %sign3A_927 = arith.constant 0 : i32
    %sign3A_928 = arith.cmpi slt, %add3A_921, %sign3A_927 : i32
    %sign3A_929 = arith.extui %sign3A_928 : i1 to i32
    %sign3A_930 = arith.subi %sign3A_926, %sign3A_929 : i32
    %sign3A_931 = arith.constant 0 : i32
    %sign3A_932 = arith.cmpi sgt, %jit3A_922, %sign3A_931 : i32
    %sign3A_933 = arith.extui %sign3A_932 : i1 to i32
    %sign3A_934 = arith.constant 0 : i32
    %sign3A_935 = arith.cmpi slt, %jit3A_922, %sign3A_934 : i32
    %sign3A_936 = arith.extui %sign3A_935 : i1 to i32
    %sign3A_937 = arith.subi %sign3A_933, %sign3A_936 : i32
    %ne3A_938 = arith.cmpi ne, %sign3A_930, %sign3A_937 : i32
    %rem3A_939 = arith.remsi %add3A_921, %jit3A_922 : i32
    %ne3A_940 = arith.constant 0 : i32
    %ne3A_941 = arith.cmpi ne, %rem3A_939, %ne3A_940 : i32
    %and3A_942 = arith.andi %ne3A_938, %ne3A_941 : i1
    %sub3A_943 = arith.constant 1 : i32
    %sub3A_944 = arith.subi %div3A_923, %sub3A_943 : i32
    %select_n3A_945 = arith.select %and3A_942, %sub3A_944, %div3A_923 : i32
    %multiple_of3A_946 = tpu.assume_multiple %select_n3A_945, 8 : i32
    %dma_start3A_947 = arith.constant 0 : i32
    %dma_start3A_948 = tpu.memref_slice %arg2[%multiple_of3A_946, %dma_start3A_947] : memref<49152x512xf32, #tpu.memory_space<hbm>> -> memref<32x512xf32, #tpu.memory_space<hbm>>
    %dma_start3A_949 = arith.constant 0 : i32
    %dma_start3A_950 = tpu.memref_slice %arg2[%multiple_of3A_946, %dma_start3A_949] : memref<49152x512xf32, #tpu.memory_space<hbm>> -> memref<32x512xf32, #tpu.memory_space<hbm>>
    tpu.enqueue_dma source(%dma_start3A_950 : memref<32x512xf32, #tpu.memory_space<hbm>>) target(%arg8 : memref<32x512xf32, #tpu.memory_space<vmem>>) target_semaphore(%arg16 : memref<!tpu.dma_semaphore, #tpu.memory_space<semaphore_mem>>)
    %dma_wait3A_951 = arith.constant 0 : i32
    %dma_wait3A_952 = tpu.memref_slice %arg2[%multiple_of3A_706, %dma_wait3A_951] : memref<49152x512xf32, #tpu.memory_space<hbm>> -> memref<32x512xf32, #tpu.memory_space<hbm>>
    %dma_wait3A_953 = arith.constant 0 : i32
    %dma_wait3A_954 = tpu.memref_slice %arg2[%multiple_of3A_706, %dma_wait3A_953] : memref<49152x512xf32, #tpu.memory_space<hbm>> -> memref<32x512xf32, #tpu.memory_space<hbm>>
    tpu.wait_dma2 semaphore(%arg17 : memref<!tpu.dma_semaphore, #tpu.memory_space<semaphore_mem>>) src(%dma_wait3A_954 : memref<32x512xf32, #tpu.memory_space<hbm>>) dst(%arg9 : memref<32x512xf32, #tpu.memory_space<vmem>>)
    %add3A_955 = arith.constant 0 : i32
    %add3A_956 = vector.broadcast %add3A_955 : i32 to vector<16xi32>
    %add3A_957 = arith.addi %mul3A_3, %add3A_956 : vector<16xi32>
    %mul3A_958 = arith.constant 786432 : i32
    %mul3A_959 = arith.muli %add3A, %mul3A_958 : i32
    %add3A_960 = arith.constant 409600 : i32
    %add3A_961 = arith.addi %mul3A_959, %add3A_960 : i32
    %jit3A_962 = arith.constant 512 : i32
    %div3A_963 = arith.divsi %add3A_961, %jit3A_962 : i32
    %sign3A_964 = arith.constant 0 : i32
    %sign3A_965 = arith.cmpi sgt, %add3A_961, %sign3A_964 : i32
    %sign3A_966 = arith.extui %sign3A_965 : i1 to i32
    %sign3A_967 = arith.constant 0 : i32
    %sign3A_968 = arith.cmpi slt, %add3A_961, %sign3A_967 : i32
    %sign3A_969 = arith.extui %sign3A_968 : i1 to i32
    %sign3A_970 = arith.subi %sign3A_966, %sign3A_969 : i32
    %sign3A_971 = arith.constant 0 : i32
    %sign3A_972 = arith.cmpi sgt, %jit3A_962, %sign3A_971 : i32
    %sign3A_973 = arith.extui %sign3A_972 : i1 to i32
    %sign3A_974 = arith.constant 0 : i32
    %sign3A_975 = arith.cmpi slt, %jit3A_962, %sign3A_974 : i32
    %sign3A_976 = arith.extui %sign3A_975 : i1 to i32
    %sign3A_977 = arith.subi %sign3A_973, %sign3A_976 : i32
    %ne3A_978 = arith.cmpi ne, %sign3A_970, %sign3A_977 : i32
    %rem3A_979 = arith.remsi %add3A_961, %jit3A_962 : i32
    %ne3A_980 = arith.constant 0 : i32
    %ne3A_981 = arith.cmpi ne, %rem3A_979, %ne3A_980 : i32
    %and3A_982 = arith.andi %ne3A_978, %ne3A_981 : i1
    %sub3A_983 = arith.constant 1 : i32
    %sub3A_984 = arith.subi %div3A_963, %sub3A_983 : i32
    %select_n3A_985 = arith.select %and3A_982, %sub3A_984, %div3A_963 : i32
    %multiple_of3A_986 = tpu.assume_multiple %select_n3A_985, 8 : i32
    %dma_start3A_987 = arith.constant 0 : i32
    %dma_start3A_988 = tpu.memref_slice %arg2[%multiple_of3A_986, %dma_start3A_987] : memref<49152x512xf32, #tpu.memory_space<hbm>> -> memref<32x512xf32, #tpu.memory_space<hbm>>
    %dma_start3A_989 = arith.constant 0 : i32
    %dma_start3A_990 = tpu.memref_slice %arg2[%multiple_of3A_986, %dma_start3A_989] : memref<49152x512xf32, #tpu.memory_space<hbm>> -> memref<32x512xf32, #tpu.memory_space<hbm>>
    tpu.enqueue_dma source(%dma_start3A_990 : memref<32x512xf32, #tpu.memory_space<hbm>>) target(%arg9 : memref<32x512xf32, #tpu.memory_space<vmem>>) target_semaphore(%arg17 : memref<!tpu.dma_semaphore, #tpu.memory_space<semaphore_mem>>)
    %dma_wait3A_991 = arith.constant 0 : i32
    %dma_wait3A_992 = tpu.memref_slice %arg2[%multiple_of3A_746, %dma_wait3A_991] : memref<49152x512xf32, #tpu.memory_space<hbm>> -> memref<32x512xf32, #tpu.memory_space<hbm>>
    %dma_wait3A_993 = arith.constant 0 : i32
    %dma_wait3A_994 = tpu.memref_slice %arg2[%multiple_of3A_746, %dma_wait3A_993] : memref<49152x512xf32, #tpu.memory_space<hbm>> -> memref<32x512xf32, #tpu.memory_space<hbm>>
    tpu.wait_dma2 semaphore(%arg18 : memref<!tpu.dma_semaphore, #tpu.memory_space<semaphore_mem>>) src(%dma_wait3A_994 : memref<32x512xf32, #tpu.memory_space<hbm>>) dst(%arg10 : memref<32x512xf32, #tpu.memory_space<vmem>>)
    %add3A_995 = arith.constant 0 : i32
    %add3A_996 = vector.broadcast %add3A_995 : i32 to vector<16xi32>
    %add3A_997 = arith.addi %mul3A_3, %add3A_996 : vector<16xi32>
    %mul3A_998 = arith.constant 786432 : i32
    %mul3A_999 = arith.muli %add3A, %mul3A_998 : i32
    %add3A_1000 = arith.constant 425984 : i32
    %add3A_1001 = arith.addi %mul3A_999, %add3A_1000 : i32
    %jit3A_1002 = arith.constant 512 : i32
    %div3A_1003 = arith.divsi %add3A_1001, %jit3A_1002 : i32
    %sign3A_1004 = arith.constant 0 : i32
    %sign3A_1005 = arith.cmpi sgt, %add3A_1001, %sign3A_1004 : i32
    %sign3A_1006 = arith.extui %sign3A_1005 : i1 to i32
    %sign3A_1007 = arith.constant 0 : i32
    %sign3A_1008 = arith.cmpi slt, %add3A_1001, %sign3A_1007 : i32
    %sign3A_1009 = arith.extui %sign3A_1008 : i1 to i32
    %sign3A_1010 = arith.subi %sign3A_1006, %sign3A_1009 : i32
    %sign3A_1011 = arith.constant 0 : i32
    %sign3A_1012 = arith.cmpi sgt, %jit3A_1002, %sign3A_1011 : i32
    %sign3A_1013 = arith.extui %sign3A_1012 : i1 to i32
    %sign3A_1014 = arith.constant 0 : i32
    %sign3A_1015 = arith.cmpi slt, %jit3A_1002, %sign3A_1014 : i32
    %sign3A_1016 = arith.extui %sign3A_1015 : i1 to i32
    %sign3A_1017 = arith.subi %sign3A_1013, %sign3A_1016 : i32
    %ne3A_1018 = arith.cmpi ne, %sign3A_1010, %sign3A_1017 : i32
    %rem3A_1019 = arith.remsi %add3A_1001, %jit3A_1002 : i32
    %ne3A_1020 = arith.constant 0 : i32
    %ne3A_1021 = arith.cmpi ne, %rem3A_1019, %ne3A_1020 : i32
    %and3A_1022 = arith.andi %ne3A_1018, %ne3A_1021 : i1
    %sub3A_1023 = arith.constant 1 : i32
    %sub3A_1024 = arith.subi %div3A_1003, %sub3A_1023 : i32
    %select_n3A_1025 = arith.select %and3A_1022, %sub3A_1024, %div3A_1003 : i32
    %multiple_of3A_1026 = tpu.assume_multiple %select_n3A_1025, 8 : i32
    %dma_start3A_1027 = arith.constant 0 : i32
    %dma_start3A_1028 = tpu.memref_slice %arg2[%multiple_of3A_1026, %dma_start3A_1027] : memref<49152x512xf32, #tpu.memory_space<hbm>> -> memref<32x512xf32, #tpu.memory_space<hbm>>
    %dma_start3A_1029 = arith.constant 0 : i32
    %dma_start3A_1030 = tpu.memref_slice %arg2[%multiple_of3A_1026, %dma_start3A_1029] : memref<49152x512xf32, #tpu.memory_space<hbm>> -> memref<32x512xf32, #tpu.memory_space<hbm>>
    tpu.enqueue_dma source(%dma_start3A_1030 : memref<32x512xf32, #tpu.memory_space<hbm>>) target(%arg10 : memref<32x512xf32, #tpu.memory_space<vmem>>) target_semaphore(%arg18 : memref<!tpu.dma_semaphore, #tpu.memory_space<semaphore_mem>>)
    %dma_wait3A_1031 = arith.constant 0 : i32
    %dma_wait3A_1032 = tpu.memref_slice %arg2[%multiple_of3A_786, %dma_wait3A_1031] : memref<49152x512xf32, #tpu.memory_space<hbm>> -> memref<32x512xf32, #tpu.memory_space<hbm>>
    %dma_wait3A_1033 = arith.constant 0 : i32
    %dma_wait3A_1034 = tpu.memref_slice %arg2[%multiple_of3A_786, %dma_wait3A_1033] : memref<49152x512xf32, #tpu.memory_space<hbm>> -> memref<32x512xf32, #tpu.memory_space<hbm>>
    tpu.wait_dma2 semaphore(%arg19 : memref<!tpu.dma_semaphore, #tpu.memory_space<semaphore_mem>>) src(%dma_wait3A_1034 : memref<32x512xf32, #tpu.memory_space<hbm>>) dst(%arg11 : memref<32x512xf32, #tpu.memory_space<vmem>>)
    %add3A_1035 = arith.constant 0 : i32
    %add3A_1036 = vector.broadcast %add3A_1035 : i32 to vector<16xi32>
    %add3A_1037 = arith.addi %mul3A_3, %add3A_1036 : vector<16xi32>
    %mul3A_1038 = arith.constant 786432 : i32
    %mul3A_1039 = arith.muli %add3A, %mul3A_1038 : i32
    %add3A_1040 = arith.constant 442368 : i32
    %add3A_1041 = arith.addi %mul3A_1039, %add3A_1040 : i32
    %jit3A_1042 = arith.constant 512 : i32
    %div3A_1043 = arith.divsi %add3A_1041, %jit3A_1042 : i32
    %sign3A_1044 = arith.constant 0 : i32
    %sign3A_1045 = arith.cmpi sgt, %add3A_1041, %sign3A_1044 : i32
    %sign3A_1046 = arith.extui %sign3A_1045 : i1 to i32
    %sign3A_1047 = arith.constant 0 : i32
    %sign3A_1048 = arith.cmpi slt, %add3A_1041, %sign3A_1047 : i32
    %sign3A_1049 = arith.extui %sign3A_1048 : i1 to i32
    %sign3A_1050 = arith.subi %sign3A_1046, %sign3A_1049 : i32
    %sign3A_1051 = arith.constant 0 : i32
    %sign3A_1052 = arith.cmpi sgt, %jit3A_1042, %sign3A_1051 : i32
    %sign3A_1053 = arith.extui %sign3A_1052 : i1 to i32
    %sign3A_1054 = arith.constant 0 : i32
    %sign3A_1055 = arith.cmpi slt, %jit3A_1042, %sign3A_1054 : i32
    %sign3A_1056 = arith.extui %sign3A_1055 : i1 to i32
    %sign3A_1057 = arith.subi %sign3A_1053, %sign3A_1056 : i32
    %ne3A_1058 = arith.cmpi ne, %sign3A_1050, %sign3A_1057 : i32
    %rem3A_1059 = arith.remsi %add3A_1041, %jit3A_1042 : i32
    %ne3A_1060 = arith.constant 0 : i32
    %ne3A_1061 = arith.cmpi ne, %rem3A_1059, %ne3A_1060 : i32
    %and3A_1062 = arith.andi %ne3A_1058, %ne3A_1061 : i1
    %sub3A_1063 = arith.constant 1 : i32
    %sub3A_1064 = arith.subi %div3A_1043, %sub3A_1063 : i32
    %select_n3A_1065 = arith.select %and3A_1062, %sub3A_1064, %div3A_1043 : i32
    %multiple_of3A_1066 = tpu.assume_multiple %select_n3A_1065, 8 : i32
    %dma_start3A_1067 = arith.constant 0 : i32
    %dma_start3A_1068 = tpu.memref_slice %arg2[%multiple_of3A_1066, %dma_start3A_1067] : memref<49152x512xf32, #tpu.memory_space<hbm>> -> memref<32x512xf32, #tpu.memory_space<hbm>>
    %dma_start3A_1069 = arith.constant 0 : i32
    %dma_start3A_1070 = tpu.memref_slice %arg2[%multiple_of3A_1066, %dma_start3A_1069] : memref<49152x512xf32, #tpu.memory_space<hbm>> -> memref<32x512xf32, #tpu.memory_space<hbm>>
    tpu.enqueue_dma source(%dma_start3A_1070 : memref<32x512xf32, #tpu.memory_space<hbm>>) target(%arg11 : memref<32x512xf32, #tpu.memory_space<vmem>>) target_semaphore(%arg19 : memref<!tpu.dma_semaphore, #tpu.memory_space<semaphore_mem>>)
    %dma_wait3A_1071 = arith.constant 0 : i32
    %dma_wait3A_1072 = tpu.memref_slice %arg2[%multiple_of3A_826, %dma_wait3A_1071] : memref<49152x512xf32, #tpu.memory_space<hbm>> -> memref<32x512xf32, #tpu.memory_space<hbm>>
    %dma_wait3A_1073 = arith.constant 0 : i32
    %dma_wait3A_1074 = tpu.memref_slice %arg2[%multiple_of3A_826, %dma_wait3A_1073] : memref<49152x512xf32, #tpu.memory_space<hbm>> -> memref<32x512xf32, #tpu.memory_space<hbm>>
    tpu.wait_dma2 semaphore(%arg13 : memref<!tpu.dma_semaphore, #tpu.memory_space<semaphore_mem>>) src(%dma_wait3A_1074 : memref<32x512xf32, #tpu.memory_space<hbm>>) dst(%arg5 : memref<32x512xf32, #tpu.memory_space<vmem>>)
    %add3A_1075 = arith.constant 0 : i32
    %add3A_1076 = vector.broadcast %add3A_1075 : i32 to vector<16xi32>
    %add3A_1077 = arith.addi %mul3A_3, %add3A_1076 : vector<16xi32>
    %mul3A_1078 = arith.constant 786432 : i32
    %mul3A_1079 = arith.muli %add3A, %mul3A_1078 : i32
    %add3A_1080 = arith.constant 458752 : i32
    %add3A_1081 = arith.addi %mul3A_1079, %add3A_1080 : i32
    %jit3A_1082 = arith.constant 512 : i32
    %div3A_1083 = arith.divsi %add3A_1081, %jit3A_1082 : i32
    %sign3A_1084 = arith.constant 0 : i32
    %sign3A_1085 = arith.cmpi sgt, %add3A_1081, %sign3A_1084 : i32
    %sign3A_1086 = arith.extui %sign3A_1085 : i1 to i32
    %sign3A_1087 = arith.constant 0 : i32
    %sign3A_1088 = arith.cmpi slt, %add3A_1081, %sign3A_1087 : i32
    %sign3A_1089 = arith.extui %sign3A_1088 : i1 to i32
    %sign3A_1090 = arith.subi %sign3A_1086, %sign3A_1089 : i32
    %sign3A_1091 = arith.constant 0 : i32
    %sign3A_1092 = arith.cmpi sgt, %jit3A_1082, %sign3A_1091 : i32
    %sign3A_1093 = arith.extui %sign3A_1092 : i1 to i32
    %sign3A_1094 = arith.constant 0 : i32
    %sign3A_1095 = arith.cmpi slt, %jit3A_1082, %sign3A_1094 : i32
    %sign3A_1096 = arith.extui %sign3A_1095 : i1 to i32
    %sign3A_1097 = arith.subi %sign3A_1093, %sign3A_1096 : i32
    %ne3A_1098 = arith.cmpi ne, %sign3A_1090, %sign3A_1097 : i32
    %rem3A_1099 = arith.remsi %add3A_1081, %jit3A_1082 : i32
    %ne3A_1100 = arith.constant 0 : i32
    %ne3A_1101 = arith.cmpi ne, %rem3A_1099, %ne3A_1100 : i32
    %and3A_1102 = arith.andi %ne3A_1098, %ne3A_1101 : i1
    %sub3A_1103 = arith.constant 1 : i32
    %sub3A_1104 = arith.subi %div3A_1083, %sub3A_1103 : i32
    %select_n3A_1105 = arith.select %and3A_1102, %sub3A_1104, %div3A_1083 : i32
    %multiple_of3A_1106 = tpu.assume_multiple %select_n3A_1105, 8 : i32
    %dma_start3A_1107 = arith.constant 0 : i32
    %dma_start3A_1108 = tpu.memref_slice %arg2[%multiple_of3A_1106, %dma_start3A_1107] : memref<49152x512xf32, #tpu.memory_space<hbm>> -> memref<32x512xf32, #tpu.memory_space<hbm>>
    %dma_start3A_1109 = arith.constant 0 : i32
    %dma_start3A_1110 = tpu.memref_slice %arg2[%multiple_of3A_1106, %dma_start3A_1109] : memref<49152x512xf32, #tpu.memory_space<hbm>> -> memref<32x512xf32, #tpu.memory_space<hbm>>
    tpu.enqueue_dma source(%dma_start3A_1110 : memref<32x512xf32, #tpu.memory_space<hbm>>) target(%arg5 : memref<32x512xf32, #tpu.memory_space<vmem>>) target_semaphore(%arg13 : memref<!tpu.dma_semaphore, #tpu.memory_space<semaphore_mem>>)
    %dma_wait3A_1111 = arith.constant 0 : i32
    %dma_wait3A_1112 = tpu.memref_slice %arg2[%multiple_of3A_866, %dma_wait3A_1111] : memref<49152x512xf32, #tpu.memory_space<hbm>> -> memref<32x512xf32, #tpu.memory_space<hbm>>
    %dma_wait3A_1113 = arith.constant 0 : i32
    %dma_wait3A_1114 = tpu.memref_slice %arg2[%multiple_of3A_866, %dma_wait3A_1113] : memref<49152x512xf32, #tpu.memory_space<hbm>> -> memref<32x512xf32, #tpu.memory_space<hbm>>
    tpu.wait_dma2 semaphore(%arg14 : memref<!tpu.dma_semaphore, #tpu.memory_space<semaphore_mem>>) src(%dma_wait3A_1114 : memref<32x512xf32, #tpu.memory_space<hbm>>) dst(%arg6 : memref<32x512xf32, #tpu.memory_space<vmem>>)
    %add3A_1115 = arith.constant 0 : i32
    %add3A_1116 = vector.broadcast %add3A_1115 : i32 to vector<16xi32>
    %add3A_1117 = arith.addi %mul3A_3, %add3A_1116 : vector<16xi32>
    %mul3A_1118 = arith.constant 786432 : i32
    %mul3A_1119 = arith.muli %add3A, %mul3A_1118 : i32
    %add3A_1120 = arith.constant 475136 : i32
    %add3A_1121 = arith.addi %mul3A_1119, %add3A_1120 : i32
    %jit3A_1122 = arith.constant 512 : i32
    %div3A_1123 = arith.divsi %add3A_1121, %jit3A_1122 : i32
    %sign3A_1124 = arith.constant 0 : i32
    %sign3A_1125 = arith.cmpi sgt, %add3A_1121, %sign3A_1124 : i32
    %sign3A_1126 = arith.extui %sign3A_1125 : i1 to i32
    %sign3A_1127 = arith.constant 0 : i32
    %sign3A_1128 = arith.cmpi slt, %add3A_1121, %sign3A_1127 : i32
    %sign3A_1129 = arith.extui %sign3A_1128 : i1 to i32
    %sign3A_1130 = arith.subi %sign3A_1126, %sign3A_1129 : i32
    %sign3A_1131 = arith.constant 0 : i32
    %sign3A_1132 = arith.cmpi sgt, %jit3A_1122, %sign3A_1131 : i32
    %sign3A_1133 = arith.extui %sign3A_1132 : i1 to i32
    %sign3A_1134 = arith.constant 0 : i32
    %sign3A_1135 = arith.cmpi slt, %jit3A_1122, %sign3A_1134 : i32
    %sign3A_1136 = arith.extui %sign3A_1135 : i1 to i32
    %sign3A_1137 = arith.subi %sign3A_1133, %sign3A_1136 : i32
    %ne3A_1138 = arith.cmpi ne, %sign3A_1130, %sign3A_1137 : i32
    %rem3A_1139 = arith.remsi %add3A_1121, %jit3A_1122 : i32
    %ne3A_1140 = arith.constant 0 : i32
    %ne3A_1141 = arith.cmpi ne, %rem3A_1139, %ne3A_1140 : i32
    %and3A_1142 = arith.andi %ne3A_1138, %ne3A_1141 : i1
    %sub3A_1143 = arith.constant 1 : i32
    %sub3A_1144 = arith.subi %div3A_1123, %sub3A_1143 : i32
    %select_n3A_1145 = arith.select %and3A_1142, %sub3A_1144, %div3A_1123 : i32
    %multiple_of3A_1146 = tpu.assume_multiple %select_n3A_1145, 8 : i32
    %dma_start3A_1147 = arith.constant 0 : i32
    %dma_start3A_1148 = tpu.memref_slice %arg2[%multiple_of3A_1146, %dma_start3A_1147] : memref<49152x512xf32, #tpu.memory_space<hbm>> -> memref<32x512xf32, #tpu.memory_space<hbm>>
    %dma_start3A_1149 = arith.constant 0 : i32
    %dma_start3A_1150 = tpu.memref_slice %arg2[%multiple_of3A_1146, %dma_start3A_1149] : memref<49152x512xf32, #tpu.memory_space<hbm>> -> memref<32x512xf32, #tpu.memory_space<hbm>>
    tpu.enqueue_dma source(%dma_start3A_1150 : memref<32x512xf32, #tpu.memory_space<hbm>>) target(%arg6 : memref<32x512xf32, #tpu.memory_space<vmem>>) target_semaphore(%arg14 : memref<!tpu.dma_semaphore, #tpu.memory_space<semaphore_mem>>)
    %dma_wait3A_1151 = arith.constant 0 : i32
    %dma_wait3A_1152 = tpu.memref_slice %arg2[%multiple_of3A_906, %dma_wait3A_1151] : memref<49152x512xf32, #tpu.memory_space<hbm>> -> memref<32x512xf32, #tpu.memory_space<hbm>>
    %dma_wait3A_1153 = arith.constant 0 : i32
    %dma_wait3A_1154 = tpu.memref_slice %arg2[%multiple_of3A_906, %dma_wait3A_1153] : memref<49152x512xf32, #tpu.memory_space<hbm>> -> memref<32x512xf32, #tpu.memory_space<hbm>>
    tpu.wait_dma2 semaphore(%arg15 : memref<!tpu.dma_semaphore, #tpu.memory_space<semaphore_mem>>) src(%dma_wait3A_1154 : memref<32x512xf32, #tpu.memory_space<hbm>>) dst(%arg7 : memref<32x512xf32, #tpu.memory_space<vmem>>)
    %add3A_1155 = arith.constant 0 : i32
    %add3A_1156 = vector.broadcast %add3A_1155 : i32 to vector<16xi32>
    %add3A_1157 = arith.addi %mul3A_3, %add3A_1156 : vector<16xi32>
    %mul3A_1158 = arith.constant 786432 : i32
    %mul3A_1159 = arith.muli %add3A, %mul3A_1158 : i32
    %add3A_1160 = arith.constant 491520 : i32
    %add3A_1161 = arith.addi %mul3A_1159, %add3A_1160 : i32
    %jit3A_1162 = arith.constant 512 : i32
    %div3A_1163 = arith.divsi %add3A_1161, %jit3A_1162 : i32
    %sign3A_1164 = arith.constant 0 : i32
    %sign3A_1165 = arith.cmpi sgt, %add3A_1161, %sign3A_1164 : i32
    %sign3A_1166 = arith.extui %sign3A_1165 : i1 to i32
    %sign3A_1167 = arith.constant 0 : i32
    %sign3A_1168 = arith.cmpi slt, %add3A_1161, %sign3A_1167 : i32
    %sign3A_1169 = arith.extui %sign3A_1168 : i1 to i32
    %sign3A_1170 = arith.subi %sign3A_1166, %sign3A_1169 : i32
    %sign3A_1171 = arith.constant 0 : i32
    %sign3A_1172 = arith.cmpi sgt, %jit3A_1162, %sign3A_1171 : i32
    %sign3A_1173 = arith.extui %sign3A_1172 : i1 to i32
    %sign3A_1174 = arith.constant 0 : i32
    %sign3A_1175 = arith.cmpi slt, %jit3A_1162, %sign3A_1174 : i32
    %sign3A_1176 = arith.extui %sign3A_1175 : i1 to i32
    %sign3A_1177 = arith.subi %sign3A_1173, %sign3A_1176 : i32
    %ne3A_1178 = arith.cmpi ne, %sign3A_1170, %sign3A_1177 : i32
    %rem3A_1179 = arith.remsi %add3A_1161, %jit3A_1162 : i32
    %ne3A_1180 = arith.constant 0 : i32
    %ne3A_1181 = arith.cmpi ne, %rem3A_1179, %ne3A_1180 : i32
    %and3A_1182 = arith.andi %ne3A_1178, %ne3A_1181 : i1
    %sub3A_1183 = arith.constant 1 : i32
    %sub3A_1184 = arith.subi %div3A_1163, %sub3A_1183 : i32
    %select_n3A_1185 = arith.select %and3A_1182, %sub3A_1184, %div3A_1163 : i32
    %multiple_of3A_1186 = tpu.assume_multiple %select_n3A_1185, 8 : i32
    %dma_start3A_1187 = arith.constant 0 : i32
    %dma_start3A_1188 = tpu.memref_slice %arg2[%multiple_of3A_1186, %dma_start3A_1187] : memref<49152x512xf32, #tpu.memory_space<hbm>> -> memref<32x512xf32, #tpu.memory_space<hbm>>
    %dma_start3A_1189 = arith.constant 0 : i32
    %dma_start3A_1190 = tpu.memref_slice %arg2[%multiple_of3A_1186, %dma_start3A_1189] : memref<49152x512xf32, #tpu.memory_space<hbm>> -> memref<32x512xf32, #tpu.memory_space<hbm>>
    tpu.enqueue_dma source(%dma_start3A_1190 : memref<32x512xf32, #tpu.memory_space<hbm>>) target(%arg7 : memref<32x512xf32, #tpu.memory_space<vmem>>) target_semaphore(%arg15 : memref<!tpu.dma_semaphore, #tpu.memory_space<semaphore_mem>>)
    %dma_wait3A_1191 = arith.constant 0 : i32
    %dma_wait3A_1192 = tpu.memref_slice %arg2[%multiple_of3A_946, %dma_wait3A_1191] : memref<49152x512xf32, #tpu.memory_space<hbm>> -> memref<32x512xf32, #tpu.memory_space<hbm>>
    %dma_wait3A_1193 = arith.constant 0 : i32
    %dma_wait3A_1194 = tpu.memref_slice %arg2[%multiple_of3A_946, %dma_wait3A_1193] : memref<49152x512xf32, #tpu.memory_space<hbm>> -> memref<32x512xf32, #tpu.memory_space<hbm>>
    tpu.wait_dma2 semaphore(%arg16 : memref<!tpu.dma_semaphore, #tpu.memory_space<semaphore_mem>>) src(%dma_wait3A_1194 : memref<32x512xf32, #tpu.memory_space<hbm>>) dst(%arg8 : memref<32x512xf32, #tpu.memory_space<vmem>>)
    %add3A_1195 = arith.constant 0 : i32
    %add3A_1196 = vector.broadcast %add3A_1195 : i32 to vector<16xi32>
    %add3A_1197 = arith.addi %mul3A_3, %add3A_1196 : vector<16xi32>
    %mul3A_1198 = arith.constant 786432 : i32
    %mul3A_1199 = arith.muli %add3A, %mul3A_1198 : i32
    %add3A_1200 = arith.constant 507904 : i32
    %add3A_1201 = arith.addi %mul3A_1199, %add3A_1200 : i32
    %jit3A_1202 = arith.constant 512 : i32
    %div3A_1203 = arith.divsi %add3A_1201, %jit3A_1202 : i32
    %sign3A_1204 = arith.constant 0 : i32
    %sign3A_1205 = arith.cmpi sgt, %add3A_1201, %sign3A_1204 : i32
    %sign3A_1206 = arith.extui %sign3A_1205 : i1 to i32
    %sign3A_1207 = arith.constant 0 : i32
    %sign3A_1208 = arith.cmpi slt, %add3A_1201, %sign3A_1207 : i32
    %sign3A_1209 = arith.extui %sign3A_1208 : i1 to i32
    %sign3A_1210 = arith.subi %sign3A_1206, %sign3A_1209 : i32
    %sign3A_1211 = arith.constant 0 : i32
    %sign3A_1212 = arith.cmpi sgt, %jit3A_1202, %sign3A_1211 : i32
    %sign3A_1213 = arith.extui %sign3A_1212 : i1 to i32
    %sign3A_1214 = arith.constant 0 : i32
    %sign3A_1215 = arith.cmpi slt, %jit3A_1202, %sign3A_1214 : i32
    %sign3A_1216 = arith.extui %sign3A_1215 : i1 to i32
    %sign3A_1217 = arith.subi %sign3A_1213, %sign3A_1216 : i32
    %ne3A_1218 = arith.cmpi ne, %sign3A_1210, %sign3A_1217 : i32
    %rem3A_1219 = arith.remsi %add3A_1201, %jit3A_1202 : i32
    %ne3A_1220 = arith.constant 0 : i32
    %ne3A_1221 = arith.cmpi ne, %rem3A_1219, %ne3A_1220 : i32
    %and3A_1222 = arith.andi %ne3A_1218, %ne3A_1221 : i1
    %sub3A_1223 = arith.constant 1 : i32
    %sub3A_1224 = arith.subi %div3A_1203, %sub3A_1223 : i32
    %select_n3A_1225 = arith.select %and3A_1222, %sub3A_1224, %div3A_1203 : i32
    %multiple_of3A_1226 = tpu.assume_multiple %select_n3A_1225, 8 : i32
    %dma_start3A_1227 = arith.constant 0 : i32
    %dma_start3A_1228 = tpu.memref_slice %arg2[%multiple_of3A_1226, %dma_start3A_1227] : memref<49152x512xf32, #tpu.memory_space<hbm>> -> memref<32x512xf32, #tpu.memory_space<hbm>>
    %dma_start3A_1229 = arith.constant 0 : i32
    %dma_start3A_1230 = tpu.memref_slice %arg2[%multiple_of3A_1226, %dma_start3A_1229] : memref<49152x512xf32, #tpu.memory_space<hbm>> -> memref<32x512xf32, #tpu.memory_space<hbm>>
    tpu.enqueue_dma source(%dma_start3A_1230 : memref<32x512xf32, #tpu.memory_space<hbm>>) target(%arg8 : memref<32x512xf32, #tpu.memory_space<vmem>>) target_semaphore(%arg16 : memref<!tpu.dma_semaphore, #tpu.memory_space<semaphore_mem>>)
    %dma_wait3A_1231 = arith.constant 0 : i32
    %dma_wait3A_1232 = tpu.memref_slice %arg2[%multiple_of3A_986, %dma_wait3A_1231] : memref<49152x512xf32, #tpu.memory_space<hbm>> -> memref<32x512xf32, #tpu.memory_space<hbm>>
    %dma_wait3A_1233 = arith.constant 0 : i32
    %dma_wait3A_1234 = tpu.memref_slice %arg2[%multiple_of3A_986, %dma_wait3A_1233] : memref<49152x512xf32, #tpu.memory_space<hbm>> -> memref<32x512xf32, #tpu.memory_space<hbm>>
    tpu.wait_dma2 semaphore(%arg17 : memref<!tpu.dma_semaphore, #tpu.memory_space<semaphore_mem>>) src(%dma_wait3A_1234 : memref<32x512xf32, #tpu.memory_space<hbm>>) dst(%arg9 : memref<32x512xf32, #tpu.memory_space<vmem>>)
    %add3A_1235 = arith.constant 0 : i32
    %add3A_1236 = vector.broadcast %add3A_1235 : i32 to vector<16xi32>
    %add3A_1237 = arith.addi %mul3A_3, %add3A_1236 : vector<16xi32>
    %mul3A_1238 = arith.constant 786432 : i32
    %mul3A_1239 = arith.muli %add3A, %mul3A_1238 : i32
    %add3A_1240 = arith.constant 524288 : i32
    %add3A_1241 = arith.addi %mul3A_1239, %add3A_1240 : i32
    %jit3A_1242 = arith.constant 512 : i32
    %div3A_1243 = arith.divsi %add3A_1241, %jit3A_1242 : i32
    %sign3A_1244 = arith.constant 0 : i32
    %sign3A_1245 = arith.cmpi sgt, %add3A_1241, %sign3A_1244 : i32
    %sign3A_1246 = arith.extui %sign3A_1245 : i1 to i32
    %sign3A_1247 = arith.constant 0 : i32
    %sign3A_1248 = arith.cmpi slt, %add3A_1241, %sign3A_1247 : i32
    %sign3A_1249 = arith.extui %sign3A_1248 : i1 to i32
    %sign3A_1250 = arith.subi %sign3A_1246, %sign3A_1249 : i32
    %sign3A_1251 = arith.constant 0 : i32
    %sign3A_1252 = arith.cmpi sgt, %jit3A_1242, %sign3A_1251 : i32
    %sign3A_1253 = arith.extui %sign3A_1252 : i1 to i32
    %sign3A_1254 = arith.constant 0 : i32
    %sign3A_1255 = arith.cmpi slt, %jit3A_1242, %sign3A_1254 : i32
    %sign3A_1256 = arith.extui %sign3A_1255 : i1 to i32
    %sign3A_1257 = arith.subi %sign3A_1253, %sign3A_1256 : i32
    %ne3A_1258 = arith.cmpi ne, %sign3A_1250, %sign3A_1257 : i32
    %rem3A_1259 = arith.remsi %add3A_1241, %jit3A_1242 : i32
    %ne3A_1260 = arith.constant 0 : i32
    %ne3A_1261 = arith.cmpi ne, %rem3A_1259, %ne3A_1260 : i32
    %and3A_1262 = arith.andi %ne3A_1258, %ne3A_1261 : i1
    %sub3A_1263 = arith.constant 1 : i32
    %sub3A_1264 = arith.subi %div3A_1243, %sub3A_1263 : i32
    %select_n3A_1265 = arith.select %and3A_1262, %sub3A_1264, %div3A_1243 : i32
    %multiple_of3A_1266 = tpu.assume_multiple %select_n3A_1265, 8 : i32
    %dma_start3A_1267 = arith.constant 0 : i32
    %dma_start3A_1268 = tpu.memref_slice %arg2[%multiple_of3A_1266, %dma_start3A_1267] : memref<49152x512xf32, #tpu.memory_space<hbm>> -> memref<32x512xf32, #tpu.memory_space<hbm>>
    %dma_start3A_1269 = arith.constant 0 : i32
    %dma_start3A_1270 = tpu.memref_slice %arg2[%multiple_of3A_1266, %dma_start3A_1269] : memref<49152x512xf32, #tpu.memory_space<hbm>> -> memref<32x512xf32, #tpu.memory_space<hbm>>
    tpu.enqueue_dma source(%dma_start3A_1270 : memref<32x512xf32, #tpu.memory_space<hbm>>) target(%arg9 : memref<32x512xf32, #tpu.memory_space<vmem>>) target_semaphore(%arg17 : memref<!tpu.dma_semaphore, #tpu.memory_space<semaphore_mem>>)
    %dma_wait3A_1271 = arith.constant 0 : i32
    %dma_wait3A_1272 = tpu.memref_slice %arg2[%multiple_of3A_1026, %dma_wait3A_1271] : memref<49152x512xf32, #tpu.memory_space<hbm>> -> memref<32x512xf32, #tpu.memory_space<hbm>>
    %dma_wait3A_1273 = arith.constant 0 : i32
    %dma_wait3A_1274 = tpu.memref_slice %arg2[%multiple_of3A_1026, %dma_wait3A_1273] : memref<49152x512xf32, #tpu.memory_space<hbm>> -> memref<32x512xf32, #tpu.memory_space<hbm>>
    tpu.wait_dma2 semaphore(%arg18 : memref<!tpu.dma_semaphore, #tpu.memory_space<semaphore_mem>>) src(%dma_wait3A_1274 : memref<32x512xf32, #tpu.memory_space<hbm>>) dst(%arg10 : memref<32x512xf32, #tpu.memory_space<vmem>>)
    %add3A_1275 = arith.constant 0 : i32
    %add3A_1276 = vector.broadcast %add3A_1275 : i32 to vector<16xi32>
    %add3A_1277 = arith.addi %mul3A_3, %add3A_1276 : vector<16xi32>
    %mul3A_1278 = arith.constant 786432 : i32
    %mul3A_1279 = arith.muli %add3A, %mul3A_1278 : i32
    %add3A_1280 = arith.constant 540672 : i32
    %add3A_1281 = arith.addi %mul3A_1279, %add3A_1280 : i32
    %jit3A_1282 = arith.constant 512 : i32
    %div3A_1283 = arith.divsi %add3A_1281, %jit3A_1282 : i32
    %sign3A_1284 = arith.constant 0 : i32
    %sign3A_1285 = arith.cmpi sgt, %add3A_1281, %sign3A_1284 : i32
    %sign3A_1286 = arith.extui %sign3A_1285 : i1 to i32
    %sign3A_1287 = arith.constant 0 : i32
    %sign3A_1288 = arith.cmpi slt, %add3A_1281, %sign3A_1287 : i32
    %sign3A_1289 = arith.extui %sign3A_1288 : i1 to i32
    %sign3A_1290 = arith.subi %sign3A_1286, %sign3A_1289 : i32
    %sign3A_1291 = arith.constant 0 : i32
    %sign3A_1292 = arith.cmpi sgt, %jit3A_1282, %sign3A_1291 : i32
    %sign3A_1293 = arith.extui %sign3A_1292 : i1 to i32
    %sign3A_1294 = arith.constant 0 : i32
    %sign3A_1295 = arith.cmpi slt, %jit3A_1282, %sign3A_1294 : i32
    %sign3A_1296 = arith.extui %sign3A_1295 : i1 to i32
    %sign3A_1297 = arith.subi %sign3A_1293, %sign3A_1296 : i32
    %ne3A_1298 = arith.cmpi ne, %sign3A_1290, %sign3A_1297 : i32
    %rem3A_1299 = arith.remsi %add3A_1281, %jit3A_1282 : i32
    %ne3A_1300 = arith.constant 0 : i32
    %ne3A_1301 = arith.cmpi ne, %rem3A_1299, %ne3A_1300 : i32
    %and3A_1302 = arith.andi %ne3A_1298, %ne3A_1301 : i1
    %sub3A_1303 = arith.constant 1 : i32
    %sub3A_1304 = arith.subi %div3A_1283, %sub3A_1303 : i32
    %select_n3A_1305 = arith.select %and3A_1302, %sub3A_1304, %div3A_1283 : i32
    %multiple_of3A_1306 = tpu.assume_multiple %select_n3A_1305, 8 : i32
    %dma_start3A_1307 = arith.constant 0 : i32
    %dma_start3A_1308 = tpu.memref_slice %arg2[%multiple_of3A_1306, %dma_start3A_1307] : memref<49152x512xf32, #tpu.memory_space<hbm>> -> memref<32x512xf32, #tpu.memory_space<hbm>>
    %dma_start3A_1309 = arith.constant 0 : i32
    %dma_start3A_1310 = tpu.memref_slice %arg2[%multiple_of3A_1306, %dma_start3A_1309] : memref<49152x512xf32, #tpu.memory_space<hbm>> -> memref<32x512xf32, #tpu.memory_space<hbm>>
    tpu.enqueue_dma source(%dma_start3A_1310 : memref<32x512xf32, #tpu.memory_space<hbm>>) target(%arg10 : memref<32x512xf32, #tpu.memory_space<vmem>>) target_semaphore(%arg18 : memref<!tpu.dma_semaphore, #tpu.memory_space<semaphore_mem>>)
    %dma_wait3A_1311 = arith.constant 0 : i32
    %dma_wait3A_1312 = tpu.memref_slice %arg2[%multiple_of3A_1066, %dma_wait3A_1311] : memref<49152x512xf32, #tpu.memory_space<hbm>> -> memref<32x512xf32, #tpu.memory_space<hbm>>
    %dma_wait3A_1313 = arith.constant 0 : i32
    %dma_wait3A_1314 = tpu.memref_slice %arg2[%multiple_of3A_1066, %dma_wait3A_1313] : memref<49152x512xf32, #tpu.memory_space<hbm>> -> memref<32x512xf32, #tpu.memory_space<hbm>>
    tpu.wait_dma2 semaphore(%arg19 : memref<!tpu.dma_semaphore, #tpu.memory_space<semaphore_mem>>) src(%dma_wait3A_1314 : memref<32x512xf32, #tpu.memory_space<hbm>>) dst(%arg11 : memref<32x512xf32, #tpu.memory_space<vmem>>)
    %add3A_1315 = arith.constant 0 : i32
    %add3A_1316 = vector.broadcast %add3A_1315 : i32 to vector<16xi32>
    %add3A_1317 = arith.addi %mul3A_3, %add3A_1316 : vector<16xi32>
    %mul3A_1318 = arith.constant 786432 : i32
    %mul3A_1319 = arith.muli %add3A, %mul3A_1318 : i32
    %add3A_1320 = arith.constant 557056 : i32
    %add3A_1321 = arith.addi %mul3A_1319, %add3A_1320 : i32
    %jit3A_1322 = arith.constant 512 : i32
    %div3A_1323 = arith.divsi %add3A_1321, %jit3A_1322 : i32
    %sign3A_1324 = arith.constant 0 : i32
    %sign3A_1325 = arith.cmpi sgt, %add3A_1321, %sign3A_1324 : i32
    %sign3A_1326 = arith.extui %sign3A_1325 : i1 to i32
    %sign3A_1327 = arith.constant 0 : i32
    %sign3A_1328 = arith.cmpi slt, %add3A_1321, %sign3A_1327 : i32
    %sign3A_1329 = arith.extui %sign3A_1328 : i1 to i32
    %sign3A_1330 = arith.subi %sign3A_1326, %sign3A_1329 : i32
    %sign3A_1331 = arith.constant 0 : i32
    %sign3A_1332 = arith.cmpi sgt, %jit3A_1322, %sign3A_1331 : i32
    %sign3A_1333 = arith.extui %sign3A_1332 : i1 to i32
    %sign3A_1334 = arith.constant 0 : i32
    %sign3A_1335 = arith.cmpi slt, %jit3A_1322, %sign3A_1334 : i32
    %sign3A_1336 = arith.extui %sign3A_1335 : i1 to i32
    %sign3A_1337 = arith.subi %sign3A_1333, %sign3A_1336 : i32
    %ne3A_1338 = arith.cmpi ne, %sign3A_1330, %sign3A_1337 : i32
    %rem3A_1339 = arith.remsi %add3A_1321, %jit3A_1322 : i32
    %ne3A_1340 = arith.constant 0 : i32
    %ne3A_1341 = arith.cmpi ne, %rem3A_1339, %ne3A_1340 : i32
    %and3A_1342 = arith.andi %ne3A_1338, %ne3A_1341 : i1
    %sub3A_1343 = arith.constant 1 : i32
    %sub3A_1344 = arith.subi %div3A_1323, %sub3A_1343 : i32
    %select_n3A_1345 = arith.select %and3A_1342, %sub3A_1344, %div3A_1323 : i32
    %multiple_of3A_1346 = tpu.assume_multiple %select_n3A_1345, 8 : i32
    %dma_start3A_1347 = arith.constant 0 : i32
    %dma_start3A_1348 = tpu.memref_slice %arg2[%multiple_of3A_1346, %dma_start3A_1347] : memref<49152x512xf32, #tpu.memory_space<hbm>> -> memref<32x512xf32, #tpu.memory_space<hbm>>
    %dma_start3A_1349 = arith.constant 0 : i32
    %dma_start3A_1350 = tpu.memref_slice %arg2[%multiple_of3A_1346, %dma_start3A_1349] : memref<49152x512xf32, #tpu.memory_space<hbm>> -> memref<32x512xf32, #tpu.memory_space<hbm>>
    tpu.enqueue_dma source(%dma_start3A_1350 : memref<32x512xf32, #tpu.memory_space<hbm>>) target(%arg11 : memref<32x512xf32, #tpu.memory_space<vmem>>) target_semaphore(%arg19 : memref<!tpu.dma_semaphore, #tpu.memory_space<semaphore_mem>>)
    %dma_wait3A_1351 = arith.constant 0 : i32
    %dma_wait3A_1352 = tpu.memref_slice %arg2[%multiple_of3A_1106, %dma_wait3A_1351] : memref<49152x512xf32, #tpu.memory_space<hbm>> -> memref<32x512xf32, #tpu.memory_space<hbm>>
    %dma_wait3A_1353 = arith.constant 0 : i32
    %dma_wait3A_1354 = tpu.memref_slice %arg2[%multiple_of3A_1106, %dma_wait3A_1353] : memref<49152x512xf32, #tpu.memory_space<hbm>> -> memref<32x512xf32, #tpu.memory_space<hbm>>
    tpu.wait_dma2 semaphore(%arg13 : memref<!tpu.dma_semaphore, #tpu.memory_space<semaphore_mem>>) src(%dma_wait3A_1354 : memref<32x512xf32, #tpu.memory_space<hbm>>) dst(%arg5 : memref<32x512xf32, #tpu.memory_space<vmem>>)
    %add3A_1355 = arith.constant 0 : i32
    %add3A_1356 = vector.broadcast %add3A_1355 : i32 to vector<16xi32>
    %add3A_1357 = arith.addi %mul3A_3, %add3A_1356 : vector<16xi32>
    %mul3A_1358 = arith.constant 786432 : i32
    %mul3A_1359 = arith.muli %add3A, %mul3A_1358 : i32
    %add3A_1360 = arith.constant 573440 : i32
    %add3A_1361 = arith.addi %mul3A_1359, %add3A_1360 : i32
    %jit3A_1362 = arith.constant 512 : i32
    %div3A_1363 = arith.divsi %add3A_1361, %jit3A_1362 : i32
    %sign3A_1364 = arith.constant 0 : i32
    %sign3A_1365 = arith.cmpi sgt, %add3A_1361, %sign3A_1364 : i32
    %sign3A_1366 = arith.extui %sign3A_1365 : i1 to i32
    %sign3A_1367 = arith.constant 0 : i32
    %sign3A_1368 = arith.cmpi slt, %add3A_1361, %sign3A_1367 : i32
    %sign3A_1369 = arith.extui %sign3A_1368 : i1 to i32
    %sign3A_1370 = arith.subi %sign3A_1366, %sign3A_1369 : i32
    %sign3A_1371 = arith.constant 0 : i32
    %sign3A_1372 = arith.cmpi sgt, %jit3A_1362, %sign3A_1371 : i32
    %sign3A_1373 = arith.extui %sign3A_1372 : i1 to i32
    %sign3A_1374 = arith.constant 0 : i32
    %sign3A_1375 = arith.cmpi slt, %jit3A_1362, %sign3A_1374 : i32
    %sign3A_1376 = arith.extui %sign3A_1375 : i1 to i32
    %sign3A_1377 = arith.subi %sign3A_1373, %sign3A_1376 : i32
    %ne3A_1378 = arith.cmpi ne, %sign3A_1370, %sign3A_1377 : i32
    %rem3A_1379 = arith.remsi %add3A_1361, %jit3A_1362 : i32
    %ne3A_1380 = arith.constant 0 : i32
    %ne3A_1381 = arith.cmpi ne, %rem3A_1379, %ne3A_1380 : i32
    %and3A_1382 = arith.andi %ne3A_1378, %ne3A_1381 : i1
    %sub3A_1383 = arith.constant 1 : i32
    %sub3A_1384 = arith.subi %div3A_1363, %sub3A_1383 : i32
    %select_n3A_1385 = arith.select %and3A_1382, %sub3A_1384, %div3A_1363 : i32
    %multiple_of3A_1386 = tpu.assume_multiple %select_n3A_1385, 8 : i32
    %dma_start3A_1387 = arith.constant 0 : i32
    %dma_start3A_1388 = tpu.memref_slice %arg2[%multiple_of3A_1386, %dma_start3A_1387] : memref<49152x512xf32, #tpu.memory_space<hbm>> -> memref<32x512xf32, #tpu.memory_space<hbm>>
    %dma_start3A_1389 = arith.constant 0 : i32
    %dma_start3A_1390 = tpu.memref_slice %arg2[%multiple_of3A_1386, %dma_start3A_1389] : memref<49152x512xf32, #tpu.memory_space<hbm>> -> memref<32x512xf32, #tpu.memory_space<hbm>>
    tpu.enqueue_dma source(%dma_start3A_1390 : memref<32x512xf32, #tpu.memory_space<hbm>>) target(%arg5 : memref<32x512xf32, #tpu.memory_space<vmem>>) target_semaphore(%arg13 : memref<!tpu.dma_semaphore, #tpu.memory_space<semaphore_mem>>)
    %dma_wait3A_1391 = arith.constant 0 : i32
    %dma_wait3A_1392 = tpu.memref_slice %arg2[%multiple_of3A_1146, %dma_wait3A_1391] : memref<49152x512xf32, #tpu.memory_space<hbm>> -> memref<32x512xf32, #tpu.memory_space<hbm>>
    %dma_wait3A_1393 = arith.constant 0 : i32
    %dma_wait3A_1394 = tpu.memref_slice %arg2[%multiple_of3A_1146, %dma_wait3A_1393] : memref<49152x512xf32, #tpu.memory_space<hbm>> -> memref<32x512xf32, #tpu.memory_space<hbm>>
    tpu.wait_dma2 semaphore(%arg14 : memref<!tpu.dma_semaphore, #tpu.memory_space<semaphore_mem>>) src(%dma_wait3A_1394 : memref<32x512xf32, #tpu.memory_space<hbm>>) dst(%arg6 : memref<32x512xf32, #tpu.memory_space<vmem>>)
    %add3A_1395 = arith.constant 0 : i32
    %add3A_1396 = vector.broadcast %add3A_1395 : i32 to vector<16xi32>
    %add3A_1397 = arith.addi %mul3A_3, %add3A_1396 : vector<16xi32>
    %mul3A_1398 = arith.constant 786432 : i32
    %mul3A_1399 = arith.muli %add3A, %mul3A_1398 : i32
    %add3A_1400 = arith.constant 589824 : i32
    %add3A_1401 = arith.addi %mul3A_1399, %add3A_1400 : i32
    %jit3A_1402 = arith.constant 512 : i32
    %div3A_1403 = arith.divsi %add3A_1401, %jit3A_1402 : i32
    %sign3A_1404 = arith.constant 0 : i32
    %sign3A_1405 = arith.cmpi sgt, %add3A_1401, %sign3A_1404 : i32
    %sign3A_1406 = arith.extui %sign3A_1405 : i1 to i32
    %sign3A_1407 = arith.constant 0 : i32
    %sign3A_1408 = arith.cmpi slt, %add3A_1401, %sign3A_1407 : i32
    %sign3A_1409 = arith.extui %sign3A_1408 : i1 to i32
    %sign3A_1410 = arith.subi %sign3A_1406, %sign3A_1409 : i32
    %sign3A_1411 = arith.constant 0 : i32
    %sign3A_1412 = arith.cmpi sgt, %jit3A_1402, %sign3A_1411 : i32
    %sign3A_1413 = arith.extui %sign3A_1412 : i1 to i32
    %sign3A_1414 = arith.constant 0 : i32
    %sign3A_1415 = arith.cmpi slt, %jit3A_1402, %sign3A_1414 : i32
    %sign3A_1416 = arith.extui %sign3A_1415 : i1 to i32
    %sign3A_1417 = arith.subi %sign3A_1413, %sign3A_1416 : i32
    %ne3A_1418 = arith.cmpi ne, %sign3A_1410, %sign3A_1417 : i32
    %rem3A_1419 = arith.remsi %add3A_1401, %jit3A_1402 : i32
    %ne3A_1420 = arith.constant 0 : i32
    %ne3A_1421 = arith.cmpi ne, %rem3A_1419, %ne3A_1420 : i32
    %and3A_1422 = arith.andi %ne3A_1418, %ne3A_1421 : i1
    %sub3A_1423 = arith.constant 1 : i32
    %sub3A_1424 = arith.subi %div3A_1403, %sub3A_1423 : i32
    %select_n3A_1425 = arith.select %and3A_1422, %sub3A_1424, %div3A_1403 : i32
    %multiple_of3A_1426 = tpu.assume_multiple %select_n3A_1425, 8 : i32
    %dma_start3A_1427 = arith.constant 0 : i32
    %dma_start3A_1428 = tpu.memref_slice %arg2[%multiple_of3A_1426, %dma_start3A_1427] : memref<49152x512xf32, #tpu.memory_space<hbm>> -> memref<32x512xf32, #tpu.memory_space<hbm>>
    %dma_start3A_1429 = arith.constant 0 : i32
    %dma_start3A_1430 = tpu.memref_slice %arg2[%multiple_of3A_1426, %dma_start3A_1429] : memref<49152x512xf32, #tpu.memory_space<hbm>> -> memref<32x512xf32, #tpu.memory_space<hbm>>
    tpu.enqueue_dma source(%dma_start3A_1430 : memref<32x512xf32, #tpu.memory_space<hbm>>) target(%arg6 : memref<32x512xf32, #tpu.memory_space<vmem>>) target_semaphore(%arg14 : memref<!tpu.dma_semaphore, #tpu.memory_space<semaphore_mem>>)
    %dma_wait3A_1431 = arith.constant 0 : i32
    %dma_wait3A_1432 = tpu.memref_slice %arg2[%multiple_of3A_1186, %dma_wait3A_1431] : memref<49152x512xf32, #tpu.memory_space<hbm>> -> memref<32x512xf32, #tpu.memory_space<hbm>>
    %dma_wait3A_1433 = arith.constant 0 : i32
    %dma_wait3A_1434 = tpu.memref_slice %arg2[%multiple_of3A_1186, %dma_wait3A_1433] : memref<49152x512xf32, #tpu.memory_space<hbm>> -> memref<32x512xf32, #tpu.memory_space<hbm>>
    tpu.wait_dma2 semaphore(%arg15 : memref<!tpu.dma_semaphore, #tpu.memory_space<semaphore_mem>>) src(%dma_wait3A_1434 : memref<32x512xf32, #tpu.memory_space<hbm>>) dst(%arg7 : memref<32x512xf32, #tpu.memory_space<vmem>>)
    %add3A_1435 = arith.constant 0 : i32
    %add3A_1436 = vector.broadcast %add3A_1435 : i32 to vector<16xi32>
    %add3A_1437 = arith.addi %mul3A_3, %add3A_1436 : vector<16xi32>
    %mul3A_1438 = arith.constant 786432 : i32
    %mul3A_1439 = arith.muli %add3A, %mul3A_1438 : i32
    %add3A_1440 = arith.constant 606208 : i32
    %add3A_1441 = arith.addi %mul3A_1439, %add3A_1440 : i32
    %jit3A_1442 = arith.constant 512 : i32
    %div3A_1443 = arith.divsi %add3A_1441, %jit3A_1442 : i32
    %sign3A_1444 = arith.constant 0 : i32
    %sign3A_1445 = arith.cmpi sgt, %add3A_1441, %sign3A_1444 : i32
    %sign3A_1446 = arith.extui %sign3A_1445 : i1 to i32
    %sign3A_1447 = arith.constant 0 : i32
    %sign3A_1448 = arith.cmpi slt, %add3A_1441, %sign3A_1447 : i32
    %sign3A_1449 = arith.extui %sign3A_1448 : i1 to i32
    %sign3A_1450 = arith.subi %sign3A_1446, %sign3A_1449 : i32
    %sign3A_1451 = arith.constant 0 : i32
    %sign3A_1452 = arith.cmpi sgt, %jit3A_1442, %sign3A_1451 : i32
    %sign3A_1453 = arith.extui %sign3A_1452 : i1 to i32
    %sign3A_1454 = arith.constant 0 : i32
    %sign3A_1455 = arith.cmpi slt, %jit3A_1442, %sign3A_1454 : i32
    %sign3A_1456 = arith.extui %sign3A_1455 : i1 to i32
    %sign3A_1457 = arith.subi %sign3A_1453, %sign3A_1456 : i32
    %ne3A_1458 = arith.cmpi ne, %sign3A_1450, %sign3A_1457 : i32
    %rem3A_1459 = arith.remsi %add3A_1441, %jit3A_1442 : i32
    %ne3A_1460 = arith.constant 0 : i32
    %ne3A_1461 = arith.cmpi ne, %rem3A_1459, %ne3A_1460 : i32
    %and3A_1462 = arith.andi %ne3A_1458, %ne3A_1461 : i1
    %sub3A_1463 = arith.constant 1 : i32
    %sub3A_1464 = arith.subi %div3A_1443, %sub3A_1463 : i32
    %select_n3A_1465 = arith.select %and3A_1462, %sub3A_1464, %div3A_1443 : i32
    %multiple_of3A_1466 = tpu.assume_multiple %select_n3A_1465, 8 : i32
    %dma_start3A_1467 = arith.constant 0 : i32
    %dma_start3A_1468 = tpu.memref_slice %arg2[%multiple_of3A_1466, %dma_start3A_1467] : memref<49152x512xf32, #tpu.memory_space<hbm>> -> memref<32x512xf32, #tpu.memory_space<hbm>>
    %dma_start3A_1469 = arith.constant 0 : i32
    %dma_start3A_1470 = tpu.memref_slice %arg2[%multiple_of3A_1466, %dma_start3A_1469] : memref<49152x512xf32, #tpu.memory_space<hbm>> -> memref<32x512xf32, #tpu.memory_space<hbm>>
    tpu.enqueue_dma source(%dma_start3A_1470 : memref<32x512xf32, #tpu.memory_space<hbm>>) target(%arg7 : memref<32x512xf32, #tpu.memory_space<vmem>>) target_semaphore(%arg15 : memref<!tpu.dma_semaphore, #tpu.memory_space<semaphore_mem>>)
    %dma_wait3A_1471 = arith.constant 0 : i32
    %dma_wait3A_1472 = tpu.memref_slice %arg2[%multiple_of3A_1226, %dma_wait3A_1471] : memref<49152x512xf32, #tpu.memory_space<hbm>> -> memref<32x512xf32, #tpu.memory_space<hbm>>
    %dma_wait3A_1473 = arith.constant 0 : i32
    %dma_wait3A_1474 = tpu.memref_slice %arg2[%multiple_of3A_1226, %dma_wait3A_1473] : memref<49152x512xf32, #tpu.memory_space<hbm>> -> memref<32x512xf32, #tpu.memory_space<hbm>>
    tpu.wait_dma2 semaphore(%arg16 : memref<!tpu.dma_semaphore, #tpu.memory_space<semaphore_mem>>) src(%dma_wait3A_1474 : memref<32x512xf32, #tpu.memory_space<hbm>>) dst(%arg8 : memref<32x512xf32, #tpu.memory_space<vmem>>)
    %add3A_1475 = arith.constant 0 : i32
    %add3A_1476 = vector.broadcast %add3A_1475 : i32 to vector<16xi32>
    %add3A_1477 = arith.addi %mul3A_3, %add3A_1476 : vector<16xi32>
    %mul3A_1478 = arith.constant 786432 : i32
    %mul3A_1479 = arith.muli %add3A, %mul3A_1478 : i32
    %add3A_1480 = arith.constant 622592 : i32
    %add3A_1481 = arith.addi %mul3A_1479, %add3A_1480 : i32
    %jit3A_1482 = arith.constant 512 : i32
    %div3A_1483 = arith.divsi %add3A_1481, %jit3A_1482 : i32
    %sign3A_1484 = arith.constant 0 : i32
    %sign3A_1485 = arith.cmpi sgt, %add3A_1481, %sign3A_1484 : i32
    %sign3A_1486 = arith.extui %sign3A_1485 : i1 to i32
    %sign3A_1487 = arith.constant 0 : i32
    %sign3A_1488 = arith.cmpi slt, %add3A_1481, %sign3A_1487 : i32
    %sign3A_1489 = arith.extui %sign3A_1488 : i1 to i32
    %sign3A_1490 = arith.subi %sign3A_1486, %sign3A_1489 : i32
    %sign3A_1491 = arith.constant 0 : i32
    %sign3A_1492 = arith.cmpi sgt, %jit3A_1482, %sign3A_1491 : i32
    %sign3A_1493 = arith.extui %sign3A_1492 : i1 to i32
    %sign3A_1494 = arith.constant 0 : i32
    %sign3A_1495 = arith.cmpi slt, %jit3A_1482, %sign3A_1494 : i32
    %sign3A_1496 = arith.extui %sign3A_1495 : i1 to i32
    %sign3A_1497 = arith.subi %sign3A_1493, %sign3A_1496 : i32
    %ne3A_1498 = arith.cmpi ne, %sign3A_1490, %sign3A_1497 : i32
    %rem3A_1499 = arith.remsi %add3A_1481, %jit3A_1482 : i32
    %ne3A_1500 = arith.constant 0 : i32
    %ne3A_1501 = arith.cmpi ne, %rem3A_1499, %ne3A_1500 : i32
    %and3A_1502 = arith.andi %ne3A_1498, %ne3A_1501 : i1
    %sub3A_1503 = arith.constant 1 : i32
    %sub3A_1504 = arith.subi %div3A_1483, %sub3A_1503 : i32
    %select_n3A_1505 = arith.select %and3A_1502, %sub3A_1504, %div3A_1483 : i32
    %multiple_of3A_1506 = tpu.assume_multiple %select_n3A_1505, 8 : i32
    %dma_start3A_1507 = arith.constant 0 : i32
    %dma_start3A_1508 = tpu.memref_slice %arg2[%multiple_of3A_1506, %dma_start3A_1507] : memref<49152x512xf32, #tpu.memory_space<hbm>> -> memref<32x512xf32, #tpu.memory_space<hbm>>
    %dma_start3A_1509 = arith.constant 0 : i32
    %dma_start3A_1510 = tpu.memref_slice %arg2[%multiple_of3A_1506, %dma_start3A_1509] : memref<49152x512xf32, #tpu.memory_space<hbm>> -> memref<32x512xf32, #tpu.memory_space<hbm>>
    tpu.enqueue_dma source(%dma_start3A_1510 : memref<32x512xf32, #tpu.memory_space<hbm>>) target(%arg8 : memref<32x512xf32, #tpu.memory_space<vmem>>) target_semaphore(%arg16 : memref<!tpu.dma_semaphore, #tpu.memory_space<semaphore_mem>>)
    %dma_wait3A_1511 = arith.constant 0 : i32
    %dma_wait3A_1512 = tpu.memref_slice %arg2[%multiple_of3A_1266, %dma_wait3A_1511] : memref<49152x512xf32, #tpu.memory_space<hbm>> -> memref<32x512xf32, #tpu.memory_space<hbm>>
    %dma_wait3A_1513 = arith.constant 0 : i32
    %dma_wait3A_1514 = tpu.memref_slice %arg2[%multiple_of3A_1266, %dma_wait3A_1513] : memref<49152x512xf32, #tpu.memory_space<hbm>> -> memref<32x512xf32, #tpu.memory_space<hbm>>
    tpu.wait_dma2 semaphore(%arg17 : memref<!tpu.dma_semaphore, #tpu.memory_space<semaphore_mem>>) src(%dma_wait3A_1514 : memref<32x512xf32, #tpu.memory_space<hbm>>) dst(%arg9 : memref<32x512xf32, #tpu.memory_space<vmem>>)
    %add3A_1515 = arith.constant 0 : i32
    %add3A_1516 = vector.broadcast %add3A_1515 : i32 to vector<16xi32>
    %add3A_1517 = arith.addi %mul3A_3, %add3A_1516 : vector<16xi32>
    %mul3A_1518 = arith.constant 786432 : i32
    %mul3A_1519 = arith.muli %add3A, %mul3A_1518 : i32
    %add3A_1520 = arith.constant 638976 : i32
    %add3A_1521 = arith.addi %mul3A_1519, %add3A_1520 : i32
    %jit3A_1522 = arith.constant 512 : i32
    %div3A_1523 = arith.divsi %add3A_1521, %jit3A_1522 : i32
    %sign3A_1524 = arith.constant 0 : i32
    %sign3A_1525 = arith.cmpi sgt, %add3A_1521, %sign3A_1524 : i32
    %sign3A_1526 = arith.extui %sign3A_1525 : i1 to i32
    %sign3A_1527 = arith.constant 0 : i32
    %sign3A_1528 = arith.cmpi slt, %add3A_1521, %sign3A_1527 : i32
    %sign3A_1529 = arith.extui %sign3A_1528 : i1 to i32
    %sign3A_1530 = arith.subi %sign3A_1526, %sign3A_1529 : i32
    %sign3A_1531 = arith.constant 0 : i32
    %sign3A_1532 = arith.cmpi sgt, %jit3A_1522, %sign3A_1531 : i32
    %sign3A_1533 = arith.extui %sign3A_1532 : i1 to i32
    %sign3A_1534 = arith.constant 0 : i32
    %sign3A_1535 = arith.cmpi slt, %jit3A_1522, %sign3A_1534 : i32
    %sign3A_1536 = arith.extui %sign3A_1535 : i1 to i32
    %sign3A_1537 = arith.subi %sign3A_1533, %sign3A_1536 : i32
    %ne3A_1538 = arith.cmpi ne, %sign3A_1530, %sign3A_1537 : i32
    %rem3A_1539 = arith.remsi %add3A_1521, %jit3A_1522 : i32
    %ne3A_1540 = arith.constant 0 : i32
    %ne3A_1541 = arith.cmpi ne, %rem3A_1539, %ne3A_1540 : i32
    %and3A_1542 = arith.andi %ne3A_1538, %ne3A_1541 : i1
    %sub3A_1543 = arith.constant 1 : i32
    %sub3A_1544 = arith.subi %div3A_1523, %sub3A_1543 : i32
    %select_n3A_1545 = arith.select %and3A_1542, %sub3A_1544, %div3A_1523 : i32
    %multiple_of3A_1546 = tpu.assume_multiple %select_n3A_1545, 8 : i32
    %dma_start3A_1547 = arith.constant 0 : i32
    %dma_start3A_1548 = tpu.memref_slice %arg2[%multiple_of3A_1546, %dma_start3A_1547] : memref<49152x512xf32, #tpu.memory_space<hbm>> -> memref<32x512xf32, #tpu.memory_space<hbm>>
    %dma_start3A_1549 = arith.constant 0 : i32
    %dma_start3A_1550 = tpu.memref_slice %arg2[%multiple_of3A_1546, %dma_start3A_1549] : memref<49152x512xf32, #tpu.memory_space<hbm>> -> memref<32x512xf32, #tpu.memory_space<hbm>>
    tpu.enqueue_dma source(%dma_start3A_1550 : memref<32x512xf32, #tpu.memory_space<hbm>>) target(%arg9 : memref<32x512xf32, #tpu.memory_space<vmem>>) target_semaphore(%arg17 : memref<!tpu.dma_semaphore, #tpu.memory_space<semaphore_mem>>)
    %dma_wait3A_1551 = arith.constant 0 : i32
    %dma_wait3A_1552 = tpu.memref_slice %arg2[%multiple_of3A_1306, %dma_wait3A_1551] : memref<49152x512xf32, #tpu.memory_space<hbm>> -> memref<32x512xf32, #tpu.memory_space<hbm>>
    %dma_wait3A_1553 = arith.constant 0 : i32
    %dma_wait3A_1554 = tpu.memref_slice %arg2[%multiple_of3A_1306, %dma_wait3A_1553] : memref<49152x512xf32, #tpu.memory_space<hbm>> -> memref<32x512xf32, #tpu.memory_space<hbm>>
    tpu.wait_dma2 semaphore(%arg18 : memref<!tpu.dma_semaphore, #tpu.memory_space<semaphore_mem>>) src(%dma_wait3A_1554 : memref<32x512xf32, #tpu.memory_space<hbm>>) dst(%arg10 : memref<32x512xf32, #tpu.memory_space<vmem>>)
    %add3A_1555 = arith.constant 0 : i32
    %add3A_1556 = vector.broadcast %add3A_1555 : i32 to vector<16xi32>
    %add3A_1557 = arith.addi %mul3A_3, %add3A_1556 : vector<16xi32>
    %mul3A_1558 = arith.constant 786432 : i32
    %mul3A_1559 = arith.muli %add3A, %mul3A_1558 : i32
    %add3A_1560 = arith.constant 655360 : i32
    %add3A_1561 = arith.addi %mul3A_1559, %add3A_1560 : i32
    %jit3A_1562 = arith.constant 512 : i32
    %div3A_1563 = arith.divsi %add3A_1561, %jit3A_1562 : i32
    %sign3A_1564 = arith.constant 0 : i32
    %sign3A_1565 = arith.cmpi sgt, %add3A_1561, %sign3A_1564 : i32
    %sign3A_1566 = arith.extui %sign3A_1565 : i1 to i32
    %sign3A_1567 = arith.constant 0 : i32
    %sign3A_1568 = arith.cmpi slt, %add3A_1561, %sign3A_1567 : i32
    %sign3A_1569 = arith.extui %sign3A_1568 : i1 to i32
    %sign3A_1570 = arith.subi %sign3A_1566, %sign3A_1569 : i32
    %sign3A_1571 = arith.constant 0 : i32
    %sign3A_1572 = arith.cmpi sgt, %jit3A_1562, %sign3A_1571 : i32
    %sign3A_1573 = arith.extui %sign3A_1572 : i1 to i32
    %sign3A_1574 = arith.constant 0 : i32
    %sign3A_1575 = arith.cmpi slt, %jit3A_1562, %sign3A_1574 : i32
    %sign3A_1576 = arith.extui %sign3A_1575 : i1 to i32
    %sign3A_1577 = arith.subi %sign3A_1573, %sign3A_1576 : i32
    %ne3A_1578 = arith.cmpi ne, %sign3A_1570, %sign3A_1577 : i32
    %rem3A_1579 = arith.remsi %add3A_1561, %jit3A_1562 : i32
    %ne3A_1580 = arith.constant 0 : i32
    %ne3A_1581 = arith.cmpi ne, %rem3A_1579, %ne3A_1580 : i32
    %and3A_1582 = arith.andi %ne3A_1578, %ne3A_1581 : i1
    %sub3A_1583 = arith.constant 1 : i32
    %sub3A_1584 = arith.subi %div3A_1563, %sub3A_1583 : i32
    %select_n3A_1585 = arith.select %and3A_1582, %sub3A_1584, %div3A_1563 : i32
    %multiple_of3A_1586 = tpu.assume_multiple %select_n3A_1585, 8 : i32
    %dma_start3A_1587 = arith.constant 0 : i32
    %dma_start3A_1588 = tpu.memref_slice %arg2[%multiple_of3A_1586, %dma_start3A_1587] : memref<49152x512xf32, #tpu.memory_space<hbm>> -> memref<32x512xf32, #tpu.memory_space<hbm>>
    %dma_start3A_1589 = arith.constant 0 : i32
    %dma_start3A_1590 = tpu.memref_slice %arg2[%multiple_of3A_1586, %dma_start3A_1589] : memref<49152x512xf32, #tpu.memory_space<hbm>> -> memref<32x512xf32, #tpu.memory_space<hbm>>
    tpu.enqueue_dma source(%dma_start3A_1590 : memref<32x512xf32, #tpu.memory_space<hbm>>) target(%arg10 : memref<32x512xf32, #tpu.memory_space<vmem>>) target_semaphore(%arg18 : memref<!tpu.dma_semaphore, #tpu.memory_space<semaphore_mem>>)
    %dma_wait3A_1591 = arith.constant 0 : i32
    %dma_wait3A_1592 = tpu.memref_slice %arg2[%multiple_of3A_1346, %dma_wait3A_1591] : memref<49152x512xf32, #tpu.memory_space<hbm>> -> memref<32x512xf32, #tpu.memory_space<hbm>>
    %dma_wait3A_1593 = arith.constant 0 : i32
    %dma_wait3A_1594 = tpu.memref_slice %arg2[%multiple_of3A_1346, %dma_wait3A_1593] : memref<49152x512xf32, #tpu.memory_space<hbm>> -> memref<32x512xf32, #tpu.memory_space<hbm>>
    tpu.wait_dma2 semaphore(%arg19 : memref<!tpu.dma_semaphore, #tpu.memory_space<semaphore_mem>>) src(%dma_wait3A_1594 : memref<32x512xf32, #tpu.memory_space<hbm>>) dst(%arg11 : memref<32x512xf32, #tpu.memory_space<vmem>>)
    %add3A_1595 = arith.constant 0 : i32
    %add3A_1596 = vector.broadcast %add3A_1595 : i32 to vector<16xi32>
    %add3A_1597 = arith.addi %mul3A_3, %add3A_1596 : vector<16xi32>
    %mul3A_1598 = arith.constant 786432 : i32
    %mul3A_1599 = arith.muli %add3A, %mul3A_1598 : i32
    %add3A_1600 = arith.constant 671744 : i32
    %add3A_1601 = arith.addi %mul3A_1599, %add3A_1600 : i32
    %jit3A_1602 = arith.constant 512 : i32
    %div3A_1603 = arith.divsi %add3A_1601, %jit3A_1602 : i32
    %sign3A_1604 = arith.constant 0 : i32
    %sign3A_1605 = arith.cmpi sgt, %add3A_1601, %sign3A_1604 : i32
    %sign3A_1606 = arith.extui %sign3A_1605 : i1 to i32
    %sign3A_1607 = arith.constant 0 : i32
    %sign3A_1608 = arith.cmpi slt, %add3A_1601, %sign3A_1607 : i32
    %sign3A_1609 = arith.extui %sign3A_1608 : i1 to i32
    %sign3A_1610 = arith.subi %sign3A_1606, %sign3A_1609 : i32
    %sign3A_1611 = arith.constant 0 : i32
    %sign3A_1612 = arith.cmpi sgt, %jit3A_1602, %sign3A_1611 : i32
    %sign3A_1613 = arith.extui %sign3A_1612 : i1 to i32
    %sign3A_1614 = arith.constant 0 : i32
    %sign3A_1615 = arith.cmpi slt, %jit3A_1602, %sign3A_1614 : i32
    %sign3A_1616 = arith.extui %sign3A_1615 : i1 to i32
    %sign3A_1617 = arith.subi %sign3A_1613, %sign3A_1616 : i32
    %ne3A_1618 = arith.cmpi ne, %sign3A_1610, %sign3A_1617 : i32
    %rem3A_1619 = arith.remsi %add3A_1601, %jit3A_1602 : i32
    %ne3A_1620 = arith.constant 0 : i32
    %ne3A_1621 = arith.cmpi ne, %rem3A_1619, %ne3A_1620 : i32
    %and3A_1622 = arith.andi %ne3A_1618, %ne3A_1621 : i1
    %sub3A_1623 = arith.constant 1 : i32
    %sub3A_1624 = arith.subi %div3A_1603, %sub3A_1623 : i32
    %select_n3A_1625 = arith.select %and3A_1622, %sub3A_1624, %div3A_1603 : i32
    %multiple_of3A_1626 = tpu.assume_multiple %select_n3A_1625, 8 : i32
    %dma_start3A_1627 = arith.constant 0 : i32
    %dma_start3A_1628 = tpu.memref_slice %arg2[%multiple_of3A_1626, %dma_start3A_1627] : memref<49152x512xf32, #tpu.memory_space<hbm>> -> memref<32x512xf32, #tpu.memory_space<hbm>>
    %dma_start3A_1629 = arith.constant 0 : i32
    %dma_start3A_1630 = tpu.memref_slice %arg2[%multiple_of3A_1626, %dma_start3A_1629] : memref<49152x512xf32, #tpu.memory_space<hbm>> -> memref<32x512xf32, #tpu.memory_space<hbm>>
    tpu.enqueue_dma source(%dma_start3A_1630 : memref<32x512xf32, #tpu.memory_space<hbm>>) target(%arg11 : memref<32x512xf32, #tpu.memory_space<vmem>>) target_semaphore(%arg19 : memref<!tpu.dma_semaphore, #tpu.memory_space<semaphore_mem>>)
    %dma_wait3A_1631 = arith.constant 0 : i32
    %dma_wait3A_1632 = tpu.memref_slice %arg2[%multiple_of3A_1386, %dma_wait3A_1631] : memref<49152x512xf32, #tpu.memory_space<hbm>> -> memref<32x512xf32, #tpu.memory_space<hbm>>
    %dma_wait3A_1633 = arith.constant 0 : i32
    %dma_wait3A_1634 = tpu.memref_slice %arg2[%multiple_of3A_1386, %dma_wait3A_1633] : memref<49152x512xf32, #tpu.memory_space<hbm>> -> memref<32x512xf32, #tpu.memory_space<hbm>>
    tpu.wait_dma2 semaphore(%arg13 : memref<!tpu.dma_semaphore, #tpu.memory_space<semaphore_mem>>) src(%dma_wait3A_1634 : memref<32x512xf32, #tpu.memory_space<hbm>>) dst(%arg5 : memref<32x512xf32, #tpu.memory_space<vmem>>)
    %add3A_1635 = arith.constant 0 : i32
    %add3A_1636 = vector.broadcast %add3A_1635 : i32 to vector<16xi32>
    %add3A_1637 = arith.addi %mul3A_3, %add3A_1636 : vector<16xi32>
    %mul3A_1638 = arith.constant 786432 : i32
    %mul3A_1639 = arith.muli %add3A, %mul3A_1638 : i32
    %add3A_1640 = arith.constant 688128 : i32
    %add3A_1641 = arith.addi %mul3A_1639, %add3A_1640 : i32
    %jit3A_1642 = arith.constant 512 : i32
    %div3A_1643 = arith.divsi %add3A_1641, %jit3A_1642 : i32
    %sign3A_1644 = arith.constant 0 : i32
    %sign3A_1645 = arith.cmpi sgt, %add3A_1641, %sign3A_1644 : i32
    %sign3A_1646 = arith.extui %sign3A_1645 : i1 to i32
    %sign3A_1647 = arith.constant 0 : i32
    %sign3A_1648 = arith.cmpi slt, %add3A_1641, %sign3A_1647 : i32
    %sign3A_1649 = arith.extui %sign3A_1648 : i1 to i32
    %sign3A_1650 = arith.subi %sign3A_1646, %sign3A_1649 : i32
    %sign3A_1651 = arith.constant 0 : i32
    %sign3A_1652 = arith.cmpi sgt, %jit3A_1642, %sign3A_1651 : i32
    %sign3A_1653 = arith.extui %sign3A_1652 : i1 to i32
    %sign3A_1654 = arith.constant 0 : i32
    %sign3A_1655 = arith.cmpi slt, %jit3A_1642, %sign3A_1654 : i32
    %sign3A_1656 = arith.extui %sign3A_1655 : i1 to i32
    %sign3A_1657 = arith.subi %sign3A_1653, %sign3A_1656 : i32
    %ne3A_1658 = arith.cmpi ne, %sign3A_1650, %sign3A_1657 : i32
    %rem3A_1659 = arith.remsi %add3A_1641, %jit3A_1642 : i32
    %ne3A_1660 = arith.constant 0 : i32
    %ne3A_1661 = arith.cmpi ne, %rem3A_1659, %ne3A_1660 : i32
    %and3A_1662 = arith.andi %ne3A_1658, %ne3A_1661 : i1
    %sub3A_1663 = arith.constant 1 : i32
    %sub3A_1664 = arith.subi %div3A_1643, %sub3A_1663 : i32
    %select_n3A_1665 = arith.select %and3A_1662, %sub3A_1664, %div3A_1643 : i32
    %multiple_of3A_1666 = tpu.assume_multiple %select_n3A_1665, 8 : i32
    %dma_start3A_1667 = arith.constant 0 : i32
    %dma_start3A_1668 = tpu.memref_slice %arg2[%multiple_of3A_1666, %dma_start3A_1667] : memref<49152x512xf32, #tpu.memory_space<hbm>> -> memref<32x512xf32, #tpu.memory_space<hbm>>
    %dma_start3A_1669 = arith.constant 0 : i32
    %dma_start3A_1670 = tpu.memref_slice %arg2[%multiple_of3A_1666, %dma_start3A_1669] : memref<49152x512xf32, #tpu.memory_space<hbm>> -> memref<32x512xf32, #tpu.memory_space<hbm>>
    tpu.enqueue_dma source(%dma_start3A_1670 : memref<32x512xf32, #tpu.memory_space<hbm>>) target(%arg5 : memref<32x512xf32, #tpu.memory_space<vmem>>) target_semaphore(%arg13 : memref<!tpu.dma_semaphore, #tpu.memory_space<semaphore_mem>>)
    %dma_wait3A_1671 = arith.constant 0 : i32
    %dma_wait3A_1672 = tpu.memref_slice %arg2[%multiple_of3A_1426, %dma_wait3A_1671] : memref<49152x512xf32, #tpu.memory_space<hbm>> -> memref<32x512xf32, #tpu.memory_space<hbm>>
    %dma_wait3A_1673 = arith.constant 0 : i32
    %dma_wait3A_1674 = tpu.memref_slice %arg2[%multiple_of3A_1426, %dma_wait3A_1673] : memref<49152x512xf32, #tpu.memory_space<hbm>> -> memref<32x512xf32, #tpu.memory_space<hbm>>
    tpu.wait_dma2 semaphore(%arg14 : memref<!tpu.dma_semaphore, #tpu.memory_space<semaphore_mem>>) src(%dma_wait3A_1674 : memref<32x512xf32, #tpu.memory_space<hbm>>) dst(%arg6 : memref<32x512xf32, #tpu.memory_space<vmem>>)
    %add3A_1675 = arith.constant 0 : i32
    %add3A_1676 = vector.broadcast %add3A_1675 : i32 to vector<16xi32>
    %add3A_1677 = arith.addi %mul3A_3, %add3A_1676 : vector<16xi32>
    %mul3A_1678 = arith.constant 786432 : i32
    %mul3A_1679 = arith.muli %add3A, %mul3A_1678 : i32
    %add3A_1680 = arith.constant 704512 : i32
    %add3A_1681 = arith.addi %mul3A_1679, %add3A_1680 : i32
    %jit3A_1682 = arith.constant 512 : i32
    %div3A_1683 = arith.divsi %add3A_1681, %jit3A_1682 : i32
    %sign3A_1684 = arith.constant 0 : i32
    %sign3A_1685 = arith.cmpi sgt, %add3A_1681, %sign3A_1684 : i32
    %sign3A_1686 = arith.extui %sign3A_1685 : i1 to i32
    %sign3A_1687 = arith.constant 0 : i32
    %sign3A_1688 = arith.cmpi slt, %add3A_1681, %sign3A_1687 : i32
    %sign3A_1689 = arith.extui %sign3A_1688 : i1 to i32
    %sign3A_1690 = arith.subi %sign3A_1686, %sign3A_1689 : i32
    %sign3A_1691 = arith.constant 0 : i32
    %sign3A_1692 = arith.cmpi sgt, %jit3A_1682, %sign3A_1691 : i32
    %sign3A_1693 = arith.extui %sign3A_1692 : i1 to i32
    %sign3A_1694 = arith.constant 0 : i32
    %sign3A_1695 = arith.cmpi slt, %jit3A_1682, %sign3A_1694 : i32
    %sign3A_1696 = arith.extui %sign3A_1695 : i1 to i32
    %sign3A_1697 = arith.subi %sign3A_1693, %sign3A_1696 : i32
    %ne3A_1698 = arith.cmpi ne, %sign3A_1690, %sign3A_1697 : i32
    %rem3A_1699 = arith.remsi %add3A_1681, %jit3A_1682 : i32
    %ne3A_1700 = arith.constant 0 : i32
    %ne3A_1701 = arith.cmpi ne, %rem3A_1699, %ne3A_1700 : i32
    %and3A_1702 = arith.andi %ne3A_1698, %ne3A_1701 : i1
    %sub3A_1703 = arith.constant 1 : i32
    %sub3A_1704 = arith.subi %div3A_1683, %sub3A_1703 : i32
    %select_n3A_1705 = arith.select %and3A_1702, %sub3A_1704, %div3A_1683 : i32
    %multiple_of3A_1706 = tpu.assume_multiple %select_n3A_1705, 8 : i32
    %dma_start3A_1707 = arith.constant 0 : i32
    %dma_start3A_1708 = tpu.memref_slice %arg2[%multiple_of3A_1706, %dma_start3A_1707] : memref<49152x512xf32, #tpu.memory_space<hbm>> -> memref<32x512xf32, #tpu.memory_space<hbm>>
    %dma_start3A_1709 = arith.constant 0 : i32
    %dma_start3A_1710 = tpu.memref_slice %arg2[%multiple_of3A_1706, %dma_start3A_1709] : memref<49152x512xf32, #tpu.memory_space<hbm>> -> memref<32x512xf32, #tpu.memory_space<hbm>>
    tpu.enqueue_dma source(%dma_start3A_1710 : memref<32x512xf32, #tpu.memory_space<hbm>>) target(%arg6 : memref<32x512xf32, #tpu.memory_space<vmem>>) target_semaphore(%arg14 : memref<!tpu.dma_semaphore, #tpu.memory_space<semaphore_mem>>)
    %dma_wait3A_1711 = arith.constant 0 : i32
    %dma_wait3A_1712 = tpu.memref_slice %arg2[%multiple_of3A_1466, %dma_wait3A_1711] : memref<49152x512xf32, #tpu.memory_space<hbm>> -> memref<32x512xf32, #tpu.memory_space<hbm>>
    %dma_wait3A_1713 = arith.constant 0 : i32
    %dma_wait3A_1714 = tpu.memref_slice %arg2[%multiple_of3A_1466, %dma_wait3A_1713] : memref<49152x512xf32, #tpu.memory_space<hbm>> -> memref<32x512xf32, #tpu.memory_space<hbm>>
    tpu.wait_dma2 semaphore(%arg15 : memref<!tpu.dma_semaphore, #tpu.memory_space<semaphore_mem>>) src(%dma_wait3A_1714 : memref<32x512xf32, #tpu.memory_space<hbm>>) dst(%arg7 : memref<32x512xf32, #tpu.memory_space<vmem>>)
    %add3A_1715 = arith.constant 0 : i32
    %add3A_1716 = vector.broadcast %add3A_1715 : i32 to vector<16xi32>
    %add3A_1717 = arith.addi %mul3A_3, %add3A_1716 : vector<16xi32>
    %mul3A_1718 = arith.constant 786432 : i32
    %mul3A_1719 = arith.muli %add3A, %mul3A_1718 : i32
    %add3A_1720 = arith.constant 720896 : i32
    %add3A_1721 = arith.addi %mul3A_1719, %add3A_1720 : i32
    %jit3A_1722 = arith.constant 512 : i32
    %div3A_1723 = arith.divsi %add3A_1721, %jit3A_1722 : i32
    %sign3A_1724 = arith.constant 0 : i32
    %sign3A_1725 = arith.cmpi sgt, %add3A_1721, %sign3A_1724 : i32
    %sign3A_1726 = arith.extui %sign3A_1725 : i1 to i32
    %sign3A_1727 = arith.constant 0 : i32
    %sign3A_1728 = arith.cmpi slt, %add3A_1721, %sign3A_1727 : i32
    %sign3A_1729 = arith.extui %sign3A_1728 : i1 to i32
    %sign3A_1730 = arith.subi %sign3A_1726, %sign3A_1729 : i32
    %sign3A_1731 = arith.constant 0 : i32
    %sign3A_1732 = arith.cmpi sgt, %jit3A_1722, %sign3A_1731 : i32
    %sign3A_1733 = arith.extui %sign3A_1732 : i1 to i32
    %sign3A_1734 = arith.constant 0 : i32
    %sign3A_1735 = arith.cmpi slt, %jit3A_1722, %sign3A_1734 : i32
    %sign3A_1736 = arith.extui %sign3A_1735 : i1 to i32
    %sign3A_1737 = arith.subi %sign3A_1733, %sign3A_1736 : i32
    %ne3A_1738 = arith.cmpi ne, %sign3A_1730, %sign3A_1737 : i32
    %rem3A_1739 = arith.remsi %add3A_1721, %jit3A_1722 : i32
    %ne3A_1740 = arith.constant 0 : i32
    %ne3A_1741 = arith.cmpi ne, %rem3A_1739, %ne3A_1740 : i32
    %and3A_1742 = arith.andi %ne3A_1738, %ne3A_1741 : i1
    %sub3A_1743 = arith.constant 1 : i32
    %sub3A_1744 = arith.subi %div3A_1723, %sub3A_1743 : i32
    %select_n3A_1745 = arith.select %and3A_1742, %sub3A_1744, %div3A_1723 : i32
    %multiple_of3A_1746 = tpu.assume_multiple %select_n3A_1745, 8 : i32
    %dma_start3A_1747 = arith.constant 0 : i32
    %dma_start3A_1748 = tpu.memref_slice %arg2[%multiple_of3A_1746, %dma_start3A_1747] : memref<49152x512xf32, #tpu.memory_space<hbm>> -> memref<32x512xf32, #tpu.memory_space<hbm>>
    %dma_start3A_1749 = arith.constant 0 : i32
    %dma_start3A_1750 = tpu.memref_slice %arg2[%multiple_of3A_1746, %dma_start3A_1749] : memref<49152x512xf32, #tpu.memory_space<hbm>> -> memref<32x512xf32, #tpu.memory_space<hbm>>
    tpu.enqueue_dma source(%dma_start3A_1750 : memref<32x512xf32, #tpu.memory_space<hbm>>) target(%arg7 : memref<32x512xf32, #tpu.memory_space<vmem>>) target_semaphore(%arg15 : memref<!tpu.dma_semaphore, #tpu.memory_space<semaphore_mem>>)
    %dma_wait3A_1751 = arith.constant 0 : i32
    %dma_wait3A_1752 = tpu.memref_slice %arg2[%multiple_of3A_1506, %dma_wait3A_1751] : memref<49152x512xf32, #tpu.memory_space<hbm>> -> memref<32x512xf32, #tpu.memory_space<hbm>>
    %dma_wait3A_1753 = arith.constant 0 : i32
    %dma_wait3A_1754 = tpu.memref_slice %arg2[%multiple_of3A_1506, %dma_wait3A_1753] : memref<49152x512xf32, #tpu.memory_space<hbm>> -> memref<32x512xf32, #tpu.memory_space<hbm>>
    tpu.wait_dma2 semaphore(%arg16 : memref<!tpu.dma_semaphore, #tpu.memory_space<semaphore_mem>>) src(%dma_wait3A_1754 : memref<32x512xf32, #tpu.memory_space<hbm>>) dst(%arg8 : memref<32x512xf32, #tpu.memory_space<vmem>>)
    %add3A_1755 = arith.constant 0 : i32
    %add3A_1756 = vector.broadcast %add3A_1755 : i32 to vector<16xi32>
    %add3A_1757 = arith.addi %mul3A_3, %add3A_1756 : vector<16xi32>
    %mul3A_1758 = arith.constant 786432 : i32
    %mul3A_1759 = arith.muli %add3A, %mul3A_1758 : i32
    %add3A_1760 = arith.constant 737280 : i32
    %add3A_1761 = arith.addi %mul3A_1759, %add3A_1760 : i32
    %jit3A_1762 = arith.constant 512 : i32
    %div3A_1763 = arith.divsi %add3A_1761, %jit3A_1762 : i32
    %sign3A_1764 = arith.constant 0 : i32
    %sign3A_1765 = arith.cmpi sgt, %add3A_1761, %sign3A_1764 : i32
    %sign3A_1766 = arith.extui %sign3A_1765 : i1 to i32
    %sign3A_1767 = arith.constant 0 : i32
    %sign3A_1768 = arith.cmpi slt, %add3A_1761, %sign3A_1767 : i32
    %sign3A_1769 = arith.extui %sign3A_1768 : i1 to i32
    %sign3A_1770 = arith.subi %sign3A_1766, %sign3A_1769 : i32
    %sign3A_1771 = arith.constant 0 : i32
    %sign3A_1772 = arith.cmpi sgt, %jit3A_1762, %sign3A_1771 : i32
    %sign3A_1773 = arith.extui %sign3A_1772 : i1 to i32
    %sign3A_1774 = arith.constant 0 : i32
    %sign3A_1775 = arith.cmpi slt, %jit3A_1762, %sign3A_1774 : i32
    %sign3A_1776 = arith.extui %sign3A_1775 : i1 to i32
    %sign3A_1777 = arith.subi %sign3A_1773, %sign3A_1776 : i32
    %ne3A_1778 = arith.cmpi ne, %sign3A_1770, %sign3A_1777 : i32
    %rem3A_1779 = arith.remsi %add3A_1761, %jit3A_1762 : i32
    %ne3A_1780 = arith.constant 0 : i32
    %ne3A_1781 = arith.cmpi ne, %rem3A_1779, %ne3A_1780 : i32
    %and3A_1782 = arith.andi %ne3A_1778, %ne3A_1781 : i1
    %sub3A_1783 = arith.constant 1 : i32
    %sub3A_1784 = arith.subi %div3A_1763, %sub3A_1783 : i32
    %select_n3A_1785 = arith.select %and3A_1782, %sub3A_1784, %div3A_1763 : i32
    %multiple_of3A_1786 = tpu.assume_multiple %select_n3A_1785, 8 : i32
    %dma_start3A_1787 = arith.constant 0 : i32
    %dma_start3A_1788 = tpu.memref_slice %arg2[%multiple_of3A_1786, %dma_start3A_1787] : memref<49152x512xf32, #tpu.memory_space<hbm>> -> memref<32x512xf32, #tpu.memory_space<hbm>>
    %dma_start3A_1789 = arith.constant 0 : i32
    %dma_start3A_1790 = tpu.memref_slice %arg2[%multiple_of3A_1786, %dma_start3A_1789] : memref<49152x512xf32, #tpu.memory_space<hbm>> -> memref<32x512xf32, #tpu.memory_space<hbm>>
    tpu.enqueue_dma source(%dma_start3A_1790 : memref<32x512xf32, #tpu.memory_space<hbm>>) target(%arg8 : memref<32x512xf32, #tpu.memory_space<vmem>>) target_semaphore(%arg16 : memref<!tpu.dma_semaphore, #tpu.memory_space<semaphore_mem>>)
    %dma_wait3A_1791 = arith.constant 0 : i32
    %dma_wait3A_1792 = tpu.memref_slice %arg2[%multiple_of3A_1546, %dma_wait3A_1791] : memref<49152x512xf32, #tpu.memory_space<hbm>> -> memref<32x512xf32, #tpu.memory_space<hbm>>
    %dma_wait3A_1793 = arith.constant 0 : i32
    %dma_wait3A_1794 = tpu.memref_slice %arg2[%multiple_of3A_1546, %dma_wait3A_1793] : memref<49152x512xf32, #tpu.memory_space<hbm>> -> memref<32x512xf32, #tpu.memory_space<hbm>>
    tpu.wait_dma2 semaphore(%arg17 : memref<!tpu.dma_semaphore, #tpu.memory_space<semaphore_mem>>) src(%dma_wait3A_1794 : memref<32x512xf32, #tpu.memory_space<hbm>>) dst(%arg9 : memref<32x512xf32, #tpu.memory_space<vmem>>)
    %add3A_1795 = arith.constant 0 : i32
    %add3A_1796 = vector.broadcast %add3A_1795 : i32 to vector<16xi32>
    %add3A_1797 = arith.addi %mul3A_3, %add3A_1796 : vector<16xi32>
    %mul3A_1798 = arith.constant 786432 : i32
    %mul3A_1799 = arith.muli %add3A, %mul3A_1798 : i32
    %add3A_1800 = arith.constant 753664 : i32
    %add3A_1801 = arith.addi %mul3A_1799, %add3A_1800 : i32
    %jit3A_1802 = arith.constant 512 : i32
    %div3A_1803 = arith.divsi %add3A_1801, %jit3A_1802 : i32
    %sign3A_1804 = arith.constant 0 : i32
    %sign3A_1805 = arith.cmpi sgt, %add3A_1801, %sign3A_1804 : i32
    %sign3A_1806 = arith.extui %sign3A_1805 : i1 to i32
    %sign3A_1807 = arith.constant 0 : i32
    %sign3A_1808 = arith.cmpi slt, %add3A_1801, %sign3A_1807 : i32
    %sign3A_1809 = arith.extui %sign3A_1808 : i1 to i32
    %sign3A_1810 = arith.subi %sign3A_1806, %sign3A_1809 : i32
    %sign3A_1811 = arith.constant 0 : i32
    %sign3A_1812 = arith.cmpi sgt, %jit3A_1802, %sign3A_1811 : i32
    %sign3A_1813 = arith.extui %sign3A_1812 : i1 to i32
    %sign3A_1814 = arith.constant 0 : i32
    %sign3A_1815 = arith.cmpi slt, %jit3A_1802, %sign3A_1814 : i32
    %sign3A_1816 = arith.extui %sign3A_1815 : i1 to i32
    %sign3A_1817 = arith.subi %sign3A_1813, %sign3A_1816 : i32
    %ne3A_1818 = arith.cmpi ne, %sign3A_1810, %sign3A_1817 : i32
    %rem3A_1819 = arith.remsi %add3A_1801, %jit3A_1802 : i32
    %ne3A_1820 = arith.constant 0 : i32
    %ne3A_1821 = arith.cmpi ne, %rem3A_1819, %ne3A_1820 : i32
    %and3A_1822 = arith.andi %ne3A_1818, %ne3A_1821 : i1
    %sub3A_1823 = arith.constant 1 : i32
    %sub3A_1824 = arith.subi %div3A_1803, %sub3A_1823 : i32
    %select_n3A_1825 = arith.select %and3A_1822, %sub3A_1824, %div3A_1803 : i32
    %multiple_of3A_1826 = tpu.assume_multiple %select_n3A_1825, 8 : i32
    %dma_start3A_1827 = arith.constant 0 : i32
    %dma_start3A_1828 = tpu.memref_slice %arg2[%multiple_of3A_1826, %dma_start3A_1827] : memref<49152x512xf32, #tpu.memory_space<hbm>> -> memref<32x512xf32, #tpu.memory_space<hbm>>
    %dma_start3A_1829 = arith.constant 0 : i32
    %dma_start3A_1830 = tpu.memref_slice %arg2[%multiple_of3A_1826, %dma_start3A_1829] : memref<49152x512xf32, #tpu.memory_space<hbm>> -> memref<32x512xf32, #tpu.memory_space<hbm>>
    tpu.enqueue_dma source(%dma_start3A_1830 : memref<32x512xf32, #tpu.memory_space<hbm>>) target(%arg9 : memref<32x512xf32, #tpu.memory_space<vmem>>) target_semaphore(%arg17 : memref<!tpu.dma_semaphore, #tpu.memory_space<semaphore_mem>>)
    %dma_wait3A_1831 = arith.constant 0 : i32
    %dma_wait3A_1832 = tpu.memref_slice %arg2[%multiple_of3A_1586, %dma_wait3A_1831] : memref<49152x512xf32, #tpu.memory_space<hbm>> -> memref<32x512xf32, #tpu.memory_space<hbm>>
    %dma_wait3A_1833 = arith.constant 0 : i32
    %dma_wait3A_1834 = tpu.memref_slice %arg2[%multiple_of3A_1586, %dma_wait3A_1833] : memref<49152x512xf32, #tpu.memory_space<hbm>> -> memref<32x512xf32, #tpu.memory_space<hbm>>
    tpu.wait_dma2 semaphore(%arg18 : memref<!tpu.dma_semaphore, #tpu.memory_space<semaphore_mem>>) src(%dma_wait3A_1834 : memref<32x512xf32, #tpu.memory_space<hbm>>) dst(%arg10 : memref<32x512xf32, #tpu.memory_space<vmem>>)
    %add3A_1835 = arith.constant 0 : i32
    %add3A_1836 = vector.broadcast %add3A_1835 : i32 to vector<16xi32>
    %add3A_1837 = arith.addi %mul3A_3, %add3A_1836 : vector<16xi32>
    %mul3A_1838 = arith.constant 786432 : i32
    %mul3A_1839 = arith.muli %add3A, %mul3A_1838 : i32
    %add3A_1840 = arith.constant 770048 : i32
    %add3A_1841 = arith.addi %mul3A_1839, %add3A_1840 : i32
    %jit3A_1842 = arith.constant 512 : i32
    %div3A_1843 = arith.divsi %add3A_1841, %jit3A_1842 : i32
    %sign3A_1844 = arith.constant 0 : i32
    %sign3A_1845 = arith.cmpi sgt, %add3A_1841, %sign3A_1844 : i32
    %sign3A_1846 = arith.extui %sign3A_1845 : i1 to i32
    %sign3A_1847 = arith.constant 0 : i32
    %sign3A_1848 = arith.cmpi slt, %add3A_1841, %sign3A_1847 : i32
    %sign3A_1849 = arith.extui %sign3A_1848 : i1 to i32
    %sign3A_1850 = arith.subi %sign3A_1846, %sign3A_1849 : i32
    %sign3A_1851 = arith.constant 0 : i32
    %sign3A_1852 = arith.cmpi sgt, %jit3A_1842, %sign3A_1851 : i32
    %sign3A_1853 = arith.extui %sign3A_1852 : i1 to i32
    %sign3A_1854 = arith.constant 0 : i32
    %sign3A_1855 = arith.cmpi slt, %jit3A_1842, %sign3A_1854 : i32
    %sign3A_1856 = arith.extui %sign3A_1855 : i1 to i32
    %sign3A_1857 = arith.subi %sign3A_1853, %sign3A_1856 : i32
    %ne3A_1858 = arith.cmpi ne, %sign3A_1850, %sign3A_1857 : i32
    %rem3A_1859 = arith.remsi %add3A_1841, %jit3A_1842 : i32
    %ne3A_1860 = arith.constant 0 : i32
    %ne3A_1861 = arith.cmpi ne, %rem3A_1859, %ne3A_1860 : i32
    %and3A_1862 = arith.andi %ne3A_1858, %ne3A_1861 : i1
    %sub3A_1863 = arith.constant 1 : i32
    %sub3A_1864 = arith.subi %div3A_1843, %sub3A_1863 : i32
    %select_n3A_1865 = arith.select %and3A_1862, %sub3A_1864, %div3A_1843 : i32
    %multiple_of3A_1866 = tpu.assume_multiple %select_n3A_1865, 8 : i32
    %dma_start3A_1867 = arith.constant 0 : i32
    %dma_start3A_1868 = tpu.memref_slice %arg2[%multiple_of3A_1866, %dma_start3A_1867] : memref<49152x512xf32, #tpu.memory_space<hbm>> -> memref<32x512xf32, #tpu.memory_space<hbm>>
    %dma_start3A_1869 = arith.constant 0 : i32
    %dma_start3A_1870 = tpu.memref_slice %arg2[%multiple_of3A_1866, %dma_start3A_1869] : memref<49152x512xf32, #tpu.memory_space<hbm>> -> memref<32x512xf32, #tpu.memory_space<hbm>>
    tpu.enqueue_dma source(%dma_start3A_1870 : memref<32x512xf32, #tpu.memory_space<hbm>>) target(%arg10 : memref<32x512xf32, #tpu.memory_space<vmem>>) target_semaphore(%arg18 : memref<!tpu.dma_semaphore, #tpu.memory_space<semaphore_mem>>)
    %dma_wait3A_1871 = arith.constant 0 : i32
    %dma_wait3A_1872 = tpu.memref_slice %arg2[%multiple_of3A_1626, %dma_wait3A_1871] : memref<49152x512xf32, #tpu.memory_space<hbm>> -> memref<32x512xf32, #tpu.memory_space<hbm>>
    %dma_wait3A_1873 = arith.constant 0 : i32
    %dma_wait3A_1874 = tpu.memref_slice %arg2[%multiple_of3A_1626, %dma_wait3A_1873] : memref<49152x512xf32, #tpu.memory_space<hbm>> -> memref<32x512xf32, #tpu.memory_space<hbm>>
    tpu.wait_dma2 semaphore(%arg19 : memref<!tpu.dma_semaphore, #tpu.memory_space<semaphore_mem>>) src(%dma_wait3A_1874 : memref<32x512xf32, #tpu.memory_space<hbm>>) dst(%arg11 : memref<32x512xf32, #tpu.memory_space<vmem>>)
    %add3A_1875 = arith.constant 0 : i32
    %add3A_1876 = vector.broadcast %add3A_1875 : i32 to vector<16xi32>
    %add3A_1877 = arith.addi %mul3A_3, %add3A_1876 : vector<16xi32>
    %mul3A_1878 = arith.constant 786432 : i32
    %mul3A_1879 = arith.muli %add3A, %mul3A_1878 : i32
    %add3A_1880 = arith.constant 0 : i32
    %add3A_1881 = arith.addi %mul3A_1879, %add3A_1880 : i32
    %jit3A_1882 = arith.constant 512 : i32
    %div3A_1883 = arith.divsi %add3A_1881, %jit3A_1882 : i32
    %sign3A_1884 = arith.constant 0 : i32
    %sign3A_1885 = arith.cmpi sgt, %add3A_1881, %sign3A_1884 : i32
    %sign3A_1886 = arith.extui %sign3A_1885 : i1 to i32
    %sign3A_1887 = arith.constant 0 : i32
    %sign3A_1888 = arith.cmpi slt, %add3A_1881, %sign3A_1887 : i32
    %sign3A_1889 = arith.extui %sign3A_1888 : i1 to i32
    %sign3A_1890 = arith.subi %sign3A_1886, %sign3A_1889 : i32
    %sign3A_1891 = arith.constant 0 : i32
    %sign3A_1892 = arith.cmpi sgt, %jit3A_1882, %sign3A_1891 : i32
    %sign3A_1893 = arith.extui %sign3A_1892 : i1 to i32
    %sign3A_1894 = arith.constant 0 : i32
    %sign3A_1895 = arith.cmpi slt, %jit3A_1882, %sign3A_1894 : i32
    %sign3A_1896 = arith.extui %sign3A_1895 : i1 to i32
    %sign3A_1897 = arith.subi %sign3A_1893, %sign3A_1896 : i32
    %ne3A_1898 = arith.cmpi ne, %sign3A_1890, %sign3A_1897 : i32
    %rem3A_1899 = arith.remsi %add3A_1881, %jit3A_1882 : i32
    %ne3A_1900 = arith.constant 0 : i32
    %ne3A_1901 = arith.cmpi ne, %rem3A_1899, %ne3A_1900 : i32
    %and3A_1902 = arith.andi %ne3A_1898, %ne3A_1901 : i1
    %sub3A_1903 = arith.constant 1 : i32
    %sub3A_1904 = arith.subi %div3A_1883, %sub3A_1903 : i32
    %select_n3A_1905 = arith.select %and3A_1902, %sub3A_1904, %div3A_1883 : i32
    %multiple_of3A_1906 = tpu.assume_multiple %select_n3A_1905, 8 : i32
    %dma_start3A_1907 = arith.constant 0 : i32
    %dma_start3A_1908 = tpu.memref_slice %arg3[%multiple_of3A_1906, %dma_start3A_1907] : memref<49152x512xf32, #tpu.memory_space<hbm>> -> memref<32x512xf32, #tpu.memory_space<hbm>>
    %dma_start3A_1909 = arith.constant 0 : i32
    %dma_start3A_1910 = tpu.memref_slice %arg3[%multiple_of3A_1906, %dma_start3A_1909] : memref<49152x512xf32, #tpu.memory_space<hbm>> -> memref<32x512xf32, #tpu.memory_space<hbm>>
    tpu.enqueue_dma source(%dma_start3A_1910 : memref<32x512xf32, #tpu.memory_space<hbm>>) target(%arg11 : memref<32x512xf32, #tpu.memory_space<vmem>>) target_semaphore(%arg19 : memref<!tpu.dma_semaphore, #tpu.memory_space<semaphore_mem>>)
    %dma_wait3A_1911 = arith.constant 0 : i32
    %dma_wait3A_1912 = tpu.memref_slice %arg2[%multiple_of3A_1666, %dma_wait3A_1911] : memref<49152x512xf32, #tpu.memory_space<hbm>> -> memref<32x512xf32, #tpu.memory_space<hbm>>
    %dma_wait3A_1913 = arith.constant 0 : i32
    %dma_wait3A_1914 = tpu.memref_slice %arg2[%multiple_of3A_1666, %dma_wait3A_1913] : memref<49152x512xf32, #tpu.memory_space<hbm>> -> memref<32x512xf32, #tpu.memory_space<hbm>>
    tpu.wait_dma2 semaphore(%arg13 : memref<!tpu.dma_semaphore, #tpu.memory_space<semaphore_mem>>) src(%dma_wait3A_1914 : memref<32x512xf32, #tpu.memory_space<hbm>>) dst(%arg5 : memref<32x512xf32, #tpu.memory_space<vmem>>)
    %add3A_1915 = arith.constant 0 : i32
    %add3A_1916 = vector.broadcast %add3A_1915 : i32 to vector<16xi32>
    %add3A_1917 = arith.addi %mul3A_3, %add3A_1916 : vector<16xi32>
    %mul3A_1918 = arith.constant 786432 : i32
    %mul3A_1919 = arith.muli %add3A, %mul3A_1918 : i32
    %add3A_1920 = arith.constant 16384 : i32
    %add3A_1921 = arith.addi %mul3A_1919, %add3A_1920 : i32
    %jit3A_1922 = arith.constant 512 : i32
    %div3A_1923 = arith.divsi %add3A_1921, %jit3A_1922 : i32
    %sign3A_1924 = arith.constant 0 : i32
    %sign3A_1925 = arith.cmpi sgt, %add3A_1921, %sign3A_1924 : i32
    %sign3A_1926 = arith.extui %sign3A_1925 : i1 to i32
    %sign3A_1927 = arith.constant 0 : i32
    %sign3A_1928 = arith.cmpi slt, %add3A_1921, %sign3A_1927 : i32
    %sign3A_1929 = arith.extui %sign3A_1928 : i1 to i32
    %sign3A_1930 = arith.subi %sign3A_1926, %sign3A_1929 : i32
    %sign3A_1931 = arith.constant 0 : i32
    %sign3A_1932 = arith.cmpi sgt, %jit3A_1922, %sign3A_1931 : i32
    %sign3A_1933 = arith.extui %sign3A_1932 : i1 to i32
    %sign3A_1934 = arith.constant 0 : i32
    %sign3A_1935 = arith.cmpi slt, %jit3A_1922, %sign3A_1934 : i32
    %sign3A_1936 = arith.extui %sign3A_1935 : i1 to i32
    %sign3A_1937 = arith.subi %sign3A_1933, %sign3A_1936 : i32
    %ne3A_1938 = arith.cmpi ne, %sign3A_1930, %sign3A_1937 : i32
    %rem3A_1939 = arith.remsi %add3A_1921, %jit3A_1922 : i32
    %ne3A_1940 = arith.constant 0 : i32
    %ne3A_1941 = arith.cmpi ne, %rem3A_1939, %ne3A_1940 : i32
    %and3A_1942 = arith.andi %ne3A_1938, %ne3A_1941 : i1
    %sub3A_1943 = arith.constant 1 : i32
    %sub3A_1944 = arith.subi %div3A_1923, %sub3A_1943 : i32
    %select_n3A_1945 = arith.select %and3A_1942, %sub3A_1944, %div3A_1923 : i32
    %multiple_of3A_1946 = tpu.assume_multiple %select_n3A_1945, 8 : i32
    %dma_start3A_1947 = arith.constant 0 : i32
    %dma_start3A_1948 = tpu.memref_slice %arg3[%multiple_of3A_1946, %dma_start3A_1947] : memref<49152x512xf32, #tpu.memory_space<hbm>> -> memref<32x512xf32, #tpu.memory_space<hbm>>
    %dma_start3A_1949 = arith.constant 0 : i32
    %dma_start3A_1950 = tpu.memref_slice %arg3[%multiple_of3A_1946, %dma_start3A_1949] : memref<49152x512xf32, #tpu.memory_space<hbm>> -> memref<32x512xf32, #tpu.memory_space<hbm>>
    tpu.enqueue_dma source(%dma_start3A_1950 : memref<32x512xf32, #tpu.memory_space<hbm>>) target(%arg5 : memref<32x512xf32, #tpu.memory_space<vmem>>) target_semaphore(%arg13 : memref<!tpu.dma_semaphore, #tpu.memory_space<semaphore_mem>>)
    %dma_wait3A_1951 = arith.constant 0 : i32
    %dma_wait3A_1952 = tpu.memref_slice %arg2[%multiple_of3A_1706, %dma_wait3A_1951] : memref<49152x512xf32, #tpu.memory_space<hbm>> -> memref<32x512xf32, #tpu.memory_space<hbm>>
    %dma_wait3A_1953 = arith.constant 0 : i32
    %dma_wait3A_1954 = tpu.memref_slice %arg2[%multiple_of3A_1706, %dma_wait3A_1953] : memref<49152x512xf32, #tpu.memory_space<hbm>> -> memref<32x512xf32, #tpu.memory_space<hbm>>
    tpu.wait_dma2 semaphore(%arg14 : memref<!tpu.dma_semaphore, #tpu.memory_space<semaphore_mem>>) src(%dma_wait3A_1954 : memref<32x512xf32, #tpu.memory_space<hbm>>) dst(%arg6 : memref<32x512xf32, #tpu.memory_space<vmem>>)
    %add3A_1955 = arith.constant 0 : i32
    %add3A_1956 = vector.broadcast %add3A_1955 : i32 to vector<16xi32>
    %add3A_1957 = arith.addi %mul3A_3, %add3A_1956 : vector<16xi32>
    %mul3A_1958 = arith.constant 786432 : i32
    %mul3A_1959 = arith.muli %add3A, %mul3A_1958 : i32
    %add3A_1960 = arith.constant 32768 : i32
    %add3A_1961 = arith.addi %mul3A_1959, %add3A_1960 : i32
    %jit3A_1962 = arith.constant 512 : i32
    %div3A_1963 = arith.divsi %add3A_1961, %jit3A_1962 : i32
    %sign3A_1964 = arith.constant 0 : i32
    %sign3A_1965 = arith.cmpi sgt, %add3A_1961, %sign3A_1964 : i32
    %sign3A_1966 = arith.extui %sign3A_1965 : i1 to i32
    %sign3A_1967 = arith.constant 0 : i32
    %sign3A_1968 = arith.cmpi slt, %add3A_1961, %sign3A_1967 : i32
    %sign3A_1969 = arith.extui %sign3A_1968 : i1 to i32
    %sign3A_1970 = arith.subi %sign3A_1966, %sign3A_1969 : i32
    %sign3A_1971 = arith.constant 0 : i32
    %sign3A_1972 = arith.cmpi sgt, %jit3A_1962, %sign3A_1971 : i32
    %sign3A_1973 = arith.extui %sign3A_1972 : i1 to i32
    %sign3A_1974 = arith.constant 0 : i32
    %sign3A_1975 = arith.cmpi slt, %jit3A_1962, %sign3A_1974 : i32
    %sign3A_1976 = arith.extui %sign3A_1975 : i1 to i32
    %sign3A_1977 = arith.subi %sign3A_1973, %sign3A_1976 : i32
    %ne3A_1978 = arith.cmpi ne, %sign3A_1970, %sign3A_1977 : i32
    %rem3A_1979 = arith.remsi %add3A_1961, %jit3A_1962 : i32
    %ne3A_1980 = arith.constant 0 : i32
    %ne3A_1981 = arith.cmpi ne, %rem3A_1979, %ne3A_1980 : i32
    %and3A_1982 = arith.andi %ne3A_1978, %ne3A_1981 : i1
    %sub3A_1983 = arith.constant 1 : i32
    %sub3A_1984 = arith.subi %div3A_1963, %sub3A_1983 : i32
    %select_n3A_1985 = arith.select %and3A_1982, %sub3A_1984, %div3A_1963 : i32
    %multiple_of3A_1986 = tpu.assume_multiple %select_n3A_1985, 8 : i32
    %dma_start3A_1987 = arith.constant 0 : i32
    %dma_start3A_1988 = tpu.memref_slice %arg3[%multiple_of3A_1986, %dma_start3A_1987] : memref<49152x512xf32, #tpu.memory_space<hbm>> -> memref<32x512xf32, #tpu.memory_space<hbm>>
    %dma_start3A_1989 = arith.constant 0 : i32
    %dma_start3A_1990 = tpu.memref_slice %arg3[%multiple_of3A_1986, %dma_start3A_1989] : memref<49152x512xf32, #tpu.memory_space<hbm>> -> memref<32x512xf32, #tpu.memory_space<hbm>>
    tpu.enqueue_dma source(%dma_start3A_1990 : memref<32x512xf32, #tpu.memory_space<hbm>>) target(%arg6 : memref<32x512xf32, #tpu.memory_space<vmem>>) target_semaphore(%arg14 : memref<!tpu.dma_semaphore, #tpu.memory_space<semaphore_mem>>)
    %dma_wait3A_1991 = arith.constant 0 : i32
    %dma_wait3A_1992 = tpu.memref_slice %arg2[%multiple_of3A_1746, %dma_wait3A_1991] : memref<49152x512xf32, #tpu.memory_space<hbm>> -> memref<32x512xf32, #tpu.memory_space<hbm>>
    %dma_wait3A_1993 = arith.constant 0 : i32
    %dma_wait3A_1994 = tpu.memref_slice %arg2[%multiple_of3A_1746, %dma_wait3A_1993] : memref<49152x512xf32, #tpu.memory_space<hbm>> -> memref<32x512xf32, #tpu.memory_space<hbm>>
    tpu.wait_dma2 semaphore(%arg15 : memref<!tpu.dma_semaphore, #tpu.memory_space<semaphore_mem>>) src(%dma_wait3A_1994 : memref<32x512xf32, #tpu.memory_space<hbm>>) dst(%arg7 : memref<32x512xf32, #tpu.memory_space<vmem>>)
    %add3A_1995 = arith.constant 0 : i32
    %add3A_1996 = vector.broadcast %add3A_1995 : i32 to vector<16xi32>
    %add3A_1997 = arith.addi %mul3A_3, %add3A_1996 : vector<16xi32>
    %mul3A_1998 = arith.constant 786432 : i32
    %mul3A_1999 = arith.muli %add3A, %mul3A_1998 : i32
    %add3A_2000 = arith.constant 49152 : i32
    %add3A_2001 = arith.addi %mul3A_1999, %add3A_2000 : i32
    %jit3A_2002 = arith.constant 512 : i32
    %div3A_2003 = arith.divsi %add3A_2001, %jit3A_2002 : i32
    %sign3A_2004 = arith.constant 0 : i32
    %sign3A_2005 = arith.cmpi sgt, %add3A_2001, %sign3A_2004 : i32
    %sign3A_2006 = arith.extui %sign3A_2005 : i1 to i32
    %sign3A_2007 = arith.constant 0 : i32
    %sign3A_2008 = arith.cmpi slt, %add3A_2001, %sign3A_2007 : i32
    %sign3A_2009 = arith.extui %sign3A_2008 : i1 to i32
    %sign3A_2010 = arith.subi %sign3A_2006, %sign3A_2009 : i32
    %sign3A_2011 = arith.constant 0 : i32
    %sign3A_2012 = arith.cmpi sgt, %jit3A_2002, %sign3A_2011 : i32
    %sign3A_2013 = arith.extui %sign3A_2012 : i1 to i32
    %sign3A_2014 = arith.constant 0 : i32
    %sign3A_2015 = arith.cmpi slt, %jit3A_2002, %sign3A_2014 : i32
    %sign3A_2016 = arith.extui %sign3A_2015 : i1 to i32
    %sign3A_2017 = arith.subi %sign3A_2013, %sign3A_2016 : i32
    %ne3A_2018 = arith.cmpi ne, %sign3A_2010, %sign3A_2017 : i32
    %rem3A_2019 = arith.remsi %add3A_2001, %jit3A_2002 : i32
    %ne3A_2020 = arith.constant 0 : i32
    %ne3A_2021 = arith.cmpi ne, %rem3A_2019, %ne3A_2020 : i32
    %and3A_2022 = arith.andi %ne3A_2018, %ne3A_2021 : i1
    %sub3A_2023 = arith.constant 1 : i32
    %sub3A_2024 = arith.subi %div3A_2003, %sub3A_2023 : i32
    %select_n3A_2025 = arith.select %and3A_2022, %sub3A_2024, %div3A_2003 : i32
    %multiple_of3A_2026 = tpu.assume_multiple %select_n3A_2025, 8 : i32
    %dma_start3A_2027 = arith.constant 0 : i32
    %dma_start3A_2028 = tpu.memref_slice %arg3[%multiple_of3A_2026, %dma_start3A_2027] : memref<49152x512xf32, #tpu.memory_space<hbm>> -> memref<32x512xf32, #tpu.memory_space<hbm>>
    %dma_start3A_2029 = arith.constant 0 : i32
    %dma_start3A_2030 = tpu.memref_slice %arg3[%multiple_of3A_2026, %dma_start3A_2029] : memref<49152x512xf32, #tpu.memory_space<hbm>> -> memref<32x512xf32, #tpu.memory_space<hbm>>
    tpu.enqueue_dma source(%dma_start3A_2030 : memref<32x512xf32, #tpu.memory_space<hbm>>) target(%arg7 : memref<32x512xf32, #tpu.memory_space<vmem>>) target_semaphore(%arg15 : memref<!tpu.dma_semaphore, #tpu.memory_space<semaphore_mem>>)
    %dma_wait3A_2031 = arith.constant 0 : i32
    %dma_wait3A_2032 = tpu.memref_slice %arg2[%multiple_of3A_1786, %dma_wait3A_2031] : memref<49152x512xf32, #tpu.memory_space<hbm>> -> memref<32x512xf32, #tpu.memory_space<hbm>>
    %dma_wait3A_2033 = arith.constant 0 : i32
    %dma_wait3A_2034 = tpu.memref_slice %arg2[%multiple_of3A_1786, %dma_wait3A_2033] : memref<49152x512xf32, #tpu.memory_space<hbm>> -> memref<32x512xf32, #tpu.memory_space<hbm>>
    tpu.wait_dma2 semaphore(%arg16 : memref<!tpu.dma_semaphore, #tpu.memory_space<semaphore_mem>>) src(%dma_wait3A_2034 : memref<32x512xf32, #tpu.memory_space<hbm>>) dst(%arg8 : memref<32x512xf32, #tpu.memory_space<vmem>>)
    %add3A_2035 = arith.constant 0 : i32
    %add3A_2036 = vector.broadcast %add3A_2035 : i32 to vector<16xi32>
    %add3A_2037 = arith.addi %mul3A_3, %add3A_2036 : vector<16xi32>
    %mul3A_2038 = arith.constant 786432 : i32
    %mul3A_2039 = arith.muli %add3A, %mul3A_2038 : i32
    %add3A_2040 = arith.constant 65536 : i32
    %add3A_2041 = arith.addi %mul3A_2039, %add3A_2040 : i32
    %jit3A_2042 = arith.constant 512 : i32
    %div3A_2043 = arith.divsi %add3A_2041, %jit3A_2042 : i32
    %sign3A_2044 = arith.constant 0 : i32
    %sign3A_2045 = arith.cmpi sgt, %add3A_2041, %sign3A_2044 : i32
    %sign3A_2046 = arith.extui %sign3A_2045 : i1 to i32
    %sign3A_2047 = arith.constant 0 : i32
    %sign3A_2048 = arith.cmpi slt, %add3A_2041, %sign3A_2047 : i32
    %sign3A_2049 = arith.extui %sign3A_2048 : i1 to i32
    %sign3A_2050 = arith.subi %sign3A_2046, %sign3A_2049 : i32
    %sign3A_2051 = arith.constant 0 : i32
    %sign3A_2052 = arith.cmpi sgt, %jit3A_2042, %sign3A_2051 : i32
    %sign3A_2053 = arith.extui %sign3A_2052 : i1 to i32
    %sign3A_2054 = arith.constant 0 : i32
    %sign3A_2055 = arith.cmpi slt, %jit3A_2042, %sign3A_2054 : i32
    %sign3A_2056 = arith.extui %sign3A_2055 : i1 to i32
    %sign3A_2057 = arith.subi %sign3A_2053, %sign3A_2056 : i32
    %ne3A_2058 = arith.cmpi ne, %sign3A_2050, %sign3A_2057 : i32
    %rem3A_2059 = arith.remsi %add3A_2041, %jit3A_2042 : i32
    %ne3A_2060 = arith.constant 0 : i32
    %ne3A_2061 = arith.cmpi ne, %rem3A_2059, %ne3A_2060 : i32
    %and3A_2062 = arith.andi %ne3A_2058, %ne3A_2061 : i1
    %sub3A_2063 = arith.constant 1 : i32
    %sub3A_2064 = arith.subi %div3A_2043, %sub3A_2063 : i32
    %select_n3A_2065 = arith.select %and3A_2062, %sub3A_2064, %div3A_2043 : i32
    %multiple_of3A_2066 = tpu.assume_multiple %select_n3A_2065, 8 : i32
    %dma_start3A_2067 = arith.constant 0 : i32
    %dma_start3A_2068 = tpu.memref_slice %arg3[%multiple_of3A_2066, %dma_start3A_2067] : memref<49152x512xf32, #tpu.memory_space<hbm>> -> memref<32x512xf32, #tpu.memory_space<hbm>>
    %dma_start3A_2069 = arith.constant 0 : i32
    %dma_start3A_2070 = tpu.memref_slice %arg3[%multiple_of3A_2066, %dma_start3A_2069] : memref<49152x512xf32, #tpu.memory_space<hbm>> -> memref<32x512xf32, #tpu.memory_space<hbm>>
    tpu.enqueue_dma source(%dma_start3A_2070 : memref<32x512xf32, #tpu.memory_space<hbm>>) target(%arg8 : memref<32x512xf32, #tpu.memory_space<vmem>>) target_semaphore(%arg16 : memref<!tpu.dma_semaphore, #tpu.memory_space<semaphore_mem>>)
    %dma_wait3A_2071 = arith.constant 0 : i32
    %dma_wait3A_2072 = tpu.memref_slice %arg2[%multiple_of3A_1826, %dma_wait3A_2071] : memref<49152x512xf32, #tpu.memory_space<hbm>> -> memref<32x512xf32, #tpu.memory_space<hbm>>
    %dma_wait3A_2073 = arith.constant 0 : i32
    %dma_wait3A_2074 = tpu.memref_slice %arg2[%multiple_of3A_1826, %dma_wait3A_2073] : memref<49152x512xf32, #tpu.memory_space<hbm>> -> memref<32x512xf32, #tpu.memory_space<hbm>>
    tpu.wait_dma2 semaphore(%arg17 : memref<!tpu.dma_semaphore, #tpu.memory_space<semaphore_mem>>) src(%dma_wait3A_2074 : memref<32x512xf32, #tpu.memory_space<hbm>>) dst(%arg9 : memref<32x512xf32, #tpu.memory_space<vmem>>)
    %add3A_2075 = arith.constant 0 : i32
    %add3A_2076 = vector.broadcast %add3A_2075 : i32 to vector<16xi32>
    %add3A_2077 = arith.addi %mul3A_3, %add3A_2076 : vector<16xi32>
    %mul3A_2078 = arith.constant 786432 : i32
    %mul3A_2079 = arith.muli %add3A, %mul3A_2078 : i32
    %add3A_2080 = arith.constant 81920 : i32
    %add3A_2081 = arith.addi %mul3A_2079, %add3A_2080 : i32
    %jit3A_2082 = arith.constant 512 : i32
    %div3A_2083 = arith.divsi %add3A_2081, %jit3A_2082 : i32
    %sign3A_2084 = arith.constant 0 : i32
    %sign3A_2085 = arith.cmpi sgt, %add3A_2081, %sign3A_2084 : i32
    %sign3A_2086 = arith.extui %sign3A_2085 : i1 to i32
    %sign3A_2087 = arith.constant 0 : i32
    %sign3A_2088 = arith.cmpi slt, %add3A_2081, %sign3A_2087 : i32
    %sign3A_2089 = arith.extui %sign3A_2088 : i1 to i32
    %sign3A_2090 = arith.subi %sign3A_2086, %sign3A_2089 : i32
    %sign3A_2091 = arith.constant 0 : i32
    %sign3A_2092 = arith.cmpi sgt, %jit3A_2082, %sign3A_2091 : i32
    %sign3A_2093 = arith.extui %sign3A_2092 : i1 to i32
    %sign3A_2094 = arith.constant 0 : i32
    %sign3A_2095 = arith.cmpi slt, %jit3A_2082, %sign3A_2094 : i32
    %sign3A_2096 = arith.extui %sign3A_2095 : i1 to i32
    %sign3A_2097 = arith.subi %sign3A_2093, %sign3A_2096 : i32
    %ne3A_2098 = arith.cmpi ne, %sign3A_2090, %sign3A_2097 : i32
    %rem3A_2099 = arith.remsi %add3A_2081, %jit3A_2082 : i32
    %ne3A_2100 = arith.constant 0 : i32
    %ne3A_2101 = arith.cmpi ne, %rem3A_2099, %ne3A_2100 : i32
    %and3A_2102 = arith.andi %ne3A_2098, %ne3A_2101 : i1
    %sub3A_2103 = arith.constant 1 : i32
    %sub3A_2104 = arith.subi %div3A_2083, %sub3A_2103 : i32
    %select_n3A_2105 = arith.select %and3A_2102, %sub3A_2104, %div3A_2083 : i32
    %multiple_of3A_2106 = tpu.assume_multiple %select_n3A_2105, 8 : i32
    %dma_start3A_2107 = arith.constant 0 : i32
    %dma_start3A_2108 = tpu.memref_slice %arg3[%multiple_of3A_2106, %dma_start3A_2107] : memref<49152x512xf32, #tpu.memory_space<hbm>> -> memref<32x512xf32, #tpu.memory_space<hbm>>
    %dma_start3A_2109 = arith.constant 0 : i32
    %dma_start3A_2110 = tpu.memref_slice %arg3[%multiple_of3A_2106, %dma_start3A_2109] : memref<49152x512xf32, #tpu.memory_space<hbm>> -> memref<32x512xf32, #tpu.memory_space<hbm>>
    tpu.enqueue_dma source(%dma_start3A_2110 : memref<32x512xf32, #tpu.memory_space<hbm>>) target(%arg9 : memref<32x512xf32, #tpu.memory_space<vmem>>) target_semaphore(%arg17 : memref<!tpu.dma_semaphore, #tpu.memory_space<semaphore_mem>>)
    %dma_wait3A_2111 = arith.constant 0 : i32
    %dma_wait3A_2112 = tpu.memref_slice %arg2[%multiple_of3A_1866, %dma_wait3A_2111] : memref<49152x512xf32, #tpu.memory_space<hbm>> -> memref<32x512xf32, #tpu.memory_space<hbm>>
    %dma_wait3A_2113 = arith.constant 0 : i32
    %dma_wait3A_2114 = tpu.memref_slice %arg2[%multiple_of3A_1866, %dma_wait3A_2113] : memref<49152x512xf32, #tpu.memory_space<hbm>> -> memref<32x512xf32, #tpu.memory_space<hbm>>
    tpu.wait_dma2 semaphore(%arg18 : memref<!tpu.dma_semaphore, #tpu.memory_space<semaphore_mem>>) src(%dma_wait3A_2114 : memref<32x512xf32, #tpu.memory_space<hbm>>) dst(%arg10 : memref<32x512xf32, #tpu.memory_space<vmem>>)
    %add3A_2115 = arith.constant 0 : i32
    %add3A_2116 = vector.broadcast %add3A_2115 : i32 to vector<16xi32>
    %add3A_2117 = arith.addi %mul3A_3, %add3A_2116 : vector<16xi32>
    %mul3A_2118 = arith.constant 786432 : i32
    %mul3A_2119 = arith.muli %add3A, %mul3A_2118 : i32
    %add3A_2120 = arith.constant 98304 : i32
    %add3A_2121 = arith.addi %mul3A_2119, %add3A_2120 : i32
    %jit3A_2122 = arith.constant 512 : i32
    %div3A_2123 = arith.divsi %add3A_2121, %jit3A_2122 : i32
    %sign3A_2124 = arith.constant 0 : i32
    %sign3A_2125 = arith.cmpi sgt, %add3A_2121, %sign3A_2124 : i32
    %sign3A_2126 = arith.extui %sign3A_2125 : i1 to i32
    %sign3A_2127 = arith.constant 0 : i32
    %sign3A_2128 = arith.cmpi slt, %add3A_2121, %sign3A_2127 : i32
    %sign3A_2129 = arith.extui %sign3A_2128 : i1 to i32
    %sign3A_2130 = arith.subi %sign3A_2126, %sign3A_2129 : i32
    %sign3A_2131 = arith.constant 0 : i32
    %sign3A_2132 = arith.cmpi sgt, %jit3A_2122, %sign3A_2131 : i32
    %sign3A_2133 = arith.extui %sign3A_2132 : i1 to i32
    %sign3A_2134 = arith.constant 0 : i32
    %sign3A_2135 = arith.cmpi slt, %jit3A_2122, %sign3A_2134 : i32
    %sign3A_2136 = arith.extui %sign3A_2135 : i1 to i32
    %sign3A_2137 = arith.subi %sign3A_2133, %sign3A_2136 : i32
    %ne3A_2138 = arith.cmpi ne, %sign3A_2130, %sign3A_2137 : i32
    %rem3A_2139 = arith.remsi %add3A_2121, %jit3A_2122 : i32
    %ne3A_2140 = arith.constant 0 : i32
    %ne3A_2141 = arith.cmpi ne, %rem3A_2139, %ne3A_2140 : i32
    %and3A_2142 = arith.andi %ne3A_2138, %ne3A_2141 : i1
    %sub3A_2143 = arith.constant 1 : i32
    %sub3A_2144 = arith.subi %div3A_2123, %sub3A_2143 : i32
    %select_n3A_2145 = arith.select %and3A_2142, %sub3A_2144, %div3A_2123 : i32
    %multiple_of3A_2146 = tpu.assume_multiple %select_n3A_2145, 8 : i32
    %dma_start3A_2147 = arith.constant 0 : i32
    %dma_start3A_2148 = tpu.memref_slice %arg3[%multiple_of3A_2146, %dma_start3A_2147] : memref<49152x512xf32, #tpu.memory_space<hbm>> -> memref<32x512xf32, #tpu.memory_space<hbm>>
    %dma_start3A_2149 = arith.constant 0 : i32
    %dma_start3A_2150 = tpu.memref_slice %arg3[%multiple_of3A_2146, %dma_start3A_2149] : memref<49152x512xf32, #tpu.memory_space<hbm>> -> memref<32x512xf32, #tpu.memory_space<hbm>>
    tpu.enqueue_dma source(%dma_start3A_2150 : memref<32x512xf32, #tpu.memory_space<hbm>>) target(%arg10 : memref<32x512xf32, #tpu.memory_space<vmem>>) target_semaphore(%arg18 : memref<!tpu.dma_semaphore, #tpu.memory_space<semaphore_mem>>)
    %dma_wait3A_2151 = arith.constant 0 : i32
    %dma_wait3A_2152 = tpu.memref_slice %arg3[%multiple_of3A_1906, %dma_wait3A_2151] : memref<49152x512xf32, #tpu.memory_space<hbm>> -> memref<32x512xf32, #tpu.memory_space<hbm>>
    %dma_wait3A_2153 = arith.constant 0 : i32
    %dma_wait3A_2154 = tpu.memref_slice %arg3[%multiple_of3A_1906, %dma_wait3A_2153] : memref<49152x512xf32, #tpu.memory_space<hbm>> -> memref<32x512xf32, #tpu.memory_space<hbm>>
    tpu.wait_dma2 semaphore(%arg19 : memref<!tpu.dma_semaphore, #tpu.memory_space<semaphore_mem>>) src(%dma_wait3A_2154 : memref<32x512xf32, #tpu.memory_space<hbm>>) dst(%arg11 : memref<32x512xf32, #tpu.memory_space<vmem>>)
    %add3A_2155 = arith.constant 4224 : i32
    %add3A_2156 = vector.broadcast %add3A_2155 : i32 to vector<16xi32>
    %add3A_2157 = arith.addi %mul3A_3, %add3A_2156 : vector<16xi32>
    %mul3A_2158 = arith.constant 786432 : i32
    %mul3A_2159 = arith.muli %add3A, %mul3A_2158 : i32
    %add3A_2160 = arith.constant 114688 : i32
    %add3A_2161 = arith.addi %mul3A_2159, %add3A_2160 : i32
    %jit3A_2162 = arith.constant 512 : i32
    %div3A_2163 = arith.divsi %add3A_2161, %jit3A_2162 : i32
    %sign3A_2164 = arith.constant 0 : i32
    %sign3A_2165 = arith.cmpi sgt, %add3A_2161, %sign3A_2164 : i32
    %sign3A_2166 = arith.extui %sign3A_2165 : i1 to i32
    %sign3A_2167 = arith.constant 0 : i32
    %sign3A_2168 = arith.cmpi slt, %add3A_2161, %sign3A_2167 : i32
    %sign3A_2169 = arith.extui %sign3A_2168 : i1 to i32
    %sign3A_2170 = arith.subi %sign3A_2166, %sign3A_2169 : i32
    %sign3A_2171 = arith.constant 0 : i32
    %sign3A_2172 = arith.cmpi sgt, %jit3A_2162, %sign3A_2171 : i32
    %sign3A_2173 = arith.extui %sign3A_2172 : i1 to i32
    %sign3A_2174 = arith.constant 0 : i32
    %sign3A_2175 = arith.cmpi slt, %jit3A_2162, %sign3A_2174 : i32
    %sign3A_2176 = arith.extui %sign3A_2175 : i1 to i32
    %sign3A_2177 = arith.subi %sign3A_2173, %sign3A_2176 : i32
    %ne3A_2178 = arith.cmpi ne, %sign3A_2170, %sign3A_2177 : i32
    %rem3A_2179 = arith.remsi %add3A_2161, %jit3A_2162 : i32
    %ne3A_2180 = arith.constant 0 : i32
    %ne3A_2181 = arith.cmpi ne, %rem3A_2179, %ne3A_2180 : i32
    %and3A_2182 = arith.andi %ne3A_2178, %ne3A_2181 : i1
    %sub3A_2183 = arith.constant 1 : i32
    %sub3A_2184 = arith.subi %div3A_2163, %sub3A_2183 : i32
    %select_n3A_2185 = arith.select %and3A_2182, %sub3A_2184, %div3A_2163 : i32
    %multiple_of3A_2186 = tpu.assume_multiple %select_n3A_2185, 8 : i32
    %dma_start3A_2187 = arith.constant 0 : i32
    %dma_start3A_2188 = tpu.memref_slice %arg3[%multiple_of3A_2186, %dma_start3A_2187] : memref<49152x512xf32, #tpu.memory_space<hbm>> -> memref<32x512xf32, #tpu.memory_space<hbm>>
    %dma_start3A_2189 = arith.constant 0 : i32
    %dma_start3A_2190 = tpu.memref_slice %arg3[%multiple_of3A_2186, %dma_start3A_2189] : memref<49152x512xf32, #tpu.memory_space<hbm>> -> memref<32x512xf32, #tpu.memory_space<hbm>>
    tpu.enqueue_dma source(%dma_start3A_2190 : memref<32x512xf32, #tpu.memory_space<hbm>>) target(%arg11 : memref<32x512xf32, #tpu.memory_space<vmem>>) target_semaphore(%arg19 : memref<!tpu.dma_semaphore, #tpu.memory_space<semaphore_mem>>)
    %dma_wait3A_2191 = arith.constant 0 : i32
    %dma_wait3A_2192 = tpu.memref_slice %arg3[%multiple_of3A_1946, %dma_wait3A_2191] : memref<49152x512xf32, #tpu.memory_space<hbm>> -> memref<32x512xf32, #tpu.memory_space<hbm>>
    %dma_wait3A_2193 = arith.constant 0 : i32
    %dma_wait3A_2194 = tpu.memref_slice %arg3[%multiple_of3A_1946, %dma_wait3A_2193] : memref<49152x512xf32, #tpu.memory_space<hbm>> -> memref<32x512xf32, #tpu.memory_space<hbm>>
    tpu.wait_dma2 semaphore(%arg13 : memref<!tpu.dma_semaphore, #tpu.memory_space<semaphore_mem>>) src(%dma_wait3A_2194 : memref<32x512xf32, #tpu.memory_space<hbm>>) dst(%arg5 : memref<32x512xf32, #tpu.memory_space<vmem>>)
    %add3A_2195 = arith.constant 4224 : i32
    %add3A_2196 = vector.broadcast %add3A_2195 : i32 to vector<16xi32>
    %add3A_2197 = arith.addi %mul3A_3, %add3A_2196 : vector<16xi32>
    %mul3A_2198 = arith.constant 786432 : i32
    %mul3A_2199 = arith.muli %add3A, %mul3A_2198 : i32
    %add3A_2200 = arith.constant 131072 : i32
    %add3A_2201 = arith.addi %mul3A_2199, %add3A_2200 : i32
    %jit3A_2202 = arith.constant 512 : i32
    %div3A_2203 = arith.divsi %add3A_2201, %jit3A_2202 : i32
    %sign3A_2204 = arith.constant 0 : i32
    %sign3A_2205 = arith.cmpi sgt, %add3A_2201, %sign3A_2204 : i32
    %sign3A_2206 = arith.extui %sign3A_2205 : i1 to i32
    %sign3A_2207 = arith.constant 0 : i32
    %sign3A_2208 = arith.cmpi slt, %add3A_2201, %sign3A_2207 : i32
    %sign3A_2209 = arith.extui %sign3A_2208 : i1 to i32
    %sign3A_2210 = arith.subi %sign3A_2206, %sign3A_2209 : i32
    %sign3A_2211 = arith.constant 0 : i32
    %sign3A_2212 = arith.cmpi sgt, %jit3A_2202, %sign3A_2211 : i32
    %sign3A_2213 = arith.extui %sign3A_2212 : i1 to i32
    %sign3A_2214 = arith.constant 0 : i32
    %sign3A_2215 = arith.cmpi slt, %jit3A_2202, %sign3A_2214 : i32
    %sign3A_2216 = arith.extui %sign3A_2215 : i1 to i32
    %sign3A_2217 = arith.subi %sign3A_2213, %sign3A_2216 : i32
    %ne3A_2218 = arith.cmpi ne, %sign3A_2210, %sign3A_2217 : i32
    %rem3A_2219 = arith.remsi %add3A_2201, %jit3A_2202 : i32
    %ne3A_2220 = arith.constant 0 : i32
    %ne3A_2221 = arith.cmpi ne, %rem3A_2219, %ne3A_2220 : i32
    %and3A_2222 = arith.andi %ne3A_2218, %ne3A_2221 : i1
    %sub3A_2223 = arith.constant 1 : i32
    %sub3A_2224 = arith.subi %div3A_2203, %sub3A_2223 : i32
    %select_n3A_2225 = arith.select %and3A_2222, %sub3A_2224, %div3A_2203 : i32
    %multiple_of3A_2226 = tpu.assume_multiple %select_n3A_2225, 8 : i32
    %dma_start3A_2227 = arith.constant 0 : i32
    %dma_start3A_2228 = tpu.memref_slice %arg3[%multiple_of3A_2226, %dma_start3A_2227] : memref<49152x512xf32, #tpu.memory_space<hbm>> -> memref<32x512xf32, #tpu.memory_space<hbm>>
    %dma_start3A_2229 = arith.constant 0 : i32
    %dma_start3A_2230 = tpu.memref_slice %arg3[%multiple_of3A_2226, %dma_start3A_2229] : memref<49152x512xf32, #tpu.memory_space<hbm>> -> memref<32x512xf32, #tpu.memory_space<hbm>>
    tpu.enqueue_dma source(%dma_start3A_2230 : memref<32x512xf32, #tpu.memory_space<hbm>>) target(%arg5 : memref<32x512xf32, #tpu.memory_space<vmem>>) target_semaphore(%arg13 : memref<!tpu.dma_semaphore, #tpu.memory_space<semaphore_mem>>)
    %dma_wait3A_2231 = arith.constant 0 : i32
    %dma_wait3A_2232 = tpu.memref_slice %arg3[%multiple_of3A_1986, %dma_wait3A_2231] : memref<49152x512xf32, #tpu.memory_space<hbm>> -> memref<32x512xf32, #tpu.memory_space<hbm>>
    %dma_wait3A_2233 = arith.constant 0 : i32
    %dma_wait3A_2234 = tpu.memref_slice %arg3[%multiple_of3A_1986, %dma_wait3A_2233] : memref<49152x512xf32, #tpu.memory_space<hbm>> -> memref<32x512xf32, #tpu.memory_space<hbm>>
    tpu.wait_dma2 semaphore(%arg14 : memref<!tpu.dma_semaphore, #tpu.memory_space<semaphore_mem>>) src(%dma_wait3A_2234 : memref<32x512xf32, #tpu.memory_space<hbm>>) dst(%arg6 : memref<32x512xf32, #tpu.memory_space<vmem>>)
    %add3A_2235 = arith.constant 4224 : i32
    %add3A_2236 = vector.broadcast %add3A_2235 : i32 to vector<16xi32>
    %add3A_2237 = arith.addi %mul3A_3, %add3A_2236 : vector<16xi32>
    %mul3A_2238 = arith.constant 786432 : i32
    %mul3A_2239 = arith.muli %add3A, %mul3A_2238 : i32
    %add3A_2240 = arith.constant 147456 : i32
    %add3A_2241 = arith.addi %mul3A_2239, %add3A_2240 : i32
    %jit3A_2242 = arith.constant 512 : i32
    %div3A_2243 = arith.divsi %add3A_2241, %jit3A_2242 : i32
    %sign3A_2244 = arith.constant 0 : i32
    %sign3A_2245 = arith.cmpi sgt, %add3A_2241, %sign3A_2244 : i32
    %sign3A_2246 = arith.extui %sign3A_2245 : i1 to i32
    %sign3A_2247 = arith.constant 0 : i32
    %sign3A_2248 = arith.cmpi slt, %add3A_2241, %sign3A_2247 : i32
    %sign3A_2249 = arith.extui %sign3A_2248 : i1 to i32
    %sign3A_2250 = arith.subi %sign3A_2246, %sign3A_2249 : i32
    %sign3A_2251 = arith.constant 0 : i32
    %sign3A_2252 = arith.cmpi sgt, %jit3A_2242, %sign3A_2251 : i32
    %sign3A_2253 = arith.extui %sign3A_2252 : i1 to i32
    %sign3A_2254 = arith.constant 0 : i32
    %sign3A_2255 = arith.cmpi slt, %jit3A_2242, %sign3A_2254 : i32
    %sign3A_2256 = arith.extui %sign3A_2255 : i1 to i32
    %sign3A_2257 = arith.subi %sign3A_2253, %sign3A_2256 : i32
    %ne3A_2258 = arith.cmpi ne, %sign3A_2250, %sign3A_2257 : i32
    %rem3A_2259 = arith.remsi %add3A_2241, %jit3A_2242 : i32
    %ne3A_2260 = arith.constant 0 : i32
    %ne3A_2261 = arith.cmpi ne, %rem3A_2259, %ne3A_2260 : i32
    %and3A_2262 = arith.andi %ne3A_2258, %ne3A_2261 : i1
    %sub3A_2263 = arith.constant 1 : i32
    %sub3A_2264 = arith.subi %div3A_2243, %sub3A_2263 : i32
    %select_n3A_2265 = arith.select %and3A_2262, %sub3A_2264, %div3A_2243 : i32
    %multiple_of3A_2266 = tpu.assume_multiple %select_n3A_2265, 8 : i32
    %dma_start3A_2267 = arith.constant 0 : i32
    %dma_start3A_2268 = tpu.memref_slice %arg3[%multiple_of3A_2266, %dma_start3A_2267] : memref<49152x512xf32, #tpu.memory_space<hbm>> -> memref<32x512xf32, #tpu.memory_space<hbm>>
    %dma_start3A_2269 = arith.constant 0 : i32
    %dma_start3A_2270 = tpu.memref_slice %arg3[%multiple_of3A_2266, %dma_start3A_2269] : memref<49152x512xf32, #tpu.memory_space<hbm>> -> memref<32x512xf32, #tpu.memory_space<hbm>>
    tpu.enqueue_dma source(%dma_start3A_2270 : memref<32x512xf32, #tpu.memory_space<hbm>>) target(%arg6 : memref<32x512xf32, #tpu.memory_space<vmem>>) target_semaphore(%arg14 : memref<!tpu.dma_semaphore, #tpu.memory_space<semaphore_mem>>)
    %dma_wait3A_2271 = arith.constant 0 : i32
    %dma_wait3A_2272 = tpu.memref_slice %arg3[%multiple_of3A_2026, %dma_wait3A_2271] : memref<49152x512xf32, #tpu.memory_space<hbm>> -> memref<32x512xf32, #tpu.memory_space<hbm>>
    %dma_wait3A_2273 = arith.constant 0 : i32
    %dma_wait3A_2274 = tpu.memref_slice %arg3[%multiple_of3A_2026, %dma_wait3A_2273] : memref<49152x512xf32, #tpu.memory_space<hbm>> -> memref<32x512xf32, #tpu.memory_space<hbm>>
    tpu.wait_dma2 semaphore(%arg15 : memref<!tpu.dma_semaphore, #tpu.memory_space<semaphore_mem>>) src(%dma_wait3A_2274 : memref<32x512xf32, #tpu.memory_space<hbm>>) dst(%arg7 : memref<32x512xf32, #tpu.memory_space<vmem>>)
    %add3A_2275 = arith.constant 4224 : i32
    %add3A_2276 = vector.broadcast %add3A_2275 : i32 to vector<16xi32>
    %add3A_2277 = arith.addi %mul3A_3, %add3A_2276 : vector<16xi32>
    %mul3A_2278 = arith.constant 786432 : i32
    %mul3A_2279 = arith.muli %add3A, %mul3A_2278 : i32
    %add3A_2280 = arith.constant 163840 : i32
    %add3A_2281 = arith.addi %mul3A_2279, %add3A_2280 : i32
    %jit3A_2282 = arith.constant 512 : i32
    %div3A_2283 = arith.divsi %add3A_2281, %jit3A_2282 : i32
    %sign3A_2284 = arith.constant 0 : i32
    %sign3A_2285 = arith.cmpi sgt, %add3A_2281, %sign3A_2284 : i32
    %sign3A_2286 = arith.extui %sign3A_2285 : i1 to i32
    %sign3A_2287 = arith.constant 0 : i32
    %sign3A_2288 = arith.cmpi slt, %add3A_2281, %sign3A_2287 : i32
    %sign3A_2289 = arith.extui %sign3A_2288 : i1 to i32
    %sign3A_2290 = arith.subi %sign3A_2286, %sign3A_2289 : i32
    %sign3A_2291 = arith.constant 0 : i32
    %sign3A_2292 = arith.cmpi sgt, %jit3A_2282, %sign3A_2291 : i32
    %sign3A_2293 = arith.extui %sign3A_2292 : i1 to i32
    %sign3A_2294 = arith.constant 0 : i32
    %sign3A_2295 = arith.cmpi slt, %jit3A_2282, %sign3A_2294 : i32
    %sign3A_2296 = arith.extui %sign3A_2295 : i1 to i32
    %sign3A_2297 = arith.subi %sign3A_2293, %sign3A_2296 : i32
    %ne3A_2298 = arith.cmpi ne, %sign3A_2290, %sign3A_2297 : i32
    %rem3A_2299 = arith.remsi %add3A_2281, %jit3A_2282 : i32
    %ne3A_2300 = arith.constant 0 : i32
    %ne3A_2301 = arith.cmpi ne, %rem3A_2299, %ne3A_2300 : i32
    %and3A_2302 = arith.andi %ne3A_2298, %ne3A_2301 : i1
    %sub3A_2303 = arith.constant 1 : i32
    %sub3A_2304 = arith.subi %div3A_2283, %sub3A_2303 : i32
    %select_n3A_2305 = arith.select %and3A_2302, %sub3A_2304, %div3A_2283 : i32
    %multiple_of3A_2306 = tpu.assume_multiple %select_n3A_2305, 8 : i32
    %dma_start3A_2307 = arith.constant 0 : i32
    %dma_start3A_2308 = tpu.memref_slice %arg3[%multiple_of3A_2306, %dma_start3A_2307] : memref<49152x512xf32, #tpu.memory_space<hbm>> -> memref<32x512xf32, #tpu.memory_space<hbm>>
    %dma_start3A_2309 = arith.constant 0 : i32
    %dma_start3A_2310 = tpu.memref_slice %arg3[%multiple_of3A_2306, %dma_start3A_2309] : memref<49152x512xf32, #tpu.memory_space<hbm>> -> memref<32x512xf32, #tpu.memory_space<hbm>>
    tpu.enqueue_dma source(%dma_start3A_2310 : memref<32x512xf32, #tpu.memory_space<hbm>>) target(%arg7 : memref<32x512xf32, #tpu.memory_space<vmem>>) target_semaphore(%arg15 : memref<!tpu.dma_semaphore, #tpu.memory_space<semaphore_mem>>)
    %dma_wait3A_2311 = arith.constant 0 : i32
    %dma_wait3A_2312 = tpu.memref_slice %arg3[%multiple_of3A_2066, %dma_wait3A_2311] : memref<49152x512xf32, #tpu.memory_space<hbm>> -> memref<32x512xf32, #tpu.memory_space<hbm>>
    %dma_wait3A_2313 = arith.constant 0 : i32
    %dma_wait3A_2314 = tpu.memref_slice %arg3[%multiple_of3A_2066, %dma_wait3A_2313] : memref<49152x512xf32, #tpu.memory_space<hbm>> -> memref<32x512xf32, #tpu.memory_space<hbm>>
    tpu.wait_dma2 semaphore(%arg16 : memref<!tpu.dma_semaphore, #tpu.memory_space<semaphore_mem>>) src(%dma_wait3A_2314 : memref<32x512xf32, #tpu.memory_space<hbm>>) dst(%arg8 : memref<32x512xf32, #tpu.memory_space<vmem>>)
    %add3A_2315 = arith.constant 4224 : i32
    %add3A_2316 = vector.broadcast %add3A_2315 : i32 to vector<16xi32>
    %add3A_2317 = arith.addi %mul3A_3, %add3A_2316 : vector<16xi32>
    %mul3A_2318 = arith.constant 786432 : i32
    %mul3A_2319 = arith.muli %add3A, %mul3A_2318 : i32
    %add3A_2320 = arith.constant 180224 : i32
    %add3A_2321 = arith.addi %mul3A_2319, %add3A_2320 : i32
    %jit3A_2322 = arith.constant 512 : i32
    %div3A_2323 = arith.divsi %add3A_2321, %jit3A_2322 : i32
    %sign3A_2324 = arith.constant 0 : i32
    %sign3A_2325 = arith.cmpi sgt, %add3A_2321, %sign3A_2324 : i32
    %sign3A_2326 = arith.extui %sign3A_2325 : i1 to i32
    %sign3A_2327 = arith.constant 0 : i32
    %sign3A_2328 = arith.cmpi slt, %add3A_2321, %sign3A_2327 : i32
    %sign3A_2329 = arith.extui %sign3A_2328 : i1 to i32
    %sign3A_2330 = arith.subi %sign3A_2326, %sign3A_2329 : i32
    %sign3A_2331 = arith.constant 0 : i32
    %sign3A_2332 = arith.cmpi sgt, %jit3A_2322, %sign3A_2331 : i32
    %sign3A_2333 = arith.extui %sign3A_2332 : i1 to i32
    %sign3A_2334 = arith.constant 0 : i32
    %sign3A_2335 = arith.cmpi slt, %jit3A_2322, %sign3A_2334 : i32
    %sign3A_2336 = arith.extui %sign3A_2335 : i1 to i32
    %sign3A_2337 = arith.subi %sign3A_2333, %sign3A_2336 : i32
    %ne3A_2338 = arith.cmpi ne, %sign3A_2330, %sign3A_2337 : i32
    %rem3A_2339 = arith.remsi %add3A_2321, %jit3A_2322 : i32
    %ne3A_2340 = arith.constant 0 : i32
    %ne3A_2341 = arith.cmpi ne, %rem3A_2339, %ne3A_2340 : i32
    %and3A_2342 = arith.andi %ne3A_2338, %ne3A_2341 : i1
    %sub3A_2343 = arith.constant 1 : i32
    %sub3A_2344 = arith.subi %div3A_2323, %sub3A_2343 : i32
    %select_n3A_2345 = arith.select %and3A_2342, %sub3A_2344, %div3A_2323 : i32
    %multiple_of3A_2346 = tpu.assume_multiple %select_n3A_2345, 8 : i32
    %dma_start3A_2347 = arith.constant 0 : i32
    %dma_start3A_2348 = tpu.memref_slice %arg3[%multiple_of3A_2346, %dma_start3A_2347] : memref<49152x512xf32, #tpu.memory_space<hbm>> -> memref<32x512xf32, #tpu.memory_space<hbm>>
    %dma_start3A_2349 = arith.constant 0 : i32
    %dma_start3A_2350 = tpu.memref_slice %arg3[%multiple_of3A_2346, %dma_start3A_2349] : memref<49152x512xf32, #tpu.memory_space<hbm>> -> memref<32x512xf32, #tpu.memory_space<hbm>>
    tpu.enqueue_dma source(%dma_start3A_2350 : memref<32x512xf32, #tpu.memory_space<hbm>>) target(%arg8 : memref<32x512xf32, #tpu.memory_space<vmem>>) target_semaphore(%arg16 : memref<!tpu.dma_semaphore, #tpu.memory_space<semaphore_mem>>)
    %dma_wait3A_2351 = arith.constant 0 : i32
    %dma_wait3A_2352 = tpu.memref_slice %arg3[%multiple_of3A_2106, %dma_wait3A_2351] : memref<49152x512xf32, #tpu.memory_space<hbm>> -> memref<32x512xf32, #tpu.memory_space<hbm>>
    %dma_wait3A_2353 = arith.constant 0 : i32
    %dma_wait3A_2354 = tpu.memref_slice %arg3[%multiple_of3A_2106, %dma_wait3A_2353] : memref<49152x512xf32, #tpu.memory_space<hbm>> -> memref<32x512xf32, #tpu.memory_space<hbm>>
    tpu.wait_dma2 semaphore(%arg17 : memref<!tpu.dma_semaphore, #tpu.memory_space<semaphore_mem>>) src(%dma_wait3A_2354 : memref<32x512xf32, #tpu.memory_space<hbm>>) dst(%arg9 : memref<32x512xf32, #tpu.memory_space<vmem>>)
    %add3A_2355 = arith.constant 4224 : i32
    %add3A_2356 = vector.broadcast %add3A_2355 : i32 to vector<16xi32>
    %add3A_2357 = arith.addi %mul3A_3, %add3A_2356 : vector<16xi32>
    %mul3A_2358 = arith.constant 786432 : i32
    %mul3A_2359 = arith.muli %add3A, %mul3A_2358 : i32
    %add3A_2360 = arith.constant 196608 : i32
    %add3A_2361 = arith.addi %mul3A_2359, %add3A_2360 : i32
    %jit3A_2362 = arith.constant 512 : i32
    %div3A_2363 = arith.divsi %add3A_2361, %jit3A_2362 : i32
    %sign3A_2364 = arith.constant 0 : i32
    %sign3A_2365 = arith.cmpi sgt, %add3A_2361, %sign3A_2364 : i32
    %sign3A_2366 = arith.extui %sign3A_2365 : i1 to i32
    %sign3A_2367 = arith.constant 0 : i32
    %sign3A_2368 = arith.cmpi slt, %add3A_2361, %sign3A_2367 : i32
    %sign3A_2369 = arith.extui %sign3A_2368 : i1 to i32
    %sign3A_2370 = arith.subi %sign3A_2366, %sign3A_2369 : i32
    %sign3A_2371 = arith.constant 0 : i32
    %sign3A_2372 = arith.cmpi sgt, %jit3A_2362, %sign3A_2371 : i32
    %sign3A_2373 = arith.extui %sign3A_2372 : i1 to i32
    %sign3A_2374 = arith.constant 0 : i32
    %sign3A_2375 = arith.cmpi slt, %jit3A_2362, %sign3A_2374 : i32
    %sign3A_2376 = arith.extui %sign3A_2375 : i1 to i32
    %sign3A_2377 = arith.subi %sign3A_2373, %sign3A_2376 : i32
    %ne3A_2378 = arith.cmpi ne, %sign3A_2370, %sign3A_2377 : i32
    %rem3A_2379 = arith.remsi %add3A_2361, %jit3A_2362 : i32
    %ne3A_2380 = arith.constant 0 : i32
    %ne3A_2381 = arith.cmpi ne, %rem3A_2379, %ne3A_2380 : i32
    %and3A_2382 = arith.andi %ne3A_2378, %ne3A_2381 : i1
    %sub3A_2383 = arith.constant 1 : i32
    %sub3A_2384 = arith.subi %div3A_2363, %sub3A_2383 : i32
    %select_n3A_2385 = arith.select %and3A_2382, %sub3A_2384, %div3A_2363 : i32
    %multiple_of3A_2386 = tpu.assume_multiple %select_n3A_2385, 8 : i32
    %dma_start3A_2387 = arith.constant 0 : i32
    %dma_start3A_2388 = tpu.memref_slice %arg3[%multiple_of3A_2386, %dma_start3A_2387] : memref<49152x512xf32, #tpu.memory_space<hbm>> -> memref<32x512xf32, #tpu.memory_space<hbm>>
    %dma_start3A_2389 = arith.constant 0 : i32
    %dma_start3A_2390 = tpu.memref_slice %arg3[%multiple_of3A_2386, %dma_start3A_2389] : memref<49152x512xf32, #tpu.memory_space<hbm>> -> memref<32x512xf32, #tpu.memory_space<hbm>>
    tpu.enqueue_dma source(%dma_start3A_2390 : memref<32x512xf32, #tpu.memory_space<hbm>>) target(%arg9 : memref<32x512xf32, #tpu.memory_space<vmem>>) target_semaphore(%arg17 : memref<!tpu.dma_semaphore, #tpu.memory_space<semaphore_mem>>)
    %dma_wait3A_2391 = arith.constant 0 : i32
    %dma_wait3A_2392 = tpu.memref_slice %arg3[%multiple_of3A_2146, %dma_wait3A_2391] : memref<49152x512xf32, #tpu.memory_space<hbm>> -> memref<32x512xf32, #tpu.memory_space<hbm>>
    %dma_wait3A_2393 = arith.constant 0 : i32
    %dma_wait3A_2394 = tpu.memref_slice %arg3[%multiple_of3A_2146, %dma_wait3A_2393] : memref<49152x512xf32, #tpu.memory_space<hbm>> -> memref<32x512xf32, #tpu.memory_space<hbm>>
    tpu.wait_dma2 semaphore(%arg18 : memref<!tpu.dma_semaphore, #tpu.memory_space<semaphore_mem>>) src(%dma_wait3A_2394 : memref<32x512xf32, #tpu.memory_space<hbm>>) dst(%arg10 : memref<32x512xf32, #tpu.memory_space<vmem>>)
    %add3A_2395 = arith.constant 4224 : i32
    %add3A_2396 = vector.broadcast %add3A_2395 : i32 to vector<16xi32>
    %add3A_2397 = arith.addi %mul3A_3, %add3A_2396 : vector<16xi32>
    %mul3A_2398 = arith.constant 786432 : i32
    %mul3A_2399 = arith.muli %add3A, %mul3A_2398 : i32
    %add3A_2400 = arith.constant 212992 : i32
    %add3A_2401 = arith.addi %mul3A_2399, %add3A_2400 : i32
    %jit3A_2402 = arith.constant 512 : i32
    %div3A_2403 = arith.divsi %add3A_2401, %jit3A_2402 : i32
    %sign3A_2404 = arith.constant 0 : i32
    %sign3A_2405 = arith.cmpi sgt, %add3A_2401, %sign3A_2404 : i32
    %sign3A_2406 = arith.extui %sign3A_2405 : i1 to i32
    %sign3A_2407 = arith.constant 0 : i32
    %sign3A_2408 = arith.cmpi slt, %add3A_2401, %sign3A_2407 : i32
    %sign3A_2409 = arith.extui %sign3A_2408 : i1 to i32
    %sign3A_2410 = arith.subi %sign3A_2406, %sign3A_2409 : i32
    %sign3A_2411 = arith.constant 0 : i32
    %sign3A_2412 = arith.cmpi sgt, %jit3A_2402, %sign3A_2411 : i32
    %sign3A_2413 = arith.extui %sign3A_2412 : i1 to i32
    %sign3A_2414 = arith.constant 0 : i32
    %sign3A_2415 = arith.cmpi slt, %jit3A_2402, %sign3A_2414 : i32
    %sign3A_2416 = arith.extui %sign3A_2415 : i1 to i32
    %sign3A_2417 = arith.subi %sign3A_2413, %sign3A_2416 : i32
    %ne3A_2418 = arith.cmpi ne, %sign3A_2410, %sign3A_2417 : i32
    %rem3A_2419 = arith.remsi %add3A_2401, %jit3A_2402 : i32
    %ne3A_2420 = arith.constant 0 : i32
    %ne3A_2421 = arith.cmpi ne, %rem3A_2419, %ne3A_2420 : i32
    %and3A_2422 = arith.andi %ne3A_2418, %ne3A_2421 : i1
    %sub3A_2423 = arith.constant 1 : i32
    %sub3A_2424 = arith.subi %div3A_2403, %sub3A_2423 : i32
    %select_n3A_2425 = arith.select %and3A_2422, %sub3A_2424, %div3A_2403 : i32
    %multiple_of3A_2426 = tpu.assume_multiple %select_n3A_2425, 8 : i32
    %dma_start3A_2427 = arith.constant 0 : i32
    %dma_start3A_2428 = tpu.memref_slice %arg3[%multiple_of3A_2426, %dma_start3A_2427] : memref<49152x512xf32, #tpu.memory_space<hbm>> -> memref<32x512xf32, #tpu.memory_space<hbm>>
    %dma_start3A_2429 = arith.constant 0 : i32
    %dma_start3A_2430 = tpu.memref_slice %arg3[%multiple_of3A_2426, %dma_start3A_2429] : memref<49152x512xf32, #tpu.memory_space<hbm>> -> memref<32x512xf32, #tpu.memory_space<hbm>>
    tpu.enqueue_dma source(%dma_start3A_2430 : memref<32x512xf32, #tpu.memory_space<hbm>>) target(%arg10 : memref<32x512xf32, #tpu.memory_space<vmem>>) target_semaphore(%arg18 : memref<!tpu.dma_semaphore, #tpu.memory_space<semaphore_mem>>)
    %dma_wait3A_2431 = arith.constant 0 : i32
    %dma_wait3A_2432 = tpu.memref_slice %arg3[%multiple_of3A_2186, %dma_wait3A_2431] : memref<49152x512xf32, #tpu.memory_space<hbm>> -> memref<32x512xf32, #tpu.memory_space<hbm>>
    %dma_wait3A_2433 = arith.constant 0 : i32
    %dma_wait3A_2434 = tpu.memref_slice %arg3[%multiple_of3A_2186, %dma_wait3A_2433] : memref<49152x512xf32, #tpu.memory_space<hbm>> -> memref<32x512xf32, #tpu.memory_space<hbm>>
    tpu.wait_dma2 semaphore(%arg19 : memref<!tpu.dma_semaphore, #tpu.memory_space<semaphore_mem>>) src(%dma_wait3A_2434 : memref<32x512xf32, #tpu.memory_space<hbm>>) dst(%arg11 : memref<32x512xf32, #tpu.memory_space<vmem>>)
    %add3A_2435 = arith.constant 4224 : i32
    %add3A_2436 = vector.broadcast %add3A_2435 : i32 to vector<16xi32>
    %add3A_2437 = arith.addi %mul3A_3, %add3A_2436 : vector<16xi32>
    %mul3A_2438 = arith.constant 786432 : i32
    %mul3A_2439 = arith.muli %add3A, %mul3A_2438 : i32
    %add3A_2440 = arith.constant 229376 : i32
    %add3A_2441 = arith.addi %mul3A_2439, %add3A_2440 : i32
    %jit3A_2442 = arith.constant 512 : i32
    %div3A_2443 = arith.divsi %add3A_2441, %jit3A_2442 : i32
    %sign3A_2444 = arith.constant 0 : i32
    %sign3A_2445 = arith.cmpi sgt, %add3A_2441, %sign3A_2444 : i32
    %sign3A_2446 = arith.extui %sign3A_2445 : i1 to i32
    %sign3A_2447 = arith.constant 0 : i32
    %sign3A_2448 = arith.cmpi slt, %add3A_2441, %sign3A_2447 : i32
    %sign3A_2449 = arith.extui %sign3A_2448 : i1 to i32
    %sign3A_2450 = arith.subi %sign3A_2446, %sign3A_2449 : i32
    %sign3A_2451 = arith.constant 0 : i32
    %sign3A_2452 = arith.cmpi sgt, %jit3A_2442, %sign3A_2451 : i32
    %sign3A_2453 = arith.extui %sign3A_2452 : i1 to i32
    %sign3A_2454 = arith.constant 0 : i32
    %sign3A_2455 = arith.cmpi slt, %jit3A_2442, %sign3A_2454 : i32
    %sign3A_2456 = arith.extui %sign3A_2455 : i1 to i32
    %sign3A_2457 = arith.subi %sign3A_2453, %sign3A_2456 : i32
    %ne3A_2458 = arith.cmpi ne, %sign3A_2450, %sign3A_2457 : i32
    %rem3A_2459 = arith.remsi %add3A_2441, %jit3A_2442 : i32
    %ne3A_2460 = arith.constant 0 : i32
    %ne3A_2461 = arith.cmpi ne, %rem3A_2459, %ne3A_2460 : i32
    %and3A_2462 = arith.andi %ne3A_2458, %ne3A_2461 : i1
    %sub3A_2463 = arith.constant 1 : i32
    %sub3A_2464 = arith.subi %div3A_2443, %sub3A_2463 : i32
    %select_n3A_2465 = arith.select %and3A_2462, %sub3A_2464, %div3A_2443 : i32
    %multiple_of3A_2466 = tpu.assume_multiple %select_n3A_2465, 8 : i32
    %dma_start3A_2467 = arith.constant 0 : i32
    %dma_start3A_2468 = tpu.memref_slice %arg3[%multiple_of3A_2466, %dma_start3A_2467] : memref<49152x512xf32, #tpu.memory_space<hbm>> -> memref<32x512xf32, #tpu.memory_space<hbm>>
    %dma_start3A_2469 = arith.constant 0 : i32
    %dma_start3A_2470 = tpu.memref_slice %arg3[%multiple_of3A_2466, %dma_start3A_2469] : memref<49152x512xf32, #tpu.memory_space<hbm>> -> memref<32x512xf32, #tpu.memory_space<hbm>>
    tpu.enqueue_dma source(%dma_start3A_2470 : memref<32x512xf32, #tpu.memory_space<hbm>>) target(%arg11 : memref<32x512xf32, #tpu.memory_space<vmem>>) target_semaphore(%arg19 : memref<!tpu.dma_semaphore, #tpu.memory_space<semaphore_mem>>)
    %dma_wait3A_2471 = arith.constant 0 : i32
    %dma_wait3A_2472 = tpu.memref_slice %arg3[%multiple_of3A_2226, %dma_wait3A_2471] : memref<49152x512xf32, #tpu.memory_space<hbm>> -> memref<32x512xf32, #tpu.memory_space<hbm>>
    %dma_wait3A_2473 = arith.constant 0 : i32
    %dma_wait3A_2474 = tpu.memref_slice %arg3[%multiple_of3A_2226, %dma_wait3A_2473] : memref<49152x512xf32, #tpu.memory_space<hbm>> -> memref<32x512xf32, #tpu.memory_space<hbm>>
    tpu.wait_dma2 semaphore(%arg13 : memref<!tpu.dma_semaphore, #tpu.memory_space<semaphore_mem>>) src(%dma_wait3A_2474 : memref<32x512xf32, #tpu.memory_space<hbm>>) dst(%arg5 : memref<32x512xf32, #tpu.memory_space<vmem>>)
    %add3A_2475 = arith.constant 4224 : i32
    %add3A_2476 = vector.broadcast %add3A_2475 : i32 to vector<16xi32>
    %add3A_2477 = arith.addi %mul3A_3, %add3A_2476 : vector<16xi32>
    %mul3A_2478 = arith.constant 786432 : i32
    %mul3A_2479 = arith.muli %add3A, %mul3A_2478 : i32
    %add3A_2480 = arith.constant 245760 : i32
    %add3A_2481 = arith.addi %mul3A_2479, %add3A_2480 : i32
    %jit3A_2482 = arith.constant 512 : i32
    %div3A_2483 = arith.divsi %add3A_2481, %jit3A_2482 : i32
    %sign3A_2484 = arith.constant 0 : i32
    %sign3A_2485 = arith.cmpi sgt, %add3A_2481, %sign3A_2484 : i32
    %sign3A_2486 = arith.extui %sign3A_2485 : i1 to i32
    %sign3A_2487 = arith.constant 0 : i32
    %sign3A_2488 = arith.cmpi slt, %add3A_2481, %sign3A_2487 : i32
    %sign3A_2489 = arith.extui %sign3A_2488 : i1 to i32
    %sign3A_2490 = arith.subi %sign3A_2486, %sign3A_2489 : i32
    %sign3A_2491 = arith.constant 0 : i32
    %sign3A_2492 = arith.cmpi sgt, %jit3A_2482, %sign3A_2491 : i32
    %sign3A_2493 = arith.extui %sign3A_2492 : i1 to i32
    %sign3A_2494 = arith.constant 0 : i32
    %sign3A_2495 = arith.cmpi slt, %jit3A_2482, %sign3A_2494 : i32
    %sign3A_2496 = arith.extui %sign3A_2495 : i1 to i32
    %sign3A_2497 = arith.subi %sign3A_2493, %sign3A_2496 : i32
    %ne3A_2498 = arith.cmpi ne, %sign3A_2490, %sign3A_2497 : i32
    %rem3A_2499 = arith.remsi %add3A_2481, %jit3A_2482 : i32
    %ne3A_2500 = arith.constant 0 : i32
    %ne3A_2501 = arith.cmpi ne, %rem3A_2499, %ne3A_2500 : i32
    %and3A_2502 = arith.andi %ne3A_2498, %ne3A_2501 : i1
    %sub3A_2503 = arith.constant 1 : i32
    %sub3A_2504 = arith.subi %div3A_2483, %sub3A_2503 : i32
    %select_n3A_2505 = arith.select %and3A_2502, %sub3A_2504, %div3A_2483 : i32
    %multiple_of3A_2506 = tpu.assume_multiple %select_n3A_2505, 8 : i32
    %dma_start3A_2507 = arith.constant 0 : i32
    %dma_start3A_2508 = tpu.memref_slice %arg3[%multiple_of3A_2506, %dma_start3A_2507] : memref<49152x512xf32, #tpu.memory_space<hbm>> -> memref<32x512xf32, #tpu.memory_space<hbm>>
    %dma_start3A_2509 = arith.constant 0 : i32
    %dma_start3A_2510 = tpu.memref_slice %arg3[%multiple_of3A_2506, %dma_start3A_2509] : memref<49152x512xf32, #tpu.memory_space<hbm>> -> memref<32x512xf32, #tpu.memory_space<hbm>>
    tpu.enqueue_dma source(%dma_start3A_2510 : memref<32x512xf32, #tpu.memory_space<hbm>>) target(%arg5 : memref<32x512xf32, #tpu.memory_space<vmem>>) target_semaphore(%arg13 : memref<!tpu.dma_semaphore, #tpu.memory_space<semaphore_mem>>)
    %dma_wait3A_2511 = arith.constant 0 : i32
    %dma_wait3A_2512 = tpu.memref_slice %arg3[%multiple_of3A_2266, %dma_wait3A_2511] : memref<49152x512xf32, #tpu.memory_space<hbm>> -> memref<32x512xf32, #tpu.memory_space<hbm>>
    %dma_wait3A_2513 = arith.constant 0 : i32
    %dma_wait3A_2514 = tpu.memref_slice %arg3[%multiple_of3A_2266, %dma_wait3A_2513] : memref<49152x512xf32, #tpu.memory_space<hbm>> -> memref<32x512xf32, #tpu.memory_space<hbm>>
    tpu.wait_dma2 semaphore(%arg14 : memref<!tpu.dma_semaphore, #tpu.memory_space<semaphore_mem>>) src(%dma_wait3A_2514 : memref<32x512xf32, #tpu.memory_space<hbm>>) dst(%arg6 : memref<32x512xf32, #tpu.memory_space<vmem>>)
    %add3A_2515 = arith.constant 4224 : i32
    %add3A_2516 = vector.broadcast %add3A_2515 : i32 to vector<16xi32>
    %add3A_2517 = arith.addi %mul3A_3, %add3A_2516 : vector<16xi32>
    %mul3A_2518 = arith.constant 786432 : i32
    %mul3A_2519 = arith.muli %add3A, %mul3A_2518 : i32
    %add3A_2520 = arith.constant 262144 : i32
    %add3A_2521 = arith.addi %mul3A_2519, %add3A_2520 : i32
    %jit3A_2522 = arith.constant 512 : i32
    %div3A_2523 = arith.divsi %add3A_2521, %jit3A_2522 : i32
    %sign3A_2524 = arith.constant 0 : i32
    %sign3A_2525 = arith.cmpi sgt, %add3A_2521, %sign3A_2524 : i32
    %sign3A_2526 = arith.extui %sign3A_2525 : i1 to i32
    %sign3A_2527 = arith.constant 0 : i32
    %sign3A_2528 = arith.cmpi slt, %add3A_2521, %sign3A_2527 : i32
    %sign3A_2529 = arith.extui %sign3A_2528 : i1 to i32
    %sign3A_2530 = arith.subi %sign3A_2526, %sign3A_2529 : i32
    %sign3A_2531 = arith.constant 0 : i32
    %sign3A_2532 = arith.cmpi sgt, %jit3A_2522, %sign3A_2531 : i32
    %sign3A_2533 = arith.extui %sign3A_2532 : i1 to i32
    %sign3A_2534 = arith.constant 0 : i32
    %sign3A_2535 = arith.cmpi slt, %jit3A_2522, %sign3A_2534 : i32
    %sign3A_2536 = arith.extui %sign3A_2535 : i1 to i32
    %sign3A_2537 = arith.subi %sign3A_2533, %sign3A_2536 : i32
    %ne3A_2538 = arith.cmpi ne, %sign3A_2530, %sign3A_2537 : i32
    %rem3A_2539 = arith.remsi %add3A_2521, %jit3A_2522 : i32
    %ne3A_2540 = arith.constant 0 : i32
    %ne3A_2541 = arith.cmpi ne, %rem3A_2539, %ne3A_2540 : i32
    %and3A_2542 = arith.andi %ne3A_2538, %ne3A_2541 : i1
    %sub3A_2543 = arith.constant 1 : i32
    %sub3A_2544 = arith.subi %div3A_2523, %sub3A_2543 : i32
    %select_n3A_2545 = arith.select %and3A_2542, %sub3A_2544, %div3A_2523 : i32
    %multiple_of3A_2546 = tpu.assume_multiple %select_n3A_2545, 8 : i32
    %dma_start3A_2547 = arith.constant 0 : i32
    %dma_start3A_2548 = tpu.memref_slice %arg3[%multiple_of3A_2546, %dma_start3A_2547] : memref<49152x512xf32, #tpu.memory_space<hbm>> -> memref<32x512xf32, #tpu.memory_space<hbm>>
    %dma_start3A_2549 = arith.constant 0 : i32
    %dma_start3A_2550 = tpu.memref_slice %arg3[%multiple_of3A_2546, %dma_start3A_2549] : memref<49152x512xf32, #tpu.memory_space<hbm>> -> memref<32x512xf32, #tpu.memory_space<hbm>>
    tpu.enqueue_dma source(%dma_start3A_2550 : memref<32x512xf32, #tpu.memory_space<hbm>>) target(%arg6 : memref<32x512xf32, #tpu.memory_space<vmem>>) target_semaphore(%arg14 : memref<!tpu.dma_semaphore, #tpu.memory_space<semaphore_mem>>)
    %dma_wait3A_2551 = arith.constant 0 : i32
    %dma_wait3A_2552 = tpu.memref_slice %arg3[%multiple_of3A_2306, %dma_wait3A_2551] : memref<49152x512xf32, #tpu.memory_space<hbm>> -> memref<32x512xf32, #tpu.memory_space<hbm>>
    %dma_wait3A_2553 = arith.constant 0 : i32
    %dma_wait3A_2554 = tpu.memref_slice %arg3[%multiple_of3A_2306, %dma_wait3A_2553] : memref<49152x512xf32, #tpu.memory_space<hbm>> -> memref<32x512xf32, #tpu.memory_space<hbm>>
    tpu.wait_dma2 semaphore(%arg15 : memref<!tpu.dma_semaphore, #tpu.memory_space<semaphore_mem>>) src(%dma_wait3A_2554 : memref<32x512xf32, #tpu.memory_space<hbm>>) dst(%arg7 : memref<32x512xf32, #tpu.memory_space<vmem>>)
    %add3A_2555 = arith.constant 4224 : i32
    %add3A_2556 = vector.broadcast %add3A_2555 : i32 to vector<16xi32>
    %add3A_2557 = arith.addi %mul3A_3, %add3A_2556 : vector<16xi32>
    %mul3A_2558 = arith.constant 786432 : i32
    %mul3A_2559 = arith.muli %add3A, %mul3A_2558 : i32
    %add3A_2560 = arith.constant 278528 : i32
    %add3A_2561 = arith.addi %mul3A_2559, %add3A_2560 : i32
    %jit3A_2562 = arith.constant 512 : i32
    %div3A_2563 = arith.divsi %add3A_2561, %jit3A_2562 : i32
    %sign3A_2564 = arith.constant 0 : i32
    %sign3A_2565 = arith.cmpi sgt, %add3A_2561, %sign3A_2564 : i32
    %sign3A_2566 = arith.extui %sign3A_2565 : i1 to i32
    %sign3A_2567 = arith.constant 0 : i32
    %sign3A_2568 = arith.cmpi slt, %add3A_2561, %sign3A_2567 : i32
    %sign3A_2569 = arith.extui %sign3A_2568 : i1 to i32
    %sign3A_2570 = arith.subi %sign3A_2566, %sign3A_2569 : i32
    %sign3A_2571 = arith.constant 0 : i32
    %sign3A_2572 = arith.cmpi sgt, %jit3A_2562, %sign3A_2571 : i32
    %sign3A_2573 = arith.extui %sign3A_2572 : i1 to i32
    %sign3A_2574 = arith.constant 0 : i32
    %sign3A_2575 = arith.cmpi slt, %jit3A_2562, %sign3A_2574 : i32
    %sign3A_2576 = arith.extui %sign3A_2575 : i1 to i32
    %sign3A_2577 = arith.subi %sign3A_2573, %sign3A_2576 : i32
    %ne3A_2578 = arith.cmpi ne, %sign3A_2570, %sign3A_2577 : i32
    %rem3A_2579 = arith.remsi %add3A_2561, %jit3A_2562 : i32
    %ne3A_2580 = arith.constant 0 : i32
    %ne3A_2581 = arith.cmpi ne, %rem3A_2579, %ne3A_2580 : i32
    %and3A_2582 = arith.andi %ne3A_2578, %ne3A_2581 : i1
    %sub3A_2583 = arith.constant 1 : i32
    %sub3A_2584 = arith.subi %div3A_2563, %sub3A_2583 : i32
    %select_n3A_2585 = arith.select %and3A_2582, %sub3A_2584, %div3A_2563 : i32
    %multiple_of3A_2586 = tpu.assume_multiple %select_n3A_2585, 8 : i32
    %dma_start3A_2587 = arith.constant 0 : i32
    %dma_start3A_2588 = tpu.memref_slice %arg3[%multiple_of3A_2586, %dma_start3A_2587] : memref<49152x512xf32, #tpu.memory_space<hbm>> -> memref<32x512xf32, #tpu.memory_space<hbm>>
    %dma_start3A_2589 = arith.constant 0 : i32
    %dma_start3A_2590 = tpu.memref_slice %arg3[%multiple_of3A_2586, %dma_start3A_2589] : memref<49152x512xf32, #tpu.memory_space<hbm>> -> memref<32x512xf32, #tpu.memory_space<hbm>>
    tpu.enqueue_dma source(%dma_start3A_2590 : memref<32x512xf32, #tpu.memory_space<hbm>>) target(%arg7 : memref<32x512xf32, #tpu.memory_space<vmem>>) target_semaphore(%arg15 : memref<!tpu.dma_semaphore, #tpu.memory_space<semaphore_mem>>)
    %dma_wait3A_2591 = arith.constant 0 : i32
    %dma_wait3A_2592 = tpu.memref_slice %arg3[%multiple_of3A_2346, %dma_wait3A_2591] : memref<49152x512xf32, #tpu.memory_space<hbm>> -> memref<32x512xf32, #tpu.memory_space<hbm>>
    %dma_wait3A_2593 = arith.constant 0 : i32
    %dma_wait3A_2594 = tpu.memref_slice %arg3[%multiple_of3A_2346, %dma_wait3A_2593] : memref<49152x512xf32, #tpu.memory_space<hbm>> -> memref<32x512xf32, #tpu.memory_space<hbm>>
    tpu.wait_dma2 semaphore(%arg16 : memref<!tpu.dma_semaphore, #tpu.memory_space<semaphore_mem>>) src(%dma_wait3A_2594 : memref<32x512xf32, #tpu.memory_space<hbm>>) dst(%arg8 : memref<32x512xf32, #tpu.memory_space<vmem>>)
    %add3A_2595 = arith.constant 4224 : i32
    %add3A_2596 = vector.broadcast %add3A_2595 : i32 to vector<16xi32>
    %add3A_2597 = arith.addi %mul3A_3, %add3A_2596 : vector<16xi32>
    %mul3A_2598 = arith.constant 786432 : i32
    %mul3A_2599 = arith.muli %add3A, %mul3A_2598 : i32
    %add3A_2600 = arith.constant 294912 : i32
    %add3A_2601 = arith.addi %mul3A_2599, %add3A_2600 : i32
    %jit3A_2602 = arith.constant 512 : i32
    %div3A_2603 = arith.divsi %add3A_2601, %jit3A_2602 : i32
    %sign3A_2604 = arith.constant 0 : i32
    %sign3A_2605 = arith.cmpi sgt, %add3A_2601, %sign3A_2604 : i32
    %sign3A_2606 = arith.extui %sign3A_2605 : i1 to i32
    %sign3A_2607 = arith.constant 0 : i32
    %sign3A_2608 = arith.cmpi slt, %add3A_2601, %sign3A_2607 : i32
    %sign3A_2609 = arith.extui %sign3A_2608 : i1 to i32
    %sign3A_2610 = arith.subi %sign3A_2606, %sign3A_2609 : i32
    %sign3A_2611 = arith.constant 0 : i32
    %sign3A_2612 = arith.cmpi sgt, %jit3A_2602, %sign3A_2611 : i32
    %sign3A_2613 = arith.extui %sign3A_2612 : i1 to i32
    %sign3A_2614 = arith.constant 0 : i32
    %sign3A_2615 = arith.cmpi slt, %jit3A_2602, %sign3A_2614 : i32
    %sign3A_2616 = arith.extui %sign3A_2615 : i1 to i32
    %sign3A_2617 = arith.subi %sign3A_2613, %sign3A_2616 : i32
    %ne3A_2618 = arith.cmpi ne, %sign3A_2610, %sign3A_2617 : i32
    %rem3A_2619 = arith.remsi %add3A_2601, %jit3A_2602 : i32
    %ne3A_2620 = arith.constant 0 : i32
    %ne3A_2621 = arith.cmpi ne, %rem3A_2619, %ne3A_2620 : i32
    %and3A_2622 = arith.andi %ne3A_2618, %ne3A_2621 : i1
    %sub3A_2623 = arith.constant 1 : i32
    %sub3A_2624 = arith.subi %div3A_2603, %sub3A_2623 : i32
    %select_n3A_2625 = arith.select %and3A_2622, %sub3A_2624, %div3A_2603 : i32
    %multiple_of3A_2626 = tpu.assume_multiple %select_n3A_2625, 8 : i32
    %dma_start3A_2627 = arith.constant 0 : i32
    %dma_start3A_2628 = tpu.memref_slice %arg3[%multiple_of3A_2626, %dma_start3A_2627] : memref<49152x512xf32, #tpu.memory_space<hbm>> -> memref<32x512xf32, #tpu.memory_space<hbm>>
    %dma_start3A_2629 = arith.constant 0 : i32
    %dma_start3A_2630 = tpu.memref_slice %arg3[%multiple_of3A_2626, %dma_start3A_2629] : memref<49152x512xf32, #tpu.memory_space<hbm>> -> memref<32x512xf32, #tpu.memory_space<hbm>>
    tpu.enqueue_dma source(%dma_start3A_2630 : memref<32x512xf32, #tpu.memory_space<hbm>>) target(%arg8 : memref<32x512xf32, #tpu.memory_space<vmem>>) target_semaphore(%arg16 : memref<!tpu.dma_semaphore, #tpu.memory_space<semaphore_mem>>)
    %dma_wait3A_2631 = arith.constant 0 : i32
    %dma_wait3A_2632 = tpu.memref_slice %arg3[%multiple_of3A_2386, %dma_wait3A_2631] : memref<49152x512xf32, #tpu.memory_space<hbm>> -> memref<32x512xf32, #tpu.memory_space<hbm>>
    %dma_wait3A_2633 = arith.constant 0 : i32
    %dma_wait3A_2634 = tpu.memref_slice %arg3[%multiple_of3A_2386, %dma_wait3A_2633] : memref<49152x512xf32, #tpu.memory_space<hbm>> -> memref<32x512xf32, #tpu.memory_space<hbm>>
    tpu.wait_dma2 semaphore(%arg17 : memref<!tpu.dma_semaphore, #tpu.memory_space<semaphore_mem>>) src(%dma_wait3A_2634 : memref<32x512xf32, #tpu.memory_space<hbm>>) dst(%arg9 : memref<32x512xf32, #tpu.memory_space<vmem>>)
    %add3A_2635 = arith.constant 4224 : i32
    %add3A_2636 = vector.broadcast %add3A_2635 : i32 to vector<16xi32>
    %add3A_2637 = arith.addi %mul3A_3, %add3A_2636 : vector<16xi32>
    %mul3A_2638 = arith.constant 786432 : i32
    %mul3A_2639 = arith.muli %add3A, %mul3A_2638 : i32
    %add3A_2640 = arith.constant 311296 : i32
    %add3A_2641 = arith.addi %mul3A_2639, %add3A_2640 : i32
    %jit3A_2642 = arith.constant 512 : i32
    %div3A_2643 = arith.divsi %add3A_2641, %jit3A_2642 : i32
    %sign3A_2644 = arith.constant 0 : i32
    %sign3A_2645 = arith.cmpi sgt, %add3A_2641, %sign3A_2644 : i32
    %sign3A_2646 = arith.extui %sign3A_2645 : i1 to i32
    %sign3A_2647 = arith.constant 0 : i32
    %sign3A_2648 = arith.cmpi slt, %add3A_2641, %sign3A_2647 : i32
    %sign3A_2649 = arith.extui %sign3A_2648 : i1 to i32
    %sign3A_2650 = arith.subi %sign3A_2646, %sign3A_2649 : i32
    %sign3A_2651 = arith.constant 0 : i32
    %sign3A_2652 = arith.cmpi sgt, %jit3A_2642, %sign3A_2651 : i32
    %sign3A_2653 = arith.extui %sign3A_2652 : i1 to i32
    %sign3A_2654 = arith.constant 0 : i32
    %sign3A_2655 = arith.cmpi slt, %jit3A_2642, %sign3A_2654 : i32
    %sign3A_2656 = arith.extui %sign3A_2655 : i1 to i32
    %sign3A_2657 = arith.subi %sign3A_2653, %sign3A_2656 : i32
    %ne3A_2658 = arith.cmpi ne, %sign3A_2650, %sign3A_2657 : i32
    %rem3A_2659 = arith.remsi %add3A_2641, %jit3A_2642 : i32
    %ne3A_2660 = arith.constant 0 : i32
    %ne3A_2661 = arith.cmpi ne, %rem3A_2659, %ne3A_2660 : i32
    %and3A_2662 = arith.andi %ne3A_2658, %ne3A_2661 : i1
    %sub3A_2663 = arith.constant 1 : i32
    %sub3A_2664 = arith.subi %div3A_2643, %sub3A_2663 : i32
    %select_n3A_2665 = arith.select %and3A_2662, %sub3A_2664, %div3A_2643 : i32
    %multiple_of3A_2666 = tpu.assume_multiple %select_n3A_2665, 8 : i32
    %dma_start3A_2667 = arith.constant 0 : i32
    %dma_start3A_2668 = tpu.memref_slice %arg3[%multiple_of3A_2666, %dma_start3A_2667] : memref<49152x512xf32, #tpu.memory_space<hbm>> -> memref<32x512xf32, #tpu.memory_space<hbm>>
    %dma_start3A_2669 = arith.constant 0 : i32
    %dma_start3A_2670 = tpu.memref_slice %arg3[%multiple_of3A_2666, %dma_start3A_2669] : memref<49152x512xf32, #tpu.memory_space<hbm>> -> memref<32x512xf32, #tpu.memory_space<hbm>>
    tpu.enqueue_dma source(%dma_start3A_2670 : memref<32x512xf32, #tpu.memory_space<hbm>>) target(%arg9 : memref<32x512xf32, #tpu.memory_space<vmem>>) target_semaphore(%arg17 : memref<!tpu.dma_semaphore, #tpu.memory_space<semaphore_mem>>)
    %dma_wait3A_2671 = arith.constant 0 : i32
    %dma_wait3A_2672 = tpu.memref_slice %arg3[%multiple_of3A_2426, %dma_wait3A_2671] : memref<49152x512xf32, #tpu.memory_space<hbm>> -> memref<32x512xf32, #tpu.memory_space<hbm>>
    %dma_wait3A_2673 = arith.constant 0 : i32
    %dma_wait3A_2674 = tpu.memref_slice %arg3[%multiple_of3A_2426, %dma_wait3A_2673] : memref<49152x512xf32, #tpu.memory_space<hbm>> -> memref<32x512xf32, #tpu.memory_space<hbm>>
    tpu.wait_dma2 semaphore(%arg18 : memref<!tpu.dma_semaphore, #tpu.memory_space<semaphore_mem>>) src(%dma_wait3A_2674 : memref<32x512xf32, #tpu.memory_space<hbm>>) dst(%arg10 : memref<32x512xf32, #tpu.memory_space<vmem>>)
    %add3A_2675 = arith.constant 4224 : i32
    %add3A_2676 = vector.broadcast %add3A_2675 : i32 to vector<16xi32>
    %add3A_2677 = arith.addi %mul3A_3, %add3A_2676 : vector<16xi32>
    %mul3A_2678 = arith.constant 786432 : i32
    %mul3A_2679 = arith.muli %add3A, %mul3A_2678 : i32
    %add3A_2680 = arith.constant 327680 : i32
    %add3A_2681 = arith.addi %mul3A_2679, %add3A_2680 : i32
    %jit3A_2682 = arith.constant 512 : i32
    %div3A_2683 = arith.divsi %add3A_2681, %jit3A_2682 : i32
    %sign3A_2684 = arith.constant 0 : i32
    %sign3A_2685 = arith.cmpi sgt, %add3A_2681, %sign3A_2684 : i32
    %sign3A_2686 = arith.extui %sign3A_2685 : i1 to i32
    %sign3A_2687 = arith.constant 0 : i32
    %sign3A_2688 = arith.cmpi slt, %add3A_2681, %sign3A_2687 : i32
    %sign3A_2689 = arith.extui %sign3A_2688 : i1 to i32
    %sign3A_2690 = arith.subi %sign3A_2686, %sign3A_2689 : i32
    %sign3A_2691 = arith.constant 0 : i32
    %sign3A_2692 = arith.cmpi sgt, %jit3A_2682, %sign3A_2691 : i32
    %sign3A_2693 = arith.extui %sign3A_2692 : i1 to i32
    %sign3A_2694 = arith.constant 0 : i32
    %sign3A_2695 = arith.cmpi slt, %jit3A_2682, %sign3A_2694 : i32
    %sign3A_2696 = arith.extui %sign3A_2695 : i1 to i32
    %sign3A_2697 = arith.subi %sign3A_2693, %sign3A_2696 : i32
    %ne3A_2698 = arith.cmpi ne, %sign3A_2690, %sign3A_2697 : i32
    %rem3A_2699 = arith.remsi %add3A_2681, %jit3A_2682 : i32
    %ne3A_2700 = arith.constant 0 : i32
    %ne3A_2701 = arith.cmpi ne, %rem3A_2699, %ne3A_2700 : i32
    %and3A_2702 = arith.andi %ne3A_2698, %ne3A_2701 : i1
    %sub3A_2703 = arith.constant 1 : i32
    %sub3A_2704 = arith.subi %div3A_2683, %sub3A_2703 : i32
    %select_n3A_2705 = arith.select %and3A_2702, %sub3A_2704, %div3A_2683 : i32
    %multiple_of3A_2706 = tpu.assume_multiple %select_n3A_2705, 8 : i32
    %dma_start3A_2707 = arith.constant 0 : i32
    %dma_start3A_2708 = tpu.memref_slice %arg3[%multiple_of3A_2706, %dma_start3A_2707] : memref<49152x512xf32, #tpu.memory_space<hbm>> -> memref<32x512xf32, #tpu.memory_space<hbm>>
    %dma_start3A_2709 = arith.constant 0 : i32
    %dma_start3A_2710 = tpu.memref_slice %arg3[%multiple_of3A_2706, %dma_start3A_2709] : memref<49152x512xf32, #tpu.memory_space<hbm>> -> memref<32x512xf32, #tpu.memory_space<hbm>>
    tpu.enqueue_dma source(%dma_start3A_2710 : memref<32x512xf32, #tpu.memory_space<hbm>>) target(%arg10 : memref<32x512xf32, #tpu.memory_space<vmem>>) target_semaphore(%arg18 : memref<!tpu.dma_semaphore, #tpu.memory_space<semaphore_mem>>)
    %dma_wait3A_2711 = arith.constant 0 : i32
    %dma_wait3A_2712 = tpu.memref_slice %arg3[%multiple_of3A_2466, %dma_wait3A_2711] : memref<49152x512xf32, #tpu.memory_space<hbm>> -> memref<32x512xf32, #tpu.memory_space<hbm>>
    %dma_wait3A_2713 = arith.constant 0 : i32
    %dma_wait3A_2714 = tpu.memref_slice %arg3[%multiple_of3A_2466, %dma_wait3A_2713] : memref<49152x512xf32, #tpu.memory_space<hbm>> -> memref<32x512xf32, #tpu.memory_space<hbm>>
    tpu.wait_dma2 semaphore(%arg19 : memref<!tpu.dma_semaphore, #tpu.memory_space<semaphore_mem>>) src(%dma_wait3A_2714 : memref<32x512xf32, #tpu.memory_space<hbm>>) dst(%arg11 : memref<32x512xf32, #tpu.memory_space<vmem>>)
    %add3A_2715 = arith.constant 4224 : i32
    %add3A_2716 = vector.broadcast %add3A_2715 : i32 to vector<16xi32>
    %add3A_2717 = arith.addi %mul3A_3, %add3A_2716 : vector<16xi32>
    %mul3A_2718 = arith.constant 786432 : i32
    %mul3A_2719 = arith.muli %add3A, %mul3A_2718 : i32
    %add3A_2720 = arith.constant 344064 : i32
    %add3A_2721 = arith.addi %mul3A_2719, %add3A_2720 : i32
    %jit3A_2722 = arith.constant 512 : i32
    %div3A_2723 = arith.divsi %add3A_2721, %jit3A_2722 : i32
    %sign3A_2724 = arith.constant 0 : i32
    %sign3A_2725 = arith.cmpi sgt, %add3A_2721, %sign3A_2724 : i32
    %sign3A_2726 = arith.extui %sign3A_2725 : i1 to i32
    %sign3A_2727 = arith.constant 0 : i32
    %sign3A_2728 = arith.cmpi slt, %add3A_2721, %sign3A_2727 : i32
    %sign3A_2729 = arith.extui %sign3A_2728 : i1 to i32
    %sign3A_2730 = arith.subi %sign3A_2726, %sign3A_2729 : i32
    %sign3A_2731 = arith.constant 0 : i32
    %sign3A_2732 = arith.cmpi sgt, %jit3A_2722, %sign3A_2731 : i32
    %sign3A_2733 = arith.extui %sign3A_2732 : i1 to i32
    %sign3A_2734 = arith.constant 0 : i32
    %sign3A_2735 = arith.cmpi slt, %jit3A_2722, %sign3A_2734 : i32
    %sign3A_2736 = arith.extui %sign3A_2735 : i1 to i32
    %sign3A_2737 = arith.subi %sign3A_2733, %sign3A_2736 : i32
    %ne3A_2738 = arith.cmpi ne, %sign3A_2730, %sign3A_2737 : i32
    %rem3A_2739 = arith.remsi %add3A_2721, %jit3A_2722 : i32
    %ne3A_2740 = arith.constant 0 : i32
    %ne3A_2741 = arith.cmpi ne, %rem3A_2739, %ne3A_2740 : i32
    %and3A_2742 = arith.andi %ne3A_2738, %ne3A_2741 : i1
    %sub3A_2743 = arith.constant 1 : i32
    %sub3A_2744 = arith.subi %div3A_2723, %sub3A_2743 : i32
    %select_n3A_2745 = arith.select %and3A_2742, %sub3A_2744, %div3A_2723 : i32
    %multiple_of3A_2746 = tpu.assume_multiple %select_n3A_2745, 8 : i32
    %dma_start3A_2747 = arith.constant 0 : i32
    %dma_start3A_2748 = tpu.memref_slice %arg3[%multiple_of3A_2746, %dma_start3A_2747] : memref<49152x512xf32, #tpu.memory_space<hbm>> -> memref<32x512xf32, #tpu.memory_space<hbm>>
    %dma_start3A_2749 = arith.constant 0 : i32
    %dma_start3A_2750 = tpu.memref_slice %arg3[%multiple_of3A_2746, %dma_start3A_2749] : memref<49152x512xf32, #tpu.memory_space<hbm>> -> memref<32x512xf32, #tpu.memory_space<hbm>>
    tpu.enqueue_dma source(%dma_start3A_2750 : memref<32x512xf32, #tpu.memory_space<hbm>>) target(%arg11 : memref<32x512xf32, #tpu.memory_space<vmem>>) target_semaphore(%arg19 : memref<!tpu.dma_semaphore, #tpu.memory_space<semaphore_mem>>)
    %dma_wait3A_2751 = arith.constant 0 : i32
    %dma_wait3A_2752 = tpu.memref_slice %arg3[%multiple_of3A_2506, %dma_wait3A_2751] : memref<49152x512xf32, #tpu.memory_space<hbm>> -> memref<32x512xf32, #tpu.memory_space<hbm>>
    %dma_wait3A_2753 = arith.constant 0 : i32
    %dma_wait3A_2754 = tpu.memref_slice %arg3[%multiple_of3A_2506, %dma_wait3A_2753] : memref<49152x512xf32, #tpu.memory_space<hbm>> -> memref<32x512xf32, #tpu.memory_space<hbm>>
    tpu.wait_dma2 semaphore(%arg13 : memref<!tpu.dma_semaphore, #tpu.memory_space<semaphore_mem>>) src(%dma_wait3A_2754 : memref<32x512xf32, #tpu.memory_space<hbm>>) dst(%arg5 : memref<32x512xf32, #tpu.memory_space<vmem>>)
    %add3A_2755 = arith.constant 4224 : i32
    %add3A_2756 = vector.broadcast %add3A_2755 : i32 to vector<16xi32>
    %add3A_2757 = arith.addi %mul3A_3, %add3A_2756 : vector<16xi32>
    %mul3A_2758 = arith.constant 786432 : i32
    %mul3A_2759 = arith.muli %add3A, %mul3A_2758 : i32
    %add3A_2760 = arith.constant 360448 : i32
    %add3A_2761 = arith.addi %mul3A_2759, %add3A_2760 : i32
    %jit3A_2762 = arith.constant 512 : i32
    %div3A_2763 = arith.divsi %add3A_2761, %jit3A_2762 : i32
    %sign3A_2764 = arith.constant 0 : i32
    %sign3A_2765 = arith.cmpi sgt, %add3A_2761, %sign3A_2764 : i32
    %sign3A_2766 = arith.extui %sign3A_2765 : i1 to i32
    %sign3A_2767 = arith.constant 0 : i32
    %sign3A_2768 = arith.cmpi slt, %add3A_2761, %sign3A_2767 : i32
    %sign3A_2769 = arith.extui %sign3A_2768 : i1 to i32
    %sign3A_2770 = arith.subi %sign3A_2766, %sign3A_2769 : i32
    %sign3A_2771 = arith.constant 0 : i32
    %sign3A_2772 = arith.cmpi sgt, %jit3A_2762, %sign3A_2771 : i32
    %sign3A_2773 = arith.extui %sign3A_2772 : i1 to i32
    %sign3A_2774 = arith.constant 0 : i32
    %sign3A_2775 = arith.cmpi slt, %jit3A_2762, %sign3A_2774 : i32
    %sign3A_2776 = arith.extui %sign3A_2775 : i1 to i32
    %sign3A_2777 = arith.subi %sign3A_2773, %sign3A_2776 : i32
    %ne3A_2778 = arith.cmpi ne, %sign3A_2770, %sign3A_2777 : i32
    %rem3A_2779 = arith.remsi %add3A_2761, %jit3A_2762 : i32
    %ne3A_2780 = arith.constant 0 : i32
    %ne3A_2781 = arith.cmpi ne, %rem3A_2779, %ne3A_2780 : i32
    %and3A_2782 = arith.andi %ne3A_2778, %ne3A_2781 : i1
    %sub3A_2783 = arith.constant 1 : i32
    %sub3A_2784 = arith.subi %div3A_2763, %sub3A_2783 : i32
    %select_n3A_2785 = arith.select %and3A_2782, %sub3A_2784, %div3A_2763 : i32
    %multiple_of3A_2786 = tpu.assume_multiple %select_n3A_2785, 8 : i32
    %dma_start3A_2787 = arith.constant 0 : i32
    %dma_start3A_2788 = tpu.memref_slice %arg3[%multiple_of3A_2786, %dma_start3A_2787] : memref<49152x512xf32, #tpu.memory_space<hbm>> -> memref<32x512xf32, #tpu.memory_space<hbm>>
    %dma_start3A_2789 = arith.constant 0 : i32
    %dma_start3A_2790 = tpu.memref_slice %arg3[%multiple_of3A_2786, %dma_start3A_2789] : memref<49152x512xf32, #tpu.memory_space<hbm>> -> memref<32x512xf32, #tpu.memory_space<hbm>>
    tpu.enqueue_dma source(%dma_start3A_2790 : memref<32x512xf32, #tpu.memory_space<hbm>>) target(%arg5 : memref<32x512xf32, #tpu.memory_space<vmem>>) target_semaphore(%arg13 : memref<!tpu.dma_semaphore, #tpu.memory_space<semaphore_mem>>)
    %dma_wait3A_2791 = arith.constant 0 : i32
    %dma_wait3A_2792 = tpu.memref_slice %arg3[%multiple_of3A_2546, %dma_wait3A_2791] : memref<49152x512xf32, #tpu.memory_space<hbm>> -> memref<32x512xf32, #tpu.memory_space<hbm>>
    %dma_wait3A_2793 = arith.constant 0 : i32
    %dma_wait3A_2794 = tpu.memref_slice %arg3[%multiple_of3A_2546, %dma_wait3A_2793] : memref<49152x512xf32, #tpu.memory_space<hbm>> -> memref<32x512xf32, #tpu.memory_space<hbm>>
    tpu.wait_dma2 semaphore(%arg14 : memref<!tpu.dma_semaphore, #tpu.memory_space<semaphore_mem>>) src(%dma_wait3A_2794 : memref<32x512xf32, #tpu.memory_space<hbm>>) dst(%arg6 : memref<32x512xf32, #tpu.memory_space<vmem>>)
    %add3A_2795 = arith.constant 4224 : i32
    %add3A_2796 = vector.broadcast %add3A_2795 : i32 to vector<16xi32>
    %add3A_2797 = arith.addi %mul3A_3, %add3A_2796 : vector<16xi32>
    %mul3A_2798 = arith.constant 786432 : i32
    %mul3A_2799 = arith.muli %add3A, %mul3A_2798 : i32
    %add3A_2800 = arith.constant 376832 : i32
    %add3A_2801 = arith.addi %mul3A_2799, %add3A_2800 : i32
    %jit3A_2802 = arith.constant 512 : i32
    %div3A_2803 = arith.divsi %add3A_2801, %jit3A_2802 : i32
    %sign3A_2804 = arith.constant 0 : i32
    %sign3A_2805 = arith.cmpi sgt, %add3A_2801, %sign3A_2804 : i32
    %sign3A_2806 = arith.extui %sign3A_2805 : i1 to i32
    %sign3A_2807 = arith.constant 0 : i32
    %sign3A_2808 = arith.cmpi slt, %add3A_2801, %sign3A_2807 : i32
    %sign3A_2809 = arith.extui %sign3A_2808 : i1 to i32
    %sign3A_2810 = arith.subi %sign3A_2806, %sign3A_2809 : i32
    %sign3A_2811 = arith.constant 0 : i32
    %sign3A_2812 = arith.cmpi sgt, %jit3A_2802, %sign3A_2811 : i32
    %sign3A_2813 = arith.extui %sign3A_2812 : i1 to i32
    %sign3A_2814 = arith.constant 0 : i32
    %sign3A_2815 = arith.cmpi slt, %jit3A_2802, %sign3A_2814 : i32
    %sign3A_2816 = arith.extui %sign3A_2815 : i1 to i32
    %sign3A_2817 = arith.subi %sign3A_2813, %sign3A_2816 : i32
    %ne3A_2818 = arith.cmpi ne, %sign3A_2810, %sign3A_2817 : i32
    %rem3A_2819 = arith.remsi %add3A_2801, %jit3A_2802 : i32
    %ne3A_2820 = arith.constant 0 : i32
    %ne3A_2821 = arith.cmpi ne, %rem3A_2819, %ne3A_2820 : i32
    %and3A_2822 = arith.andi %ne3A_2818, %ne3A_2821 : i1
    %sub3A_2823 = arith.constant 1 : i32
    %sub3A_2824 = arith.subi %div3A_2803, %sub3A_2823 : i32
    %select_n3A_2825 = arith.select %and3A_2822, %sub3A_2824, %div3A_2803 : i32
    %multiple_of3A_2826 = tpu.assume_multiple %select_n3A_2825, 8 : i32
    %dma_start3A_2827 = arith.constant 0 : i32
    %dma_start3A_2828 = tpu.memref_slice %arg3[%multiple_of3A_2826, %dma_start3A_2827] : memref<49152x512xf32, #tpu.memory_space<hbm>> -> memref<32x512xf32, #tpu.memory_space<hbm>>
    %dma_start3A_2829 = arith.constant 0 : i32
    %dma_start3A_2830 = tpu.memref_slice %arg3[%multiple_of3A_2826, %dma_start3A_2829] : memref<49152x512xf32, #tpu.memory_space<hbm>> -> memref<32x512xf32, #tpu.memory_space<hbm>>
    tpu.enqueue_dma source(%dma_start3A_2830 : memref<32x512xf32, #tpu.memory_space<hbm>>) target(%arg6 : memref<32x512xf32, #tpu.memory_space<vmem>>) target_semaphore(%arg14 : memref<!tpu.dma_semaphore, #tpu.memory_space<semaphore_mem>>)
    %dma_wait3A_2831 = arith.constant 0 : i32
    %dma_wait3A_2832 = tpu.memref_slice %arg3[%multiple_of3A_2586, %dma_wait3A_2831] : memref<49152x512xf32, #tpu.memory_space<hbm>> -> memref<32x512xf32, #tpu.memory_space<hbm>>
    %dma_wait3A_2833 = arith.constant 0 : i32
    %dma_wait3A_2834 = tpu.memref_slice %arg3[%multiple_of3A_2586, %dma_wait3A_2833] : memref<49152x512xf32, #tpu.memory_space<hbm>> -> memref<32x512xf32, #tpu.memory_space<hbm>>
    tpu.wait_dma2 semaphore(%arg15 : memref<!tpu.dma_semaphore, #tpu.memory_space<semaphore_mem>>) src(%dma_wait3A_2834 : memref<32x512xf32, #tpu.memory_space<hbm>>) dst(%arg7 : memref<32x512xf32, #tpu.memory_space<vmem>>)
    %add3A_2835 = arith.constant 4224 : i32
    %add3A_2836 = vector.broadcast %add3A_2835 : i32 to vector<16xi32>
    %add3A_2837 = arith.addi %mul3A_3, %add3A_2836 : vector<16xi32>
    %mul3A_2838 = arith.constant 786432 : i32
    %mul3A_2839 = arith.muli %add3A, %mul3A_2838 : i32
    %add3A_2840 = arith.constant 393216 : i32
    %add3A_2841 = arith.addi %mul3A_2839, %add3A_2840 : i32
    %jit3A_2842 = arith.constant 512 : i32
    %div3A_2843 = arith.divsi %add3A_2841, %jit3A_2842 : i32
    %sign3A_2844 = arith.constant 0 : i32
    %sign3A_2845 = arith.cmpi sgt, %add3A_2841, %sign3A_2844 : i32
    %sign3A_2846 = arith.extui %sign3A_2845 : i1 to i32
    %sign3A_2847 = arith.constant 0 : i32
    %sign3A_2848 = arith.cmpi slt, %add3A_2841, %sign3A_2847 : i32
    %sign3A_2849 = arith.extui %sign3A_2848 : i1 to i32
    %sign3A_2850 = arith.subi %sign3A_2846, %sign3A_2849 : i32
    %sign3A_2851 = arith.constant 0 : i32
    %sign3A_2852 = arith.cmpi sgt, %jit3A_2842, %sign3A_2851 : i32
    %sign3A_2853 = arith.extui %sign3A_2852 : i1 to i32
    %sign3A_2854 = arith.constant 0 : i32
    %sign3A_2855 = arith.cmpi slt, %jit3A_2842, %sign3A_2854 : i32
    %sign3A_2856 = arith.extui %sign3A_2855 : i1 to i32
    %sign3A_2857 = arith.subi %sign3A_2853, %sign3A_2856 : i32
    %ne3A_2858 = arith.cmpi ne, %sign3A_2850, %sign3A_2857 : i32
    %rem3A_2859 = arith.remsi %add3A_2841, %jit3A_2842 : i32
    %ne3A_2860 = arith.constant 0 : i32
    %ne3A_2861 = arith.cmpi ne, %rem3A_2859, %ne3A_2860 : i32
    %and3A_2862 = arith.andi %ne3A_2858, %ne3A_2861 : i1
    %sub3A_2863 = arith.constant 1 : i32
    %sub3A_2864 = arith.subi %div3A_2843, %sub3A_2863 : i32
    %select_n3A_2865 = arith.select %and3A_2862, %sub3A_2864, %div3A_2843 : i32
    %multiple_of3A_2866 = tpu.assume_multiple %select_n3A_2865, 8 : i32
    %dma_start3A_2867 = arith.constant 0 : i32
    %dma_start3A_2868 = tpu.memref_slice %arg3[%multiple_of3A_2866, %dma_start3A_2867] : memref<49152x512xf32, #tpu.memory_space<hbm>> -> memref<32x512xf32, #tpu.memory_space<hbm>>
    %dma_start3A_2869 = arith.constant 0 : i32
    %dma_start3A_2870 = tpu.memref_slice %arg3[%multiple_of3A_2866, %dma_start3A_2869] : memref<49152x512xf32, #tpu.memory_space<hbm>> -> memref<32x512xf32, #tpu.memory_space<hbm>>
    tpu.enqueue_dma source(%dma_start3A_2870 : memref<32x512xf32, #tpu.memory_space<hbm>>) target(%arg7 : memref<32x512xf32, #tpu.memory_space<vmem>>) target_semaphore(%arg15 : memref<!tpu.dma_semaphore, #tpu.memory_space<semaphore_mem>>)
    %dma_wait3A_2871 = arith.constant 0 : i32
    %dma_wait3A_2872 = tpu.memref_slice %arg3[%multiple_of3A_2626, %dma_wait3A_2871] : memref<49152x512xf32, #tpu.memory_space<hbm>> -> memref<32x512xf32, #tpu.memory_space<hbm>>
    %dma_wait3A_2873 = arith.constant 0 : i32
    %dma_wait3A_2874 = tpu.memref_slice %arg3[%multiple_of3A_2626, %dma_wait3A_2873] : memref<49152x512xf32, #tpu.memory_space<hbm>> -> memref<32x512xf32, #tpu.memory_space<hbm>>
    tpu.wait_dma2 semaphore(%arg16 : memref<!tpu.dma_semaphore, #tpu.memory_space<semaphore_mem>>) src(%dma_wait3A_2874 : memref<32x512xf32, #tpu.memory_space<hbm>>) dst(%arg8 : memref<32x512xf32, #tpu.memory_space<vmem>>)
    %add3A_2875 = arith.constant 4224 : i32
    %add3A_2876 = vector.broadcast %add3A_2875 : i32 to vector<16xi32>
    %add3A_2877 = arith.addi %mul3A_3, %add3A_2876 : vector<16xi32>
    %mul3A_2878 = arith.constant 786432 : i32
    %mul3A_2879 = arith.muli %add3A, %mul3A_2878 : i32
    %add3A_2880 = arith.constant 409600 : i32
    %add3A_2881 = arith.addi %mul3A_2879, %add3A_2880 : i32
    %jit3A_2882 = arith.constant 512 : i32
    %div3A_2883 = arith.divsi %add3A_2881, %jit3A_2882 : i32
    %sign3A_2884 = arith.constant 0 : i32
    %sign3A_2885 = arith.cmpi sgt, %add3A_2881, %sign3A_2884 : i32
    %sign3A_2886 = arith.extui %sign3A_2885 : i1 to i32
    %sign3A_2887 = arith.constant 0 : i32
    %sign3A_2888 = arith.cmpi slt, %add3A_2881, %sign3A_2887 : i32
    %sign3A_2889 = arith.extui %sign3A_2888 : i1 to i32
    %sign3A_2890 = arith.subi %sign3A_2886, %sign3A_2889 : i32
    %sign3A_2891 = arith.constant 0 : i32
    %sign3A_2892 = arith.cmpi sgt, %jit3A_2882, %sign3A_2891 : i32
    %sign3A_2893 = arith.extui %sign3A_2892 : i1 to i32
    %sign3A_2894 = arith.constant 0 : i32
    %sign3A_2895 = arith.cmpi slt, %jit3A_2882, %sign3A_2894 : i32
    %sign3A_2896 = arith.extui %sign3A_2895 : i1 to i32
    %sign3A_2897 = arith.subi %sign3A_2893, %sign3A_2896 : i32
    %ne3A_2898 = arith.cmpi ne, %sign3A_2890, %sign3A_2897 : i32
    %rem3A_2899 = arith.remsi %add3A_2881, %jit3A_2882 : i32
    %ne3A_2900 = arith.constant 0 : i32
    %ne3A_2901 = arith.cmpi ne, %rem3A_2899, %ne3A_2900 : i32
    %and3A_2902 = arith.andi %ne3A_2898, %ne3A_2901 : i1
    %sub3A_2903 = arith.constant 1 : i32
    %sub3A_2904 = arith.subi %div3A_2883, %sub3A_2903 : i32
    %select_n3A_2905 = arith.select %and3A_2902, %sub3A_2904, %div3A_2883 : i32
    %multiple_of3A_2906 = tpu.assume_multiple %select_n3A_2905, 8 : i32
    %dma_start3A_2907 = arith.constant 0 : i32
    %dma_start3A_2908 = tpu.memref_slice %arg3[%multiple_of3A_2906, %dma_start3A_2907] : memref<49152x512xf32, #tpu.memory_space<hbm>> -> memref<32x512xf32, #tpu.memory_space<hbm>>
    %dma_start3A_2909 = arith.constant 0 : i32
    %dma_start3A_2910 = tpu.memref_slice %arg3[%multiple_of3A_2906, %dma_start3A_2909] : memref<49152x512xf32, #tpu.memory_space<hbm>> -> memref<32x512xf32, #tpu.memory_space<hbm>>
    tpu.enqueue_dma source(%dma_start3A_2910 : memref<32x512xf32, #tpu.memory_space<hbm>>) target(%arg8 : memref<32x512xf32, #tpu.memory_space<vmem>>) target_semaphore(%arg16 : memref<!tpu.dma_semaphore, #tpu.memory_space<semaphore_mem>>)
    %dma_wait3A_2911 = arith.constant 0 : i32
    %dma_wait3A_2912 = tpu.memref_slice %arg3[%multiple_of3A_2666, %dma_wait3A_2911] : memref<49152x512xf32, #tpu.memory_space<hbm>> -> memref<32x512xf32, #tpu.memory_space<hbm>>
    %dma_wait3A_2913 = arith.constant 0 : i32
    %dma_wait3A_2914 = tpu.memref_slice %arg3[%multiple_of3A_2666, %dma_wait3A_2913] : memref<49152x512xf32, #tpu.memory_space<hbm>> -> memref<32x512xf32, #tpu.memory_space<hbm>>
    tpu.wait_dma2 semaphore(%arg17 : memref<!tpu.dma_semaphore, #tpu.memory_space<semaphore_mem>>) src(%dma_wait3A_2914 : memref<32x512xf32, #tpu.memory_space<hbm>>) dst(%arg9 : memref<32x512xf32, #tpu.memory_space<vmem>>)
    %add3A_2915 = arith.constant 4224 : i32
    %add3A_2916 = vector.broadcast %add3A_2915 : i32 to vector<16xi32>
    %add3A_2917 = arith.addi %mul3A_3, %add3A_2916 : vector<16xi32>
    %mul3A_2918 = arith.constant 786432 : i32
    %mul3A_2919 = arith.muli %add3A, %mul3A_2918 : i32
    %add3A_2920 = arith.constant 425984 : i32
    %add3A_2921 = arith.addi %mul3A_2919, %add3A_2920 : i32
    %jit3A_2922 = arith.constant 512 : i32
    %div3A_2923 = arith.divsi %add3A_2921, %jit3A_2922 : i32
    %sign3A_2924 = arith.constant 0 : i32
    %sign3A_2925 = arith.cmpi sgt, %add3A_2921, %sign3A_2924 : i32
    %sign3A_2926 = arith.extui %sign3A_2925 : i1 to i32
    %sign3A_2927 = arith.constant 0 : i32
    %sign3A_2928 = arith.cmpi slt, %add3A_2921, %sign3A_2927 : i32
    %sign3A_2929 = arith.extui %sign3A_2928 : i1 to i32
    %sign3A_2930 = arith.subi %sign3A_2926, %sign3A_2929 : i32
    %sign3A_2931 = arith.constant 0 : i32
    %sign3A_2932 = arith.cmpi sgt, %jit3A_2922, %sign3A_2931 : i32
    %sign3A_2933 = arith.extui %sign3A_2932 : i1 to i32
    %sign3A_2934 = arith.constant 0 : i32
    %sign3A_2935 = arith.cmpi slt, %jit3A_2922, %sign3A_2934 : i32
    %sign3A_2936 = arith.extui %sign3A_2935 : i1 to i32
    %sign3A_2937 = arith.subi %sign3A_2933, %sign3A_2936 : i32
    %ne3A_2938 = arith.cmpi ne, %sign3A_2930, %sign3A_2937 : i32
    %rem3A_2939 = arith.remsi %add3A_2921, %jit3A_2922 : i32
    %ne3A_2940 = arith.constant 0 : i32
    %ne3A_2941 = arith.cmpi ne, %rem3A_2939, %ne3A_2940 : i32
    %and3A_2942 = arith.andi %ne3A_2938, %ne3A_2941 : i1
    %sub3A_2943 = arith.constant 1 : i32
    %sub3A_2944 = arith.subi %div3A_2923, %sub3A_2943 : i32
    %select_n3A_2945 = arith.select %and3A_2942, %sub3A_2944, %div3A_2923 : i32
    %multiple_of3A_2946 = tpu.assume_multiple %select_n3A_2945, 8 : i32
    %dma_start3A_2947 = arith.constant 0 : i32
    %dma_start3A_2948 = tpu.memref_slice %arg3[%multiple_of3A_2946, %dma_start3A_2947] : memref<49152x512xf32, #tpu.memory_space<hbm>> -> memref<32x512xf32, #tpu.memory_space<hbm>>
    %dma_start3A_2949 = arith.constant 0 : i32
    %dma_start3A_2950 = tpu.memref_slice %arg3[%multiple_of3A_2946, %dma_start3A_2949] : memref<49152x512xf32, #tpu.memory_space<hbm>> -> memref<32x512xf32, #tpu.memory_space<hbm>>
    tpu.enqueue_dma source(%dma_start3A_2950 : memref<32x512xf32, #tpu.memory_space<hbm>>) target(%arg9 : memref<32x512xf32, #tpu.memory_space<vmem>>) target_semaphore(%arg17 : memref<!tpu.dma_semaphore, #tpu.memory_space<semaphore_mem>>)
    %dma_wait3A_2951 = arith.constant 0 : i32
    %dma_wait3A_2952 = tpu.memref_slice %arg3[%multiple_of3A_2706, %dma_wait3A_2951] : memref<49152x512xf32, #tpu.memory_space<hbm>> -> memref<32x512xf32, #tpu.memory_space<hbm>>
    %dma_wait3A_2953 = arith.constant 0 : i32
    %dma_wait3A_2954 = tpu.memref_slice %arg3[%multiple_of3A_2706, %dma_wait3A_2953] : memref<49152x512xf32, #tpu.memory_space<hbm>> -> memref<32x512xf32, #tpu.memory_space<hbm>>
    tpu.wait_dma2 semaphore(%arg18 : memref<!tpu.dma_semaphore, #tpu.memory_space<semaphore_mem>>) src(%dma_wait3A_2954 : memref<32x512xf32, #tpu.memory_space<hbm>>) dst(%arg10 : memref<32x512xf32, #tpu.memory_space<vmem>>)
    %add3A_2955 = arith.constant 4224 : i32
    %add3A_2956 = vector.broadcast %add3A_2955 : i32 to vector<16xi32>
    %add3A_2957 = arith.addi %mul3A_3, %add3A_2956 : vector<16xi32>
    %mul3A_2958 = arith.constant 786432 : i32
    %mul3A_2959 = arith.muli %add3A, %mul3A_2958 : i32
    %add3A_2960 = arith.constant 442368 : i32
    %add3A_2961 = arith.addi %mul3A_2959, %add3A_2960 : i32
    %jit3A_2962 = arith.constant 512 : i32
    %div3A_2963 = arith.divsi %add3A_2961, %jit3A_2962 : i32
    %sign3A_2964 = arith.constant 0 : i32
    %sign3A_2965 = arith.cmpi sgt, %add3A_2961, %sign3A_2964 : i32
    %sign3A_2966 = arith.extui %sign3A_2965 : i1 to i32
    %sign3A_2967 = arith.constant 0 : i32
    %sign3A_2968 = arith.cmpi slt, %add3A_2961, %sign3A_2967 : i32
    %sign3A_2969 = arith.extui %sign3A_2968 : i1 to i32
    %sign3A_2970 = arith.subi %sign3A_2966, %sign3A_2969 : i32
    %sign3A_2971 = arith.constant 0 : i32
    %sign3A_2972 = arith.cmpi sgt, %jit3A_2962, %sign3A_2971 : i32
    %sign3A_2973 = arith.extui %sign3A_2972 : i1 to i32
    %sign3A_2974 = arith.constant 0 : i32
    %sign3A_2975 = arith.cmpi slt, %jit3A_2962, %sign3A_2974 : i32
    %sign3A_2976 = arith.extui %sign3A_2975 : i1 to i32
    %sign3A_2977 = arith.subi %sign3A_2973, %sign3A_2976 : i32
    %ne3A_2978 = arith.cmpi ne, %sign3A_2970, %sign3A_2977 : i32
    %rem3A_2979 = arith.remsi %add3A_2961, %jit3A_2962 : i32
    %ne3A_2980 = arith.constant 0 : i32
    %ne3A_2981 = arith.cmpi ne, %rem3A_2979, %ne3A_2980 : i32
    %and3A_2982 = arith.andi %ne3A_2978, %ne3A_2981 : i1
    %sub3A_2983 = arith.constant 1 : i32
    %sub3A_2984 = arith.subi %div3A_2963, %sub3A_2983 : i32
    %select_n3A_2985 = arith.select %and3A_2982, %sub3A_2984, %div3A_2963 : i32
    %multiple_of3A_2986 = tpu.assume_multiple %select_n3A_2985, 8 : i32
    %dma_start3A_2987 = arith.constant 0 : i32
    %dma_start3A_2988 = tpu.memref_slice %arg3[%multiple_of3A_2986, %dma_start3A_2987] : memref<49152x512xf32, #tpu.memory_space<hbm>> -> memref<32x512xf32, #tpu.memory_space<hbm>>
    %dma_start3A_2989 = arith.constant 0 : i32
    %dma_start3A_2990 = tpu.memref_slice %arg3[%multiple_of3A_2986, %dma_start3A_2989] : memref<49152x512xf32, #tpu.memory_space<hbm>> -> memref<32x512xf32, #tpu.memory_space<hbm>>
    tpu.enqueue_dma source(%dma_start3A_2990 : memref<32x512xf32, #tpu.memory_space<hbm>>) target(%arg10 : memref<32x512xf32, #tpu.memory_space<vmem>>) target_semaphore(%arg18 : memref<!tpu.dma_semaphore, #tpu.memory_space<semaphore_mem>>)
    %dma_wait3A_2991 = arith.constant 0 : i32
    %dma_wait3A_2992 = tpu.memref_slice %arg3[%multiple_of3A_2746, %dma_wait3A_2991] : memref<49152x512xf32, #tpu.memory_space<hbm>> -> memref<32x512xf32, #tpu.memory_space<hbm>>
    %dma_wait3A_2993 = arith.constant 0 : i32
    %dma_wait3A_2994 = tpu.memref_slice %arg3[%multiple_of3A_2746, %dma_wait3A_2993] : memref<49152x512xf32, #tpu.memory_space<hbm>> -> memref<32x512xf32, #tpu.memory_space<hbm>>
    tpu.wait_dma2 semaphore(%arg19 : memref<!tpu.dma_semaphore, #tpu.memory_space<semaphore_mem>>) src(%dma_wait3A_2994 : memref<32x512xf32, #tpu.memory_space<hbm>>) dst(%arg11 : memref<32x512xf32, #tpu.memory_space<vmem>>)
    %add3A_2995 = arith.constant 4224 : i32
    %add3A_2996 = vector.broadcast %add3A_2995 : i32 to vector<16xi32>
    %add3A_2997 = arith.addi %mul3A_3, %add3A_2996 : vector<16xi32>
    %mul3A_2998 = arith.constant 786432 : i32
    %mul3A_2999 = arith.muli %add3A, %mul3A_2998 : i32
    %add3A_3000 = arith.constant 458752 : i32
    %add3A_3001 = arith.addi %mul3A_2999, %add3A_3000 : i32
    %jit3A_3002 = arith.constant 512 : i32
    %div3A_3003 = arith.divsi %add3A_3001, %jit3A_3002 : i32
    %sign3A_3004 = arith.constant 0 : i32
    %sign3A_3005 = arith.cmpi sgt, %add3A_3001, %sign3A_3004 : i32
    %sign3A_3006 = arith.extui %sign3A_3005 : i1 to i32
    %sign3A_3007 = arith.constant 0 : i32
    %sign3A_3008 = arith.cmpi slt, %add3A_3001, %sign3A_3007 : i32
    %sign3A_3009 = arith.extui %sign3A_3008 : i1 to i32
    %sign3A_3010 = arith.subi %sign3A_3006, %sign3A_3009 : i32
    %sign3A_3011 = arith.constant 0 : i32
    %sign3A_3012 = arith.cmpi sgt, %jit3A_3002, %sign3A_3011 : i32
    %sign3A_3013 = arith.extui %sign3A_3012 : i1 to i32
    %sign3A_3014 = arith.constant 0 : i32
    %sign3A_3015 = arith.cmpi slt, %jit3A_3002, %sign3A_3014 : i32
    %sign3A_3016 = arith.extui %sign3A_3015 : i1 to i32
    %sign3A_3017 = arith.subi %sign3A_3013, %sign3A_3016 : i32
    %ne3A_3018 = arith.cmpi ne, %sign3A_3010, %sign3A_3017 : i32
    %rem3A_3019 = arith.remsi %add3A_3001, %jit3A_3002 : i32
    %ne3A_3020 = arith.constant 0 : i32
    %ne3A_3021 = arith.cmpi ne, %rem3A_3019, %ne3A_3020 : i32
    %and3A_3022 = arith.andi %ne3A_3018, %ne3A_3021 : i1
    %sub3A_3023 = arith.constant 1 : i32
    %sub3A_3024 = arith.subi %div3A_3003, %sub3A_3023 : i32
    %select_n3A_3025 = arith.select %and3A_3022, %sub3A_3024, %div3A_3003 : i32
    %multiple_of3A_3026 = tpu.assume_multiple %select_n3A_3025, 8 : i32
    %dma_start3A_3027 = arith.constant 0 : i32
    %dma_start3A_3028 = tpu.memref_slice %arg3[%multiple_of3A_3026, %dma_start3A_3027] : memref<49152x512xf32, #tpu.memory_space<hbm>> -> memref<32x512xf32, #tpu.memory_space<hbm>>
    %dma_start3A_3029 = arith.constant 0 : i32
    %dma_start3A_3030 = tpu.memref_slice %arg3[%multiple_of3A_3026, %dma_start3A_3029] : memref<49152x512xf32, #tpu.memory_space<hbm>> -> memref<32x512xf32, #tpu.memory_space<hbm>>
    tpu.enqueue_dma source(%dma_start3A_3030 : memref<32x512xf32, #tpu.memory_space<hbm>>) target(%arg11 : memref<32x512xf32, #tpu.memory_space<vmem>>) target_semaphore(%arg19 : memref<!tpu.dma_semaphore, #tpu.memory_space<semaphore_mem>>)
    %dma_wait3A_3031 = arith.constant 0 : i32
    %dma_wait3A_3032 = tpu.memref_slice %arg3[%multiple_of3A_2786, %dma_wait3A_3031] : memref<49152x512xf32, #tpu.memory_space<hbm>> -> memref<32x512xf32, #tpu.memory_space<hbm>>
    %dma_wait3A_3033 = arith.constant 0 : i32
    %dma_wait3A_3034 = tpu.memref_slice %arg3[%multiple_of3A_2786, %dma_wait3A_3033] : memref<49152x512xf32, #tpu.memory_space<hbm>> -> memref<32x512xf32, #tpu.memory_space<hbm>>
    tpu.wait_dma2 semaphore(%arg13 : memref<!tpu.dma_semaphore, #tpu.memory_space<semaphore_mem>>) src(%dma_wait3A_3034 : memref<32x512xf32, #tpu.memory_space<hbm>>) dst(%arg5 : memref<32x512xf32, #tpu.memory_space<vmem>>)
    %add3A_3035 = arith.constant 4224 : i32
    %add3A_3036 = vector.broadcast %add3A_3035 : i32 to vector<16xi32>
    %add3A_3037 = arith.addi %mul3A_3, %add3A_3036 : vector<16xi32>
    %mul3A_3038 = arith.constant 786432 : i32
    %mul3A_3039 = arith.muli %add3A, %mul3A_3038 : i32
    %add3A_3040 = arith.constant 475136 : i32
    %add3A_3041 = arith.addi %mul3A_3039, %add3A_3040 : i32
    %jit3A_3042 = arith.constant 512 : i32
    %div3A_3043 = arith.divsi %add3A_3041, %jit3A_3042 : i32
    %sign3A_3044 = arith.constant 0 : i32
    %sign3A_3045 = arith.cmpi sgt, %add3A_3041, %sign3A_3044 : i32
    %sign3A_3046 = arith.extui %sign3A_3045 : i1 to i32
    %sign3A_3047 = arith.constant 0 : i32
    %sign3A_3048 = arith.cmpi slt, %add3A_3041, %sign3A_3047 : i32
    %sign3A_3049 = arith.extui %sign3A_3048 : i1 to i32
    %sign3A_3050 = arith.subi %sign3A_3046, %sign3A_3049 : i32
    %sign3A_3051 = arith.constant 0 : i32
    %sign3A_3052 = arith.cmpi sgt, %jit3A_3042, %sign3A_3051 : i32
    %sign3A_3053 = arith.extui %sign3A_3052 : i1 to i32
    %sign3A_3054 = arith.constant 0 : i32
    %sign3A_3055 = arith.cmpi slt, %jit3A_3042, %sign3A_3054 : i32
    %sign3A_3056 = arith.extui %sign3A_3055 : i1 to i32
    %sign3A_3057 = arith.subi %sign3A_3053, %sign3A_3056 : i32
    %ne3A_3058 = arith.cmpi ne, %sign3A_3050, %sign3A_3057 : i32
    %rem3A_3059 = arith.remsi %add3A_3041, %jit3A_3042 : i32
    %ne3A_3060 = arith.constant 0 : i32
    %ne3A_3061 = arith.cmpi ne, %rem3A_3059, %ne3A_3060 : i32
    %and3A_3062 = arith.andi %ne3A_3058, %ne3A_3061 : i1
    %sub3A_3063 = arith.constant 1 : i32
    %sub3A_3064 = arith.subi %div3A_3043, %sub3A_3063 : i32
    %select_n3A_3065 = arith.select %and3A_3062, %sub3A_3064, %div3A_3043 : i32
    %multiple_of3A_3066 = tpu.assume_multiple %select_n3A_3065, 8 : i32
    %dma_start3A_3067 = arith.constant 0 : i32
    %dma_start3A_3068 = tpu.memref_slice %arg3[%multiple_of3A_3066, %dma_start3A_3067] : memref<49152x512xf32, #tpu.memory_space<hbm>> -> memref<32x512xf32, #tpu.memory_space<hbm>>
    %dma_start3A_3069 = arith.constant 0 : i32
    %dma_start3A_3070 = tpu.memref_slice %arg3[%multiple_of3A_3066, %dma_start3A_3069] : memref<49152x512xf32, #tpu.memory_space<hbm>> -> memref<32x512xf32, #tpu.memory_space<hbm>>
    tpu.enqueue_dma source(%dma_start3A_3070 : memref<32x512xf32, #tpu.memory_space<hbm>>) target(%arg5 : memref<32x512xf32, #tpu.memory_space<vmem>>) target_semaphore(%arg13 : memref<!tpu.dma_semaphore, #tpu.memory_space<semaphore_mem>>)
    %dma_wait3A_3071 = arith.constant 0 : i32
    %dma_wait3A_3072 = tpu.memref_slice %arg3[%multiple_of3A_2826, %dma_wait3A_3071] : memref<49152x512xf32, #tpu.memory_space<hbm>> -> memref<32x512xf32, #tpu.memory_space<hbm>>
    %dma_wait3A_3073 = arith.constant 0 : i32
    %dma_wait3A_3074 = tpu.memref_slice %arg3[%multiple_of3A_2826, %dma_wait3A_3073] : memref<49152x512xf32, #tpu.memory_space<hbm>> -> memref<32x512xf32, #tpu.memory_space<hbm>>
    tpu.wait_dma2 semaphore(%arg14 : memref<!tpu.dma_semaphore, #tpu.memory_space<semaphore_mem>>) src(%dma_wait3A_3074 : memref<32x512xf32, #tpu.memory_space<hbm>>) dst(%arg6 : memref<32x512xf32, #tpu.memory_space<vmem>>)
    %add3A_3075 = arith.constant 4224 : i32
    %add3A_3076 = vector.broadcast %add3A_3075 : i32 to vector<16xi32>
    %add3A_3077 = arith.addi %mul3A_3, %add3A_3076 : vector<16xi32>
    %mul3A_3078 = arith.constant 786432 : i32
    %mul3A_3079 = arith.muli %add3A, %mul3A_3078 : i32
    %add3A_3080 = arith.constant 491520 : i32
    %add3A_3081 = arith.addi %mul3A_3079, %add3A_3080 : i32
    %jit3A_3082 = arith.constant 512 : i32
    %div3A_3083 = arith.divsi %add3A_3081, %jit3A_3082 : i32
    %sign3A_3084 = arith.constant 0 : i32
    %sign3A_3085 = arith.cmpi sgt, %add3A_3081, %sign3A_3084 : i32
    %sign3A_3086 = arith.extui %sign3A_3085 : i1 to i32
    %sign3A_3087 = arith.constant 0 : i32
    %sign3A_3088 = arith.cmpi slt, %add3A_3081, %sign3A_3087 : i32
    %sign3A_3089 = arith.extui %sign3A_3088 : i1 to i32
    %sign3A_3090 = arith.subi %sign3A_3086, %sign3A_3089 : i32
    %sign3A_3091 = arith.constant 0 : i32
    %sign3A_3092 = arith.cmpi sgt, %jit3A_3082, %sign3A_3091 : i32
    %sign3A_3093 = arith.extui %sign3A_3092 : i1 to i32
    %sign3A_3094 = arith.constant 0 : i32
    %sign3A_3095 = arith.cmpi slt, %jit3A_3082, %sign3A_3094 : i32
    %sign3A_3096 = arith.extui %sign3A_3095 : i1 to i32
    %sign3A_3097 = arith.subi %sign3A_3093, %sign3A_3096 : i32
    %ne3A_3098 = arith.cmpi ne, %sign3A_3090, %sign3A_3097 : i32
    %rem3A_3099 = arith.remsi %add3A_3081, %jit3A_3082 : i32
    %ne3A_3100 = arith.constant 0 : i32
    %ne3A_3101 = arith.cmpi ne, %rem3A_3099, %ne3A_3100 : i32
    %and3A_3102 = arith.andi %ne3A_3098, %ne3A_3101 : i1
    %sub3A_3103 = arith.constant 1 : i32
    %sub3A_3104 = arith.subi %div3A_3083, %sub3A_3103 : i32
    %select_n3A_3105 = arith.select %and3A_3102, %sub3A_3104, %div3A_3083 : i32
    %multiple_of3A_3106 = tpu.assume_multiple %select_n3A_3105, 8 : i32
    %dma_start3A_3107 = arith.constant 0 : i32
    %dma_start3A_3108 = tpu.memref_slice %arg3[%multiple_of3A_3106, %dma_start3A_3107] : memref<49152x512xf32, #tpu.memory_space<hbm>> -> memref<32x512xf32, #tpu.memory_space<hbm>>
    %dma_start3A_3109 = arith.constant 0 : i32
    %dma_start3A_3110 = tpu.memref_slice %arg3[%multiple_of3A_3106, %dma_start3A_3109] : memref<49152x512xf32, #tpu.memory_space<hbm>> -> memref<32x512xf32, #tpu.memory_space<hbm>>
    tpu.enqueue_dma source(%dma_start3A_3110 : memref<32x512xf32, #tpu.memory_space<hbm>>) target(%arg6 : memref<32x512xf32, #tpu.memory_space<vmem>>) target_semaphore(%arg14 : memref<!tpu.dma_semaphore, #tpu.memory_space<semaphore_mem>>)
    %dma_wait3A_3111 = arith.constant 0 : i32
    %dma_wait3A_3112 = tpu.memref_slice %arg3[%multiple_of3A_2866, %dma_wait3A_3111] : memref<49152x512xf32, #tpu.memory_space<hbm>> -> memref<32x512xf32, #tpu.memory_space<hbm>>
    %dma_wait3A_3113 = arith.constant 0 : i32
    %dma_wait3A_3114 = tpu.memref_slice %arg3[%multiple_of3A_2866, %dma_wait3A_3113] : memref<49152x512xf32, #tpu.memory_space<hbm>> -> memref<32x512xf32, #tpu.memory_space<hbm>>
    tpu.wait_dma2 semaphore(%arg15 : memref<!tpu.dma_semaphore, #tpu.memory_space<semaphore_mem>>) src(%dma_wait3A_3114 : memref<32x512xf32, #tpu.memory_space<hbm>>) dst(%arg7 : memref<32x512xf32, #tpu.memory_space<vmem>>)
    %add3A_3115 = arith.constant 4224 : i32
    %add3A_3116 = vector.broadcast %add3A_3115 : i32 to vector<16xi32>
    %add3A_3117 = arith.addi %mul3A_3, %add3A_3116 : vector<16xi32>
    %mul3A_3118 = arith.constant 786432 : i32
    %mul3A_3119 = arith.muli %add3A, %mul3A_3118 : i32
    %add3A_3120 = arith.constant 507904 : i32
    %add3A_3121 = arith.addi %mul3A_3119, %add3A_3120 : i32
    %jit3A_3122 = arith.constant 512 : i32
    %div3A_3123 = arith.divsi %add3A_3121, %jit3A_3122 : i32
    %sign3A_3124 = arith.constant 0 : i32
    %sign3A_3125 = arith.cmpi sgt, %add3A_3121, %sign3A_3124 : i32
    %sign3A_3126 = arith.extui %sign3A_3125 : i1 to i32
    %sign3A_3127 = arith.constant 0 : i32
    %sign3A_3128 = arith.cmpi slt, %add3A_3121, %sign3A_3127 : i32
    %sign3A_3129 = arith.extui %sign3A_3128 : i1 to i32
    %sign3A_3130 = arith.subi %sign3A_3126, %sign3A_3129 : i32
    %sign3A_3131 = arith.constant 0 : i32
    %sign3A_3132 = arith.cmpi sgt, %jit3A_3122, %sign3A_3131 : i32
    %sign3A_3133 = arith.extui %sign3A_3132 : i1 to i32
    %sign3A_3134 = arith.constant 0 : i32
    %sign3A_3135 = arith.cmpi slt, %jit3A_3122, %sign3A_3134 : i32
    %sign3A_3136 = arith.extui %sign3A_3135 : i1 to i32
    %sign3A_3137 = arith.subi %sign3A_3133, %sign3A_3136 : i32
    %ne3A_3138 = arith.cmpi ne, %sign3A_3130, %sign3A_3137 : i32
    %rem3A_3139 = arith.remsi %add3A_3121, %jit3A_3122 : i32
    %ne3A_3140 = arith.constant 0 : i32
    %ne3A_3141 = arith.cmpi ne, %rem3A_3139, %ne3A_3140 : i32
    %and3A_3142 = arith.andi %ne3A_3138, %ne3A_3141 : i1
    %sub3A_3143 = arith.constant 1 : i32
    %sub3A_3144 = arith.subi %div3A_3123, %sub3A_3143 : i32
    %select_n3A_3145 = arith.select %and3A_3142, %sub3A_3144, %div3A_3123 : i32
    %multiple_of3A_3146 = tpu.assume_multiple %select_n3A_3145, 8 : i32
    %dma_start3A_3147 = arith.constant 0 : i32
    %dma_start3A_3148 = tpu.memref_slice %arg3[%multiple_of3A_3146, %dma_start3A_3147] : memref<49152x512xf32, #tpu.memory_space<hbm>> -> memref<32x512xf32, #tpu.memory_space<hbm>>
    %dma_start3A_3149 = arith.constant 0 : i32
    %dma_start3A_3150 = tpu.memref_slice %arg3[%multiple_of3A_3146, %dma_start3A_3149] : memref<49152x512xf32, #tpu.memory_space<hbm>> -> memref<32x512xf32, #tpu.memory_space<hbm>>
    tpu.enqueue_dma source(%dma_start3A_3150 : memref<32x512xf32, #tpu.memory_space<hbm>>) target(%arg7 : memref<32x512xf32, #tpu.memory_space<vmem>>) target_semaphore(%arg15 : memref<!tpu.dma_semaphore, #tpu.memory_space<semaphore_mem>>)
    %dma_wait3A_3151 = arith.constant 0 : i32
    %dma_wait3A_3152 = tpu.memref_slice %arg3[%multiple_of3A_2906, %dma_wait3A_3151] : memref<49152x512xf32, #tpu.memory_space<hbm>> -> memref<32x512xf32, #tpu.memory_space<hbm>>
    %dma_wait3A_3153 = arith.constant 0 : i32
    %dma_wait3A_3154 = tpu.memref_slice %arg3[%multiple_of3A_2906, %dma_wait3A_3153] : memref<49152x512xf32, #tpu.memory_space<hbm>> -> memref<32x512xf32, #tpu.memory_space<hbm>>
    tpu.wait_dma2 semaphore(%arg16 : memref<!tpu.dma_semaphore, #tpu.memory_space<semaphore_mem>>) src(%dma_wait3A_3154 : memref<32x512xf32, #tpu.memory_space<hbm>>) dst(%arg8 : memref<32x512xf32, #tpu.memory_space<vmem>>)
    %add3A_3155 = arith.constant 4224 : i32
    %add3A_3156 = vector.broadcast %add3A_3155 : i32 to vector<16xi32>
    %add3A_3157 = arith.addi %mul3A_3, %add3A_3156 : vector<16xi32>
    %mul3A_3158 = arith.constant 786432 : i32
    %mul3A_3159 = arith.muli %add3A, %mul3A_3158 : i32
    %add3A_3160 = arith.constant 524288 : i32
    %add3A_3161 = arith.addi %mul3A_3159, %add3A_3160 : i32
    %jit3A_3162 = arith.constant 512 : i32
    %div3A_3163 = arith.divsi %add3A_3161, %jit3A_3162 : i32
    %sign3A_3164 = arith.constant 0 : i32
    %sign3A_3165 = arith.cmpi sgt, %add3A_3161, %sign3A_3164 : i32
    %sign3A_3166 = arith.extui %sign3A_3165 : i1 to i32
    %sign3A_3167 = arith.constant 0 : i32
    %sign3A_3168 = arith.cmpi slt, %add3A_3161, %sign3A_3167 : i32
    %sign3A_3169 = arith.extui %sign3A_3168 : i1 to i32
    %sign3A_3170 = arith.subi %sign3A_3166, %sign3A_3169 : i32
    %sign3A_3171 = arith.constant 0 : i32
    %sign3A_3172 = arith.cmpi sgt, %jit3A_3162, %sign3A_3171 : i32
    %sign3A_3173 = arith.extui %sign3A_3172 : i1 to i32
    %sign3A_3174 = arith.constant 0 : i32
    %sign3A_3175 = arith.cmpi slt, %jit3A_3162, %sign3A_3174 : i32
    %sign3A_3176 = arith.extui %sign3A_3175 : i1 to i32
    %sign3A_3177 = arith.subi %sign3A_3173, %sign3A_3176 : i32
    %ne3A_3178 = arith.cmpi ne, %sign3A_3170, %sign3A_3177 : i32
    %rem3A_3179 = arith.remsi %add3A_3161, %jit3A_3162 : i32
    %ne3A_3180 = arith.constant 0 : i32
    %ne3A_3181 = arith.cmpi ne, %rem3A_3179, %ne3A_3180 : i32
    %and3A_3182 = arith.andi %ne3A_3178, %ne3A_3181 : i1
    %sub3A_3183 = arith.constant 1 : i32
    %sub3A_3184 = arith.subi %div3A_3163, %sub3A_3183 : i32
    %select_n3A_3185 = arith.select %and3A_3182, %sub3A_3184, %div3A_3163 : i32
    %multiple_of3A_3186 = tpu.assume_multiple %select_n3A_3185, 8 : i32
    %dma_start3A_3187 = arith.constant 0 : i32
    %dma_start3A_3188 = tpu.memref_slice %arg3[%multiple_of3A_3186, %dma_start3A_3187] : memref<49152x512xf32, #tpu.memory_space<hbm>> -> memref<32x512xf32, #tpu.memory_space<hbm>>
    %dma_start3A_3189 = arith.constant 0 : i32
    %dma_start3A_3190 = tpu.memref_slice %arg3[%multiple_of3A_3186, %dma_start3A_3189] : memref<49152x512xf32, #tpu.memory_space<hbm>> -> memref<32x512xf32, #tpu.memory_space<hbm>>
    tpu.enqueue_dma source(%dma_start3A_3190 : memref<32x512xf32, #tpu.memory_space<hbm>>) target(%arg8 : memref<32x512xf32, #tpu.memory_space<vmem>>) target_semaphore(%arg16 : memref<!tpu.dma_semaphore, #tpu.memory_space<semaphore_mem>>)
    %dma_wait3A_3191 = arith.constant 0 : i32
    %dma_wait3A_3192 = tpu.memref_slice %arg3[%multiple_of3A_2946, %dma_wait3A_3191] : memref<49152x512xf32, #tpu.memory_space<hbm>> -> memref<32x512xf32, #tpu.memory_space<hbm>>
    %dma_wait3A_3193 = arith.constant 0 : i32
    %dma_wait3A_3194 = tpu.memref_slice %arg3[%multiple_of3A_2946, %dma_wait3A_3193] : memref<49152x512xf32, #tpu.memory_space<hbm>> -> memref<32x512xf32, #tpu.memory_space<hbm>>
    tpu.wait_dma2 semaphore(%arg17 : memref<!tpu.dma_semaphore, #tpu.memory_space<semaphore_mem>>) src(%dma_wait3A_3194 : memref<32x512xf32, #tpu.memory_space<hbm>>) dst(%arg9 : memref<32x512xf32, #tpu.memory_space<vmem>>)
    %add3A_3195 = arith.constant 4224 : i32
    %add3A_3196 = vector.broadcast %add3A_3195 : i32 to vector<16xi32>
    %add3A_3197 = arith.addi %mul3A_3, %add3A_3196 : vector<16xi32>
    %mul3A_3198 = arith.constant 786432 : i32
    %mul3A_3199 = arith.muli %add3A, %mul3A_3198 : i32
    %add3A_3200 = arith.constant 540672 : i32
    %add3A_3201 = arith.addi %mul3A_3199, %add3A_3200 : i32
    %jit3A_3202 = arith.constant 512 : i32
    %div3A_3203 = arith.divsi %add3A_3201, %jit3A_3202 : i32
    %sign3A_3204 = arith.constant 0 : i32
    %sign3A_3205 = arith.cmpi sgt, %add3A_3201, %sign3A_3204 : i32
    %sign3A_3206 = arith.extui %sign3A_3205 : i1 to i32
    %sign3A_3207 = arith.constant 0 : i32
    %sign3A_3208 = arith.cmpi slt, %add3A_3201, %sign3A_3207 : i32
    %sign3A_3209 = arith.extui %sign3A_3208 : i1 to i32
    %sign3A_3210 = arith.subi %sign3A_3206, %sign3A_3209 : i32
    %sign3A_3211 = arith.constant 0 : i32
    %sign3A_3212 = arith.cmpi sgt, %jit3A_3202, %sign3A_3211 : i32
    %sign3A_3213 = arith.extui %sign3A_3212 : i1 to i32
    %sign3A_3214 = arith.constant 0 : i32
    %sign3A_3215 = arith.cmpi slt, %jit3A_3202, %sign3A_3214 : i32
    %sign3A_3216 = arith.extui %sign3A_3215 : i1 to i32
    %sign3A_3217 = arith.subi %sign3A_3213, %sign3A_3216 : i32
    %ne3A_3218 = arith.cmpi ne, %sign3A_3210, %sign3A_3217 : i32
    %rem3A_3219 = arith.remsi %add3A_3201, %jit3A_3202 : i32
    %ne3A_3220 = arith.constant 0 : i32
    %ne3A_3221 = arith.cmpi ne, %rem3A_3219, %ne3A_3220 : i32
    %and3A_3222 = arith.andi %ne3A_3218, %ne3A_3221 : i1
    %sub3A_3223 = arith.constant 1 : i32
    %sub3A_3224 = arith.subi %div3A_3203, %sub3A_3223 : i32
    %select_n3A_3225 = arith.select %and3A_3222, %sub3A_3224, %div3A_3203 : i32
    %multiple_of3A_3226 = tpu.assume_multiple %select_n3A_3225, 8 : i32
    %dma_start3A_3227 = arith.constant 0 : i32
    %dma_start3A_3228 = tpu.memref_slice %arg3[%multiple_of3A_3226, %dma_start3A_3227] : memref<49152x512xf32, #tpu.memory_space<hbm>> -> memref<32x512xf32, #tpu.memory_space<hbm>>
    %dma_start3A_3229 = arith.constant 0 : i32
    %dma_start3A_3230 = tpu.memref_slice %arg3[%multiple_of3A_3226, %dma_start3A_3229] : memref<49152x512xf32, #tpu.memory_space<hbm>> -> memref<32x512xf32, #tpu.memory_space<hbm>>
    tpu.enqueue_dma source(%dma_start3A_3230 : memref<32x512xf32, #tpu.memory_space<hbm>>) target(%arg9 : memref<32x512xf32, #tpu.memory_space<vmem>>) target_semaphore(%arg17 : memref<!tpu.dma_semaphore, #tpu.memory_space<semaphore_mem>>)
    %dma_wait3A_3231 = arith.constant 0 : i32
    %dma_wait3A_3232 = tpu.memref_slice %arg3[%multiple_of3A_2986, %dma_wait3A_3231] : memref<49152x512xf32, #tpu.memory_space<hbm>> -> memref<32x512xf32, #tpu.memory_space<hbm>>
    %dma_wait3A_3233 = arith.constant 0 : i32
    %dma_wait3A_3234 = tpu.memref_slice %arg3[%multiple_of3A_2986, %dma_wait3A_3233] : memref<49152x512xf32, #tpu.memory_space<hbm>> -> memref<32x512xf32, #tpu.memory_space<hbm>>
    tpu.wait_dma2 semaphore(%arg18 : memref<!tpu.dma_semaphore, #tpu.memory_space<semaphore_mem>>) src(%dma_wait3A_3234 : memref<32x512xf32, #tpu.memory_space<hbm>>) dst(%arg10 : memref<32x512xf32, #tpu.memory_space<vmem>>)
    %add3A_3235 = arith.constant 4224 : i32
    %add3A_3236 = vector.broadcast %add3A_3235 : i32 to vector<16xi32>
    %add3A_3237 = arith.addi %mul3A_3, %add3A_3236 : vector<16xi32>
    %mul3A_3238 = arith.constant 786432 : i32
    %mul3A_3239 = arith.muli %add3A, %mul3A_3238 : i32
    %add3A_3240 = arith.constant 557056 : i32
    %add3A_3241 = arith.addi %mul3A_3239, %add3A_3240 : i32
    %jit3A_3242 = arith.constant 512 : i32
    %div3A_3243 = arith.divsi %add3A_3241, %jit3A_3242 : i32
    %sign3A_3244 = arith.constant 0 : i32
    %sign3A_3245 = arith.cmpi sgt, %add3A_3241, %sign3A_3244 : i32
    %sign3A_3246 = arith.extui %sign3A_3245 : i1 to i32
    %sign3A_3247 = arith.constant 0 : i32
    %sign3A_3248 = arith.cmpi slt, %add3A_3241, %sign3A_3247 : i32
    %sign3A_3249 = arith.extui %sign3A_3248 : i1 to i32
    %sign3A_3250 = arith.subi %sign3A_3246, %sign3A_3249 : i32
    %sign3A_3251 = arith.constant 0 : i32
    %sign3A_3252 = arith.cmpi sgt, %jit3A_3242, %sign3A_3251 : i32
    %sign3A_3253 = arith.extui %sign3A_3252 : i1 to i32
    %sign3A_3254 = arith.constant 0 : i32
    %sign3A_3255 = arith.cmpi slt, %jit3A_3242, %sign3A_3254 : i32
    %sign3A_3256 = arith.extui %sign3A_3255 : i1 to i32
    %sign3A_3257 = arith.subi %sign3A_3253, %sign3A_3256 : i32
    %ne3A_3258 = arith.cmpi ne, %sign3A_3250, %sign3A_3257 : i32
    %rem3A_3259 = arith.remsi %add3A_3241, %jit3A_3242 : i32
    %ne3A_3260 = arith.constant 0 : i32
    %ne3A_3261 = arith.cmpi ne, %rem3A_3259, %ne3A_3260 : i32
    %and3A_3262 = arith.andi %ne3A_3258, %ne3A_3261 : i1
    %sub3A_3263 = arith.constant 1 : i32
    %sub3A_3264 = arith.subi %div3A_3243, %sub3A_3263 : i32
    %select_n3A_3265 = arith.select %and3A_3262, %sub3A_3264, %div3A_3243 : i32
    %multiple_of3A_3266 = tpu.assume_multiple %select_n3A_3265, 8 : i32
    %dma_start3A_3267 = arith.constant 0 : i32
    %dma_start3A_3268 = tpu.memref_slice %arg3[%multiple_of3A_3266, %dma_start3A_3267] : memref<49152x512xf32, #tpu.memory_space<hbm>> -> memref<32x512xf32, #tpu.memory_space<hbm>>
    %dma_start3A_3269 = arith.constant 0 : i32
    %dma_start3A_3270 = tpu.memref_slice %arg3[%multiple_of3A_3266, %dma_start3A_3269] : memref<49152x512xf32, #tpu.memory_space<hbm>> -> memref<32x512xf32, #tpu.memory_space<hbm>>
    tpu.enqueue_dma source(%dma_start3A_3270 : memref<32x512xf32, #tpu.memory_space<hbm>>) target(%arg10 : memref<32x512xf32, #tpu.memory_space<vmem>>) target_semaphore(%arg18 : memref<!tpu.dma_semaphore, #tpu.memory_space<semaphore_mem>>)
    %dma_wait3A_3271 = arith.constant 0 : i32
    %dma_wait3A_3272 = tpu.memref_slice %arg3[%multiple_of3A_3026, %dma_wait3A_3271] : memref<49152x512xf32, #tpu.memory_space<hbm>> -> memref<32x512xf32, #tpu.memory_space<hbm>>
    %dma_wait3A_3273 = arith.constant 0 : i32
    %dma_wait3A_3274 = tpu.memref_slice %arg3[%multiple_of3A_3026, %dma_wait3A_3273] : memref<49152x512xf32, #tpu.memory_space<hbm>> -> memref<32x512xf32, #tpu.memory_space<hbm>>
    tpu.wait_dma2 semaphore(%arg19 : memref<!tpu.dma_semaphore, #tpu.memory_space<semaphore_mem>>) src(%dma_wait3A_3274 : memref<32x512xf32, #tpu.memory_space<hbm>>) dst(%arg11 : memref<32x512xf32, #tpu.memory_space<vmem>>)
    %add3A_3275 = arith.constant 4224 : i32
    %add3A_3276 = vector.broadcast %add3A_3275 : i32 to vector<16xi32>
    %add3A_3277 = arith.addi %mul3A_3, %add3A_3276 : vector<16xi32>
    %mul3A_3278 = arith.constant 786432 : i32
    %mul3A_3279 = arith.muli %add3A, %mul3A_3278 : i32
    %add3A_3280 = arith.constant 573440 : i32
    %add3A_3281 = arith.addi %mul3A_3279, %add3A_3280 : i32
    %jit3A_3282 = arith.constant 512 : i32
    %div3A_3283 = arith.divsi %add3A_3281, %jit3A_3282 : i32
    %sign3A_3284 = arith.constant 0 : i32
    %sign3A_3285 = arith.cmpi sgt, %add3A_3281, %sign3A_3284 : i32
    %sign3A_3286 = arith.extui %sign3A_3285 : i1 to i32
    %sign3A_3287 = arith.constant 0 : i32
    %sign3A_3288 = arith.cmpi slt, %add3A_3281, %sign3A_3287 : i32
    %sign3A_3289 = arith.extui %sign3A_3288 : i1 to i32
    %sign3A_3290 = arith.subi %sign3A_3286, %sign3A_3289 : i32
    %sign3A_3291 = arith.constant 0 : i32
    %sign3A_3292 = arith.cmpi sgt, %jit3A_3282, %sign3A_3291 : i32
    %sign3A_3293 = arith.extui %sign3A_3292 : i1 to i32
    %sign3A_3294 = arith.constant 0 : i32
    %sign3A_3295 = arith.cmpi slt, %jit3A_3282, %sign3A_3294 : i32
    %sign3A_3296 = arith.extui %sign3A_3295 : i1 to i32
    %sign3A_3297 = arith.subi %sign3A_3293, %sign3A_3296 : i32
    %ne3A_3298 = arith.cmpi ne, %sign3A_3290, %sign3A_3297 : i32
    %rem3A_3299 = arith.remsi %add3A_3281, %jit3A_3282 : i32
    %ne3A_3300 = arith.constant 0 : i32
    %ne3A_3301 = arith.cmpi ne, %rem3A_3299, %ne3A_3300 : i32
    %and3A_3302 = arith.andi %ne3A_3298, %ne3A_3301 : i1
    %sub3A_3303 = arith.constant 1 : i32
    %sub3A_3304 = arith.subi %div3A_3283, %sub3A_3303 : i32
    %select_n3A_3305 = arith.select %and3A_3302, %sub3A_3304, %div3A_3283 : i32
    %multiple_of3A_3306 = tpu.assume_multiple %select_n3A_3305, 8 : i32
    %dma_start3A_3307 = arith.constant 0 : i32
    %dma_start3A_3308 = tpu.memref_slice %arg3[%multiple_of3A_3306, %dma_start3A_3307] : memref<49152x512xf32, #tpu.memory_space<hbm>> -> memref<32x512xf32, #tpu.memory_space<hbm>>
    %dma_start3A_3309 = arith.constant 0 : i32
    %dma_start3A_3310 = tpu.memref_slice %arg3[%multiple_of3A_3306, %dma_start3A_3309] : memref<49152x512xf32, #tpu.memory_space<hbm>> -> memref<32x512xf32, #tpu.memory_space<hbm>>
    tpu.enqueue_dma source(%dma_start3A_3310 : memref<32x512xf32, #tpu.memory_space<hbm>>) target(%arg11 : memref<32x512xf32, #tpu.memory_space<vmem>>) target_semaphore(%arg19 : memref<!tpu.dma_semaphore, #tpu.memory_space<semaphore_mem>>)
    %dma_wait3A_3311 = arith.constant 0 : i32
    %dma_wait3A_3312 = tpu.memref_slice %arg3[%multiple_of3A_3066, %dma_wait3A_3311] : memref<49152x512xf32, #tpu.memory_space<hbm>> -> memref<32x512xf32, #tpu.memory_space<hbm>>
    %dma_wait3A_3313 = arith.constant 0 : i32
    %dma_wait3A_3314 = tpu.memref_slice %arg3[%multiple_of3A_3066, %dma_wait3A_3313] : memref<49152x512xf32, #tpu.memory_space<hbm>> -> memref<32x512xf32, #tpu.memory_space<hbm>>
    tpu.wait_dma2 semaphore(%arg13 : memref<!tpu.dma_semaphore, #tpu.memory_space<semaphore_mem>>) src(%dma_wait3A_3314 : memref<32x512xf32, #tpu.memory_space<hbm>>) dst(%arg5 : memref<32x512xf32, #tpu.memory_space<vmem>>)
    %add3A_3315 = arith.constant 4224 : i32
    %add3A_3316 = vector.broadcast %add3A_3315 : i32 to vector<16xi32>
    %add3A_3317 = arith.addi %mul3A_3, %add3A_3316 : vector<16xi32>
    %mul3A_3318 = arith.constant 786432 : i32
    %mul3A_3319 = arith.muli %add3A, %mul3A_3318 : i32
    %add3A_3320 = arith.constant 589824 : i32
    %add3A_3321 = arith.addi %mul3A_3319, %add3A_3320 : i32
    %jit3A_3322 = arith.constant 512 : i32
    %div3A_3323 = arith.divsi %add3A_3321, %jit3A_3322 : i32
    %sign3A_3324 = arith.constant 0 : i32
    %sign3A_3325 = arith.cmpi sgt, %add3A_3321, %sign3A_3324 : i32
    %sign3A_3326 = arith.extui %sign3A_3325 : i1 to i32
    %sign3A_3327 = arith.constant 0 : i32
    %sign3A_3328 = arith.cmpi slt, %add3A_3321, %sign3A_3327 : i32
    %sign3A_3329 = arith.extui %sign3A_3328 : i1 to i32
    %sign3A_3330 = arith.subi %sign3A_3326, %sign3A_3329 : i32
    %sign3A_3331 = arith.constant 0 : i32
    %sign3A_3332 = arith.cmpi sgt, %jit3A_3322, %sign3A_3331 : i32
    %sign3A_3333 = arith.extui %sign3A_3332 : i1 to i32
    %sign3A_3334 = arith.constant 0 : i32
    %sign3A_3335 = arith.cmpi slt, %jit3A_3322, %sign3A_3334 : i32
    %sign3A_3336 = arith.extui %sign3A_3335 : i1 to i32
    %sign3A_3337 = arith.subi %sign3A_3333, %sign3A_3336 : i32
    %ne3A_3338 = arith.cmpi ne, %sign3A_3330, %sign3A_3337 : i32
    %rem3A_3339 = arith.remsi %add3A_3321, %jit3A_3322 : i32
    %ne3A_3340 = arith.constant 0 : i32
    %ne3A_3341 = arith.cmpi ne, %rem3A_3339, %ne3A_3340 : i32
    %and3A_3342 = arith.andi %ne3A_3338, %ne3A_3341 : i1
    %sub3A_3343 = arith.constant 1 : i32
    %sub3A_3344 = arith.subi %div3A_3323, %sub3A_3343 : i32
    %select_n3A_3345 = arith.select %and3A_3342, %sub3A_3344, %div3A_3323 : i32
    %multiple_of3A_3346 = tpu.assume_multiple %select_n3A_3345, 8 : i32
    %dma_start3A_3347 = arith.constant 0 : i32
    %dma_start3A_3348 = tpu.memref_slice %arg3[%multiple_of3A_3346, %dma_start3A_3347] : memref<49152x512xf32, #tpu.memory_space<hbm>> -> memref<32x512xf32, #tpu.memory_space<hbm>>
    %dma_start3A_3349 = arith.constant 0 : i32
    %dma_start3A_3350 = tpu.memref_slice %arg3[%multiple_of3A_3346, %dma_start3A_3349] : memref<49152x512xf32, #tpu.memory_space<hbm>> -> memref<32x512xf32, #tpu.memory_space<hbm>>
    tpu.enqueue_dma source(%dma_start3A_3350 : memref<32x512xf32, #tpu.memory_space<hbm>>) target(%arg5 : memref<32x512xf32, #tpu.memory_space<vmem>>) target_semaphore(%arg13 : memref<!tpu.dma_semaphore, #tpu.memory_space<semaphore_mem>>)
    %dma_wait3A_3351 = arith.constant 0 : i32
    %dma_wait3A_3352 = tpu.memref_slice %arg3[%multiple_of3A_3106, %dma_wait3A_3351] : memref<49152x512xf32, #tpu.memory_space<hbm>> -> memref<32x512xf32, #tpu.memory_space<hbm>>
    %dma_wait3A_3353 = arith.constant 0 : i32
    %dma_wait3A_3354 = tpu.memref_slice %arg3[%multiple_of3A_3106, %dma_wait3A_3353] : memref<49152x512xf32, #tpu.memory_space<hbm>> -> memref<32x512xf32, #tpu.memory_space<hbm>>
    tpu.wait_dma2 semaphore(%arg14 : memref<!tpu.dma_semaphore, #tpu.memory_space<semaphore_mem>>) src(%dma_wait3A_3354 : memref<32x512xf32, #tpu.memory_space<hbm>>) dst(%arg6 : memref<32x512xf32, #tpu.memory_space<vmem>>)
    %add3A_3355 = arith.constant 4224 : i32
    %add3A_3356 = vector.broadcast %add3A_3355 : i32 to vector<16xi32>
    %add3A_3357 = arith.addi %mul3A_3, %add3A_3356 : vector<16xi32>
    %mul3A_3358 = arith.constant 786432 : i32
    %mul3A_3359 = arith.muli %add3A, %mul3A_3358 : i32
    %add3A_3360 = arith.constant 606208 : i32
    %add3A_3361 = arith.addi %mul3A_3359, %add3A_3360 : i32
    %jit3A_3362 = arith.constant 512 : i32
    %div3A_3363 = arith.divsi %add3A_3361, %jit3A_3362 : i32
    %sign3A_3364 = arith.constant 0 : i32
    %sign3A_3365 = arith.cmpi sgt, %add3A_3361, %sign3A_3364 : i32
    %sign3A_3366 = arith.extui %sign3A_3365 : i1 to i32
    %sign3A_3367 = arith.constant 0 : i32
    %sign3A_3368 = arith.cmpi slt, %add3A_3361, %sign3A_3367 : i32
    %sign3A_3369 = arith.extui %sign3A_3368 : i1 to i32
    %sign3A_3370 = arith.subi %sign3A_3366, %sign3A_3369 : i32
    %sign3A_3371 = arith.constant 0 : i32
    %sign3A_3372 = arith.cmpi sgt, %jit3A_3362, %sign3A_3371 : i32
    %sign3A_3373 = arith.extui %sign3A_3372 : i1 to i32
    %sign3A_3374 = arith.constant 0 : i32
    %sign3A_3375 = arith.cmpi slt, %jit3A_3362, %sign3A_3374 : i32
    %sign3A_3376 = arith.extui %sign3A_3375 : i1 to i32
    %sign3A_3377 = arith.subi %sign3A_3373, %sign3A_3376 : i32
    %ne3A_3378 = arith.cmpi ne, %sign3A_3370, %sign3A_3377 : i32
    %rem3A_3379 = arith.remsi %add3A_3361, %jit3A_3362 : i32
    %ne3A_3380 = arith.constant 0 : i32
    %ne3A_3381 = arith.cmpi ne, %rem3A_3379, %ne3A_3380 : i32
    %and3A_3382 = arith.andi %ne3A_3378, %ne3A_3381 : i1
    %sub3A_3383 = arith.constant 1 : i32
    %sub3A_3384 = arith.subi %div3A_3363, %sub3A_3383 : i32
    %select_n3A_3385 = arith.select %and3A_3382, %sub3A_3384, %div3A_3363 : i32
    %multiple_of3A_3386 = tpu.assume_multiple %select_n3A_3385, 8 : i32
    %dma_start3A_3387 = arith.constant 0 : i32
    %dma_start3A_3388 = tpu.memref_slice %arg3[%multiple_of3A_3386, %dma_start3A_3387] : memref<49152x512xf32, #tpu.memory_space<hbm>> -> memref<32x512xf32, #tpu.memory_space<hbm>>
    %dma_start3A_3389 = arith.constant 0 : i32
    %dma_start3A_3390 = tpu.memref_slice %arg3[%multiple_of3A_3386, %dma_start3A_3389] : memref<49152x512xf32, #tpu.memory_space<hbm>> -> memref<32x512xf32, #tpu.memory_space<hbm>>
    tpu.enqueue_dma source(%dma_start3A_3390 : memref<32x512xf32, #tpu.memory_space<hbm>>) target(%arg6 : memref<32x512xf32, #tpu.memory_space<vmem>>) target_semaphore(%arg14 : memref<!tpu.dma_semaphore, #tpu.memory_space<semaphore_mem>>)
    %dma_wait3A_3391 = arith.constant 0 : i32
    %dma_wait3A_3392 = tpu.memref_slice %arg3[%multiple_of3A_3146, %dma_wait3A_3391] : memref<49152x512xf32, #tpu.memory_space<hbm>> -> memref<32x512xf32, #tpu.memory_space<hbm>>
    %dma_wait3A_3393 = arith.constant 0 : i32
    %dma_wait3A_3394 = tpu.memref_slice %arg3[%multiple_of3A_3146, %dma_wait3A_3393] : memref<49152x512xf32, #tpu.memory_space<hbm>> -> memref<32x512xf32, #tpu.memory_space<hbm>>
    tpu.wait_dma2 semaphore(%arg15 : memref<!tpu.dma_semaphore, #tpu.memory_space<semaphore_mem>>) src(%dma_wait3A_3394 : memref<32x512xf32, #tpu.memory_space<hbm>>) dst(%arg7 : memref<32x512xf32, #tpu.memory_space<vmem>>)
    %add3A_3395 = arith.constant 4224 : i32
    %add3A_3396 = vector.broadcast %add3A_3395 : i32 to vector<16xi32>
    %add3A_3397 = arith.addi %mul3A_3, %add3A_3396 : vector<16xi32>
    %mul3A_3398 = arith.constant 786432 : i32
    %mul3A_3399 = arith.muli %add3A, %mul3A_3398 : i32
    %add3A_3400 = arith.constant 622592 : i32
    %add3A_3401 = arith.addi %mul3A_3399, %add3A_3400 : i32
    %jit3A_3402 = arith.constant 512 : i32
    %div3A_3403 = arith.divsi %add3A_3401, %jit3A_3402 : i32
    %sign3A_3404 = arith.constant 0 : i32
    %sign3A_3405 = arith.cmpi sgt, %add3A_3401, %sign3A_3404 : i32
    %sign3A_3406 = arith.extui %sign3A_3405 : i1 to i32
    %sign3A_3407 = arith.constant 0 : i32
    %sign3A_3408 = arith.cmpi slt, %add3A_3401, %sign3A_3407 : i32
    %sign3A_3409 = arith.extui %sign3A_3408 : i1 to i32
    %sign3A_3410 = arith.subi %sign3A_3406, %sign3A_3409 : i32
    %sign3A_3411 = arith.constant 0 : i32
    %sign3A_3412 = arith.cmpi sgt, %jit3A_3402, %sign3A_3411 : i32
    %sign3A_3413 = arith.extui %sign3A_3412 : i1 to i32
    %sign3A_3414 = arith.constant 0 : i32
    %sign3A_3415 = arith.cmpi slt, %jit3A_3402, %sign3A_3414 : i32
    %sign3A_3416 = arith.extui %sign3A_3415 : i1 to i32
    %sign3A_3417 = arith.subi %sign3A_3413, %sign3A_3416 : i32
    %ne3A_3418 = arith.cmpi ne, %sign3A_3410, %sign3A_3417 : i32
    %rem3A_3419 = arith.remsi %add3A_3401, %jit3A_3402 : i32
    %ne3A_3420 = arith.constant 0 : i32
    %ne3A_3421 = arith.cmpi ne, %rem3A_3419, %ne3A_3420 : i32
    %and3A_3422 = arith.andi %ne3A_3418, %ne3A_3421 : i1
    %sub3A_3423 = arith.constant 1 : i32
    %sub3A_3424 = arith.subi %div3A_3403, %sub3A_3423 : i32
    %select_n3A_3425 = arith.select %and3A_3422, %sub3A_3424, %div3A_3403 : i32
    %multiple_of3A_3426 = tpu.assume_multiple %select_n3A_3425, 8 : i32
    %dma_start3A_3427 = arith.constant 0 : i32
    %dma_start3A_3428 = tpu.memref_slice %arg3[%multiple_of3A_3426, %dma_start3A_3427] : memref<49152x512xf32, #tpu.memory_space<hbm>> -> memref<32x512xf32, #tpu.memory_space<hbm>>
    %dma_start3A_3429 = arith.constant 0 : i32
    %dma_start3A_3430 = tpu.memref_slice %arg3[%multiple_of3A_3426, %dma_start3A_3429] : memref<49152x512xf32, #tpu.memory_space<hbm>> -> memref<32x512xf32, #tpu.memory_space<hbm>>
    tpu.enqueue_dma source(%dma_start3A_3430 : memref<32x512xf32, #tpu.memory_space<hbm>>) target(%arg7 : memref<32x512xf32, #tpu.memory_space<vmem>>) target_semaphore(%arg15 : memref<!tpu.dma_semaphore, #tpu.memory_space<semaphore_mem>>)
    %dma_wait3A_3431 = arith.constant 0 : i32
    %dma_wait3A_3432 = tpu.memref_slice %arg3[%multiple_of3A_3186, %dma_wait3A_3431] : memref<49152x512xf32, #tpu.memory_space<hbm>> -> memref<32x512xf32, #tpu.memory_space<hbm>>
    %dma_wait3A_3433 = arith.constant 0 : i32
    %dma_wait3A_3434 = tpu.memref_slice %arg3[%multiple_of3A_3186, %dma_wait3A_3433] : memref<49152x512xf32, #tpu.memory_space<hbm>> -> memref<32x512xf32, #tpu.memory_space<hbm>>
    tpu.wait_dma2 semaphore(%arg16 : memref<!tpu.dma_semaphore, #tpu.memory_space<semaphore_mem>>) src(%dma_wait3A_3434 : memref<32x512xf32, #tpu.memory_space<hbm>>) dst(%arg8 : memref<32x512xf32, #tpu.memory_space<vmem>>)
    %add3A_3435 = arith.constant 4224 : i32
    %add3A_3436 = vector.broadcast %add3A_3435 : i32 to vector<16xi32>
    %add3A_3437 = arith.addi %mul3A_3, %add3A_3436 : vector<16xi32>
    %mul3A_3438 = arith.constant 786432 : i32
    %mul3A_3439 = arith.muli %add3A, %mul3A_3438 : i32
    %add3A_3440 = arith.constant 638976 : i32
    %add3A_3441 = arith.addi %mul3A_3439, %add3A_3440 : i32
    %jit3A_3442 = arith.constant 512 : i32
    %div3A_3443 = arith.divsi %add3A_3441, %jit3A_3442 : i32
    %sign3A_3444 = arith.constant 0 : i32
    %sign3A_3445 = arith.cmpi sgt, %add3A_3441, %sign3A_3444 : i32
    %sign3A_3446 = arith.extui %sign3A_3445 : i1 to i32
    %sign3A_3447 = arith.constant 0 : i32
    %sign3A_3448 = arith.cmpi slt, %add3A_3441, %sign3A_3447 : i32
    %sign3A_3449 = arith.extui %sign3A_3448 : i1 to i32
    %sign3A_3450 = arith.subi %sign3A_3446, %sign3A_3449 : i32
    %sign3A_3451 = arith.constant 0 : i32
    %sign3A_3452 = arith.cmpi sgt, %jit3A_3442, %sign3A_3451 : i32
    %sign3A_3453 = arith.extui %sign3A_3452 : i1 to i32
    %sign3A_3454 = arith.constant 0 : i32
    %sign3A_3455 = arith.cmpi slt, %jit3A_3442, %sign3A_3454 : i32
    %sign3A_3456 = arith.extui %sign3A_3455 : i1 to i32
    %sign3A_3457 = arith.subi %sign3A_3453, %sign3A_3456 : i32
    %ne3A_3458 = arith.cmpi ne, %sign3A_3450, %sign3A_3457 : i32
    %rem3A_3459 = arith.remsi %add3A_3441, %jit3A_3442 : i32
    %ne3A_3460 = arith.constant 0 : i32
    %ne3A_3461 = arith.cmpi ne, %rem3A_3459, %ne3A_3460 : i32
    %and3A_3462 = arith.andi %ne3A_3458, %ne3A_3461 : i1
    %sub3A_3463 = arith.constant 1 : i32
    %sub3A_3464 = arith.subi %div3A_3443, %sub3A_3463 : i32
    %select_n3A_3465 = arith.select %and3A_3462, %sub3A_3464, %div3A_3443 : i32
    %multiple_of3A_3466 = tpu.assume_multiple %select_n3A_3465, 8 : i32
    %dma_start3A_3467 = arith.constant 0 : i32
    %dma_start3A_3468 = tpu.memref_slice %arg3[%multiple_of3A_3466, %dma_start3A_3467] : memref<49152x512xf32, #tpu.memory_space<hbm>> -> memref<32x512xf32, #tpu.memory_space<hbm>>
    %dma_start3A_3469 = arith.constant 0 : i32
    %dma_start3A_3470 = tpu.memref_slice %arg3[%multiple_of3A_3466, %dma_start3A_3469] : memref<49152x512xf32, #tpu.memory_space<hbm>> -> memref<32x512xf32, #tpu.memory_space<hbm>>
    tpu.enqueue_dma source(%dma_start3A_3470 : memref<32x512xf32, #tpu.memory_space<hbm>>) target(%arg8 : memref<32x512xf32, #tpu.memory_space<vmem>>) target_semaphore(%arg16 : memref<!tpu.dma_semaphore, #tpu.memory_space<semaphore_mem>>)
    %dma_wait3A_3471 = arith.constant 0 : i32
    %dma_wait3A_3472 = tpu.memref_slice %arg3[%multiple_of3A_3226, %dma_wait3A_3471] : memref<49152x512xf32, #tpu.memory_space<hbm>> -> memref<32x512xf32, #tpu.memory_space<hbm>>
    %dma_wait3A_3473 = arith.constant 0 : i32
    %dma_wait3A_3474 = tpu.memref_slice %arg3[%multiple_of3A_3226, %dma_wait3A_3473] : memref<49152x512xf32, #tpu.memory_space<hbm>> -> memref<32x512xf32, #tpu.memory_space<hbm>>
    tpu.wait_dma2 semaphore(%arg17 : memref<!tpu.dma_semaphore, #tpu.memory_space<semaphore_mem>>) src(%dma_wait3A_3474 : memref<32x512xf32, #tpu.memory_space<hbm>>) dst(%arg9 : memref<32x512xf32, #tpu.memory_space<vmem>>)
    %add3A_3475 = arith.constant 4224 : i32
    %add3A_3476 = vector.broadcast %add3A_3475 : i32 to vector<16xi32>
    %add3A_3477 = arith.addi %mul3A_3, %add3A_3476 : vector<16xi32>
    %mul3A_3478 = arith.constant 786432 : i32
    %mul3A_3479 = arith.muli %add3A, %mul3A_3478 : i32
    %add3A_3480 = arith.constant 655360 : i32
    %add3A_3481 = arith.addi %mul3A_3479, %add3A_3480 : i32
    %jit3A_3482 = arith.constant 512 : i32
    %div3A_3483 = arith.divsi %add3A_3481, %jit3A_3482 : i32
    %sign3A_3484 = arith.constant 0 : i32
    %sign3A_3485 = arith.cmpi sgt, %add3A_3481, %sign3A_3484 : i32
    %sign3A_3486 = arith.extui %sign3A_3485 : i1 to i32
    %sign3A_3487 = arith.constant 0 : i32
    %sign3A_3488 = arith.cmpi slt, %add3A_3481, %sign3A_3487 : i32
    %sign3A_3489 = arith.extui %sign3A_3488 : i1 to i32
    %sign3A_3490 = arith.subi %sign3A_3486, %sign3A_3489 : i32
    %sign3A_3491 = arith.constant 0 : i32
    %sign3A_3492 = arith.cmpi sgt, %jit3A_3482, %sign3A_3491 : i32
    %sign3A_3493 = arith.extui %sign3A_3492 : i1 to i32
    %sign3A_3494 = arith.constant 0 : i32
    %sign3A_3495 = arith.cmpi slt, %jit3A_3482, %sign3A_3494 : i32
    %sign3A_3496 = arith.extui %sign3A_3495 : i1 to i32
    %sign3A_3497 = arith.subi %sign3A_3493, %sign3A_3496 : i32
    %ne3A_3498 = arith.cmpi ne, %sign3A_3490, %sign3A_3497 : i32
    %rem3A_3499 = arith.remsi %add3A_3481, %jit3A_3482 : i32
    %ne3A_3500 = arith.constant 0 : i32
    %ne3A_3501 = arith.cmpi ne, %rem3A_3499, %ne3A_3500 : i32
    %and3A_3502 = arith.andi %ne3A_3498, %ne3A_3501 : i1
    %sub3A_3503 = arith.constant 1 : i32
    %sub3A_3504 = arith.subi %div3A_3483, %sub3A_3503 : i32
    %select_n3A_3505 = arith.select %and3A_3502, %sub3A_3504, %div3A_3483 : i32
    %multiple_of3A_3506 = tpu.assume_multiple %select_n3A_3505, 8 : i32
    %dma_start3A_3507 = arith.constant 0 : i32
    %dma_start3A_3508 = tpu.memref_slice %arg3[%multiple_of3A_3506, %dma_start3A_3507] : memref<49152x512xf32, #tpu.memory_space<hbm>> -> memref<32x512xf32, #tpu.memory_space<hbm>>
    %dma_start3A_3509 = arith.constant 0 : i32
    %dma_start3A_3510 = tpu.memref_slice %arg3[%multiple_of3A_3506, %dma_start3A_3509] : memref<49152x512xf32, #tpu.memory_space<hbm>> -> memref<32x512xf32, #tpu.memory_space<hbm>>
    tpu.enqueue_dma source(%dma_start3A_3510 : memref<32x512xf32, #tpu.memory_space<hbm>>) target(%arg9 : memref<32x512xf32, #tpu.memory_space<vmem>>) target_semaphore(%arg17 : memref<!tpu.dma_semaphore, #tpu.memory_space<semaphore_mem>>)
    %dma_wait3A_3511 = arith.constant 0 : i32
    %dma_wait3A_3512 = tpu.memref_slice %arg3[%multiple_of3A_3266, %dma_wait3A_3511] : memref<49152x512xf32, #tpu.memory_space<hbm>> -> memref<32x512xf32, #tpu.memory_space<hbm>>
    %dma_wait3A_3513 = arith.constant 0 : i32
    %dma_wait3A_3514 = tpu.memref_slice %arg3[%multiple_of3A_3266, %dma_wait3A_3513] : memref<49152x512xf32, #tpu.memory_space<hbm>> -> memref<32x512xf32, #tpu.memory_space<hbm>>
    tpu.wait_dma2 semaphore(%arg18 : memref<!tpu.dma_semaphore, #tpu.memory_space<semaphore_mem>>) src(%dma_wait3A_3514 : memref<32x512xf32, #tpu.memory_space<hbm>>) dst(%arg10 : memref<32x512xf32, #tpu.memory_space<vmem>>)
    %add3A_3515 = arith.constant 4224 : i32
    %add3A_3516 = vector.broadcast %add3A_3515 : i32 to vector<16xi32>
    %add3A_3517 = arith.addi %mul3A_3, %add3A_3516 : vector<16xi32>
    %mul3A_3518 = arith.constant 786432 : i32
    %mul3A_3519 = arith.muli %add3A, %mul3A_3518 : i32
    %add3A_3520 = arith.constant 671744 : i32
    %add3A_3521 = arith.addi %mul3A_3519, %add3A_3520 : i32
    %jit3A_3522 = arith.constant 512 : i32
    %div3A_3523 = arith.divsi %add3A_3521, %jit3A_3522 : i32
    %sign3A_3524 = arith.constant 0 : i32
    %sign3A_3525 = arith.cmpi sgt, %add3A_3521, %sign3A_3524 : i32
    %sign3A_3526 = arith.extui %sign3A_3525 : i1 to i32
    %sign3A_3527 = arith.constant 0 : i32
    %sign3A_3528 = arith.cmpi slt, %add3A_3521, %sign3A_3527 : i32
    %sign3A_3529 = arith.extui %sign3A_3528 : i1 to i32
    %sign3A_3530 = arith.subi %sign3A_3526, %sign3A_3529 : i32
    %sign3A_3531 = arith.constant 0 : i32
    %sign3A_3532 = arith.cmpi sgt, %jit3A_3522, %sign3A_3531 : i32
    %sign3A_3533 = arith.extui %sign3A_3532 : i1 to i32
    %sign3A_3534 = arith.constant 0 : i32
    %sign3A_3535 = arith.cmpi slt, %jit3A_3522, %sign3A_3534 : i32
    %sign3A_3536 = arith.extui %sign3A_3535 : i1 to i32
    %sign3A_3537 = arith.subi %sign3A_3533, %sign3A_3536 : i32
    %ne3A_3538 = arith.cmpi ne, %sign3A_3530, %sign3A_3537 : i32
    %rem3A_3539 = arith.remsi %add3A_3521, %jit3A_3522 : i32
    %ne3A_3540 = arith.constant 0 : i32
    %ne3A_3541 = arith.cmpi ne, %rem3A_3539, %ne3A_3540 : i32
    %and3A_3542 = arith.andi %ne3A_3538, %ne3A_3541 : i1
    %sub3A_3543 = arith.constant 1 : i32
    %sub3A_3544 = arith.subi %div3A_3523, %sub3A_3543 : i32
    %select_n3A_3545 = arith.select %and3A_3542, %sub3A_3544, %div3A_3523 : i32
    %multiple_of3A_3546 = tpu.assume_multiple %select_n3A_3545, 8 : i32
    %dma_start3A_3547 = arith.constant 0 : i32
    %dma_start3A_3548 = tpu.memref_slice %arg3[%multiple_of3A_3546, %dma_start3A_3547] : memref<49152x512xf32, #tpu.memory_space<hbm>> -> memref<32x512xf32, #tpu.memory_space<hbm>>
    %dma_start3A_3549 = arith.constant 0 : i32
    %dma_start3A_3550 = tpu.memref_slice %arg3[%multiple_of3A_3546, %dma_start3A_3549] : memref<49152x512xf32, #tpu.memory_space<hbm>> -> memref<32x512xf32, #tpu.memory_space<hbm>>
    tpu.enqueue_dma source(%dma_start3A_3550 : memref<32x512xf32, #tpu.memory_space<hbm>>) target(%arg10 : memref<32x512xf32, #tpu.memory_space<vmem>>) target_semaphore(%arg18 : memref<!tpu.dma_semaphore, #tpu.memory_space<semaphore_mem>>)
    %dma_wait3A_3551 = arith.constant 0 : i32
    %dma_wait3A_3552 = tpu.memref_slice %arg3[%multiple_of3A_3306, %dma_wait3A_3551] : memref<49152x512xf32, #tpu.memory_space<hbm>> -> memref<32x512xf32, #tpu.memory_space<hbm>>
    %dma_wait3A_3553 = arith.constant 0 : i32
    %dma_wait3A_3554 = tpu.memref_slice %arg3[%multiple_of3A_3306, %dma_wait3A_3553] : memref<49152x512xf32, #tpu.memory_space<hbm>> -> memref<32x512xf32, #tpu.memory_space<hbm>>
    tpu.wait_dma2 semaphore(%arg19 : memref<!tpu.dma_semaphore, #tpu.memory_space<semaphore_mem>>) src(%dma_wait3A_3554 : memref<32x512xf32, #tpu.memory_space<hbm>>) dst(%arg11 : memref<32x512xf32, #tpu.memory_space<vmem>>)
    %add3A_3555 = arith.constant 4224 : i32
    %add3A_3556 = vector.broadcast %add3A_3555 : i32 to vector<16xi32>
    %add3A_3557 = arith.addi %mul3A_3, %add3A_3556 : vector<16xi32>
    %mul3A_3558 = arith.constant 786432 : i32
    %mul3A_3559 = arith.muli %add3A, %mul3A_3558 : i32
    %add3A_3560 = arith.constant 688128 : i32
    %add3A_3561 = arith.addi %mul3A_3559, %add3A_3560 : i32
    %jit3A_3562 = arith.constant 512 : i32
    %div3A_3563 = arith.divsi %add3A_3561, %jit3A_3562 : i32
    %sign3A_3564 = arith.constant 0 : i32
    %sign3A_3565 = arith.cmpi sgt, %add3A_3561, %sign3A_3564 : i32
    %sign3A_3566 = arith.extui %sign3A_3565 : i1 to i32
    %sign3A_3567 = arith.constant 0 : i32
    %sign3A_3568 = arith.cmpi slt, %add3A_3561, %sign3A_3567 : i32
    %sign3A_3569 = arith.extui %sign3A_3568 : i1 to i32
    %sign3A_3570 = arith.subi %sign3A_3566, %sign3A_3569 : i32
    %sign3A_3571 = arith.constant 0 : i32
    %sign3A_3572 = arith.cmpi sgt, %jit3A_3562, %sign3A_3571 : i32
    %sign3A_3573 = arith.extui %sign3A_3572 : i1 to i32
    %sign3A_3574 = arith.constant 0 : i32
    %sign3A_3575 = arith.cmpi slt, %jit3A_3562, %sign3A_3574 : i32
    %sign3A_3576 = arith.extui %sign3A_3575 : i1 to i32
    %sign3A_3577 = arith.subi %sign3A_3573, %sign3A_3576 : i32
    %ne3A_3578 = arith.cmpi ne, %sign3A_3570, %sign3A_3577 : i32
    %rem3A_3579 = arith.remsi %add3A_3561, %jit3A_3562 : i32
    %ne3A_3580 = arith.constant 0 : i32
    %ne3A_3581 = arith.cmpi ne, %rem3A_3579, %ne3A_3580 : i32
    %and3A_3582 = arith.andi %ne3A_3578, %ne3A_3581 : i1
    %sub3A_3583 = arith.constant 1 : i32
    %sub3A_3584 = arith.subi %div3A_3563, %sub3A_3583 : i32
    %select_n3A_3585 = arith.select %and3A_3582, %sub3A_3584, %div3A_3563 : i32
    %multiple_of3A_3586 = tpu.assume_multiple %select_n3A_3585, 8 : i32
    %dma_start3A_3587 = arith.constant 0 : i32
    %dma_start3A_3588 = tpu.memref_slice %arg3[%multiple_of3A_3586, %dma_start3A_3587] : memref<49152x512xf32, #tpu.memory_space<hbm>> -> memref<32x512xf32, #tpu.memory_space<hbm>>
    %dma_start3A_3589 = arith.constant 0 : i32
    %dma_start3A_3590 = tpu.memref_slice %arg3[%multiple_of3A_3586, %dma_start3A_3589] : memref<49152x512xf32, #tpu.memory_space<hbm>> -> memref<32x512xf32, #tpu.memory_space<hbm>>
    tpu.enqueue_dma source(%dma_start3A_3590 : memref<32x512xf32, #tpu.memory_space<hbm>>) target(%arg11 : memref<32x512xf32, #tpu.memory_space<vmem>>) target_semaphore(%arg19 : memref<!tpu.dma_semaphore, #tpu.memory_space<semaphore_mem>>)
    %dma_wait3A_3591 = arith.constant 0 : i32
    %dma_wait3A_3592 = tpu.memref_slice %arg3[%multiple_of3A_3346, %dma_wait3A_3591] : memref<49152x512xf32, #tpu.memory_space<hbm>> -> memref<32x512xf32, #tpu.memory_space<hbm>>
    %dma_wait3A_3593 = arith.constant 0 : i32
    %dma_wait3A_3594 = tpu.memref_slice %arg3[%multiple_of3A_3346, %dma_wait3A_3593] : memref<49152x512xf32, #tpu.memory_space<hbm>> -> memref<32x512xf32, #tpu.memory_space<hbm>>
    tpu.wait_dma2 semaphore(%arg13 : memref<!tpu.dma_semaphore, #tpu.memory_space<semaphore_mem>>) src(%dma_wait3A_3594 : memref<32x512xf32, #tpu.memory_space<hbm>>) dst(%arg5 : memref<32x512xf32, #tpu.memory_space<vmem>>)
    %add3A_3595 = arith.constant 4224 : i32
    %add3A_3596 = vector.broadcast %add3A_3595 : i32 to vector<16xi32>
    %add3A_3597 = arith.addi %mul3A_3, %add3A_3596 : vector<16xi32>
    %mul3A_3598 = arith.constant 786432 : i32
    %mul3A_3599 = arith.muli %add3A, %mul3A_3598 : i32
    %add3A_3600 = arith.constant 704512 : i32
    %add3A_3601 = arith.addi %mul3A_3599, %add3A_3600 : i32
    %jit3A_3602 = arith.constant 512 : i32
    %div3A_3603 = arith.divsi %add3A_3601, %jit3A_3602 : i32
    %sign3A_3604 = arith.constant 0 : i32
    %sign3A_3605 = arith.cmpi sgt, %add3A_3601, %sign3A_3604 : i32
    %sign3A_3606 = arith.extui %sign3A_3605 : i1 to i32
    %sign3A_3607 = arith.constant 0 : i32
    %sign3A_3608 = arith.cmpi slt, %add3A_3601, %sign3A_3607 : i32
    %sign3A_3609 = arith.extui %sign3A_3608 : i1 to i32
    %sign3A_3610 = arith.subi %sign3A_3606, %sign3A_3609 : i32
    %sign3A_3611 = arith.constant 0 : i32
    %sign3A_3612 = arith.cmpi sgt, %jit3A_3602, %sign3A_3611 : i32
    %sign3A_3613 = arith.extui %sign3A_3612 : i1 to i32
    %sign3A_3614 = arith.constant 0 : i32
    %sign3A_3615 = arith.cmpi slt, %jit3A_3602, %sign3A_3614 : i32
    %sign3A_3616 = arith.extui %sign3A_3615 : i1 to i32
    %sign3A_3617 = arith.subi %sign3A_3613, %sign3A_3616 : i32
    %ne3A_3618 = arith.cmpi ne, %sign3A_3610, %sign3A_3617 : i32
    %rem3A_3619 = arith.remsi %add3A_3601, %jit3A_3602 : i32
    %ne3A_3620 = arith.constant 0 : i32
    %ne3A_3621 = arith.cmpi ne, %rem3A_3619, %ne3A_3620 : i32
    %and3A_3622 = arith.andi %ne3A_3618, %ne3A_3621 : i1
    %sub3A_3623 = arith.constant 1 : i32
    %sub3A_3624 = arith.subi %div3A_3603, %sub3A_3623 : i32
    %select_n3A_3625 = arith.select %and3A_3622, %sub3A_3624, %div3A_3603 : i32
    %multiple_of3A_3626 = tpu.assume_multiple %select_n3A_3625, 8 : i32
    %dma_start3A_3627 = arith.constant 0 : i32
    %dma_start3A_3628 = tpu.memref_slice %arg3[%multiple_of3A_3626, %dma_start3A_3627] : memref<49152x512xf32, #tpu.memory_space<hbm>> -> memref<32x512xf32, #tpu.memory_space<hbm>>
    %dma_start3A_3629 = arith.constant 0 : i32
    %dma_start3A_3630 = tpu.memref_slice %arg3[%multiple_of3A_3626, %dma_start3A_3629] : memref<49152x512xf32, #tpu.memory_space<hbm>> -> memref<32x512xf32, #tpu.memory_space<hbm>>
    tpu.enqueue_dma source(%dma_start3A_3630 : memref<32x512xf32, #tpu.memory_space<hbm>>) target(%arg5 : memref<32x512xf32, #tpu.memory_space<vmem>>) target_semaphore(%arg13 : memref<!tpu.dma_semaphore, #tpu.memory_space<semaphore_mem>>)
    %dma_wait3A_3631 = arith.constant 0 : i32
    %dma_wait3A_3632 = tpu.memref_slice %arg3[%multiple_of3A_3386, %dma_wait3A_3631] : memref<49152x512xf32, #tpu.memory_space<hbm>> -> memref<32x512xf32, #tpu.memory_space<hbm>>
    %dma_wait3A_3633 = arith.constant 0 : i32
    %dma_wait3A_3634 = tpu.memref_slice %arg3[%multiple_of3A_3386, %dma_wait3A_3633] : memref<49152x512xf32, #tpu.memory_space<hbm>> -> memref<32x512xf32, #tpu.memory_space<hbm>>
    tpu.wait_dma2 semaphore(%arg14 : memref<!tpu.dma_semaphore, #tpu.memory_space<semaphore_mem>>) src(%dma_wait3A_3634 : memref<32x512xf32, #tpu.memory_space<hbm>>) dst(%arg6 : memref<32x512xf32, #tpu.memory_space<vmem>>)
    %add3A_3635 = arith.constant 4224 : i32
    %add3A_3636 = vector.broadcast %add3A_3635 : i32 to vector<16xi32>
    %add3A_3637 = arith.addi %mul3A_3, %add3A_3636 : vector<16xi32>
    %mul3A_3638 = arith.constant 786432 : i32
    %mul3A_3639 = arith.muli %add3A, %mul3A_3638 : i32
    %add3A_3640 = arith.constant 720896 : i32
    %add3A_3641 = arith.addi %mul3A_3639, %add3A_3640 : i32
    %jit3A_3642 = arith.constant 512 : i32
    %div3A_3643 = arith.divsi %add3A_3641, %jit3A_3642 : i32
    %sign3A_3644 = arith.constant 0 : i32
    %sign3A_3645 = arith.cmpi sgt, %add3A_3641, %sign3A_3644 : i32
    %sign3A_3646 = arith.extui %sign3A_3645 : i1 to i32
    %sign3A_3647 = arith.constant 0 : i32
    %sign3A_3648 = arith.cmpi slt, %add3A_3641, %sign3A_3647 : i32
    %sign3A_3649 = arith.extui %sign3A_3648 : i1 to i32
    %sign3A_3650 = arith.subi %sign3A_3646, %sign3A_3649 : i32
    %sign3A_3651 = arith.constant 0 : i32
    %sign3A_3652 = arith.cmpi sgt, %jit3A_3642, %sign3A_3651 : i32
    %sign3A_3653 = arith.extui %sign3A_3652 : i1 to i32
    %sign3A_3654 = arith.constant 0 : i32
    %sign3A_3655 = arith.cmpi slt, %jit3A_3642, %sign3A_3654 : i32
    %sign3A_3656 = arith.extui %sign3A_3655 : i1 to i32
    %sign3A_3657 = arith.subi %sign3A_3653, %sign3A_3656 : i32
    %ne3A_3658 = arith.cmpi ne, %sign3A_3650, %sign3A_3657 : i32
    %rem3A_3659 = arith.remsi %add3A_3641, %jit3A_3642 : i32
    %ne3A_3660 = arith.constant 0 : i32
    %ne3A_3661 = arith.cmpi ne, %rem3A_3659, %ne3A_3660 : i32
    %and3A_3662 = arith.andi %ne3A_3658, %ne3A_3661 : i1
    %sub3A_3663 = arith.constant 1 : i32
    %sub3A_3664 = arith.subi %div3A_3643, %sub3A_3663 : i32
    %select_n3A_3665 = arith.select %and3A_3662, %sub3A_3664, %div3A_3643 : i32
    %multiple_of3A_3666 = tpu.assume_multiple %select_n3A_3665, 8 : i32
    %dma_start3A_3667 = arith.constant 0 : i32
    %dma_start3A_3668 = tpu.memref_slice %arg3[%multiple_of3A_3666, %dma_start3A_3667] : memref<49152x512xf32, #tpu.memory_space<hbm>> -> memref<32x512xf32, #tpu.memory_space<hbm>>
    %dma_start3A_3669 = arith.constant 0 : i32
    %dma_start3A_3670 = tpu.memref_slice %arg3[%multiple_of3A_3666, %dma_start3A_3669] : memref<49152x512xf32, #tpu.memory_space<hbm>> -> memref<32x512xf32, #tpu.memory_space<hbm>>
    tpu.enqueue_dma source(%dma_start3A_3670 : memref<32x512xf32, #tpu.memory_space<hbm>>) target(%arg6 : memref<32x512xf32, #tpu.memory_space<vmem>>) target_semaphore(%arg14 : memref<!tpu.dma_semaphore, #tpu.memory_space<semaphore_mem>>)
    %dma_wait3A_3671 = arith.constant 0 : i32
    %dma_wait3A_3672 = tpu.memref_slice %arg3[%multiple_of3A_3426, %dma_wait3A_3671] : memref<49152x512xf32, #tpu.memory_space<hbm>> -> memref<32x512xf32, #tpu.memory_space<hbm>>
    %dma_wait3A_3673 = arith.constant 0 : i32
    %dma_wait3A_3674 = tpu.memref_slice %arg3[%multiple_of3A_3426, %dma_wait3A_3673] : memref<49152x512xf32, #tpu.memory_space<hbm>> -> memref<32x512xf32, #tpu.memory_space<hbm>>
    tpu.wait_dma2 semaphore(%arg15 : memref<!tpu.dma_semaphore, #tpu.memory_space<semaphore_mem>>) src(%dma_wait3A_3674 : memref<32x512xf32, #tpu.memory_space<hbm>>) dst(%arg7 : memref<32x512xf32, #tpu.memory_space<vmem>>)
    %add3A_3675 = arith.constant 4224 : i32
    %add3A_3676 = vector.broadcast %add3A_3675 : i32 to vector<16xi32>
    %add3A_3677 = arith.addi %mul3A_3, %add3A_3676 : vector<16xi32>
    %mul3A_3678 = arith.constant 786432 : i32
    %mul3A_3679 = arith.muli %add3A, %mul3A_3678 : i32
    %add3A_3680 = arith.constant 737280 : i32
    %add3A_3681 = arith.addi %mul3A_3679, %add3A_3680 : i32
    %jit3A_3682 = arith.constant 512 : i32
    %div3A_3683 = arith.divsi %add3A_3681, %jit3A_3682 : i32
    %sign3A_3684 = arith.constant 0 : i32
    %sign3A_3685 = arith.cmpi sgt, %add3A_3681, %sign3A_3684 : i32
    %sign3A_3686 = arith.extui %sign3A_3685 : i1 to i32
    %sign3A_3687 = arith.constant 0 : i32
    %sign3A_3688 = arith.cmpi slt, %add3A_3681, %sign3A_3687 : i32
    %sign3A_3689 = arith.extui %sign3A_3688 : i1 to i32
    %sign3A_3690 = arith.subi %sign3A_3686, %sign3A_3689 : i32
    %sign3A_3691 = arith.constant 0 : i32
    %sign3A_3692 = arith.cmpi sgt, %jit3A_3682, %sign3A_3691 : i32
    %sign3A_3693 = arith.extui %sign3A_3692 : i1 to i32
    %sign3A_3694 = arith.constant 0 : i32
    %sign3A_3695 = arith.cmpi slt, %jit3A_3682, %sign3A_3694 : i32
    %sign3A_3696 = arith.extui %sign3A_3695 : i1 to i32
    %sign3A_3697 = arith.subi %sign3A_3693, %sign3A_3696 : i32
    %ne3A_3698 = arith.cmpi ne, %sign3A_3690, %sign3A_3697 : i32
    %rem3A_3699 = arith.remsi %add3A_3681, %jit3A_3682 : i32
    %ne3A_3700 = arith.constant 0 : i32
    %ne3A_3701 = arith.cmpi ne, %rem3A_3699, %ne3A_3700 : i32
    %and3A_3702 = arith.andi %ne3A_3698, %ne3A_3701 : i1
    %sub3A_3703 = arith.constant 1 : i32
    %sub3A_3704 = arith.subi %div3A_3683, %sub3A_3703 : i32
    %select_n3A_3705 = arith.select %and3A_3702, %sub3A_3704, %div3A_3683 : i32
    %multiple_of3A_3706 = tpu.assume_multiple %select_n3A_3705, 8 : i32
    %dma_start3A_3707 = arith.constant 0 : i32
    %dma_start3A_3708 = tpu.memref_slice %arg3[%multiple_of3A_3706, %dma_start3A_3707] : memref<49152x512xf32, #tpu.memory_space<hbm>> -> memref<32x512xf32, #tpu.memory_space<hbm>>
    %dma_start3A_3709 = arith.constant 0 : i32
    %dma_start3A_3710 = tpu.memref_slice %arg3[%multiple_of3A_3706, %dma_start3A_3709] : memref<49152x512xf32, #tpu.memory_space<hbm>> -> memref<32x512xf32, #tpu.memory_space<hbm>>
    tpu.enqueue_dma source(%dma_start3A_3710 : memref<32x512xf32, #tpu.memory_space<hbm>>) target(%arg7 : memref<32x512xf32, #tpu.memory_space<vmem>>) target_semaphore(%arg15 : memref<!tpu.dma_semaphore, #tpu.memory_space<semaphore_mem>>)
    %dma_wait3A_3711 = arith.constant 0 : i32
    %dma_wait3A_3712 = tpu.memref_slice %arg3[%multiple_of3A_3466, %dma_wait3A_3711] : memref<49152x512xf32, #tpu.memory_space<hbm>> -> memref<32x512xf32, #tpu.memory_space<hbm>>
    %dma_wait3A_3713 = arith.constant 0 : i32
    %dma_wait3A_3714 = tpu.memref_slice %arg3[%multiple_of3A_3466, %dma_wait3A_3713] : memref<49152x512xf32, #tpu.memory_space<hbm>> -> memref<32x512xf32, #tpu.memory_space<hbm>>
    tpu.wait_dma2 semaphore(%arg16 : memref<!tpu.dma_semaphore, #tpu.memory_space<semaphore_mem>>) src(%dma_wait3A_3714 : memref<32x512xf32, #tpu.memory_space<hbm>>) dst(%arg8 : memref<32x512xf32, #tpu.memory_space<vmem>>)
    %add3A_3715 = arith.constant 4224 : i32
    %add3A_3716 = vector.broadcast %add3A_3715 : i32 to vector<16xi32>
    %add3A_3717 = arith.addi %mul3A_3, %add3A_3716 : vector<16xi32>
    %mul3A_3718 = arith.constant 786432 : i32
    %mul3A_3719 = arith.muli %add3A, %mul3A_3718 : i32
    %add3A_3720 = arith.constant 753664 : i32
    %add3A_3721 = arith.addi %mul3A_3719, %add3A_3720 : i32
    %jit3A_3722 = arith.constant 512 : i32
    %div3A_3723 = arith.divsi %add3A_3721, %jit3A_3722 : i32
    %sign3A_3724 = arith.constant 0 : i32
    %sign3A_3725 = arith.cmpi sgt, %add3A_3721, %sign3A_3724 : i32
    %sign3A_3726 = arith.extui %sign3A_3725 : i1 to i32
    %sign3A_3727 = arith.constant 0 : i32
    %sign3A_3728 = arith.cmpi slt, %add3A_3721, %sign3A_3727 : i32
    %sign3A_3729 = arith.extui %sign3A_3728 : i1 to i32
    %sign3A_3730 = arith.subi %sign3A_3726, %sign3A_3729 : i32
    %sign3A_3731 = arith.constant 0 : i32
    %sign3A_3732 = arith.cmpi sgt, %jit3A_3722, %sign3A_3731 : i32
    %sign3A_3733 = arith.extui %sign3A_3732 : i1 to i32
    %sign3A_3734 = arith.constant 0 : i32
    %sign3A_3735 = arith.cmpi slt, %jit3A_3722, %sign3A_3734 : i32
    %sign3A_3736 = arith.extui %sign3A_3735 : i1 to i32
    %sign3A_3737 = arith.subi %sign3A_3733, %sign3A_3736 : i32
    %ne3A_3738 = arith.cmpi ne, %sign3A_3730, %sign3A_3737 : i32
    %rem3A_3739 = arith.remsi %add3A_3721, %jit3A_3722 : i32
    %ne3A_3740 = arith.constant 0 : i32
    %ne3A_3741 = arith.cmpi ne, %rem3A_3739, %ne3A_3740 : i32
    %and3A_3742 = arith.andi %ne3A_3738, %ne3A_3741 : i1
    %sub3A_3743 = arith.constant 1 : i32
    %sub3A_3744 = arith.subi %div3A_3723, %sub3A_3743 : i32
    %select_n3A_3745 = arith.select %and3A_3742, %sub3A_3744, %div3A_3723 : i32
    %multiple_of3A_3746 = tpu.assume_multiple %select_n3A_3745, 8 : i32
    %dma_start3A_3747 = arith.constant 0 : i32
    %dma_start3A_3748 = tpu.memref_slice %arg3[%multiple_of3A_3746, %dma_start3A_3747] : memref<49152x512xf32, #tpu.memory_space<hbm>> -> memref<32x512xf32, #tpu.memory_space<hbm>>
    %dma_start3A_3749 = arith.constant 0 : i32
    %dma_start3A_3750 = tpu.memref_slice %arg3[%multiple_of3A_3746, %dma_start3A_3749] : memref<49152x512xf32, #tpu.memory_space<hbm>> -> memref<32x512xf32, #tpu.memory_space<hbm>>
    tpu.enqueue_dma source(%dma_start3A_3750 : memref<32x512xf32, #tpu.memory_space<hbm>>) target(%arg8 : memref<32x512xf32, #tpu.memory_space<vmem>>) target_semaphore(%arg16 : memref<!tpu.dma_semaphore, #tpu.memory_space<semaphore_mem>>)
    %dma_wait3A_3751 = arith.constant 0 : i32
    %dma_wait3A_3752 = tpu.memref_slice %arg3[%multiple_of3A_3506, %dma_wait3A_3751] : memref<49152x512xf32, #tpu.memory_space<hbm>> -> memref<32x512xf32, #tpu.memory_space<hbm>>
    %dma_wait3A_3753 = arith.constant 0 : i32
    %dma_wait3A_3754 = tpu.memref_slice %arg3[%multiple_of3A_3506, %dma_wait3A_3753] : memref<49152x512xf32, #tpu.memory_space<hbm>> -> memref<32x512xf32, #tpu.memory_space<hbm>>
    tpu.wait_dma2 semaphore(%arg17 : memref<!tpu.dma_semaphore, #tpu.memory_space<semaphore_mem>>) src(%dma_wait3A_3754 : memref<32x512xf32, #tpu.memory_space<hbm>>) dst(%arg9 : memref<32x512xf32, #tpu.memory_space<vmem>>)
    %add3A_3755 = arith.constant 4224 : i32
    %add3A_3756 = vector.broadcast %add3A_3755 : i32 to vector<16xi32>
    %add3A_3757 = arith.addi %mul3A_3, %add3A_3756 : vector<16xi32>
    %mul3A_3758 = arith.constant 786432 : i32
    %mul3A_3759 = arith.muli %add3A, %mul3A_3758 : i32
    %add3A_3760 = arith.constant 770048 : i32
    %add3A_3761 = arith.addi %mul3A_3759, %add3A_3760 : i32
    %jit3A_3762 = arith.constant 512 : i32
    %div3A_3763 = arith.divsi %add3A_3761, %jit3A_3762 : i32
    %sign3A_3764 = arith.constant 0 : i32
    %sign3A_3765 = arith.cmpi sgt, %add3A_3761, %sign3A_3764 : i32
    %sign3A_3766 = arith.extui %sign3A_3765 : i1 to i32
    %sign3A_3767 = arith.constant 0 : i32
    %sign3A_3768 = arith.cmpi slt, %add3A_3761, %sign3A_3767 : i32
    %sign3A_3769 = arith.extui %sign3A_3768 : i1 to i32
    %sign3A_3770 = arith.subi %sign3A_3766, %sign3A_3769 : i32
    %sign3A_3771 = arith.constant 0 : i32
    %sign3A_3772 = arith.cmpi sgt, %jit3A_3762, %sign3A_3771 : i32
    %sign3A_3773 = arith.extui %sign3A_3772 : i1 to i32
    %sign3A_3774 = arith.constant 0 : i32
    %sign3A_3775 = arith.cmpi slt, %jit3A_3762, %sign3A_3774 : i32
    %sign3A_3776 = arith.extui %sign3A_3775 : i1 to i32
    %sign3A_3777 = arith.subi %sign3A_3773, %sign3A_3776 : i32
    %ne3A_3778 = arith.cmpi ne, %sign3A_3770, %sign3A_3777 : i32
    %rem3A_3779 = arith.remsi %add3A_3761, %jit3A_3762 : i32
    %ne3A_3780 = arith.constant 0 : i32
    %ne3A_3781 = arith.cmpi ne, %rem3A_3779, %ne3A_3780 : i32
    %and3A_3782 = arith.andi %ne3A_3778, %ne3A_3781 : i1
    %sub3A_3783 = arith.constant 1 : i32
    %sub3A_3784 = arith.subi %div3A_3763, %sub3A_3783 : i32
    %select_n3A_3785 = arith.select %and3A_3782, %sub3A_3784, %div3A_3763 : i32
    %multiple_of3A_3786 = tpu.assume_multiple %select_n3A_3785, 8 : i32
    %dma_start3A_3787 = arith.constant 0 : i32
    %dma_start3A_3788 = tpu.memref_slice %arg3[%multiple_of3A_3786, %dma_start3A_3787] : memref<49152x512xf32, #tpu.memory_space<hbm>> -> memref<32x512xf32, #tpu.memory_space<hbm>>
    %dma_start3A_3789 = arith.constant 0 : i32
    %dma_start3A_3790 = tpu.memref_slice %arg3[%multiple_of3A_3786, %dma_start3A_3789] : memref<49152x512xf32, #tpu.memory_space<hbm>> -> memref<32x512xf32, #tpu.memory_space<hbm>>
    tpu.enqueue_dma source(%dma_start3A_3790 : memref<32x512xf32, #tpu.memory_space<hbm>>) target(%arg9 : memref<32x512xf32, #tpu.memory_space<vmem>>) target_semaphore(%arg17 : memref<!tpu.dma_semaphore, #tpu.memory_space<semaphore_mem>>)
    %dma_wait3A_3791 = arith.constant 0 : i32
    %dma_wait3A_3792 = tpu.memref_slice %arg3[%multiple_of3A_3546, %dma_wait3A_3791] : memref<49152x512xf32, #tpu.memory_space<hbm>> -> memref<32x512xf32, #tpu.memory_space<hbm>>
    %dma_wait3A_3793 = arith.constant 0 : i32
    %dma_wait3A_3794 = tpu.memref_slice %arg3[%multiple_of3A_3546, %dma_wait3A_3793] : memref<49152x512xf32, #tpu.memory_space<hbm>> -> memref<32x512xf32, #tpu.memory_space<hbm>>
    tpu.wait_dma2 semaphore(%arg18 : memref<!tpu.dma_semaphore, #tpu.memory_space<semaphore_mem>>) src(%dma_wait3A_3794 : memref<32x512xf32, #tpu.memory_space<hbm>>) dst(%arg10 : memref<32x512xf32, #tpu.memory_space<vmem>>)
    %add3A_3795 = arith.constant 4224 : i32
    %add3A_3796 = vector.broadcast %add3A_3795 : i32 to vector<16xi32>
    %add3A_3797 = arith.addi %mul3A_3, %add3A_3796 : vector<16xi32>
    %dma_wait3A_3798 = arith.constant 0 : i32
    %dma_wait3A_3799 = tpu.memref_slice %arg3[%multiple_of3A_3586, %dma_wait3A_3798] : memref<49152x512xf32, #tpu.memory_space<hbm>> -> memref<32x512xf32, #tpu.memory_space<hbm>>
    %dma_wait3A_3800 = arith.constant 0 : i32
    %dma_wait3A_3801 = tpu.memref_slice %arg3[%multiple_of3A_3586, %dma_wait3A_3800] : memref<49152x512xf32, #tpu.memory_space<hbm>> -> memref<32x512xf32, #tpu.memory_space<hbm>>
    tpu.wait_dma2 semaphore(%arg19 : memref<!tpu.dma_semaphore, #tpu.memory_space<semaphore_mem>>) src(%dma_wait3A_3801 : memref<32x512xf32, #tpu.memory_space<hbm>>) dst(%arg11 : memref<32x512xf32, #tpu.memory_space<vmem>>)
    %add3A_3802 = arith.constant 4224 : i32
    %add3A_3803 = vector.broadcast %add3A_3802 : i32 to vector<16xi32>
    %add3A_3804 = arith.addi %mul3A_3, %add3A_3803 : vector<16xi32>
    %dma_wait3A_3805 = arith.constant 0 : i32
    %dma_wait3A_3806 = tpu.memref_slice %arg3[%multiple_of3A_3626, %dma_wait3A_3805] : memref<49152x512xf32, #tpu.memory_space<hbm>> -> memref<32x512xf32, #tpu.memory_space<hbm>>
    %dma_wait3A_3807 = arith.constant 0 : i32
    %dma_wait3A_3808 = tpu.memref_slice %arg3[%multiple_of3A_3626, %dma_wait3A_3807] : memref<49152x512xf32, #tpu.memory_space<hbm>> -> memref<32x512xf32, #tpu.memory_space<hbm>>
    tpu.wait_dma2 semaphore(%arg13 : memref<!tpu.dma_semaphore, #tpu.memory_space<semaphore_mem>>) src(%dma_wait3A_3808 : memref<32x512xf32, #tpu.memory_space<hbm>>) dst(%arg5 : memref<32x512xf32, #tpu.memory_space<vmem>>)
    %add3A_3809 = arith.constant 4224 : i32
    %add3A_3810 = vector.broadcast %add3A_3809 : i32 to vector<16xi32>
    %add3A_3811 = arith.addi %mul3A_3, %add3A_3810 : vector<16xi32>
    %dma_wait3A_3812 = arith.constant 0 : i32
    %dma_wait3A_3813 = tpu.memref_slice %arg3[%multiple_of3A_3666, %dma_wait3A_3812] : memref<49152x512xf32, #tpu.memory_space<hbm>> -> memref<32x512xf32, #tpu.memory_space<hbm>>
    %dma_wait3A_3814 = arith.constant 0 : i32
    %dma_wait3A_3815 = tpu.memref_slice %arg3[%multiple_of3A_3666, %dma_wait3A_3814] : memref<49152x512xf32, #tpu.memory_space<hbm>> -> memref<32x512xf32, #tpu.memory_space<hbm>>
    tpu.wait_dma2 semaphore(%arg14 : memref<!tpu.dma_semaphore, #tpu.memory_space<semaphore_mem>>) src(%dma_wait3A_3815 : memref<32x512xf32, #tpu.memory_space<hbm>>) dst(%arg6 : memref<32x512xf32, #tpu.memory_space<vmem>>)
    %add3A_3816 = arith.constant 4224 : i32
    %add3A_3817 = vector.broadcast %add3A_3816 : i32 to vector<16xi32>
    %add3A_3818 = arith.addi %mul3A_3, %add3A_3817 : vector<16xi32>
    %dma_wait3A_3819 = arith.constant 0 : i32
    %dma_wait3A_3820 = tpu.memref_slice %arg3[%multiple_of3A_3706, %dma_wait3A_3819] : memref<49152x512xf32, #tpu.memory_space<hbm>> -> memref<32x512xf32, #tpu.memory_space<hbm>>
    %dma_wait3A_3821 = arith.constant 0 : i32
    %dma_wait3A_3822 = tpu.memref_slice %arg3[%multiple_of3A_3706, %dma_wait3A_3821] : memref<49152x512xf32, #tpu.memory_space<hbm>> -> memref<32x512xf32, #tpu.memory_space<hbm>>
    tpu.wait_dma2 semaphore(%arg15 : memref<!tpu.dma_semaphore, #tpu.memory_space<semaphore_mem>>) src(%dma_wait3A_3822 : memref<32x512xf32, #tpu.memory_space<hbm>>) dst(%arg7 : memref<32x512xf32, #tpu.memory_space<vmem>>)
    %add3A_3823 = arith.constant 4224 : i32
    %add3A_3824 = vector.broadcast %add3A_3823 : i32 to vector<16xi32>
    %add3A_3825 = arith.addi %mul3A_3, %add3A_3824 : vector<16xi32>
    %dma_wait3A_3826 = arith.constant 0 : i32
    %dma_wait3A_3827 = tpu.memref_slice %arg3[%multiple_of3A_3746, %dma_wait3A_3826] : memref<49152x512xf32, #tpu.memory_space<hbm>> -> memref<32x512xf32, #tpu.memory_space<hbm>>
    %dma_wait3A_3828 = arith.constant 0 : i32
    %dma_wait3A_3829 = tpu.memref_slice %arg3[%multiple_of3A_3746, %dma_wait3A_3828] : memref<49152x512xf32, #tpu.memory_space<hbm>> -> memref<32x512xf32, #tpu.memory_space<hbm>>
    tpu.wait_dma2 semaphore(%arg16 : memref<!tpu.dma_semaphore, #tpu.memory_space<semaphore_mem>>) src(%dma_wait3A_3829 : memref<32x512xf32, #tpu.memory_space<hbm>>) dst(%arg8 : memref<32x512xf32, #tpu.memory_space<vmem>>)
    %add3A_3830 = arith.constant 4224 : i32
    %add3A_3831 = vector.broadcast %add3A_3830 : i32 to vector<16xi32>
    %add3A_3832 = arith.addi %mul3A_3, %add3A_3831 : vector<16xi32>
    %dma_wait3A_3833 = arith.constant 0 : i32
    %dma_wait3A_3834 = tpu.memref_slice %arg3[%multiple_of3A_3786, %dma_wait3A_3833] : memref<49152x512xf32, #tpu.memory_space<hbm>> -> memref<32x512xf32, #tpu.memory_space<hbm>>
    %dma_wait3A_3835 = arith.constant 0 : i32
    %dma_wait3A_3836 = tpu.memref_slice %arg3[%multiple_of3A_3786, %dma_wait3A_3835] : memref<49152x512xf32, #tpu.memory_space<hbm>> -> memref<32x512xf32, #tpu.memory_space<hbm>>
    tpu.wait_dma2 semaphore(%arg17 : memref<!tpu.dma_semaphore, #tpu.memory_space<semaphore_mem>>) src(%dma_wait3A_3836 : memref<32x512xf32, #tpu.memory_space<hbm>>) dst(%arg9 : memref<32x512xf32, #tpu.memory_space<vmem>>)
    %add3A_3837 = arith.constant 4224 : i32
    %add3A_3838 = vector.broadcast %add3A_3837 : i32 to vector<16xi32>
    %add3A_3839 = arith.addi %mul3A_3, %add3A_3838 : vector<16xi32>
    "tpu.region"() ({
      %run_scoped3A = tpu.sem_alloc : memref<!tpu.dma_semaphore, #tpu.memory_space<semaphore_mem>>
      %dma_start3A_3842 = arith.constant 0 : i32
      %dma_start3A_3843 = tpu.memref_slice %arg12[%dma_start3A_3842] : memref<8448xf32, #tpu.memory_space<vmem>> -> memref<4224xf32, #tpu.memory_space<vmem>>
      %dma_start3A_3844 = arith.constant 0 : i32
      %dma_start3A_3845 = tpu.memref_slice %arg4[%add3A, %dma_start3A_3844] : memref<64x4224xf32, #tpu.memory_space<hbm>> -> memref<1x4224xf32, #tpu.memory_space<hbm>>
      %dma_start3A_3846 = tpu.memref_squeeze %dma_start3A_3845 : memref<1x4224xf32, #tpu.memory_space<hbm>> -> memref<4224xf32, #tpu.memory_space<hbm>>
      %dma_start3A_3847 = arith.constant 0 : i32
      %dma_start3A_3848 = tpu.memref_slice %arg4[%add3A, %dma_start3A_3847] : memref<64x4224xf32, #tpu.memory_space<hbm>> -> memref<1x4224xf32, #tpu.memory_space<hbm>>
      %dma_start3A_3849 = tpu.memref_squeeze %dma_start3A_3848 : memref<1x4224xf32, #tpu.memory_space<hbm>> -> memref<4224xf32, #tpu.memory_space<hbm>>
      %dma_start3A_3850 = arith.constant 0 : i32
      %dma_start3A_3851 = tpu.memref_slice %arg12[%dma_start3A_3850] : memref<8448xf32, #tpu.memory_space<vmem>> -> memref<4224xf32, #tpu.memory_space<vmem>>
      tpu.enqueue_dma source(%dma_start3A_3851 : memref<4224xf32, #tpu.memory_space<vmem>>) target(%dma_start3A_3849 : memref<4224xf32, #tpu.memory_space<hbm>>) target_semaphore(%run_scoped3A : memref<!tpu.dma_semaphore, #tpu.memory_space<semaphore_mem>>)
      %dma_wait3A_3852 = arith.constant 0 : i32
      %dma_wait3A_3853 = tpu.memref_slice %arg12[%dma_wait3A_3852] : memref<8448xf32, #tpu.memory_space<vmem>> -> memref<4224xf32, #tpu.memory_space<vmem>>
      %dma_wait3A_3854 = arith.constant 0 : i32
      %dma_wait3A_3855 = tpu.memref_slice %arg4[%add3A, %dma_wait3A_3854] : memref<64x4224xf32, #tpu.memory_space<hbm>> -> memref<1x4224xf32, #tpu.memory_space<hbm>>
      %dma_wait3A_3856 = tpu.memref_squeeze %dma_wait3A_3855 : memref<1x4224xf32, #tpu.memory_space<hbm>> -> memref<4224xf32, #tpu.memory_space<hbm>>
      %dma_wait3A_3857 = arith.constant 0 : i32
      %dma_wait3A_3858 = tpu.memref_slice %arg4[%add3A, %dma_wait3A_3857] : memref<64x4224xf32, #tpu.memory_space<hbm>> -> memref<1x4224xf32, #tpu.memory_space<hbm>>
      %dma_wait3A_3859 = tpu.memref_squeeze %dma_wait3A_3858 : memref<1x4224xf32, #tpu.memory_space<hbm>> -> memref<4224xf32, #tpu.memory_space<hbm>>
      %dma_wait3A_3860 = arith.constant 0 : i32
      %dma_wait3A_3861 = tpu.memref_slice %arg12[%dma_wait3A_3860] : memref<8448xf32, #tpu.memory_space<vmem>> -> memref<4224xf32, #tpu.memory_space<vmem>>
      tpu.wait_dma2 semaphore(%run_scoped3A : memref<!tpu.dma_semaphore, #tpu.memory_space<semaphore_mem>>) src(%dma_wait3A_3861 : memref<4224xf32, #tpu.memory_space<vmem>>) dst(%dma_wait3A_3859 : memref<4224xf32, #tpu.memory_space<hbm>>)
      tpu.yield
    }) : () -> ()
    %add3A_3840 = arith.constant 32 : i32
    %add3A_3841 = arith.addi %add3A_3840, %add3A : i32
    "tpu.region"() ({
      %run_scoped3A = tpu.sem_alloc : memref<!tpu.dma_semaphore, #tpu.memory_space<semaphore_mem>>
      %dma_start3A_3842 = arith.constant 4224 : i32
      %dma_start3A_3843 = tpu.memref_slice %arg12[%dma_start3A_3842] : memref<8448xf32, #tpu.memory_space<vmem>> -> memref<4224xf32, #tpu.memory_space<vmem>>
      %dma_start3A_3844 = arith.constant 0 : i32
      %dma_start3A_3845 = tpu.memref_slice %arg4[%add3A_3841, %dma_start3A_3844] : memref<64x4224xf32, #tpu.memory_space<hbm>> -> memref<1x4224xf32, #tpu.memory_space<hbm>>
      %dma_start3A_3846 = tpu.memref_squeeze %dma_start3A_3845 : memref<1x4224xf32, #tpu.memory_space<hbm>> -> memref<4224xf32, #tpu.memory_space<hbm>>
      %dma_start3A_3847 = arith.constant 0 : i32
      %dma_start3A_3848 = tpu.memref_slice %arg4[%add3A_3841, %dma_start3A_3847] : memref<64x4224xf32, #tpu.memory_space<hbm>> -> memref<1x4224xf32, #tpu.memory_space<hbm>>
      %dma_start3A_3849 = tpu.memref_squeeze %dma_start3A_3848 : memref<1x4224xf32, #tpu.memory_space<hbm>> -> memref<4224xf32, #tpu.memory_space<hbm>>
      %dma_start3A_3850 = arith.constant 4224 : i32
      %dma_start3A_3851 = tpu.memref_slice %arg12[%dma_start3A_3850] : memref<8448xf32, #tpu.memory_space<vmem>> -> memref<4224xf32, #tpu.memory_space<vmem>>
      tpu.enqueue_dma source(%dma_start3A_3851 : memref<4224xf32, #tpu.memory_space<vmem>>) target(%dma_start3A_3849 : memref<4224xf32, #tpu.memory_space<hbm>>) target_semaphore(%run_scoped3A : memref<!tpu.dma_semaphore, #tpu.memory_space<semaphore_mem>>)
      %dma_wait3A_3852 = arith.constant 4224 : i32
      %dma_wait3A_3853 = tpu.memref_slice %arg12[%dma_wait3A_3852] : memref<8448xf32, #tpu.memory_space<vmem>> -> memref<4224xf32, #tpu.memory_space<vmem>>
      %dma_wait3A_3854 = arith.constant 0 : i32
      %dma_wait3A_3855 = tpu.memref_slice %arg4[%add3A_3841, %dma_wait3A_3854] : memref<64x4224xf32, #tpu.memory_space<hbm>> -> memref<1x4224xf32, #tpu.memory_space<hbm>>
      %dma_wait3A_3856 = tpu.memref_squeeze %dma_wait3A_3855 : memref<1x4224xf32, #tpu.memory_space<hbm>> -> memref<4224xf32, #tpu.memory_space<hbm>>
      %dma_wait3A_3857 = arith.constant 0 : i32
      %dma_wait3A_3858 = tpu.memref_slice %arg4[%add3A_3841, %dma_wait3A_3857] : memref<64x4224xf32, #tpu.memory_space<hbm>> -> memref<1x4224xf32, #tpu.memory_space<hbm>>
      %dma_wait3A_3859 = tpu.memref_squeeze %dma_wait3A_3858 : memref<1x4224xf32, #tpu.memory_space<hbm>> -> memref<4224xf32, #tpu.memory_space<hbm>>
      %dma_wait3A_3860 = arith.constant 4224 : i32
      %dma_wait3A_3861 = tpu.memref_slice %arg12[%dma_wait3A_3860] : memref<8448xf32, #tpu.memory_space<vmem>> -> memref<4224xf32, #tpu.memory_space<vmem>>
      tpu.wait_dma2 semaphore(%run_scoped3A : memref<!tpu.dma_semaphore, #tpu.memory_space<semaphore_mem>>) src(%dma_wait3A_3861 : memref<4224xf32, #tpu.memory_space<vmem>>) dst(%dma_wait3A_3859 : memref<4224xf32, #tpu.memory_space<hbm>>)
      tpu.yield
    }) : () -> ()
    return
  }
}

module attributes {stable_mosaic.version = 14 : i64} {
  func.func @_tc_loss_body(%arg0: memref<1024x264xf32, #tpu.memory_space<vmem>>, %arg1: memref<8x128xf32, #tpu.memory_space<vmem>>) attributes {dimension_semantics = [], scalar_prefetch = 0 : i64, scratch_operands = 0 : i64, tpu.core_type = #tpu.core_type<tc>} {
    %get3A = arith.constant 0 : index
    %get3A_0 = arith.constant 0 : index
    %get3A_1 = vector.load %arg0[%get3A, %get3A_0] : memref<1024x264xf32, #tpu.memory_space<vmem>>, vector<1024x264xf32>
    %slice3A = vector.extract_strided_slice %get3A_1 {offsets = [0, 0], sizes = [512, 264], strides = [1, 1]} : vector<1024x264xf32> to vector<512x264xf32>
    %reduce_sum3A = arith.constant dense<0.000000e+00> : vector<264xf32>
    %reduce_sum3A_2 = vector.multi_reduction <add>, %slice3A, %reduce_sum3A [0] : vector<512x264xf32> to vector<264xf32>
    %broadcast_in_dim3A = vector.shape_cast %reduce_sum3A_2 : vector<264xf32> to vector<1x264xf32>
    %slice3A_3 = vector.extract_strided_slice %get3A_1 {offsets = [512, 0], sizes = [512, 264], strides = [1, 1]} : vector<1024x264xf32> to vector<512x264xf32>
    %reduce_sum3A_4 = arith.constant dense<0.000000e+00> : vector<264xf32>
    %reduce_sum3A_5 = vector.multi_reduction <add>, %slice3A_3, %reduce_sum3A_4 [0] : vector<512x264xf32> to vector<264xf32>
    %broadcast_in_dim3A_6 = vector.shape_cast %reduce_sum3A_5 : vector<264xf32> to vector<1x264xf32>
    %iota3A = tpu.iota {dimensions = array<i32: 1>} : vector<1x264xi32>
    %eq3A = arith.constant 256 : i32
    %eq3A_7 = vector.broadcast %eq3A : i32 to vector<1x264xi32>
    %eq3A_8 = arith.cmpi eq, %iota3A, %eq3A_7 : vector<1x264xi32>
    %jit3A = arith.constant 0.000000e+00 : f32
    %broadcast_in_dim3A_9 = vector.broadcast %jit3A : f32 to vector<1x264xf32>
    %select_n3A = arith.select %eq3A_8, %broadcast_in_dim3A, %broadcast_in_dim3A_9 : vector<1x264xi1>, vector<1x264xf32>
    %reduce_sum3A_10 = vector.shape_cast %select_n3A : vector<1x264xf32> to vector<1x1x264xf32>
    %reduce_sum3A_11 = arith.constant dense<0.000000e+00> : vector<1xf32>
    %reduce_sum3A_12 = vector.multi_reduction <add>, %reduce_sum3A_10, %reduce_sum3A_11 [1, 2] : vector<1x1x264xf32> to vector<1xf32>
    %reduce_sum3A_13 = vector.shape_cast %reduce_sum3A_12 : vector<1xf32> to vector<1x1x1xf32>
    %reduce_sum3A_14 = vector.extract %reduce_sum3A_13[0, 0, 0] : f32 from vector<1x1x1xf32>
    %eq3A_15 = arith.constant 256 : i32
    %eq3A_16 = vector.broadcast %eq3A_15 : i32 to vector<1x264xi32>
    %eq3A_17 = arith.cmpi eq, %iota3A, %eq3A_16 : vector<1x264xi32>
    %jit3A_18 = arith.constant 0.000000e+00 : f32
    %broadcast_in_dim3A_19 = vector.broadcast %jit3A_18 : f32 to vector<1x264xf32>
    %select_n3A_20 = arith.select %eq3A_17, %broadcast_in_dim3A_6, %broadcast_in_dim3A_19 : vector<1x264xi1>, vector<1x264xf32>
    %reduce_sum3A_21 = vector.shape_cast %select_n3A_20 : vector<1x264xf32> to vector<1x1x264xf32>
    %reduce_sum3A_22 = arith.constant dense<0.000000e+00> : vector<1xf32>
    %reduce_sum3A_23 = vector.multi_reduction <add>, %reduce_sum3A_21, %reduce_sum3A_22 [1, 2] : vector<1x1x264xf32> to vector<1xf32>
    %reduce_sum3A_24 = vector.shape_cast %reduce_sum3A_23 : vector<1xf32> to vector<1x1x1xf32>
    %reduce_sum3A_25 = vector.extract %reduce_sum3A_24[0, 0, 0] : f32 from vector<1x1x1xf32>
    %eq3A_26 = arith.constant 255 : i32
    %eq3A_27 = vector.broadcast %eq3A_26 : i32 to vector<1x264xi32>
    %eq3A_28 = arith.cmpi eq, %iota3A, %eq3A_27 : vector<1x264xi32>
    %jit3A_29 = arith.constant 0.000000e+00 : f32
    %broadcast_in_dim3A_30 = vector.broadcast %reduce_sum3A_14 : f32 to vector<1x264xf32>
    %broadcast_in_dim3A_31 = vector.broadcast %jit3A_29 : f32 to vector<1x264xf32>
    %select_n3A_32 = arith.select %eq3A_28, %broadcast_in_dim3A_30, %broadcast_in_dim3A_31 : vector<1x264xi1>, vector<1x264xf32>
    %add3A = arith.addf %broadcast_in_dim3A, %select_n3A_32 : vector<1x264xf32>
    %eq3A_33 = arith.constant 255 : i32
    %eq3A_34 = vector.broadcast %eq3A_33 : i32 to vector<1x264xi32>
    %eq3A_35 = arith.cmpi eq, %iota3A, %eq3A_34 : vector<1x264xi32>
    %jit3A_36 = arith.constant 0.000000e+00 : f32
    %broadcast_in_dim3A_37 = vector.broadcast %reduce_sum3A_25 : f32 to vector<1x264xf32>
    %broadcast_in_dim3A_38 = vector.broadcast %jit3A_36 : f32 to vector<1x264xf32>
    %select_n3A_39 = arith.select %eq3A_35, %broadcast_in_dim3A_37, %broadcast_in_dim3A_38 : vector<1x264xi1>, vector<1x264xf32>
    %add3A_40 = arith.addf %broadcast_in_dim3A_6, %select_n3A_39 : vector<1x264xf32>
    %reduce_sum3A_41 = vector.shape_cast %add3A : vector<1x264xf32> to vector<1x1x264xf32>
    %reduce_sum3A_42 = arith.constant dense<0.000000e+00> : vector<1xf32>
    %reduce_sum3A_43 = vector.multi_reduction <add>, %reduce_sum3A_41, %reduce_sum3A_42 [1, 2] : vector<1x1x264xf32> to vector<1xf32>
    %reduce_sum3A_44 = vector.shape_cast %reduce_sum3A_43 : vector<1xf32> to vector<1x1x1xf32>
    %reduce_sum3A_45 = vector.extract %reduce_sum3A_44[0, 0, 0] : f32 from vector<1x1x1xf32>
    %sub3A = arith.subf %reduce_sum3A_45, %reduce_sum3A_14 : f32
    %reduce_sum3A_46 = vector.shape_cast %add3A_40 : vector<1x264xf32> to vector<1x1x264xf32>
    %reduce_sum3A_47 = arith.constant dense<0.000000e+00> : vector<1xf32>
    %reduce_sum3A_48 = vector.multi_reduction <add>, %reduce_sum3A_46, %reduce_sum3A_47 [1, 2] : vector<1x1x264xf32> to vector<1xf32>
    %reduce_sum3A_49 = vector.shape_cast %reduce_sum3A_48 : vector<1xf32> to vector<1x1x1xf32>
    %reduce_sum3A_50 = vector.extract %reduce_sum3A_49[0, 0, 0] : f32 from vector<1x1x1xf32>
    %sub3A_51 = arith.subf %reduce_sum3A_50, %reduce_sum3A_25 : f32
    %div3A = vector.broadcast %sub3A : f32 to vector<1x264xf32>
    %div3A_52 = arith.divf %add3A, %div3A : vector<1x264xf32>
    %div3A_53 = vector.broadcast %sub3A_51 : f32 to vector<1x264xf32>
    %div3A_54 = arith.divf %add3A_40, %div3A_53 : vector<1x264xf32>
    %min3A = arith.minimumf %div3A_52, %div3A_54 : vector<1x264xf32>
    %lt3A = arith.constant 256 : i32
    %lt3A_55 = vector.broadcast %lt3A : i32 to vector<1x264xi32>
    %lt3A_56 = arith.cmpi slt, %iota3A, %lt3A_55 : vector<1x264xi32>
    %convert_element_type3A = arith.extui %lt3A_56 : vector<1x264xi1> to vector<1x264xi32>
    %convert_element_type3A_57 = arith.sitofp %convert_element_type3A : vector<1x264xi32> to vector<1x264xf32>
    %mul3A = arith.mulf %min3A, %convert_element_type3A_57 : vector<1x264xf32>
    %reduce_sum3A_58 = vector.shape_cast %mul3A : vector<1x264xf32> to vector<1x1x264xf32>
    %reduce_sum3A_59 = arith.constant dense<0.000000e+00> : vector<1xf32>
    %reduce_sum3A_60 = vector.multi_reduction <add>, %reduce_sum3A_58, %reduce_sum3A_59 [1, 2] : vector<1x1x264xf32> to vector<1xf32>
    %reduce_sum3A_61 = vector.shape_cast %reduce_sum3A_60 : vector<1xf32> to vector<1x1x1xf32>
    %reduce_sum3A_62 = vector.extract %reduce_sum3A_61[0, 0, 0] : f32 from vector<1x1x1xf32>
    %sub3A_63 = arith.constant 1.000000e+00 : f32
    %sub3A_64 = arith.subf %sub3A_63, %reduce_sum3A_62 : f32
    %broadcast_in_dim3A_65 = vector.broadcast %sub3A_64 : f32 to vector<8x128xf32>
    %swap3A = arith.constant 0 : index
    %swap3A_66 = arith.constant 0 : index
    %swap3A_67 = vector.load %arg1[%swap3A, %swap3A_66] : memref<8x128xf32, #tpu.memory_space<vmem>>, vector<8x128xf32>
    tpu.vector_store %arg1[%swap3A, %swap3A_66], %broadcast_in_dim3A_65 {strides = array<i32>} : memref<8x128xf32, #tpu.memory_space<vmem>>, vector<8x128xf32>,
    return
  }
}

</mosaic_0001>

<sc_bundles>
// kernel: kernel.4.cloned.1.call-start
scs
__scs_entry_jumppad:
0x0: {  	(pc) =	sbr.rel $0x88, $3  }
0x1: {  	(tag) =	ssettag $0x0;
	lr =	simm.s32 $0x1  }
0x2: {  	[smem:$0x3F9F] =	sst lr;
	_ =	strace $0xD0000000  }
0x3: {  	_ = 	snop  }
0x4: {  	_ = 	snop  }
0x5: {  	_ = 	snop  }
0x6: {  	_ = 	snop  }
0x7: {  	_ = 	snop  }
__scs_overlays_trampoline_lowered:
0x8: {  	[smem:$0x3FAE] =	sst s0  }
0x9: {  	[smem:$0x3FAF] =	sst s1  }
0xa: {  	[smem:$0x3FB0] =	sst s2  }
0xb: {  	[smem:$0x3FB1] =	sst s3  }
0xc: {  	[smem:$0x3FB2] =	sst s4  }
0xd: {  	[smem:$0x3FB3] =	sst s5  }
0xe: {  	[smem:$0x3FB4] =	sst s6  }
0xf: {  	[smem:$0x3FB5] =	sst s7  }
0x10: {  	[smem:$0x3FB6] =	sst s8  }
0x11: {  	[smem:$0x3FB7] =	sst s9;
	s0 =	simm.s32 @!p0 $0x0  }
0x12: {  	s1 =	sld [smem:$0x3F9D];
	s0 =	simm.s32 @p0 $0x1  }
0x13: {  	[smem:$0x3FB8] =	sst s0;
	s0 =	simm.s32 @!p1 $0x0  }
0x14: {  	s2 =	sld [smem:$0x3F9C];
	s0 =	simm.s32 @p1 $0x1  }
0x15: {  	[smem:$0x3FB9] =	sst s0;
	s0 =	simm.s32 @!p2 $0x0  }
0x16: {  	s3 =	sld [smem:$0x3FDB];
	s0 =	simm.s32 @p2 $0x1  }
0x17: {  	s4 =	simm.s32 $0x1BF5;
	[smem:$0x3FBB] =	sst s0  }
0x18: {  	s0 =	sld [smem:$0x3F9E];
	_ =	swait.ge [sflag:s4], $0x0  }
0x19: {  	s7 =	sld [smem:$0x3F9F]  }
0x1a: {  	s8 =	sadd.s32 $0xFFFFE003, lr  }
0x1b: {  	s9 =	sadd.s32 $0xFFFFFEF7, lr;
	s5 =	simm.s32 $0xFFFFFFFF;
	p2 =	slt.u32 s8, $0xFFFFF086  }
0x1c: {  	p1 =	slt.u32 s9, $0xF7A;
	s5 =	simm.s32 @!p2 $0x0  }
0x1d: {  	s5 =	simm.s32 @p1 $0x1;
	p0 =	seq.s32 s7, s2  }
0x1e: {  	s7 =	smul.u32 @!p0 $0xF7A, s2;
	p2 =	seq.s32 @!p0 s5, $0x0  }
0x1f: {  	s9 =	smul.u32 $0xF7A, s1;
	s8 =	simm.s32 @!p0 $0x1BF5;
	p2 =	por !p2, p0  }
0x20: {  	[sflag:s8] =	ssyncset.s32 @!p0 $0xFFFFF086;
	s6 =	sadd.s32 @!p0 s3, s7;
	s7 =	simm.s32 @!p0 $0x108  }
0x21: {  	s3 =	sadd.s32 s3, s9;
	s6 =	sadd.s32 @!p0 $0x88, s6;
	s7 =	simm.s32 @p2 $0x1082  }
0x22: {  	[simem:s7], [sflag:s8] =	dma.local @!p0 [hbm:s6], $0xF7A  }
0x23: {  	s9 =	sor.u32 $0xD0000000, s2;
	s6 =	simm.s32 $0x108;
	_ =	swait.ge @!p0 [sflag:s8], $0x0  }
0x24: {  	s3 =	sadd.s32 $0x88, s3;
	s6 =	simm.s32 @!p1 $0x1082;
	[sflag:s4] =	ssyncset.s32 $0xFFFFF086  }
0x25: {  	[simem:s6], [sflag:s4] =	dma.local [hbm:s3], $0xF7A  }
0x26: {  	[smem:$0x3F9F] =	sst s1;
	(tag) =	ssettag s2;
	_ =	strace s9  }
0x27: {  	s1 =	sld [smem:$0x3FAF]  }
0x28: {  	s2 =	sld [smem:$0x3FB0]  }
0x29: {  	s4 =	sld [smem:$0x3FB2]  }
0x2a: {  	p0 =	seq.s32 s5, $0x0;
	s5 =	sld [smem:$0x3FB3]  }
0x2b: {  	s6 =	sld [smem:$0x3FB4]  }
0x2c: {  	s7 =	sld [smem:$0x3FB5]  }
0x2d: {  	s3 =	simm.s32 $0x108;
	s8 =	sld [smem:$0x3FB6]  }
0x2e: {  	s3 =	simm.s32 @!p0 $0x1082;
	s9 =	sld [smem:$0x3FB7]  }
0x2f: {  	lr =	sadd.s32 s0, s3;
	s0 =	sld [smem:$0x3FAE]  }
0x30: {  	s3 =	sld [smem:$0x3FB1]  }
0x31: {  	[smem:$0x3FBA] =	sst s10  }
0x32: {  	s10 =	sld [smem:$0x3FB8];
	_ =	sdelay $0x3  }
0x33: {  	p0 =	seq.s32 s10, $0x1;
	s10 =	sld [smem:$0x3FBA];
	_ =	sdelay $0x3  }
0x34: {  	[smem:$0x3FBA] =	sst s10  }
0x35: {  	s10 =	sld [smem:$0x3FB9];
	_ =	sdelay $0x3  }
0x36: {  	p1 =	seq.s32 s10, $0x1;
	s10 =	sld [smem:$0x3FBA];
	_ =	sdelay $0x3  }
0x37: {  	[smem:$0x3FBA] =	sst s10  }
0x38: {  	s10 =	sld [smem:$0x3FBB]  }
0x39: {  	_ = 	snop;
	(pc) =	sbr.ind lr, $3  }
0x3a: {  	_ = 	snop  }
0x3b: {  	_ = 	snop  }
0x3c: {  	p2 =	seq.s32 s10, $0x1;
	s10 =	sld [smem:$0x3FBA]  }
0x3d: {  	_ =	shalt  }
0x3e: {  	_ =	shalt  }
0x3f: {  	_ =	shalt  }
0x40: {  	_ =	shalt  }
0x41: {  	_ =	shalt  }
0x42: {  	_ =	shalt  }
0x43: {  	_ =	shalt  }
0x44: {  	_ =	shalt  }
0x45: {  	_ =	shalt  }
0x46: {  	_ =	shalt  }
0x47: {  	_ =	shalt  }
0x48: {  	_ =	shalt  }
0x49: {  	_ =	shalt  }
0x4a: {  	_ =	shalt  }
0x4b: {  	_ =	shalt  }
0x4c: {  	_ =	shalt  }
0x4d: {  	_ =	shalt  }
0x4e: {  	_ =	shalt  }
0x4f: {  	_ =	shalt  }
0x50: {  	_ =	shalt  }
0x51: {  	_ =	shalt  }
0x52: {  	_ =	shalt  }
0x53: {  	_ =	shalt  }
0x54: {  	_ =	shalt  }
0x55: {  	_ =	shalt  }
0x56: {  	_ =	shalt  }
0x57: {  	_ =	shalt  }
0x58: {  	_ =	shalt  }
0x59: {  	_ =	shalt  }
0x5a: {  	_ =	shalt  }
0x5b: {  	_ =	shalt  }
0x5c: {  	_ =	shalt  }
0x5d: {  	_ =	shalt  }
0x5e: {  	_ =	shalt  }
0x5f: {  	_ =	shalt  }
0x60: {  	_ =	shalt  }
0x61: {  	_ =	shalt  }
0x62: {  	_ =	shalt  }
0x63: {  	_ =	shalt  }
0x64: {  	_ =	shalt  }
0x65: {  	_ =	shalt  }
0x66: {  	_ =	shalt  }
0x67: {  	_ =	shalt  }
0x68: {  	_ =	shalt  }
0x69: {  	_ =	shalt  }
0x6a: {  	_ =	shalt  }
0x6b: {  	_ =	shalt  }
0x6c: {  	_ =	shalt  }
0x6d: {  	_ =	shalt  }
0x6e: {  	_ =	shalt  }
0x6f: {  	_ =	shalt  }
0x70: {  	_ =	shalt  }
0x71: {  	_ =	shalt  }
0x72: {  	_ =	shalt  }
0x73: {  	_ =	shalt  }
0x74: {  	_ =	shalt  }
0x75: {  	_ =	shalt  }
0x76: {  	_ =	shalt  }
0x77: {  	_ =	shalt  }
0x78: {  	_ =	shalt  }
0x79: {  	_ =	shalt  }
0x7a: {  	_ =	shalt  }
0x7b: {  	_ =	shalt  }
0x7c: {  	_ =	shalt  }
0x7d: {  	_ =	shalt  }
0x7e: {  	_ =	shalt  }
0x7f: {  	_ =	shalt  }
0x80: {  	_ =	shalt  }
0x81: {  	_ =	shalt  }
0x82: {  	_ =	shalt  }
0x83: {  	_ =	shalt  }
0x84: {  	_ =	shalt  }
0x85: {  	_ =	shalt  }
0x86: {  	_ =	shalt  }
0x87: {  	_ =	shalt  }
.Lfunc_end0:
.L_simem_size_0:
called_computation_lowered:
.L_overlay_start_0:
0x88: {  	s2 =	sld [smem:$0x3FD9]  }
0x89: {  	s3 =	sld [smem:$0x3FFE];
	_ =	sdelay $0x1  }
0x8a: {  	s1 =	srdreg.scid  }
0x8b: {  	s0 =	sand.u32 $0x1, s1  }
0x8c: {  	s17 =	sshll.u32 s0, $0xA;
	s2 =	sadd.s32 s3, s2  }
0x8d: {  	s2 =	sadd.s32 s2, s17  }
0x8e: {  	[smem:$0x3FC6] =	sst s2  }
0x8f: {  	_ = 	snop  }
0x90: {  	s2 =	sld [smem:$0x3FC9]  }
0x91: {  	s18 =	sld [smem:$0x3FC8];
	(tm) =	ssettm $0x1  }
0x92: {  	s4 =	sld [smem:$0x3FFB];
	_ =	sdelay $0x3  }
0x93: {  	_ =	strace s4  }
0x94: {  	s4 =	sld [smem:$0x3FFC];
	_ =	sdelay $0x3  }
0x95: {  	_ =	strace s4  }
0x96: {  	s4 =	sld [smem:$0x3FFD];
	_ =	sdelay $0x3  }
0x97: {  	_ =	strace s4  }
0x98: {  	_ =	strace $0x8FFFFFFF  }
0x99: {  	s19 =	sld [smem:$0x3FDB];
	_ =	sdelay $0x1  }
0x9a: {  	s5 =	simm.s32 $_scs_section_size  }
0x9b: {  	s6 =	simm.s32 $_size__tile_overlayer_lowered;
	s7 =	simm.s32 $_tile_overlayer_lowered  }
0x9c: {  	s22 =	simm.s32 $0x1BFF;
	s21 =	sshll.u32 s7, $0x1;
	s4 =	sadd.s32 s5, s19  }
0x9d: {  	s8 =	simm.s32 $0x0;
	s20 =	sshll.u32 s6, $0x1;
	s6 =	sadd.s32 s21, s4  }
0x9e: {  	[timem:s8], [sflag:s22] =	dma.local [hbm:s6], s20  }
0x9f: {  	_ =	swait.ge [sflag:s22], s20  }
0xa0: {  	s5 =	ssub.s32 $0x0, s20;
	[sflag:s22] =	ssyncset.done $0x0  }
0xa1: {  	[sflag:s22] =	ssyncadd.s32 s5;
	_ =	sdelay $0x1  }
0xa2: {  	s23 =	simm.s32 $0x1B8B  }
0xa3: {  	_ =	swait.ge [sflag:s23], $0x1  }
0xa4: {  	[sflag:s23] =	ssyncset.done $0x0  }
0xa5: {  	s25 =	simm.s32 $0x1B8E;
	s24 =	sld [smem:$0x3FFE];
	[sflag:s23] =	ssyncadd.s32 $0xFFFFFFFF  }
0xa6: {  	s26 =	simm.s32 $execute0_lowered;
	[smem:$0x3FD2] =	sst s25  }
0xa7: {  	s6 =	sshll.u32 s26, $0x1;
	_ =	strace $0x80000046;
	[dreg:$0x1] =	wrdreg $0xFFFFFFFF  }
0xa8: {  	s28 =	simm.s32 $_size_execute0_lowered;
	s4 =	sadd.s32 s4, s6;
	[dreg:$0x0] =	wrdreg $0x0  }
0xa9: {  	s6 =	sshll.u32 s28, $0x1;
	[dreg:$0x2] =	wrdreg s4  }
0xaa: {  	[dreg:$0x3] =	wrdreg s6  }
0xab: {  	[dreg:$0x4] =	wrdreg $0xC0  }
0xac: {  	_ =	task [dreg:s8], $0x5FFFF  }
0xad: {  	[dreg:$0x1] =	wrdreg $0xFFFFFFFF  }
0xae: {  	[dreg:$0x0] =	wrdreg $0x60  }
0xaf: {  	[dreg:$0x2] =	wrdreg s2  }
0xb0: {  	[dreg:$0x3] =	wrdreg s18  }
0xb1: {  	[dreg:$0x4] =	wrdreg s24  }
0xb2: {  	[dreg:$0x5] =	wrdreg $0x9  }
0xb3: {  	_ =	task.clear_ibuf [dreg:s8], $0x6FFFF;
	_ =	strace $0x90000046  }
0xb4: {  	s29 =	simm.s32 $0x9;
	_ =	strace $0x80000048  }
0xb5: {  	_ =	swait.ge [sflag:s29], $0x1  }
0xb6: {  	[sflag:s29] =	ssyncadd.s32 $0xFFFFFFFF  }
0xb7: {  	_ =	strace $0x90000048  }
0xb8: {  	_ =	sfence  }
0xb9: {  	s30 =	sld [smem:$0x0];
	_ =	sdelay $0x2  }
0xba: {  	s31 =	sshll.u32 s1, $0xD;
	s1 =	sshrl.u32 s1, $0x2  }
0xbb: {  	s3 =	sand.u32 $0x4000, s31;
	s1 =	sadd.s32 s1, s30  }
0xbc: {  	s0 =	sor.u32 s3, s0;
	s1 =	sshll.u32 s1, $0x11  }
0xbd: {  	s0 =	sor.u32 s1, s0  }
0xbe: {  	s0 =	sadd.s32 $0x8F2B, s0  }
0xbf: {  	[sflag:s0] =	ssyncadd.remote.s32 $0x1  }
0xc0: {  	_ =	sfence.sel $0xFFFF  }
0xc1: {  	[dreg:$0x0] =	wrdreg $0xFFFFFFFF;
	(pc) =	sbr.abs _section_cstart, $3  }
0xc2: {  	[dreg:$0x1] =	wrdreg $0xFFFFFFFF  }
0xc3: {  	_ =	task.clear_ibuf [dreg:s8], $0x2FFFF;
	_ =	strace $0x9FFFFFFF  }
0xc4: {  	(tm) =	ssettm $0x7FFFFFFF  }
0xc5: {  	_ =	shalt  }
tec
execute0_lowered:
.L_overlay_start_1:
0x0: {  	(tag) =	ssettag $0x1  }
0x1: {  	s0 =	srdreg.scid;
	s6 =	stileid.u32  }
0x2: {  	s1 =	sand.u32 $0x1, s0;
	s19 =	sshll.u32 s6, $0x1  }
0x3: {  	s3 =	sor.u32 s1, s19;
	s2 =	ssub.s32 $0x2, s1  }
0x4: {  	s4 =	smul.u32 $0xC0000, s3;
	s5 =	sshrl.u32 s2, $0x1  }
0x5: {  	s0 =	rddreg [dreg:$0x0];
	s2 =	ssub.s32 s2, s5  }
0x6: {  	[smem:$0x7FD] =	sst s2;
	s2 =	sshrl.u32 s4, $0x3  }
0x7: {  	s7 =	rddreg [dreg:$0x1];
	s4 =	sadd.s32 s0, s2  }
0x8: {  	s20 =	sor.u32 $0x800, s2;
	[dreg:$0x4] =	wrdreg s4  }
0x9: {  	s21 =	sor.u32 $0x1000, s2;
	[smem:$0x7C1] =	sst s20  }
0xa: {  	s23 =	sor.u32 $0x1800, s2;
	[smem:$0x7C3] =	sst s21  }
0xb: {  	s24 =	sor.u32 $0x2000, s2;
	[smem:$0x7C5] =	sst s23  }
0xc: {  	s25 =	sor.u32 $0x2800, s2;
	[smem:$0x7C7] =	sst s24  }
0xd: {  	s29 =	sor.u32 $0x3000, s2;
	[smem:$0x7C9] =	sst s25  }
0xe: {  	s30 =	sor.u32 $0x3800, s2;
	[smem:$0x7CB] =	sst s29  }
0xf: {  	s8 =	sor.u32 $0x4000, s2;
	[smem:$0x7CD] =	sst s30  }
0x10: {  	s10 =	sor.u32 $0x4800, s2;
	[smem:$0x7CF] =	sst s8  }
0x11: {  	s11 =	sor.u32 $0x5000, s2;
	[smem:$0x7D1] =	sst s10  }
0x12: {  	s14 =	sor.u32 $0x5800, s2;
	[smem:$0x7D3] =	sst s11  }
0x13: {  	s15 =	sor.u32 $0x6000, s2;
	[smem:$0x7D5] =	sst s14  }
0x14: {  	s16 =	sor.u32 $0x6800, s2;
	[smem:$0x7D7] =	sst s15  }
0x15: {  	s18 =	sor.u32 $0x7000, s2;
	[smem:$0x7D9] =	sst s16  }
0x16: {  	s19 =	sor.u32 $0x7800, s2;
	[smem:$0x7DB] =	sst s18  }
0x17: {  	s4 =	sadd.s32 s0, s20;
	[smem:$0x7DD] =	sst s19  }
0x18: {  	s22 =	sadd.s32 s0, s21;
	[dreg:$0x5] =	wrdreg s4  }
0x19: {  	s26 =	sadd.s32 s0, s25;
	[dreg:$0x6] =	wrdreg s22  }
0x1a: {  	s5 =	sadd.s32 s0, s30;
	[dreg:$0x9] =	wrdreg s26  }
0x1b: {  	s9 =	sadd.s32 s0, s8;
	[dreg:$0xb] =	wrdreg s5  }
0x1c: {  	s12 =	sadd.s32 s0, s10;
	[dreg:$0xc] =	wrdreg s9  }
0x1d: {  	s13 =	sadd.s32 s0, s11;
	[dreg:$0xd] =	wrdreg s12  }
0x1e: {  	s17 =	sadd.s32 s0, s16;
	[dreg:$0xe] =	wrdreg s13  }
0x1f: {  	s28 =	sadd.s32 $0xB000, s2;
	s20 =	sadd.s32 $0x8000, s2;
	[dreg:$0x11] =	wrdreg s17  }
0x20: {  	s30 =	sadd.s32 s0, s28;
	[smem:$0x7DF] =	sst s20  }
0x21: {  	s4 =	sadd.s32 s0, s23;
	[dreg:$0x1a] =	wrdreg s30  }
0x22: {  	s21 =	sadd.s32 s0, s20;
	[dreg:$0x7] =	wrdreg s4  }
0x23: {  	s22 =	sadd.s32 $0x8800, s2;
	[dreg:$0x14] =	wrdreg s21  }
0x24: {  	s23 =	sadd.s32 $0x9000, s2;
	[smem:$0x7E1] =	sst s22  }
0x25: {  	s26 =	sadd.s32 $0xA000, s2;
	[smem:$0x7E3] =	sst s23  }
0x26: {  	s6 =	sshrl.u32 s6, $0x2;
	s4 =	sadd.s32 s0, s24;
	[smem:$0x7E7] =	sst s26  }
0x27: {  	s30 =	sadd.s32 $0xC000, s2;
	s24 =	sadd.s32 $0x9800, s2;
	[dreg:$0x8] =	wrdreg s4  }
0x28: {  	s20 =	sadd.s32 $0xF000, s2;
	s5 =	sadd.s32 s0, s30;
	[smem:$0x7E5] =	sst s24  }
0x29: {  	s17 =	sadd.s32 $0x11000, s2;
	s12 =	sadd.s32 s0, s20;
	[dreg:$0x1c] =	wrdreg s5  }
0x2a: {  	s3 =	sshll.u32 s3, $0x7;
	s16 =	sadd.s32 s0, s17;
	[smem:$0x7AE] =	sst s12  }
0x2b: {  	s31 =	sadd.s32 $0xC800, s2;
	s4 =	sadd.s32 s0, s29;
	[smem:$0x7B2] =	sst s16  }
0x2c: {  	s21 =	sadd.s32 $0xF800, s2;
	s25 =	sadd.s32 s0, s24;
	[dreg:$0xa] =	wrdreg s4  }
0x2d: {  	s24 =	sadd.s32 $0xD800, s2;
	s13 =	sadd.s32 s0, s21;
	[dreg:$0x17] =	wrdreg s25  }
0x2e: {  	s4 =	smul.u32 $0x8400, s6;
	s6 =	sadd.s32 s0, s31;
	[smem:$0x7AF] =	sst s13  }
0x2f: {  	s25 =	sadd.s32 $0xD000, s2;
	s9 =	sadd.s32 s0, s24;
	[dreg:$0x1d] =	wrdreg s6  }
0x30: {  	s12 =	sadd.s32 $0x13800, s2;
	s8 =	sadd.s32 s0, s25;
	[dreg:$0x1f] =	wrdreg s9  }
0x31: {  	s3 =	sand.u32 $0x380, s3;
	s9 =	sadd.s32 s0, s12;
	[dreg:$0x1e] =	wrdreg s8  }
0x32: {  	s13 =	sadd.s32 $0x13000, s2;
	s3 =	sor.u32 s4, s3;
	[smem:$0x7B7] =	sst s9  }
0x33: {  	s8 =	sadd.s32 s0, s13;
	[smem:$0x7FC] =	sst s3  }
0x34: {  	s3 =	sadd.s32 s0, s14;
	[smem:$0x7B6] =	sst s8  }
0x35: {  	[dreg:$0xf] =	wrdreg s3;
	s3 =	sadd.s32 s0, s15  }
0x36: {  	[dreg:$0x10] =	wrdreg s3;
	s3 =	sadd.s32 s0, s18  }
0x37: {  	s18 =	sadd.s32 $0x10800, s2;
	[dreg:$0x12] =	wrdreg s3;
	s3 =	sadd.s32 s0, s19  }
0x38: {  	s15 =	sadd.s32 s0, s18;
	[dreg:$0x13] =	wrdreg s3  }
0x39: {  	s19 =	sadd.s32 $0x10000, s2;
	s3 =	sadd.s32 s0, s22;
	[smem:$0x7B1] =	sst s15  }
0x3a: {  	s14 =	sadd.s32 s0, s19;
	[dreg:$0x15] =	wrdreg s3  }
0x3b: {  	s22 =	sadd.s32 $0xE800, s2;
	s3 =	sadd.s32 s0, s23;
	[smem:$0x7B0] =	sst s14  }
0x3c: {  	s15 =	sadd.s32 $0x12800, s2;
	s11 =	sadd.s32 s0, s22;
	[dreg:$0x16] =	wrdreg s3  }
0x3d: {  	s6 =	sadd.s32 s0, s15;
	[smem:$0x7AD] =	sst s11  }
0x3e: {  	s23 =	sadd.s32 $0xE000, s2;
	s3 =	sadd.s32 s0, s26;
	[smem:$0x7B5] =	sst s6  }
0x3f: {  	s14 =	sadd.s32 $0x12000, s2;
	s10 =	sadd.s32 s0, s23;
	[dreg:$0x18] =	wrdreg s3  }
0x40: {  	s9 =	sadd.s32 $0x15800, s2;
	s5 =	sadd.s32 s0, s14;
	[smem:$0x7AC] =	sst s10  }
0x41: {  	s26 =	sadd.s32 $0xA800, s2;
	s6 =	sadd.s32 s0, s9;
	[smem:$0x7B4] =	sst s5  }
0x42: {  	s11 =	sadd.s32 $0x14000, s2;
	s29 =	sadd.s32 s0, s26;
	[smem:$0x7BB] =	sst s6  }
0x43: {  	s10 =	sadd.s32 s0, s11;
	[dreg:$0x19] =	wrdreg s29;
	s29 =	sadd.s32 $0xB800, s2  }
0x44: {  	s16 =	sadd.s32 $0x11800, s2;
	[smem:$0x7B8] =	sst s10;
	s4 =	sadd.s32 s0, s29  }
0x45: {  	s10 =	sadd.s32 $0x14800, s2;
	[dreg:$0x1b] =	wrdreg s4;
	s4 =	sadd.s32 s0, s16  }
0x46: {  	s3 =	sadd.s32 $0x15000, s2;
	[smem:$0x7B3] =	sst s4;
	s4 =	sadd.s32 s0, s10  }
0x47: {  	s5 =	sadd.s32 s0, s3;
	[smem:$0x7B9] =	sst s4;
	s4 =	sadd.s32 $0x16000, s2  }
0x48: {  	[smem:$0x7BA] =	sst s5;
	s5 =	sadd.s32 $0x16800, s2;
	s8 =	sadd.s32 s0, s4  }
0x49: {  	s6 =	sadd.s32 $0x17000, s2;
	[smem:$0x7BC] =	sst s8;
	s8 =	sadd.s32 s0, s5  }
0x4a: {  	[smem:$0x7BD] =	sst s8;
	s8 =	sadd.s32 s0, s6  }
0x4b: {  	[smem:$0x7BE] =	sst s8;
	s8 =	sadd.s32 $0x17800, s2;
	s2 =	sadd.s32 s7, s2  }
0x4c: {  	[smem:$0x7C0] =	sst s2  }
0x4d: {  	s2 =	sld [smem:$0x7C1]  }
0x4e: {  	s0 =	sadd.s32 s0, s8  }
0x4f: {  	[smem:$0x7BF] =	sst s0  }
0x50: {  	s0 =	sadd.s32 s7, s2;
	s2 =	sld [smem:$0x7C3];
	_ =	sdelay $0x1  }
0x51: {  	[smem:$0x7C2] =	sst s0  }
0x52: {  	s0 =	sadd.s32 s7, s2;
	s2 =	sld [smem:$0x7C5];
	_ =	sdelay $0x1  }
0x53: {  	[smem:$0x7C4] =	sst s0  }
0x54: {  	s0 =	sadd.s32 s7, s2;
	s2 =	sld [smem:$0x7C7];
	_ =	sdelay $0x1  }
0x55: {  	[smem:$0x7C6] =	sst s0  }
0x56: {  	s0 =	sadd.s32 s7, s2;
	s2 =	sld [smem:$0x7C9];
	_ =	sdelay $0x1  }
0x57: {  	[smem:$0x7C8] =	sst s0  }
0x58: {  	s0 =	sadd.s32 s7, s2;
	s2 =	sld [smem:$0x7CB];
	_ =	sdelay $0x1  }
0x59: {  	[smem:$0x7CA] =	sst s0  }
0x5a: {  	s0 =	sadd.s32 s7, s2;
	s2 =	sld [smem:$0x7CD];
	_ =	sdelay $0x1  }
0x5b: {  	[smem:$0x7CC] =	sst s0  }
0x5c: {  	s0 =	sadd.s32 s7, s2;
	s2 =	sld [smem:$0x7CF];
	_ =	sdelay $0x1  }
0x5d: {  	[smem:$0x7CE] =	sst s0  }
0x5e: {  	s0 =	sadd.s32 s7, s2;
	s2 =	sld [smem:$0x7D1];
	_ =	sdelay $0x1  }
0x5f: {  	[smem:$0x7D0] =	sst s0  }
0x60: {  	s0 =	sadd.s32 s7, s2;
	s2 =	sld [smem:$0x7D3];
	_ =	sdelay $0x1  }
0x61: {  	[smem:$0x7D2] =	sst s0  }
0x62: {  	s0 =	sadd.s32 s7, s2;
	s2 =	sld [smem:$0x7D5];
	_ =	sdelay $0x1  }
0x63: {  	[smem:$0x7D4] =	sst s0  }
0x64: {  	s0 =	sadd.s32 s7, s2;
	s2 =	sld [smem:$0x7D7];
	_ =	sdelay $0x1  }
0x65: {  	[smem:$0x7D6] =	sst s0  }
0x66: {  	s0 =	sadd.s32 s7, s2;
	s2 =	sld [smem:$0x7D9];
	_ =	sdelay $0x1  }
0x67: {  	[smem:$0x7D8] =	sst s0  }
0x68: {  	s0 =	sadd.s32 s7, s2;
	s2 =	sld [smem:$0x7DB];
	_ =	sdelay $0x1  }
0x69: {  	[smem:$0x7DA] =	sst s0  }
0x6a: {  	s0 =	sadd.s32 s7, s2;
	s2 =	sld [smem:$0x7DD];
	_ =	sdelay $0x1  }
0x6b: {  	[smem:$0x7DC] =	sst s0  }
0x6c: {  	s0 =	sadd.s32 s7, s2;
	s2 =	sld [smem:$0x7DF];
	_ =	sdelay $0x1  }
0x6d: {  	[smem:$0x7DE] =	sst s0  }
0x6e: {  	s0 =	sadd.s32 s7, s2;
	s2 =	sld [smem:$0x7E1];
	_ =	sdelay $0x1  }
0x6f: {  	[smem:$0x7E0] =	sst s0  }
0x70: {  	s0 =	sadd.s32 s7, s2;
	s2 =	sld [smem:$0x7E3];
	_ =	sdelay $0x1  }
0x71: {  	[smem:$0x7E2] =	sst s0  }
0x72: {  	s0 =	sadd.s32 s7, s2;
	s2 =	sld [smem:$0x7E5];
	_ =	sdelay $0x1  }
0x73: {  	[smem:$0x7E4] =	sst s0  }
0x74: {  	s1 =	simm.s32 $0x0;
	s0 =	sadd.s32 s7, s2;
	s2 =	sld [smem:$0x7E7]  }
0x75: {  	[smem:$0x7FF] =	sst s1;
	s17 =	sadd.s32 s7, s17  }
0x76: {  	[smem:$0x7F6] =	sst s17  }
0x77: {  	[smem:$0x7E6] =	sst s0;
	s0 =	sadd.s32 s7, s2  }
0x78: {  	s2 =	sadd.s32 s7, s26;
	[smem:$0x7E8] =	sst s0  }
0x79: {  	s26 =	sadd.s32 s7, s28;
	[smem:$0x7E9] =	sst s2  }
0x7a: {  	[smem:$0x7EA] =	sst s26;
	s2 =	sadd.s32 s7, s29  }
0x7b: {  	s26 =	sadd.s32 s7, s30;
	[smem:$0x7EB] =	sst s2  }
0x7c: {  	s29 =	sadd.s32 s7, s31;
	[smem:$0x7EC] =	sst s26  }
0x7d: {  	s17 =	simm.s32 $0x1;
	s30 =	sadd.s32 s7, s25;
	[smem:$0x7ED] =	sst s29  }
0x7e: {  	s4 =	sadd.s32 s7, s4;
	s25 =	sadd.s32 s7, s22;
	[smem:$0x7EE] =	sst s30  }
0x7f: {  	s5 =	sadd.s32 s7, s5;
	s22 =	sadd.s32 s7, s12;
	[smem:$0x7F1] =	sst s25  }
0x80: {  	s6 =	sadd.s32 s7, s6;
	s28 =	simm.s32 $0x0;
	[smem:$0x7FB] =	sst s22  }
0x81: {  	s2 =	sadd.s32 s7, s24;
	s24 =	sadd.s32 s7, s23;
	s23 =	rddreg [dreg:$0x2]  }
0x82: {  	s31 =	sadd.s32 s7, s11;
	s0 =	sadd.s32 s7, s10;
	[smem:$0x7EF] =	sst s2  }
0x83: {  	s11 =	simm.s32 $0x4000;
	s26 =	sadd.s32 s7, s20;
	[smem:$0x7F0] =	sst s24  }
0x84: {  	s12 =	simm.s32 $0x8000;
	s29 =	sadd.s32 s7, s21;
	[smem:$0x7F2] =	sst s26  }
0x85: {  	s30 =	sadd.s32 s7, s19;
	s19 =	sadd.s32 s7, s14;
	[smem:$0x7F3] =	sst s29  }
0x86: {  	s20 =	sadd.s32 s7, s15;
	s21 =	sadd.s32 s7, s13;
	[smem:$0x7F4] =	sst s30  }
0x87: {  	s13 =	simm.s32 $0xC000;
	s14 =	simm.s32 $0x10000;
	[smem:$0x7F8] =	sst s19  }
0x88: {  	s15 =	simm.s32 $0x14000;
	s22 =	simm.s32 $0x6;
	[smem:$0x7F9] =	sst s20  }
0x89: {  	s2 =	sadd.s32 s7, s18;
	s18 =	sadd.s32 s7, s16;
	[smem:$0x7FA] =	sst s21  }
0x8a: {  	s24 =	sld [smem:$0x7FC];
	s26 =	sadd.s32 $0x400, s23;
	s16 =	simm.s32 $0x18000  }
0x8b: {  	s19 =	simm.s32 $0x3;
	s20 =	simm.s32 $0x4;
	[smem:$0x7F5] =	sst s2  }
0x8c: {  	s21 =	simm.s32 $0x5;
	s23 =	simm.s32 $0x7;
	[smem:$0x7F7] =	sst s18  }
0x8d: {  	s2 =	sadd.s32 s7, s3;
	s3 =	sadd.s32 s7, s9;
	_ =	strace $0x80000047  }
0x8e: {  	s7 =	sadd.s32 s7, s8;
	s18 =	simm.s32 $0x2;
	s30 =	sld [smem:$0x7FD]  }
0x8f: {  	s25 =	sadd.s32 $0x21000, s24;
	s29 =	sshrl.u32 s24, $0x3;
	s24 =	simm.s32 $0x80  }
0x90: {  	s9 =	sshrl.u32 s25, $0x3;
	s8 =	sadd.s32 s26, s29;
	s25 =	simm.s32 $0x400  }
0x91: {  	v0 =	vimm.f32 $0.0e+00;
	s9 =	sadd.s32 s26, s9;
	s26 =	simm.s32 $0x8;
	s10 =	smax.u32 s30, $0x1  }
.LBB2_1:
0x92: {  	s29 =	rddreg [dreg:$0x4]  }
0x93: {  	[tilespmem:s1], [sflag:$0x1] =	stream.linear.gather [hbm4b:s29+s1], $0x4000, $0x38;
	[tilespmem:$0x1E100] =	vst v63  }
0x94: {  	s29 =	rddreg [dreg:$0x5]  }
0x95: {  	[tilespmem:s11], [sflag:$0x2] =	stream.linear.gather [hbm4b:s29+s1], $0x4000, $0x38;
	[tilespmem:$0x1E100] =	vst v63  }
0x96: {  	s29 =	rddreg [dreg:$0x6]  }
0x97: {  	[tilespmem:s12], [sflag:$0x3] =	stream.linear.gather [hbm4b:s29+s1], $0x4000, $0x38;
	[tilespmem:$0x1E100] =	vst v63  }
0x98: {  	s29 =	rddreg [dreg:$0x7]  }
0x99: {  	[tilespmem:s13], [sflag:$0x4] =	stream.linear.gather [hbm4b:s29+s1], $0x4000, $0x38;
	[tilespmem:$0x1E100] =	vst v63  }
0x9a: {  	s29 =	rddreg [dreg:$0x8]  }
0x9b: {  	[tilespmem:s14], [sflag:$0x5] =	stream.linear.gather [hbm4b:s29+s1], $0x4000, $0x38;
	[tilespmem:$0x1E100] =	vst v63  }
0x9c: {  	s29 =	rddreg [dreg:$0x9]  }
0x9d: {  	[tilespmem:s15], [sflag:$0x6] =	stream.linear.gather [hbm4b:s29+s1], $0x4000, $0x38;
	[tilespmem:$0x1E100] =	vst v63  }
0x9e: {  	s30 =	simm.s32 $0x0;
	s29 =	simm.s32 $0x40  }
.LBB2_2:
0x9f: {  	p0 =	sne.s32 s29, $0x83C0;
	[tilespmem:s30+$0x1C000] =	vst v0;
	s30 =	smov.u32 s29;
	s29 =	sadd.s32 $0x40, s29  }
.Ltmp0:
0xa0: {  	(pc) =	sbr.rel @p0 .LBB2_2-.Ltmp0, $2  }
0xa1: {  	_ =	sdelay $0x2  }
0xa2: {  	s30 =	sshra.s32 s30, $0x2  }
0xa3: {  	[tilespmem:s30+$0x1C000] =	vst v0;
	s29 =	rddreg [dreg:$0xa]  }
0xa4: {  	[tilespmem:s16], [sflag:$0x7] =	stream.linear.gather [hbm4b:s29+s1], $0x4000, $0x38;
	[tilespmem:$0x1E100] =	vst v63  }
0xa5: {  	_ =	swait.ge [sflag:s17], $0x4000  }
0xa6: {  	[sflag:s17] =	ssyncset.done $0x0  }
0xa7: {  	s30 =	rddreg [dreg:$0xb];
	[sflag:s17] =	ssyncadd.s32 $0xFFFFC000  }
0xa8: {  	[tilespmem:s1], [sflag:$0x1] =	stream.linear.gather [hbm4b:s30+s1], $0x4000, $0x38;
	[tilespmem:$0x1E100] =	vst v63  }
0xa9: {  	_ =	swait.ge [sflag:s18], $0x4000  }
0xaa: {  	[sflag:s18] =	ssyncset.done $0x0  }
0xab: {  	s30 =	rddreg [dreg:$0xc];
	[sflag:s18] =	ssyncadd.s32 $0xFFFFC000  }
0xac: {  	[tilespmem:s11], [sflag:$0x2] =	stream.linear.gather [hbm4b:s30+s1], $0x4000, $0x38;
	[tilespmem:$0x1E100] =	vst v63  }
0xad: {  	_ =	swait.ge [sflag:s19], $0x4000  }
0xae: {  	[sflag:s19] =	ssyncset.done $0x0  }
0xaf: {  	s30 =	rddreg [dreg:$0xd];
	[sflag:s19] =	ssyncadd.s32 $0xFFFFC000  }
0xb0: {  	[tilespmem:s12], [sflag:$0x3] =	stream.linear.gather [hbm4b:s30+s1], $0x4000, $0x38;
	[tilespmem:$0x1E100] =	vst v63  }
0xb1: {  	_ =	swait.ge [sflag:s20], $0x4000  }
0xb2: {  	[sflag:s20] =	ssyncset.done $0x0  }
0xb3: {  	s30 =	rddreg [dreg:$0xe];
	[sflag:s20] =	ssyncadd.s32 $0xFFFFC000  }
0xb4: {  	[tilespmem:s13], [sflag:$0x4] =	stream.linear.gather [hbm4b:s30+s1], $0x4000, $0x38;
	[tilespmem:$0x1E100] =	vst v63  }
0xb5: {  	_ =	swait.ge [sflag:s21], $0x4000  }
0xb6: {  	[sflag:s21] =	ssyncset.done $0x0  }
0xb7: {  	s30 =	rddreg [dreg:$0xf];
	[sflag:s21] =	ssyncadd.s32 $0xFFFFC000  }
0xb8: {  	[tilespmem:s14], [sflag:$0x5] =	stream.linear.gather [hbm4b:s30+s1], $0x4000, $0x38;
	[tilespmem:$0x1E100] =	vst v63  }
0xb9: {  	_ =	swait.ge [sflag:s22], $0x4000  }
0xba: {  	[sflag:s22] =	ssyncset.done $0x0  }
0xbb: {  	s30 =	rddreg [dreg:$0x10];
	[sflag:s22] =	ssyncadd.s32 $0xFFFFC000  }
0xbc: {  	[tilespmem:s15], [sflag:$0x6] =	stream.linear.gather [hbm4b:s30+s1], $0x4000, $0x38;
	[tilespmem:$0x1E100] =	vst v63  }
0xbd: {  	_ =	swait.ge [sflag:s23], $0x4000  }
0xbe: {  	[sflag:s23] =	ssyncset.done $0x0  }
0xbf: {  	s30 =	rddreg [dreg:$0x11];
	[sflag:s23] =	ssyncadd.s32 $0xFFFFC000  }
0xc0: {  	[tilespmem:s16], [sflag:$0x7] =	stream.linear.gather [hbm4b:s30+s1], $0x4000, $0x38;
	[tilespmem:$0x1E100] =	vst v63  }
0xc1: {  	_ =	swait.ge [sflag:s17], $0x4000  }
0xc2: {  	[sflag:s17] =	ssyncset.done $0x0  }
0xc3: {  	s30 =	rddreg [dreg:$0x12];
	[sflag:s17] =	ssyncadd.s32 $0xFFFFC000  }
0xc4: {  	[tilespmem:s1], [sflag:$0x1] =	stream.linear.gather [hbm4b:s30+s1], $0x4000, $0x38;
	[tilespmem:$0x1E100] =	vst v63  }
0xc5: {  	_ =	swait.ge [sflag:s18], $0x4000  }
0xc6: {  	[sflag:s18] =	ssyncset.done $0x0  }
0xc7: {  	s30 =	rddreg [dreg:$0x13];
	[sflag:s18] =	ssyncadd.s32 $0xFFFFC000  }
0xc8: {  	[tilespmem:s11], [sflag:$0x2] =	stream.linear.gather [hbm4b:s30+s1], $0x4000, $0x38;
	[tilespmem:$0x1E100] =	vst v63  }
0xc9: {  	_ =	swait.ge [sflag:s19], $0x4000  }
0xca: {  	[sflag:s19] =	ssyncset.done $0x0  }
0xcb: {  	s30 =	rddreg [dreg:$0x14];
	[sflag:s19] =	ssyncadd.s32 $0xFFFFC000  }
0xcc: {  	[tilespmem:s12], [sflag:$0x3] =	stream.linear.gather [hbm4b:s30+s1], $0x4000, $0x38;
	[tilespmem:$0x1E100] =	vst v63  }
0xcd: {  	_ =	swait.ge [sflag:s20], $0x4000  }
0xce: {  	[sflag:s20] =	ssyncset.done $0x0  }
0xcf: {  	s30 =	rddreg [dreg:$0x15];
	[sflag:s20] =	ssyncadd.s32 $0xFFFFC000  }
0xd0: {  	[tilespmem:s13], [sflag:$0x4] =	stream.linear.gather [hbm4b:s30+s1], $0x4000, $0x38;
	[tilespmem:$0x1E100] =	vst v63  }
0xd1: {  	_ =	swait.ge [sflag:s21], $0x4000  }
0xd2: {  	[sflag:s21] =	ssyncset.done $0x0  }
0xd3: {  	s30 =	rddreg [dreg:$0x16];
	[sflag:s21] =	ssyncadd.s32 $0xFFFFC000  }
0xd4: {  	[tilespmem:s14], [sflag:$0x5] =	stream.linear.gather [hbm4b:s30+s1], $0x4000, $0x38;
	[tilespmem:$0x1E100] =	vst v63  }
0xd5: {  	_ =	swait.ge [sflag:s22], $0x4000  }
0xd6: {  	[sflag:s22] =	ssyncset.done $0x0  }
0xd7: {  	s30 =	rddreg [dreg:$0x17];
	[sflag:s22] =	ssyncadd.s32 $0xFFFFC000  }
0xd8: {  	[tilespmem:s15], [sflag:$0x6] =	stream.linear.gather [hbm4b:s30+s1], $0x4000, $0x38;
	[tilespmem:$0x1E100] =	vst v63  }
0xd9: {  	_ =	swait.ge [sflag:s23], $0x4000  }
0xda: {  	[sflag:s23] =	ssyncset.done $0x0  }
0xdb: {  	s30 =	rddreg [dreg:$0x18];
	[sflag:s23] =	ssyncadd.s32 $0xFFFFC000  }
0xdc: {  	[tilespmem:s16], [sflag:$0x7] =	stream.linear.gather [hbm4b:s30+s1], $0x4000, $0x38;
	[tilespmem:$0x1E100] =	vst v63  }
0xdd: {  	_ =	swait.ge [sflag:s17], $0x4000  }
0xde: {  	[sflag:s17] =	ssyncset.done $0x0  }
0xdf: {  	s30 =	rddreg [dreg:$0x19];
	[sflag:s17] =	ssyncadd.s32 $0xFFFFC000  }
0xe0: {  	[tilespmem:s1], [sflag:$0x1] =	stream.linear.gather [hbm4b:s30+s1], $0x4000, $0x38;
	[tilespmem:$0x1E100] =	vst v63  }
0xe1: {  	_ =	swait.ge [sflag:s18], $0x4000  }
0xe2: {  	[sflag:s18] =	ssyncset.done $0x0  }
0xe3: {  	s30 =	rddreg [dreg:$0x1a];
	[sflag:s18] =	ssyncadd.s32 $0xFFFFC000  }
0xe4: {  	[tilespmem:s11], [sflag:$0x2] =	stream.linear.gather [hbm4b:s30+s1], $0x4000, $0x38;
	[tilespmem:$0x1E100] =	vst v63  }
0xe5: {  	_ =	swait.ge [sflag:s19], $0x4000  }
0xe6: {  	[sflag:s19] =	ssyncset.done $0x0  }
0xe7: {  	s30 =	rddreg [dreg:$0x1b];
	[sflag:s19] =	ssyncadd.s32 $0xFFFFC000  }
0xe8: {  	[tilespmem:s12], [sflag:$0x3] =	stream.linear.gather [hbm4b:s30+s1], $0x4000, $0x38;
	[tilespmem:$0x1E100] =	vst v63  }
0xe9: {  	_ =	swait.ge [sflag:s20], $0x4000  }
0xea: {  	[sflag:s20] =	ssyncset.done $0x0  }
0xeb: {  	s30 =	rddreg [dreg:$0x1c];
	[sflag:s20] =	ssyncadd.s32 $0xFFFFC000  }
0xec: {  	[tilespmem:s13], [sflag:$0x4] =	stream.linear.gather [hbm4b:s30+s1], $0x4000, $0x38;
	[tilespmem:$0x1E100] =	vst v63  }
0xed: {  	_ =	swait.ge [sflag:s21], $0x4000  }
0xee: {  	[sflag:s21] =	ssyncset.done $0x0  }
0xef: {  	s30 =	rddreg [dreg:$0x1d];
	[sflag:s21] =	ssyncadd.s32 $0xFFFFC000  }
0xf0: {  	[tilespmem:s14], [sflag:$0x5] =	stream.linear.gather [hbm4b:s30+s1], $0x4000, $0x38;
	[tilespmem:$0x1E100] =	vst v63  }
0xf1: {  	_ =	swait.ge [sflag:s22], $0x4000  }
0xf2: {  	[sflag:s22] =	ssyncset.done $0x0  }
0xf3: {  	s30 =	rddreg [dreg:$0x1e];
	[sflag:s22] =	ssyncadd.s32 $0xFFFFC000  }
0xf4: {  	[tilespmem:s15], [sflag:$0x6] =	stream.linear.gather [hbm4b:s30+s1], $0x4000, $0x38;
	[tilespmem:$0x1E100] =	vst v63  }
0xf5: {  	_ =	swait.ge [sflag:s23], $0x4000  }
0xf6: {  	[sflag:s23] =	ssyncset.done $0x0  }
0xf7: {  	s30 =	rddreg [dreg:$0x1f];
	[sflag:s23] =	ssyncadd.s32 $0xFFFFC000  }
0xf8: {  	[tilespmem:s16], [sflag:$0x7] =	stream.linear.gather [hbm4b:s30+s1], $0x4000, $0x38;
	[tilespmem:$0x1E100] =	vst v63  }
0xf9: {  	_ =	swait.ge [sflag:s17], $0x4000  }
0xfa: {  	s30 =	sld [smem:$0x7AC]  }
0xfb: {  	[sflag:s17] =	ssyncset.done $0x0  }
0xfc: {  	[sflag:s17] =	ssyncadd.s32 $0xFFFFC000  }
0xfd: {  	[tilespmem:s1], [sflag:$0x1] =	stream.linear.gather [hbm4b:s30+s1], $0x4000, $0x38;
	[tilespmem:$0x1E100] =	vst v63  }
0xfe: {  	_ =	swait.ge [sflag:s18], $0x4000  }
0xff: {  	s30 =	sld [smem:$0x7AD]  }
0x100: {  	[sflag:s18] =	ssyncset.done $0x0  }
0x101: {  	[sflag:s18] =	ssyncadd.s32 $0xFFFFC000  }
0x102: {  	[tilespmem:s11], [sflag:$0x2] =	stream.linear.gather [hbm4b:s30+s1], $0x4000, $0x38;
	[tilespmem:$0x1E100] =	vst v63  }
0x103: {  	_ =	swait.ge [sflag:s19], $0x4000  }
0x104: {  	s30 =	sld [smem:$0x7AE]  }
0x105: {  	[sflag:s19] =	ssyncset.done $0x0  }
0x106: {  	[sflag:s19] =	ssyncadd.s32 $0xFFFFC000  }
0x107: {  	[tilespmem:s12], [sflag:$0x3] =	stream.linear.gather [hbm4b:s30+s1], $0x4000, $0x38;
	[tilespmem:$0x1E100] =	vst v63  }
0x108: {  	_ =	swait.ge [sflag:s20], $0x4000  }
0x109: {  	s30 =	sld [smem:$0x7AF]  }
0x10a: {  	[sflag:s20] =	ssyncset.done $0x0  }
0x10b: {  	[sflag:s20] =	ssyncadd.s32 $0xFFFFC000  }
0x10c: {  	[tilespmem:s13], [sflag:$0x4] =	stream.linear.gather [hbm4b:s30+s1], $0x4000, $0x38;
	[tilespmem:$0x1E100] =	vst v63  }
0x10d: {  	_ =	swait.ge [sflag:s21], $0x4000  }
0x10e: {  	s30 =	sld [smem:$0x7B0]  }
0x10f: {  	[sflag:s21] =	ssyncset.done $0x0  }
0x110: {  	[sflag:s21] =	ssyncadd.s32 $0xFFFFC000  }
0x111: {  	[tilespmem:s14], [sflag:$0x5] =	stream.linear.gather [hbm4b:s30+s1], $0x4000, $0x38;
	[tilespmem:$0x1E100] =	vst v63  }
0x112: {  	_ =	swait.ge [sflag:s22], $0x4000  }
0x113: {  	s30 =	sld [smem:$0x7B1]  }
0x114: {  	[sflag:s22] =	ssyncset.done $0x0  }
0x115: {  	[sflag:s22] =	ssyncadd.s32 $0xFFFFC000  }
0x116: {  	[tilespmem:s15], [sflag:$0x6] =	stream.linear.gather [hbm4b:s30+s1], $0x4000, $0x38;
	[tilespmem:$0x1E100] =	vst v63  }
0x117: {  	_ =	swait.ge [sflag:s23], $0x4000  }
0x118: {  	s30 =	sld [smem:$0x7B2]  }
0x119: {  	[sflag:s23] =	ssyncset.done $0x0  }
0x11a: {  	[sflag:s23] =	ssyncadd.s32 $0xFFFFC000  }
0x11b: {  	[tilespmem:s16], [sflag:$0x7] =	stream.linear.gather [hbm4b:s30+s1], $0x4000, $0x38;
	[tilespmem:$0x1E100] =	vst v63  }
0x11c: {  	_ =	swait.ge [sflag:s17], $0x4000  }
0x11d: {  	s30 =	sld [smem:$0x7B3]  }
0x11e: {  	[sflag:s17] =	ssyncset.done $0x0  }
0x11f: {  	[sflag:s17] =	ssyncadd.s32 $0xFFFFC000  }
0x120: {  	[tilespmem:s1], [sflag:$0x1] =	stream.linear.gather [hbm4b:s30+s1], $0x4000, $0x38;
	[tilespmem:$0x1E100] =	vst v63  }
0x121: {  	_ =	swait.ge [sflag:s18], $0x4000  }
0x122: {  	s30 =	sld [smem:$0x7B4]  }
0x123: {  	[sflag:s18] =	ssyncset.done $0x0  }
0x124: {  	[sflag:s18] =	ssyncadd.s32 $0xFFFFC000  }
0x125: {  	[tilespmem:s11], [sflag:$0x2] =	stream.linear.gather [hbm4b:s30+s1], $0x4000, $0x38;
	[tilespmem:$0x1E100] =	vst v63  }
0x126: {  	_ =	swait.ge [sflag:s19], $0x4000  }
0x127: {  	s30 =	sld [smem:$0x7B5]  }
0x128: {  	[sflag:s19] =	ssyncset.done $0x0  }
0x129: {  	[sflag:s19] =	ssyncadd.s32 $0xFFFFC000  }
0x12a: {  	[tilespmem:s12], [sflag:$0x3] =	stream.linear.gather [hbm4b:s30+s1], $0x4000, $0x38;
	[tilespmem:$0x1E100] =	vst v63  }
0x12b: {  	_ =	swait.ge [sflag:s20], $0x4000  }
0x12c: {  	s30 =	sld [smem:$0x7B6]  }
0x12d: {  	[sflag:s20] =	ssyncset.done $0x0  }
0x12e: {  	[sflag:s20] =	ssyncadd.s32 $0xFFFFC000  }
0x12f: {  	[tilespmem:s13], [sflag:$0x4] =	stream.linear.gather [hbm4b:s30+s1], $0x4000, $0x38;
	[tilespmem:$0x1E100] =	vst v63  }
0x130: {  	_ =	swait.ge [sflag:s21], $0x4000  }
0x131: {  	s30 =	sld [smem:$0x7B7]  }
0x132: {  	[sflag:s21] =	ssyncset.done $0x0  }
0x133: {  	[sflag:s21] =	ssyncadd.s32 $0xFFFFC000  }
0x134: {  	[tilespmem:s14], [sflag:$0x5] =	stream.linear.gather [hbm4b:s30+s1], $0x4000, $0x38;
	[tilespmem:$0x1E100] =	vst v63  }
0x135: {  	_ =	swait.ge [sflag:s22], $0x4000  }
0x136: {  	s30 =	sld [smem:$0x7B8]  }
0x137: {  	[sflag:s22] =	ssyncset.done $0x0  }
0x138: {  	[sflag:s22] =	ssyncadd.s32 $0xFFFFC000  }
0x139: {  	[tilespmem:s15], [sflag:$0x6] =	stream.linear.gather [hbm4b:s30+s1], $0x4000, $0x38;
	[tilespmem:$0x1E100] =	vst v63  }
0x13a: {  	_ =	swait.ge [sflag:s23], $0x4000  }
0x13b: {  	s30 =	sld [smem:$0x7B9]  }
0x13c: {  	[sflag:s23] =	ssyncset.done $0x0  }
0x13d: {  	[sflag:s23] =	ssyncadd.s32 $0xFFFFC000  }
0x13e: {  	[tilespmem:s16], [sflag:$0x7] =	stream.linear.gather [hbm4b:s30+s1], $0x4000, $0x38;
	[tilespmem:$0x1E100] =	vst v63  }
0x13f: {  	_ =	swait.ge [sflag:s17], $0x4000  }
0x140: {  	s30 =	sld [smem:$0x7BA]  }
0x141: {  	[sflag:s17] =	ssyncset.done $0x0  }
0x142: {  	[sflag:s17] =	ssyncadd.s32 $0xFFFFC000  }
0x143: {  	[tilespmem:s1], [sflag:$0x1] =	stream.linear.gather [hbm4b:s30+s1], $0x4000, $0x38;
	[tilespmem:$0x1E100] =	vst v63  }
0x144: {  	_ =	swait.ge [sflag:s18], $0x4000  }
0x145: {  	s30 =	sld [smem:$0x7BB]  }
0x146: {  	[sflag:s18] =	ssyncset.done $0x0  }
0x147: {  	[sflag:s18] =	ssyncadd.s32 $0xFFFFC000  }
0x148: {  	[tilespmem:s11], [sflag:$0x2] =	stream.linear.gather [hbm4b:s30+s1], $0x4000, $0x38;
	[tilespmem:$0x1E100] =	vst v63  }
0x149: {  	_ =	swait.ge [sflag:s19], $0x4000  }
0x14a: {  	s30 =	sld [smem:$0x7BC]  }
0x14b: {  	[sflag:s19] =	ssyncset.done $0x0  }
0x14c: {  	[sflag:s19] =	ssyncadd.s32 $0xFFFFC000  }
0x14d: {  	[tilespmem:s12], [sflag:$0x3] =	stream.linear.gather [hbm4b:s30+s1], $0x4000, $0x38;
	[tilespmem:$0x1E100] =	vst v63  }
0x14e: {  	_ =	swait.ge [sflag:s20], $0x4000  }
0x14f: {  	s30 =	sld [smem:$0x7BD]  }
0x150: {  	[sflag:s20] =	ssyncset.done $0x0  }
0x151: {  	[sflag:s20] =	ssyncadd.s32 $0xFFFFC000  }
0x152: {  	[tilespmem:s13], [sflag:$0x4] =	stream.linear.gather [hbm4b:s30+s1], $0x4000, $0x38;
	[tilespmem:$0x1E100] =	vst v63  }
0x153: {  	_ =	swait.ge [sflag:s21], $0x4000  }
0x154: {  	s30 =	sld [smem:$0x7BE]  }
0x155: {  	[sflag:s21] =	ssyncset.done $0x0  }
0x156: {  	[sflag:s21] =	ssyncadd.s32 $0xFFFFC000  }
0x157: {  	[tilespmem:s14], [sflag:$0x5] =	stream.linear.gather [hbm4b:s30+s1], $0x4000, $0x38;
	[tilespmem:$0x1E100] =	vst v63  }
0x158: {  	_ =	swait.ge [sflag:s22], $0x4000  }
0x159: {  	s30 =	sld [smem:$0x7BF]  }
0x15a: {  	[sflag:s22] =	ssyncset.done $0x0  }
0x15b: {  	[sflag:s22] =	ssyncadd.s32 $0xFFFFC000  }
0x15c: {  	[tilespmem:s15], [sflag:$0x6] =	stream.linear.gather [hbm4b:s30+s1], $0x4000, $0x38;
	[tilespmem:$0x1E100] =	vst v63  }
0x15d: {  	_ =	swait.ge [sflag:s23], $0x4000  }
0x15e: {  	s30 =	sld [smem:$0x7C0]  }
0x15f: {  	[sflag:s23] =	ssyncset.done $0x0  }
0x160: {  	[sflag:s23] =	ssyncadd.s32 $0xFFFFC000  }
0x161: {  	[tilespmem:s16], [sflag:$0x7] =	stream.linear.gather [hbm4b:s30+s1], $0x4000, $0x38;
	[tilespmem:$0x1E100] =	vst v63  }
0x162: {  	_ =	swait.ge [sflag:s17], $0x4000  }
0x163: {  	s30 =	sld [smem:$0x7C2]  }
0x164: {  	[sflag:s17] =	ssyncset.done $0x0  }
0x165: {  	[sflag:s17] =	ssyncadd.s32 $0xFFFFC000  }
0x166: {  	[tilespmem:s1], [sflag:$0x1] =	stream.linear.gather [hbm4b:s30+s1], $0x4000, $0x38;
	[tilespmem:$0x1E100] =	vst v63  }
0x167: {  	_ =	swait.ge [sflag:s18], $0x4000  }
0x168: {  	s30 =	sld [smem:$0x7C4]  }
0x169: {  	[sflag:s18] =	ssyncset.done $0x0  }
0x16a: {  	[sflag:s18] =	ssyncadd.s32 $0xFFFFC000  }
0x16b: {  	[tilespmem:s11], [sflag:$0x2] =	stream.linear.gather [hbm4b:s30+s1], $0x4000, $0x38;
	[tilespmem:$0x1E100] =	vst v63  }
0x16c: {  	_ =	swait.ge [sflag:s19], $0x4000  }
0x16d: {  	s30 =	sld [smem:$0x7C6]  }
0x16e: {  	[sflag:s19] =	ssyncset.done $0x0  }
0x16f: {  	[sflag:s19] =	ssyncadd.s32 $0xFFFFC000  }
0x170: {  	[tilespmem:s12], [sflag:$0x3] =	stream.linear.gather [hbm4b:s30+s1], $0x4000, $0x38;
	[tilespmem:$0x1E100] =	vst v63  }
0x171: {  	_ =	swait.ge [sflag:s20], $0x4000  }
0x172: {  	s30 =	sld [smem:$0x7C8]  }
0x173: {  	[sflag:s20] =	ssyncset.done $0x0  }
0x174: {  	[sflag:s20] =	ssyncadd.s32 $0xFFFFC000  }
0x175: {  	[tilespmem:s13], [sflag:$0x4] =	stream.linear.gather [hbm4b:s30+s1], $0x4000, $0x38;
	[tilespmem:$0x1E100] =	vst v63  }
0x176: {  	_ =	swait.ge [sflag:s21], $0x4000  }
0x177: {  	s30 =	sld [smem:$0x7CA]  }
0x178: {  	[sflag:s21] =	ssyncset.done $0x0  }
0x179: {  	[sflag:s21] =	ssyncadd.s32 $0xFFFFC000  }
0x17a: {  	[tilespmem:s14], [sflag:$0x5] =	stream.linear.gather [hbm4b:s30+s1], $0x4000, $0x38;
	[tilespmem:$0x1E100] =	vst v63  }
0x17b: {  	_ =	swait.ge [sflag:s22], $0x4000  }
0x17c: {  	s30 =	sld [smem:$0x7CC]  }
0x17d: {  	[sflag:s22] =	ssyncset.done $0x0  }
0x17e: {  	[sflag:s22] =	ssyncadd.s32 $0xFFFFC000  }
0x17f: {  	[tilespmem:s15], [sflag:$0x6] =	stream.linear.gather [hbm4b:s30+s1], $0x4000, $0x38;
	[tilespmem:$0x1E100] =	vst v63  }
0x180: {  	_ =	swait.ge [sflag:s23], $0x4000  }
0x181: {  	s30 =	sld [smem:$0x7CE]  }
0x182: {  	[sflag:s23] =	ssyncset.done $0x0  }
0x183: {  	[sflag:s23] =	ssyncadd.s32 $0xFFFFC000  }
0x184: {  	[tilespmem:s16], [sflag:$0x7] =	stream.linear.gather [hbm4b:s30+s1], $0x4000, $0x38;
	[tilespmem:$0x1E100] =	vst v63  }
0x185: {  	_ =	swait.ge [sflag:s17], $0x4000  }
0x186: {  	s30 =	sld [smem:$0x7D0]  }
0x187: {  	[sflag:s17] =	ssyncset.done $0x0  }
0x188: {  	[sflag:s17] =	ssyncadd.s32 $0xFFFFC000  }
0x189: {  	[tilespmem:s1], [sflag:$0x1] =	stream.linear.gather [hbm4b:s30+s1], $0x4000, $0x38;
	[tilespmem:$0x1E100] =	vst v63  }
0x18a: {  	_ =	swait.ge [sflag:s18], $0x4000  }
0x18b: {  	s30 =	sld [smem:$0x7D2]  }
0x18c: {  	[sflag:s18] =	ssyncset.done $0x0  }
0x18d: {  	[sflag:s18] =	ssyncadd.s32 $0xFFFFC000  }
0x18e: {  	[tilespmem:s11], [sflag:$0x2] =	stream.linear.gather [hbm4b:s30+s1], $0x4000, $0x38;
	[tilespmem:$0x1E100] =	vst v63  }
0x18f: {  	_ =	swait.ge [sflag:s19], $0x4000  }
0x190: {  	s30 =	sld [smem:$0x7D4]  }
0x191: {  	[sflag:s19] =	ssyncset.done $0x0  }
0x192: {  	[sflag:s19] =	ssyncadd.s32 $0xFFFFC000  }
0x193: {  	[tilespmem:s12], [sflag:$0x3] =	stream.linear.gather [hbm4b:s30+s1], $0x4000, $0x38;
	[tilespmem:$0x1E100] =	vst v63  }
0x194: {  	_ =	swait.ge [sflag:s20], $0x4000  }
0x195: {  	s30 =	sld [smem:$0x7D6]  }
0x196: {  	[sflag:s20] =	ssyncset.done $0x0  }
0x197: {  	[sflag:s20] =	ssyncadd.s32 $0xFFFFC000  }
0x198: {  	[tilespmem:s13], [sflag:$0x4] =	stream.linear.gather [hbm4b:s30+s1], $0x4000, $0x38;
	[tilespmem:$0x1E100] =	vst v63  }
0x199: {  	_ =	swait.ge [sflag:s21], $0x4000  }
0x19a: {  	s30 =	sld [smem:$0x7D8]  }
0x19b: {  	[sflag:s21] =	ssyncset.done $0x0  }
0x19c: {  	[sflag:s21] =	ssyncadd.s32 $0xFFFFC000  }
0x19d: {  	[tilespmem:s14], [sflag:$0x5] =	stream.linear.gather [hbm4b:s30+s1], $0x4000, $0x38;
	[tilespmem:$0x1E100] =	vst v63  }
0x19e: {  	_ =	swait.ge [sflag:s22], $0x4000  }
0x19f: {  	s30 =	sld [smem:$0x7DA]  }
0x1a0: {  	[sflag:s22] =	ssyncset.done $0x0  }
0x1a1: {  	[sflag:s22] =	ssyncadd.s32 $0xFFFFC000  }
0x1a2: {  	[tilespmem:s15], [sflag:$0x6] =	stream.linear.gather [hbm4b:s30+s1], $0x4000, $0x38;
	[tilespmem:$0x1E100] =	vst v63  }
0x1a3: {  	_ =	swait.ge [sflag:s23], $0x4000  }
0x1a4: {  	s30 =	sld [smem:$0x7DC]  }
0x1a5: {  	[sflag:s23] =	ssyncset.done $0x0  }
0x1a6: {  	[sflag:s23] =	ssyncadd.s32 $0xFFFFC000  }
0x1a7: {  	[tilespmem:s16], [sflag:$0x7] =	stream.linear.gather [hbm4b:s30+s1], $0x4000, $0x38;
	[tilespmem:$0x1E100] =	vst v63  }
0x1a8: {  	_ =	swait.ge [sflag:s17], $0x4000  }
0x1a9: {  	s30 =	sld [smem:$0x7DE]  }
0x1aa: {  	[sflag:s17] =	ssyncset.done $0x0  }
0x1ab: {  	[sflag:s17] =	ssyncadd.s32 $0xFFFFC000  }
0x1ac: {  	[tilespmem:s1], [sflag:$0x1] =	stream.linear.gather [hbm4b:s30+s1], $0x4000, $0x38;
	[tilespmem:$0x1E100] =	vst v63  }
0x1ad: {  	_ =	swait.ge [sflag:s18], $0x4000  }
0x1ae: {  	s30 =	sld [smem:$0x7E0]  }
0x1af: {  	[sflag:s18] =	ssyncset.done $0x0  }
0x1b0: {  	[sflag:s18] =	ssyncadd.s32 $0xFFFFC000  }
0x1b1: {  	[tilespmem:s11], [sflag:$0x2] =	stream.linear.gather [hbm4b:s30+s1], $0x4000, $0x38;
	[tilespmem:$0x1E100] =	vst v63  }
0x1b2: {  	_ =	swait.ge [sflag:s19], $0x4000  }
0x1b3: {  	s30 =	sld [smem:$0x7E2]  }
0x1b4: {  	[sflag:s19] =	ssyncset.done $0x0  }
0x1b5: {  	[sflag:s19] =	ssyncadd.s32 $0xFFFFC000  }
0x1b6: {  	[tilespmem:s12], [sflag:$0x3] =	stream.linear.gather [hbm4b:s30+s1], $0x4000, $0x38;
	[tilespmem:$0x1E100] =	vst v63  }
0x1b7: {  	_ =	swait.ge [sflag:s20], $0x4000  }
0x1b8: {  	s30 =	sld [smem:$0x7E4]  }
0x1b9: {  	[sflag:s20] =	ssyncset.done $0x0  }
0x1ba: {  	[sflag:s20] =	ssyncadd.s32 $0xFFFFC000  }
0x1bb: {  	[tilespmem:s13], [sflag:$0x4] =	stream.linear.gather [hbm4b:s30+s1], $0x4000, $0x38;
	[tilespmem:$0x1E100] =	vst v63  }
0x1bc: {  	_ =	swait.ge [sflag:s21], $0x4000  }
0x1bd: {  	s30 =	sld [smem:$0x7E6]  }
0x1be: {  	[sflag:s21] =	ssyncset.done $0x0  }
0x1bf: {  	[sflag:s21] =	ssyncadd.s32 $0xFFFFC000  }
0x1c0: {  	[tilespmem:s14], [sflag:$0x5] =	stream.linear.gather [hbm4b:s30+s1], $0x4000, $0x38;
	[tilespmem:$0x1E100] =	vst v63  }
0x1c1: {  	_ =	swait.ge [sflag:s22], $0x4000  }
0x1c2: {  	s30 =	sld [smem:$0x7E8]  }
0x1c3: {  	[sflag:s22] =	ssyncset.done $0x0  }
0x1c4: {  	[sflag:s22] =	ssyncadd.s32 $0xFFFFC000  }
0x1c5: {  	[tilespmem:s15], [sflag:$0x6] =	stream.linear.gather [hbm4b:s30+s1], $0x4000, $0x38;
	[tilespmem:$0x1E100] =	vst v63  }
0x1c6: {  	_ =	swait.ge [sflag:s23], $0x4000  }
0x1c7: {  	s30 =	sld [smem:$0x7E9]  }
0x1c8: {  	[sflag:s23] =	ssyncset.done $0x0  }
0x1c9: {  	[sflag:s23] =	ssyncadd.s32 $0xFFFFC000  }
0x1ca: {  	[tilespmem:s16], [sflag:$0x7] =	stream.linear.gather [hbm4b:s30+s1], $0x4000, $0x38;
	[tilespmem:$0x1E100] =	vst v63  }
0x1cb: {  	_ =	swait.ge [sflag:s17], $0x4000  }
0x1cc: {  	s30 =	sld [smem:$0x7EA]  }
0x1cd: {  	[sflag:s17] =	ssyncset.done $0x0  }
0x1ce: {  	[sflag:s17] =	ssyncadd.s32 $0xFFFFC000  }
0x1cf: {  	[tilespmem:s1], [sflag:$0x1] =	stream.linear.gather [hbm4b:s30+s1], $0x4000, $0x38;
	[tilespmem:$0x1E100] =	vst v63  }
0x1d0: {  	_ =	swait.ge [sflag:s18], $0x4000  }
0x1d1: {  	s30 =	sld [smem:$0x7EB]  }
0x1d2: {  	[sflag:s18] =	ssyncset.done $0x0  }
0x1d3: {  	[sflag:s18] =	ssyncadd.s32 $0xFFFFC000  }
0x1d4: {  	[tilespmem:s11], [sflag:$0x2] =	stream.linear.gather [hbm4b:s30+s1], $0x4000, $0x38;
	[tilespmem:$0x1E100] =	vst v63  }
0x1d5: {  	_ =	swait.ge [sflag:s19], $0x4000  }
0x1d6: {  	s30 =	sld [smem:$0x7EC]  }
0x1d7: {  	[sflag:s19] =	ssyncset.done $0x0  }
0x1d8: {  	[sflag:s19] =	ssyncadd.s32 $0xFFFFC000  }
0x1d9: {  	[tilespmem:s12], [sflag:$0x3] =	stream.linear.gather [hbm4b:s30+s1], $0x4000, $0x38;
	[tilespmem:$0x1E100] =	vst v63  }
0x1da: {  	_ =	swait.ge [sflag:s20], $0x4000  }
0x1db: {  	s30 =	sld [smem:$0x7ED]  }
0x1dc: {  	[sflag:s20] =	ssyncset.done $0x0  }
0x1dd: {  	[sflag:s20] =	ssyncadd.s32 $0xFFFFC000  }
0x1de: {  	[tilespmem:s13], [sflag:$0x4] =	stream.linear.gather [hbm4b:s30+s1], $0x4000, $0x38;
	[tilespmem:$0x1E100] =	vst v63  }
0x1df: {  	_ =	swait.ge [sflag:s21], $0x4000  }
0x1e0: {  	s30 =	sld [smem:$0x7EE]  }
0x1e1: {  	[sflag:s21] =	ssyncset.done $0x0  }
0x1e2: {  	[sflag:s21] =	ssyncadd.s32 $0xFFFFC000  }
0x1e3: {  	[tilespmem:s14], [sflag:$0x5] =	stream.linear.gather [hbm4b:s30+s1], $0x4000, $0x38;
	[tilespmem:$0x1E100] =	vst v63  }
0x1e4: {  	_ =	swait.ge [sflag:s22], $0x4000  }
0x1e5: {  	s30 =	sld [smem:$0x7EF]  }
0x1e6: {  	[sflag:s22] =	ssyncset.done $0x0  }
0x1e7: {  	[sflag:s22] =	ssyncadd.s32 $0xFFFFC000  }
0x1e8: {  	[tilespmem:s15], [sflag:$0x6] =	stream.linear.gather [hbm4b:s30+s1], $0x4000, $0x38;
	[tilespmem:$0x1E100] =	vst v63  }
0x1e9: {  	_ =	swait.ge [sflag:s23], $0x4000  }
0x1ea: {  	s30 =	sld [smem:$0x7F0]  }
0x1eb: {  	[sflag:s23] =	ssyncset.done $0x0  }
0x1ec: {  	[sflag:s23] =	ssyncadd.s32 $0xFFFFC000  }
0x1ed: {  	[tilespmem:s16], [sflag:$0x7] =	stream.linear.gather [hbm4b:s30+s1], $0x4000, $0x38;
	[tilespmem:$0x1E100] =	vst v63  }
0x1ee: {  	_ =	swait.ge [sflag:s17], $0x4000  }
0x1ef: {  	s30 =	sld [smem:$0x7F1]  }
0x1f0: {  	[sflag:s17] =	ssyncset.done $0x0  }
0x1f1: {  	[sflag:s17] =	ssyncadd.s32 $0xFFFFC000  }
0x1f2: {  	[tilespmem:s1], [sflag:$0x1] =	stream.linear.gather [hbm4b:s30+s1], $0x4000, $0x38;
	[tilespmem:$0x1E100] =	vst v63  }
0x1f3: {  	_ =	swait.ge [sflag:s18], $0x4000  }
0x1f4: {  	s30 =	sld [smem:$0x7F2]  }
0x1f5: {  	[sflag:s18] =	ssyncset.done $0x0  }
0x1f6: {  	[sflag:s18] =	ssyncadd.s32 $0xFFFFC000  }
0x1f7: {  	[tilespmem:s11], [sflag:$0x2] =	stream.linear.gather [hbm4b:s30+s1], $0x4000, $0x38;
	[tilespmem:$0x1E100] =	vst v63  }
0x1f8: {  	_ =	swait.ge [sflag:s19], $0x4000  }
0x1f9: {  	s30 =	sld [smem:$0x7F3]  }
0x1fa: {  	[sflag:s19] =	ssyncset.done $0x0  }
0x1fb: {  	[sflag:s19] =	ssyncadd.s32 $0xFFFFC000  }
0x1fc: {  	[tilespmem:s12], [sflag:$0x3] =	stream.linear.gather [hbm4b:s30+s1], $0x4000, $0x38;
	[tilespmem:$0x1E100] =	vst v63  }
0x1fd: {  	_ =	swait.ge [sflag:s20], $0x4000  }
0x1fe: {  	s30 =	sld [smem:$0x7F4]  }
0x1ff: {  	[sflag:s20] =	ssyncset.done $0x0  }
0x200: {  	[sflag:s20] =	ssyncadd.s32 $0xFFFFC000  }
0x201: {  	[tilespmem:s13], [sflag:$0x4] =	stream.linear.gather [hbm4b:s30+s1], $0x4000, $0x38;
	[tilespmem:$0x1E100] =	vst v63  }
0x202: {  	_ =	swait.ge [sflag:s21], $0x4000  }
0x203: {  	s30 =	sld [smem:$0x7F5]  }
0x204: {  	[sflag:s21] =	ssyncset.done $0x0  }
0x205: {  	[sflag:s21] =	ssyncadd.s32 $0xFFFFC000  }
0x206: {  	[tilespmem:s14], [sflag:$0x5] =	stream.linear.gather [hbm4b:s30+s1], $0x4000, $0x38;
	[tilespmem:$0x1E100] =	vst v63  }
0x207: {  	_ =	swait.ge [sflag:s22], $0x4000  }
0x208: {  	s30 =	sld [smem:$0x7F6]  }
0x209: {  	[sflag:s22] =	ssyncset.done $0x0  }
0x20a: {  	[sflag:s22] =	ssyncadd.s32 $0xFFFFC000  }
0x20b: {  	[tilespmem:s15], [sflag:$0x6] =	stream.linear.gather [hbm4b:s30+s1], $0x4000, $0x38;
	[tilespmem:$0x1E100] =	vst v63  }
0x20c: {  	_ =	swait.ge [sflag:s23], $0x4000  }
0x20d: {  	s30 =	sld [smem:$0x7F7]  }
0x20e: {  	[sflag:s23] =	ssyncset.done $0x0  }
0x20f: {  	[sflag:s23] =	ssyncadd.s32 $0xFFFFC000  }
0x210: {  	[tilespmem:s16], [sflag:$0x7] =	stream.linear.gather [hbm4b:s30+s1], $0x4000, $0x38;
	[tilespmem:$0x1E100] =	vst v63  }
0x211: {  	_ =	swait.ge [sflag:s17], $0x4000  }
0x212: {  	s30 =	sld [smem:$0x7F8]  }
0x213: {  	[sflag:s17] =	ssyncset.done $0x0  }
0x214: {  	[sflag:s17] =	ssyncadd.s32 $0xFFFFC000  }
0x215: {  	[tilespmem:s1], [sflag:$0x1] =	stream.linear.gather [hbm4b:s30+s1], $0x4000, $0x38;
	[tilespmem:$0x1E100] =	vst v63  }
0x216: {  	_ =	swait.ge [sflag:s18], $0x4000  }
0x217: {  	s30 =	sld [smem:$0x7F9]  }
0x218: {  	[sflag:s18] =	ssyncset.done $0x0  }
0x219: {  	[sflag:s18] =	ssyncadd.s32 $0xFFFFC000  }
0x21a: {  	[tilespmem:s11], [sflag:$0x2] =	stream.linear.gather [hbm4b:s30+s1], $0x4000, $0x38;
	[tilespmem:$0x1E100] =	vst v63  }
0x21b: {  	_ =	swait.ge [sflag:s19], $0x4000  }
0x21c: {  	s30 =	sld [smem:$0x7FA]  }
0x21d: {  	[sflag:s19] =	ssyncset.done $0x0  }
0x21e: {  	[sflag:s19] =	ssyncadd.s32 $0xFFFFC000  }
0x21f: {  	[tilespmem:s12], [sflag:$0x3] =	stream.linear.gather [hbm4b:s30+s1], $0x4000, $0x38;
	[tilespmem:$0x1E100] =	vst v63  }
0x220: {  	_ =	swait.ge [sflag:s20], $0x4000  }
0x221: {  	s30 =	sld [smem:$0x7FB]  }
0x222: {  	[sflag:s20] =	ssyncset.done $0x0  }
0x223: {  	[sflag:s20] =	ssyncadd.s32 $0xFFFFC000  }
0x224: {  	[tilespmem:s13], [sflag:$0x4] =	stream.linear.gather [hbm4b:s30+s1], $0x4000, $0x38;
	[tilespmem:$0x1E100] =	vst v63  }
0x225: {  	_ =	swait.ge [sflag:s21], $0x4000  }
0x226: {  	[sflag:s21] =	ssyncset.done $0x0  }
0x227: {  	[sflag:s21] =	ssyncadd.s32 $0xFFFFC000  }
0x228: {  	[tilespmem:s14], [sflag:$0x5] =	stream.linear.gather [hbm4b:s31+s1], $0x4000, $0x38;
	[tilespmem:$0x1E100] =	vst v63  }
0x229: {  	_ =	swait.ge [sflag:s22], $0x4000  }
0x22a: {  	[sflag:s22] =	ssyncset.done $0x0  }
0x22b: {  	[sflag:s22] =	ssyncadd.s32 $0xFFFFC000  }
0x22c: {  	[tilespmem:s15], [sflag:$0x6] =	stream.linear.gather [hbm4b:s0+s1], $0x4000, $0x38;
	[tilespmem:$0x1E100] =	vst v63  }
0x22d: {  	_ =	swait.ge [sflag:s23], $0x4000  }
0x22e: {  	[sflag:s23] =	ssyncset.done $0x0  }
0x22f: {  	[sflag:s23] =	ssyncadd.s32 $0xFFFFC000  }
0x230: {  	[tilespmem:s16], [sflag:$0x7] =	stream.linear.gather [hbm4b:s2+s1], $0x4000, $0x38;
	[tilespmem:$0x1E100] =	vst v63  }
0x231: {  	_ =	swait.ge [sflag:s17], $0x4000  }
0x232: {  	[sflag:s17] =	ssyncset.done $0x0  }
0x233: {  	[sflag:s17] =	ssyncadd.s32 $0xFFFFC000  }
0x234: {  	[tilespmem:s1], [sflag:$0x1] =	stream.linear.gather [hbm4b:s3+s1], $0x4000, $0x38;
	[tilespmem:$0x1E100] =	vst v63  }
0x235: {  	_ =	swait.ge [sflag:s18], $0x4000  }
0x236: {  	[sflag:s18] =	ssyncset.done $0x0  }
0x237: {  	[sflag:s18] =	ssyncadd.s32 $0xFFFFC000  }
0x238: {  	[tilespmem:s11], [sflag:$0x2] =	stream.linear.gather [hbm4b:s4+s1], $0x4000, $0x38;
	[tilespmem:$0x1E100] =	vst v63  }
0x239: {  	_ =	swait.ge [sflag:s19], $0x4000  }
0x23a: {  	[sflag:s19] =	ssyncset.done $0x0  }
0x23b: {  	[sflag:s19] =	ssyncadd.s32 $0xFFFFC000  }
0x23c: {  	[tilespmem:s12], [sflag:$0x3] =	stream.linear.gather [hbm4b:s5+s1], $0x4000, $0x38;
	[tilespmem:$0x1E100] =	vst v63  }
0x23d: {  	_ =	swait.ge [sflag:s20], $0x4000  }
0x23e: {  	[sflag:s20] =	ssyncset.done $0x0  }
0x23f: {  	[sflag:s20] =	ssyncadd.s32 $0xFFFFC000  }
0x240: {  	[tilespmem:s13], [sflag:$0x4] =	stream.linear.gather [hbm4b:s6+s1], $0x4000, $0x38;
	[tilespmem:$0x1E100] =	vst v63  }
0x241: {  	_ =	swait.ge [sflag:s21], $0x4000  }
0x242: {  	[sflag:s21] =	ssyncset.done $0x0  }
0x243: {  	[sflag:s21] =	ssyncadd.s32 $0xFFFFC000  }
0x244: {  	[tilespmem:s14], [sflag:$0x5] =	stream.linear.gather [hbm4b:s7+s1], $0x4000, $0x38;
	[tilespmem:$0x1E100] =	vst v63  }
0x245: {  	_ =	swait.ge [sflag:s22], $0x4000  }
0x246: {  	[sflag:s22] =	ssyncset.done $0x0  }
0x247: {  	[sflag:s22] =	ssyncadd.s32 $0xFFFFC000  }
0x248: {  	_ =	swait.ge [sflag:s23], $0x4000  }
0x249: {  	[sflag:s23] =	ssyncset.done $0x0  }
0x24a: {  	[sflag:s23] =	ssyncadd.s32 $0xFFFFC000  }
0x24b: {  	_ =	swait.ge [sflag:s17], $0x4000  }
0x24c: {  	[sflag:s17] =	ssyncset.done $0x0  }
0x24d: {  	[sflag:s17] =	ssyncadd.s32 $0xFFFFC000  }
0x24e: {  	_ =	swait.ge [sflag:s18], $0x4000  }
0x24f: {  	[sflag:s18] =	ssyncset.done $0x0  }
0x250: {  	[sflag:s18] =	ssyncadd.s32 $0xFFFFC000  }
0x251: {  	_ =	swait.ge [sflag:s19], $0x4000  }
0x252: {  	[sflag:s19] =	ssyncset.done $0x0  }
0x253: {  	[sflag:s19] =	ssyncadd.s32 $0xFFFFC000  }
0x254: {  	_ =	swait.ge [sflag:s20], $0x4000  }
0x255: {  	[sflag:s20] =	ssyncset.done $0x0  }
0x256: {  	[sflag:s20] =	ssyncadd.s32 $0xFFFFC000  }
0x257: {  	_ =	swait.ge [sflag:s21], $0x4000  }
0x258: {  	[sflag:s21] =	ssyncset.done $0x0  }
0x259: {  	s30 =	simm.s32 $0x1C000;
	[sflag:s21] =	ssyncadd.s32 $0xFFFFC000  }
0x25a: {  	[hbm4b:s8+s24] =	stream.strided.scatter [tilespmem:s30], [sflag:$0x8], $0x1080, s25, s24, $0x38;
	[tilespmem:$0x1E100] =	vst v63  }
0x25b: {  	s28 =	sadd.s32 $0x1, s28;
	_ =	swait.ge [sflag:s26], $0x1080  }
0x25c: {  	p0 =	sne.s32 s28, s10;
	[sflag:s26] =	ssyncset.done $0x0  }
.Ltmp1:
0x25d: {  	s30 =	simm.s32 $0x1D080;
	[sflag:s26] =	ssyncadd.s32 $0xFFFFEF80;
	(pc) =	sbr.rel @p0 .LBB2_1-.Ltmp1, $4  }
0x25e: {  	[hbm4b:s9+s24] =	stream.strided.scatter [tilespmem:s30], [sflag:$0x8], $0x1080, s25, s24, $0x38;
	[tilespmem:$0x1E100] =	vst v63  }
0x25f: {  	_ =	swait.ge [sflag:s26], $0x1080  }
0x260: {  	[sflag:s26] =	ssyncset.done $0x0  }
0x261: {  	[sflag:s26] =	ssyncadd.s32 $0xFFFFEF80  }
0x262: {  	_ =	sfence.sel $0x180000  }
0x263: {  	[bflag:$0x0] =	sbarrier.arrive $0xFFFF  }
0x264: {  	_ =	strace $0x90000047  }
0x265: {  	s0 =	stileid.u32;
	[bflag:$0x2] =	sbarrier.arrive $0xFFFF  }
0x266: {  	p0 =	sne.s32 s0, $0x0;
	s0 =	rddreg [dreg:$0x3]  }
0x267: {  	s0 =	sadd.s32 @!p0 $0x100000, s0  }
0x268: {  	[sflag:s0] =	ssyncadd.tile.s32 @!p0 $0x1;
	_ =	shalt  }
.Lfunc_end2:
_tile_overlayer_lowered:
.L_overlay_start_2:
0x269: {  	(tag) =	ssettag $0x2  }
0x26a: {  	s0 =	rddreg [dreg:$0x0];
	s2 =	stileid.u32  }
0x26b: {  	s1 =	rddreg [dreg:$0x1];
	p0 =	sne.s32 s2, $0x0  }
0x26c: {  	s3 =	rddreg [dreg:$0x2];
	[bflag:$0x3] =	sbarrier.arrive $0xFFFF;
	s2 =	simm.s32 @!p0 $0x1C08  }
0x26d: {  	[timem:s3], [sflag:s2] =	dma.local @!p0 [hbm:s0], s1  }
0x26e: {  	s0 =	simm.s32 @!p0 $0x8  }
0x26f: {  	_ =	swait.ge @!p0 [sflag:s0], s1  }
0x270: {  	s1 =	ssub.s32 @!p0 $0x0, s1;
	[sflag:s0] =	ssyncset.done @!p0 $0x0  }
0x271: {  	[sflag:s0] =	ssyncadd.s32 @!p0 s1  }
0x272: {  	[bflag:$0x3] =	sbarrier.arrive $0xFFFF  }
0x273: {  	_ =	shalt  }

</sc_bundles>
